<compile_context>
chip_gen: v7x
topology: tpu7x:2x2x1
jax: 0.10.2.dev20260603
libtpu: 0.0.44.dev20260713+nightly
codegen_flags: <defaults>
</compile_context>

<pallas_src>
import functools

import jax
import jax.numpy as jnp
from jax import lax
from jax.experimental import pallas as pl
from jax.experimental.pallas import tpu as pltpu
from jax.experimental.pallas import tpu_sc as plsc

NC = 2
NS = 16
NW = NC * NS
EPB = 128
LANES = 16
BN_EPS = 1e-5
JUNK = 1024


def _segment_sum_sc(n_nodes, feat, units_per_tile):
    rows_per_tile = n_nodes // NS
    n_acc = n_nodes + JUNK
    upt = units_per_tile
    mesh = plsc.VectorSubcoreMesh(
        core_axis_name="c", subcore_axis_name="s", num_cores=NC, num_subcores=NS
    )

    @functools.partial(
        pl.kernel,
        out_type=jax.ShapeDtypeStruct((n_nodes, NC * feat), jnp.float32),
        mesh=mesh,
        scratch_types=[
            pltpu.VMEM((upt, EPB), jnp.int32),
            pltpu.VMEM((upt, EPB), jnp.int32),
            pltpu.VMEM((5 * EPB, feat), jnp.float32),
            pltpu.VMEM((160, feat), jnp.float32),
            pltpu.VMEM_SHARED((n_acc, feat), jnp.float32),
            pltpu.SemaphoreType.DMA,
            pltpu.SemaphoreType.DMA,
        ],
        compiler_params=pltpu.CompilerParams(
            use_tc_tiling_on_sc=False, skip_device_barrier=True
        ),
    )
    def segsum(y_hbm, src_hbm, dst_hbm, out_hbm,
               src_v, dst_v, rows_v, stage_v, acc_sh, sem_g, sem_s):
        c = lax.axis_index("c")
        s = lax.axis_index("s")
        wid = c * NS + s

        zv = jnp.zeros((LANES,), jnp.float32)
        chunks = []
        left = rows_per_tile
        while left > 0:
            chunks.append(min(160, left))
            left -= chunks[-1]

        def zero_row(i, carry):
            for g in range(feat // LANES):
                stage_v[i, pl.ds(g * LANES, LANES)] = zv
            return carry

        lax.fori_loop(0, chunks[0], zero_row, 0)
        base = s * rows_per_tile
        off = 0
        for ch in chunks:
            pltpu.sync_copy(
                stage_v.at[pl.ds(0, ch)], acc_sh.at[pl.ds(base + off, ch)]
            )
            off += ch

        pltpu.sync_copy(src_hbm.at[pl.ds(wid * upt, upt)], src_v)
        pltpu.sync_copy(dst_hbm.at[pl.ds(wid * upt, upt)], dst_v)

        plsc.subcore_barrier()

        for w in range(4):
            pltpu.async_copy(
                y_hbm.at[src_v.at[w]], rows_v.at[pl.ds(w * EPB, EPB)], sem_g
            )

        def body(u, carry):
            slot = lax.rem(u, 5) * EPB
            pltpu.make_async_copy(
                y_hbm.at[src_v.at[u]], rows_v.at[pl.ds(slot, EPB)], sem_g
            ).wait()
            pltpu.async_copy(
                rows_v.at[pl.ds(slot, EPB)], acc_sh.at[dst_v.at[u]], sem_s, add=True
            )

            @pl.when(u >= 1)
            def _():
                oslot = lax.rem(u + 4, 5) * EPB
                pltpu.make_async_copy(
                    rows_v.at[pl.ds(oslot, EPB)], acc_sh.at[dst_v.at[u - 1]], sem_s
                ).wait()

            @pl.when(u + 4 < upt)
            def _():
                nslot = lax.rem(u + 4, 5) * EPB
                pltpu.async_copy(
                    y_hbm.at[src_v.at[u + 4]], rows_v.at[pl.ds(nslot, EPB)], sem_g
                )

            return carry

        lax.fori_loop(0, upt, body, 0)
        pltpu.make_async_copy(
            rows_v.at[pl.ds(0, EPB)], acc_sh.at[dst_v.at[upt - 1]], sem_s
        ).wait()

        plsc.subcore_barrier()

        off = 0
        for ch in chunks:
            pltpu.sync_copy(
                acc_sh.at[pl.ds(base + off, ch)], stage_v.at[pl.ds(0, ch)]
            )
            pltpu.sync_copy(
                stage_v.at[pl.ds(0, ch)],
                out_hbm.at[pl.ds(base + off, ch), pl.ds(c * feat, feat)],
            )
            off += ch

    return segsum


def _first_linear(n_nodes, feat):

    def body(x_ref, w_ref, o_ref):
        o_ref[:, pl.ds(0, feat)] = jnp.dot(
            x_ref[...], w_ref[...], preferred_element_type=jnp.float32
        )

    return pl.pallas_call(
        body, out_shape=jax.ShapeDtypeStruct((n_nodes, 2 * feat), jnp.float32)
    )


def _mlp_tail_next(n_nodes, feat):

    def body(y_ref, p_ref, b1_ref, w2t_ref, b2_ref, g_ref, be_ref, w1tn_ref, o_ref):
        t = (
            y_ref[:, pl.ds(0, feat)]
            + p_ref[:, pl.ds(0, feat)]
            + p_ref[:, pl.ds(feat, feat)]
            + b1_ref[...]
        )
        t = jnp.maximum(t, 0.0)
        u = jnp.dot(t, w2t_ref[...], preferred_element_type=jnp.float32) + b2_ref[...]
        u = jnp.maximum(u, 0.0)
        mu = jnp.mean(u, axis=0, keepdims=True)
        var = jnp.mean((u - mu) ** 2, axis=0, keepdims=True)
        hn = (u - mu) * jax.lax.rsqrt(var + BN_EPS) * g_ref[...] + be_ref[...]
        o_ref[:, pl.ds(0, feat)] = jnp.dot(
            hn, w1tn_ref[...], preferred_element_type=jnp.float32
        )

    return pl.pallas_call(
        body, out_shape=jax.ShapeDtypeStruct((n_nodes, 2 * feat), jnp.float32)
    )


def _mlp_tail_head(n_nodes, feat):

    def body(y_ref, p_ref, b1_ref, w2t_ref, b2_ref, g_ref, be_ref,
             wot_ref, bo_ref, o_ref):
        t = (
            y_ref[:, pl.ds(0, feat)]
            + p_ref[:, pl.ds(0, feat)]
            + p_ref[:, pl.ds(feat, feat)]
            + b1_ref[...]
        )
        t = jnp.maximum(t, 0.0)
        u = jnp.dot(t, w2t_ref[...], preferred_element_type=jnp.float32) + b2_ref[...]
        u = jnp.maximum(u, 0.0)
        mu = jnp.mean(u, axis=0, keepdims=True)
        var = jnp.mean((u - mu) ** 2, axis=0, keepdims=True)
        hn = (u - mu) * jax.lax.rsqrt(var + BN_EPS) * g_ref[...] + be_ref[...]
        pooled = jnp.mean(hn, axis=0, keepdims=True)
        logit = jnp.dot(pooled, wot_ref[...], preferred_element_type=jnp.float32)
        o_ref[...] = jax.nn.sigmoid(logit + bo_ref[...])

    return pl.pallas_call(
        body, out_shape=jax.ShapeDtypeStruct((1, 1), jnp.float32)
    )


def kernel(x, edge_index, batch, params):
    n_nodes, d_in, m = x.shape
    n_edges = edge_index.shape[1]
    layers = params["layers"]
    feat = layers[0][0].shape[0]
    upt = -(-n_edges // (NW * EPB * 8)) * 8
    e_pad = NW * EPB * upt
    pad_src = jnp.arange(e_pad - n_edges, dtype=jnp.int32) % n_nodes
    src = (jnp.concatenate([edge_index[0], pad_src]) * 2).reshape(NW * upt, EPB)
    pad_dst = n_nodes + jnp.arange(e_pad - n_edges, dtype=jnp.int32) % JUNK
    dst = jnp.concatenate([edge_index[1], pad_dst]).reshape(NW * upt, EPB)

    segsum = _segment_sum_sc(n_nodes, feat, upt)
    first = _first_linear(n_nodes, feat)
    mid = _mlp_tail_next(n_nodes, feat)
    head = _mlp_tail_head(n_nodes, feat)

    x2d = x[:, :, 0]
    y = first(x2d, layers[0][0].T)
    out = None
    for i, (w1, b1, w2, b2, gamma, beta) in enumerate(layers):
        p = segsum(y.reshape(2 * n_nodes, feat), src, dst)
        b1r = b1.reshape(1, feat)
        b2r = b2.reshape(1, feat)
        gr = gamma.reshape(1, feat)
        ber = beta.reshape(1, feat)
        if i + 1 < len(layers):
            y = mid(y, p, b1r, w2.T, b2r, gr, ber, layers[i + 1][0].T)
        else:
            out = head(
                y, p, b1r, w2.T, b2r, gr, ber,
                params["wout"].T, params["bout"].reshape(1, 1),
            )
    return out.reshape(1, m, 1)

# --- scband reference (transcript-rebuilt; emitter-appended) ---
"""Pipeline reference for scband-ginmodel-84473416778175 (READ-ONLY COPY).

The authoritative reference and input builder live on the scoring server;
editing this copy changes nothing except your own understanding.
"""

import jax, jax.numpy as jnp
import numpy as np

N = 10000
E = 320000
D_IN = 128
H = 64
M = 1
L = 5
D_OUT = 1


def _init_linear(key, out_dim, in_dim):
    k1, k2 = jax.random.split(key)
    bound = 1.0 / np.sqrt(in_dim)
    w = jax.random.uniform(k1, (out_dim, in_dim), minval=-bound, maxval=bound, dtype=jnp.float32)
    b = jax.random.uniform(k2, (out_dim,), minval=-bound, maxval=bound, dtype=jnp.float32)
    return w, b


def setup_inputs(seed: int = 0) -> dict:
    key = jax.random.key(seed)
    kx, ke, kp = jax.random.split(key, 3)
    x = jax.random.normal(kx, (N, D_IN, M), dtype=jnp.float32)
    edge_index = jax.random.randint(ke, (2, E), 0, N, dtype=jnp.int32)
    batch = jnp.zeros((N,), dtype=jnp.int32)
    keys = jax.random.split(kp, L + 1)
    layers = []
    for i in range(L):
        din = D_IN if i == 0 else H
        k1, k2 = jax.random.split(keys[i])
        w1, b1 = _init_linear(k1, H, din)
        w2, b2 = _init_linear(k2, H, H)
        gamma = jnp.ones((H,), dtype=jnp.float32)
        beta = jnp.zeros((H,), dtype=jnp.float32)
        layers.append((w1, b1, w2, b2, gamma, beta))
    wout, bout = _init_linear(keys[L], D_OUT, H)
    params = {"layers": tuple(layers), "wout": wout, "bout": bout}
    return {"x": x, "edge_index": edge_index, "batch": batch, "params": params}


def _linear2(x, w, b):
    # Faithful to Linear2: [N, B, M] -> view(N*M, B) -> linear -> view(N, -1, M)
    n, bdim, m = x.shape
    y = x.reshape(n * m, bdim) @ w.T + b
    return y.reshape(n, -1, m)


def _batchnorm1d(x, gamma, beta, eps=1e-5):
    # BatchNorm1d on (N, C, L): normalize over (N, L) per channel (train-mode batch stats)
    mean = jnp.mean(x, axis=(0, 2))
    var = jnp.var(x, axis=(0, 2))
    xn = (x - mean[None, :, None]) / jnp.sqrt(var[None, :, None] + eps)
    return xn * gamma[None, :, None] + beta[None, :, None]


def _gin_conv(x, edge_index, p):
    # GINConv (eps=0): nn((1+eps)*x + sum_{j->i} x_j), node_dim=0
    w1, b1, w2, b2, gamma, beta = p
    src = edge_index[0]
    dst = edge_index[1]
    agg = jax.ops.segment_sum(x[src], dst, num_segments=x.shape[0])
    h = x + agg
    h = _linear2(h, w1, b1)
    h = jax.nn.relu(h)
    h = _linear2(h, w2, b2)
    h = jax.nn.relu(h)
    h = _batchnorm1d(h, gamma, beta)
    # Dropout(0.5) treated as identity (eval behavior) for deterministic reference
    return h


def reference(x, edge_index, batch, params):
    h = x
    for p in params["layers"]:
        h = _gin_conv(h, edge_index, p)
    # new_global_mean_pool with all-zero batch ids -> mean over all nodes, keep batch dim
    pooled = jnp.mean(h, axis=0, keepdims=True)  # [1, H, M]
    pooled = jnp.transpose(pooled, (0, 2, 1))  # [1, M, H]
    out = pooled @ params["wout"].T + params["bout"]  # [1, M, 1]
    return jax.nn.sigmoid(out)

if __name__ == "__main__":
    import jax
    _d = setup_inputs()
    print(jax.jit(kernel)(*tuple(_d.values())))

</pallas_src>

<mosaic_0001>
#map = affine_map<(d0, d1) -> (0, 0)>
module attributes {stable_mosaic.version = 14 : i64} {
  func.func @segsum(%arg0: i32, %arg1: i32, %arg2: memref<20000x64xf32, #tpu.memory_space<hbm>>, %arg3: memref<2560x128xi32, #tpu.memory_space<hbm>>, %arg4: memref<2560x128xi32, #tpu.memory_space<hbm>>, %arg5: memref<10000x128xf32, #tpu.memory_space<hbm>>, %arg6: memref<80x128xi32, #tpu.memory_space<vmem>>, %arg7: memref<80x128xi32, #tpu.memory_space<vmem>>, %arg8: memref<640x64xf32, #tpu.memory_space<vmem>>, %arg9: memref<160x64xf32, #tpu.memory_space<vmem>>, %arg10: memref<11024x64xf32, #tpu.memory_space<vmem_shared>>, %arg11: memref<!tpu.dma_semaphore, #tpu.memory_space<semaphore_mem>>, %arg12: memref<!tpu.dma_semaphore, #tpu.memory_space<semaphore_mem>>) attributes {dimension_semantics = [#tpu.dimension_semantics<core_parallel>, #tpu.dimension_semantics<subcore_parallel>], iteration_bounds = array<i64: 2, 16>, scalar_prefetch = 0 : i64, scratch_operands = 7 : i64, tpu.core_type = #tpu.core_type<sc_vector_subcore>, window_params = [{transform_indices = #map}, {transform_indices = #map}, {transform_indices = #map}, {transform_indices = #map}]} {
    %mul3A = arith.constant 16 : i32
    %mul3A_0 = arith.muli %arg0, %mul3A : i32
    %add3A = arith.addi %mul3A_0, %arg1 : i32
    %broadcast_in_dim3A = arith.constant 0.000000e+00 : f32
    %broadcast_in_dim3A_1 = vector.broadcast %broadcast_in_dim3A : f32 to vector<16xf32>
    %scan3A = arith.constant 0 : i32
    %scan3A_2 = arith.constant 0 : i32
    %scan3A_3 = arith.constant 160 : i32
    %scan3A_4 = arith.addi %scan3A_2, %scan3A_3 : i32
    %scan3A_5 = arith.constant 1 : i32
    scf.for %scan3A_100 = %scan3A_2 to %scan3A_4 step %scan3A_5  : i32 {
      %swap3A = arith.index_cast %scan3A_100 : i32 to index
      %swap3A_101 = arith.constant 0 : index
      %swap3A_102 = tpu.vector_load %arg9[%swap3A, %swap3A_101] {strides = array<i32>} : memref<160x64xf32, #tpu.memory_space<vmem>>, vector<1x16xf32>,
      %swap3A_103 = vector.shape_cast %swap3A_102 : vector<1x16xf32> to vector<16xf32>
      %swap3A_104 = vector.shape_cast %broadcast_in_dim3A_1 : vector<16xf32> to vector<1x16xf32>
      tpu.vector_store %arg9[%swap3A, %swap3A_101], %swap3A_104 {strides = array<i32>} : memref<160x64xf32, #tpu.memory_space<vmem>>, vector<1x16xf32>,
      %swap3A_105 = arith.index_cast %scan3A_100 : i32 to index
      %swap3A_106 = arith.constant 16 : index
      %swap3A_107 = tpu.vector_load %arg9[%swap3A_105, %swap3A_106] {strides = array<i32>} : memref<160x64xf32, #tpu.memory_space<vmem>>, vector<1x16xf32>,
      %swap3A_108 = vector.shape_cast %swap3A_107 : vector<1x16xf32> to vector<16xf32>
      %swap3A_109 = vector.shape_cast %broadcast_in_dim3A_1 : vector<16xf32> to vector<1x16xf32>
      tpu.vector_store %arg9[%swap3A_105, %swap3A_106], %swap3A_109 {strides = array<i32>} : memref<160x64xf32, #tpu.memory_space<vmem>>, vector<1x16xf32>,
      %swap3A_110 = arith.index_cast %scan3A_100 : i32 to index
      %swap3A_111 = arith.constant 32 : index
      %swap3A_112 = tpu.vector_load %arg9[%swap3A_110, %swap3A_111] {strides = array<i32>} : memref<160x64xf32, #tpu.memory_space<vmem>>, vector<1x16xf32>,
      %swap3A_113 = vector.shape_cast %swap3A_112 : vector<1x16xf32> to vector<16xf32>
      %swap3A_114 = vector.shape_cast %broadcast_in_dim3A_1 : vector<16xf32> to vector<1x16xf32>
      tpu.vector_store %arg9[%swap3A_110, %swap3A_111], %swap3A_114 {strides = array<i32>} : memref<160x64xf32, #tpu.memory_space<vmem>>, vector<1x16xf32>,
      %swap3A_115 = arith.index_cast %scan3A_100 : i32 to index
      %swap3A_116 = arith.constant 48 : index
      %swap3A_117 = tpu.vector_load %arg9[%swap3A_115, %swap3A_116] {strides = array<i32>} : memref<160x64xf32, #tpu.memory_space<vmem>>, vector<1x16xf32>,
      %swap3A_118 = vector.shape_cast %swap3A_117 : vector<1x16xf32> to vector<16xf32>
      %swap3A_119 = vector.shape_cast %broadcast_in_dim3A_1 : vector<16xf32> to vector<1x16xf32>
      tpu.vector_store %arg9[%swap3A_115, %swap3A_116], %swap3A_119 {strides = array<i32>} : memref<160x64xf32, #tpu.memory_space<vmem>>, vector<1x16xf32>,
    }
    %scan3A_6 = arith.constant 160 : i32
    %mul3A_7 = arith.constant 625 : i32
    %mul3A_8 = arith.muli %arg1, %mul3A_7 : i32
    %add3A_9 = arith.constant 0 : i32
    %add3A_10 = arith.addi %mul3A_8, %add3A_9 : i32
    "tpu.region"() ({
      %run_scoped3A = tpu.sem_alloc : memref<!tpu.dma_semaphore, #tpu.memory_space<semaphore_mem>>
      %dma_start3A_100 = arith.constant 0 : i32
      %dma_start3A_101 = arith.constant 0 : i32
      %dma_start3A_102 = tpu.memref_slice %arg9[%dma_start3A_100, %dma_start3A_101] : memref<160x64xf32, #tpu.memory_space<vmem>> -> memref<160x64xf32, #tpu.memory_space<vmem>>
      %dma_start3A_103 = arith.constant 0 : i32
      %dma_start3A_104 = tpu.memref_slice %arg10[%add3A_10, %dma_start3A_103] : memref<11024x64xf32, #tpu.memory_space<vmem_shared>> -> memref<160x64xf32, #tpu.memory_space<vmem_shared>>
      %dma_start3A_105 = arith.constant 0 : i32
      %dma_start3A_106 = tpu.memref_slice %arg10[%add3A_10, %dma_start3A_105] : memref<11024x64xf32, #tpu.memory_space<vmem_shared>> -> memref<160x64xf32, #tpu.memory_space<vmem_shared>>
      %dma_start3A_107 = arith.constant 0 : i32
      %dma_start3A_108 = arith.constant 0 : i32
      %dma_start3A_109 = tpu.memref_slice %arg9[%dma_start3A_107, %dma_start3A_108] : memref<160x64xf32, #tpu.memory_space<vmem>> -> memref<160x64xf32, #tpu.memory_space<vmem>>
      tpu.enqueue_dma source(%dma_start3A_109 : memref<160x64xf32, #tpu.memory_space<vmem>>) target(%dma_start3A_106 : memref<160x64xf32, #tpu.memory_space<vmem_shared>>) target_semaphore(%run_scoped3A : memref<!tpu.dma_semaphore, #tpu.memory_space<semaphore_mem>>)
      %dma_wait3A_110 = arith.constant 0 : i32
      %dma_wait3A_111 = arith.constant 0 : i32
      %dma_wait3A_112 = tpu.memref_slice %arg9[%dma_wait3A_110, %dma_wait3A_111] : memref<160x64xf32, #tpu.memory_space<vmem>> -> memref<160x64xf32, #tpu.memory_space<vmem>>
      %dma_wait3A_113 = arith.constant 0 : i32
      %dma_wait3A_114 = tpu.memref_slice %arg10[%add3A_10, %dma_wait3A_113] : memref<11024x64xf32, #tpu.memory_space<vmem_shared>> -> memref<160x64xf32, #tpu.memory_space<vmem_shared>>
      %dma_wait3A_115 = arith.constant 0 : i32
      %dma_wait3A_116 = tpu.memref_slice %arg10[%add3A_10, %dma_wait3A_115] : memref<11024x64xf32, #tpu.memory_space<vmem_shared>> -> memref<160x64xf32, #tpu.memory_space<vmem_shared>>
      %dma_wait3A_117 = arith.constant 0 : i32
      %dma_wait3A_118 = arith.constant 0 : i32
      %dma_wait3A_119 = tpu.memref_slice %arg9[%dma_wait3A_117, %dma_wait3A_118] : memref<160x64xf32, #tpu.memory_space<vmem>> -> memref<160x64xf32, #tpu.memory_space<vmem>>
      tpu.wait_dma2 semaphore(%run_scoped3A : memref<!tpu.dma_semaphore, #tpu.memory_space<semaphore_mem>>) src(%dma_wait3A_119 : memref<160x64xf32, #tpu.memory_space<vmem>>) dst(%dma_wait3A_116 : memref<160x64xf32, #tpu.memory_space<vmem_shared>>)
      tpu.yield
    }) : () -> ()
    %add3A_11 = arith.constant 160 : i32
    %add3A_12 = arith.addi %mul3A_8, %add3A_11 : i32
    "tpu.region"() ({
      %run_scoped3A = tpu.sem_alloc : memref<!tpu.dma_semaphore, #tpu.memory_space<semaphore_mem>>
      %dma_start3A_100 = arith.constant 0 : i32
      %dma_start3A_101 = arith.constant 0 : i32
      %dma_start3A_102 = tpu.memref_slice %arg9[%dma_start3A_100, %dma_start3A_101] : memref<160x64xf32, #tpu.memory_space<vmem>> -> memref<160x64xf32, #tpu.memory_space<vmem>>
      %dma_start3A_103 = arith.constant 0 : i32
      %dma_start3A_104 = tpu.memref_slice %arg10[%add3A_12, %dma_start3A_103] : memref<11024x64xf32, #tpu.memory_space<vmem_shared>> -> memref<160x64xf32, #tpu.memory_space<vmem_shared>>
      %dma_start3A_105 = arith.constant 0 : i32
      %dma_start3A_106 = tpu.memref_slice %arg10[%add3A_12, %dma_start3A_105] : memref<11024x64xf32, #tpu.memory_space<vmem_shared>> -> memref<160x64xf32, #tpu.memory_space<vmem_shared>>
      %dma_start3A_107 = arith.constant 0 : i32
      %dma_start3A_108 = arith.constant 0 : i32
      %dma_start3A_109 = tpu.memref_slice %arg9[%dma_start3A_107, %dma_start3A_108] : memref<160x64xf32, #tpu.memory_space<vmem>> -> memref<160x64xf32, #tpu.memory_space<vmem>>
      tpu.enqueue_dma source(%dma_start3A_109 : memref<160x64xf32, #tpu.memory_space<vmem>>) target(%dma_start3A_106 : memref<160x64xf32, #tpu.memory_space<vmem_shared>>) target_semaphore(%run_scoped3A : memref<!tpu.dma_semaphore, #tpu.memory_space<semaphore_mem>>)
      %dma_wait3A_110 = arith.constant 0 : i32
      %dma_wait3A_111 = arith.constant 0 : i32
      %dma_wait3A_112 = tpu.memref_slice %arg9[%dma_wait3A_110, %dma_wait3A_111] : memref<160x64xf32, #tpu.memory_space<vmem>> -> memref<160x64xf32, #tpu.memory_space<vmem>>
      %dma_wait3A_113 = arith.constant 0 : i32
      %dma_wait3A_114 = tpu.memref_slice %arg10[%add3A_12, %dma_wait3A_113] : memref<11024x64xf32, #tpu.memory_space<vmem_shared>> -> memref<160x64xf32, #tpu.memory_space<vmem_shared>>
      %dma_wait3A_115 = arith.constant 0 : i32
      %dma_wait3A_116 = tpu.memref_slice %arg10[%add3A_12, %dma_wait3A_115] : memref<11024x64xf32, #tpu.memory_space<vmem_shared>> -> memref<160x64xf32, #tpu.memory_space<vmem_shared>>
      %dma_wait3A_117 = arith.constant 0 : i32
      %dma_wait3A_118 = arith.constant 0 : i32
      %dma_wait3A_119 = tpu.memref_slice %arg9[%dma_wait3A_117, %dma_wait3A_118] : memref<160x64xf32, #tpu.memory_space<vmem>> -> memref<160x64xf32, #tpu.memory_space<vmem>>
      tpu.wait_dma2 semaphore(%run_scoped3A : memref<!tpu.dma_semaphore, #tpu.memory_space<semaphore_mem>>) src(%dma_wait3A_119 : memref<160x64xf32, #tpu.memory_space<vmem>>) dst(%dma_wait3A_116 : memref<160x64xf32, #tpu.memory_space<vmem_shared>>)
      tpu.yield
    }) : () -> ()
    %add3A_13 = arith.constant 320 : i32
    %add3A_14 = arith.addi %mul3A_8, %add3A_13 : i32
    "tpu.region"() ({
      %run_scoped3A = tpu.sem_alloc : memref<!tpu.dma_semaphore, #tpu.memory_space<semaphore_mem>>
      %dma_start3A_100 = arith.constant 0 : i32
      %dma_start3A_101 = arith.constant 0 : i32
      %dma_start3A_102 = tpu.memref_slice %arg9[%dma_start3A_100, %dma_start3A_101] : memref<160x64xf32, #tpu.memory_space<vmem>> -> memref<160x64xf32, #tpu.memory_space<vmem>>
      %dma_start3A_103 = arith.constant 0 : i32
      %dma_start3A_104 = tpu.memref_slice %arg10[%add3A_14, %dma_start3A_103] : memref<11024x64xf32, #tpu.memory_space<vmem_shared>> -> memref<160x64xf32, #tpu.memory_space<vmem_shared>>
      %dma_start3A_105 = arith.constant 0 : i32
      %dma_start3A_106 = tpu.memref_slice %arg10[%add3A_14, %dma_start3A_105] : memref<11024x64xf32, #tpu.memory_space<vmem_shared>> -> memref<160x64xf32, #tpu.memory_space<vmem_shared>>
      %dma_start3A_107 = arith.constant 0 : i32
      %dma_start3A_108 = arith.constant 0 : i32
      %dma_start3A_109 = tpu.memref_slice %arg9[%dma_start3A_107, %dma_start3A_108] : memref<160x64xf32, #tpu.memory_space<vmem>> -> memref<160x64xf32, #tpu.memory_space<vmem>>
      tpu.enqueue_dma source(%dma_start3A_109 : memref<160x64xf32, #tpu.memory_space<vmem>>) target(%dma_start3A_106 : memref<160x64xf32, #tpu.memory_space<vmem_shared>>) target_semaphore(%run_scoped3A : memref<!tpu.dma_semaphore, #tpu.memory_space<semaphore_mem>>)
      %dma_wait3A_110 = arith.constant 0 : i32
      %dma_wait3A_111 = arith.constant 0 : i32
      %dma_wait3A_112 = tpu.memref_slice %arg9[%dma_wait3A_110, %dma_wait3A_111] : memref<160x64xf32, #tpu.memory_space<vmem>> -> memref<160x64xf32, #tpu.memory_space<vmem>>
      %dma_wait3A_113 = arith.constant 0 : i32
      %dma_wait3A_114 = tpu.memref_slice %arg10[%add3A_14, %dma_wait3A_113] : memref<11024x64xf32, #tpu.memory_space<vmem_shared>> -> memref<160x64xf32, #tpu.memory_space<vmem_shared>>
      %dma_wait3A_115 = arith.constant 0 : i32
      %dma_wait3A_116 = tpu.memref_slice %arg10[%add3A_14, %dma_wait3A_115] : memref<11024x64xf32, #tpu.memory_space<vmem_shared>> -> memref<160x64xf32, #tpu.memory_space<vmem_shared>>
      %dma_wait3A_117 = arith.constant 0 : i32
      %dma_wait3A_118 = arith.constant 0 : i32
      %dma_wait3A_119 = tpu.memref_slice %arg9[%dma_wait3A_117, %dma_wait3A_118] : memref<160x64xf32, #tpu.memory_space<vmem>> -> memref<160x64xf32, #tpu.memory_space<vmem>>
      tpu.wait_dma2 semaphore(%run_scoped3A : memref<!tpu.dma_semaphore, #tpu.memory_space<semaphore_mem>>) src(%dma_wait3A_119 : memref<160x64xf32, #tpu.memory_space<vmem>>) dst(%dma_wait3A_116 : memref<160x64xf32, #tpu.memory_space<vmem_shared>>)
      tpu.yield
    }) : () -> ()
    %add3A_15 = arith.constant 480 : i32
    %add3A_16 = arith.addi %mul3A_8, %add3A_15 : i32
    "tpu.region"() ({
      %run_scoped3A = tpu.sem_alloc : memref<!tpu.dma_semaphore, #tpu.memory_space<semaphore_mem>>
      %dma_start3A_100 = arith.constant 0 : i32
      %dma_start3A_101 = arith.constant 0 : i32
      %dma_start3A_102 = tpu.memref_slice %arg9[%dma_start3A_100, %dma_start3A_101] : memref<160x64xf32, #tpu.memory_space<vmem>> -> memref<145x64xf32, #tpu.memory_space<vmem>>
      %dma_start3A_103 = arith.constant 0 : i32
      %dma_start3A_104 = tpu.memref_slice %arg10[%add3A_16, %dma_start3A_103] : memref<11024x64xf32, #tpu.memory_space<vmem_shared>> -> memref<145x64xf32, #tpu.memory_space<vmem_shared>>
      %dma_start3A_105 = arith.constant 0 : i32
      %dma_start3A_106 = tpu.memref_slice %arg10[%add3A_16, %dma_start3A_105] : memref<11024x64xf32, #tpu.memory_space<vmem_shared>> -> memref<145x64xf32, #tpu.memory_space<vmem_shared>>
      %dma_start3A_107 = arith.constant 0 : i32
      %dma_start3A_108 = arith.constant 0 : i32
      %dma_start3A_109 = tpu.memref_slice %arg9[%dma_start3A_107, %dma_start3A_108] : memref<160x64xf32, #tpu.memory_space<vmem>> -> memref<145x64xf32, #tpu.memory_space<vmem>>
      tpu.enqueue_dma source(%dma_start3A_109 : memref<145x64xf32, #tpu.memory_space<vmem>>) target(%dma_start3A_106 : memref<145x64xf32, #tpu.memory_space<vmem_shared>>) target_semaphore(%run_scoped3A : memref<!tpu.dma_semaphore, #tpu.memory_space<semaphore_mem>>)
      %dma_wait3A_110 = arith.constant 0 : i32
      %dma_wait3A_111 = arith.constant 0 : i32
      %dma_wait3A_112 = tpu.memref_slice %arg9[%dma_wait3A_110, %dma_wait3A_111] : memref<160x64xf32, #tpu.memory_space<vmem>> -> memref<145x64xf32, #tpu.memory_space<vmem>>
      %dma_wait3A_113 = arith.constant 0 : i32
      %dma_wait3A_114 = tpu.memref_slice %arg10[%add3A_16, %dma_wait3A_113] : memref<11024x64xf32, #tpu.memory_space<vmem_shared>> -> memref<145x64xf32, #tpu.memory_space<vmem_shared>>
      %dma_wait3A_115 = arith.constant 0 : i32
      %dma_wait3A_116 = tpu.memref_slice %arg10[%add3A_16, %dma_wait3A_115] : memref<11024x64xf32, #tpu.memory_space<vmem_shared>> -> memref<145x64xf32, #tpu.memory_space<vmem_shared>>
      %dma_wait3A_117 = arith.constant 0 : i32
      %dma_wait3A_118 = arith.constant 0 : i32
      %dma_wait3A_119 = tpu.memref_slice %arg9[%dma_wait3A_117, %dma_wait3A_118] : memref<160x64xf32, #tpu.memory_space<vmem>> -> memref<145x64xf32, #tpu.memory_space<vmem>>
      tpu.wait_dma2 semaphore(%run_scoped3A : memref<!tpu.dma_semaphore, #tpu.memory_space<semaphore_mem>>) src(%dma_wait3A_119 : memref<145x64xf32, #tpu.memory_space<vmem>>) dst(%dma_wait3A_116 : memref<145x64xf32, #tpu.memory_space<vmem_shared>>)
      tpu.yield
    }) : () -> ()
    %mul3A_17 = arith.constant 80 : i32
    %mul3A_18 = arith.muli %add3A, %mul3A_17 : i32
    "tpu.region"() ({
      %run_scoped3A = tpu.sem_alloc : memref<!tpu.dma_semaphore, #tpu.memory_space<semaphore_mem>>
      %dma_start3A_100 = arith.constant 0 : i32
      %dma_start3A_101 = tpu.memref_slice %arg3[%mul3A_18, %dma_start3A_100] : memref<2560x128xi32, #tpu.memory_space<hbm>> -> memref<80x128xi32, #tpu.memory_space<hbm>>
      %dma_start3A_102 = arith.constant 0 : i32
      %dma_start3A_103 = tpu.memref_slice %arg3[%mul3A_18, %dma_start3A_102] : memref<2560x128xi32, #tpu.memory_space<hbm>> -> memref<80x128xi32, #tpu.memory_space<hbm>>
      tpu.enqueue_dma source(%dma_start3A_103 : memref<80x128xi32, #tpu.memory_space<hbm>>) target(%arg6 : memref<80x128xi32, #tpu.memory_space<vmem>>) target_semaphore(%run_scoped3A : memref<!tpu.dma_semaphore, #tpu.memory_space<semaphore_mem>>)
      %dma_wait3A_104 = arith.constant 0 : i32
      %dma_wait3A_105 = tpu.memref_slice %arg3[%mul3A_18, %dma_wait3A_104] : memref<2560x128xi32, #tpu.memory_space<hbm>> -> memref<80x128xi32, #tpu.memory_space<hbm>>
      %dma_wait3A_106 = arith.constant 0 : i32
      %dma_wait3A_107 = tpu.memref_slice %arg3[%mul3A_18, %dma_wait3A_106] : memref<2560x128xi32, #tpu.memory_space<hbm>> -> memref<80x128xi32, #tpu.memory_space<hbm>>
      tpu.wait_dma2 semaphore(%run_scoped3A : memref<!tpu.dma_semaphore, #tpu.memory_space<semaphore_mem>>) src(%dma_wait3A_107 : memref<80x128xi32, #tpu.memory_space<hbm>>) dst(%arg6 : memref<80x128xi32, #tpu.memory_space<vmem>>)
      tpu.yield
    }) : () -> ()
    %mul3A_19 = arith.constant 80 : i32
    %mul3A_20 = arith.muli %add3A, %mul3A_19 : i32
    "tpu.region"() ({
      %run_scoped3A = tpu.sem_alloc : memref<!tpu.dma_semaphore, #tpu.memory_space<semaphore_mem>>
      %dma_start3A_100 = arith.constant 0 : i32
      %dma_start3A_101 = tpu.memref_slice %arg4[%mul3A_20, %dma_start3A_100] : memref<2560x128xi32, #tpu.memory_space<hbm>> -> memref<80x128xi32, #tpu.memory_space<hbm>>
      %dma_start3A_102 = arith.constant 0 : i32
      %dma_start3A_103 = tpu.memref_slice %arg4[%mul3A_20, %dma_start3A_102] : memref<2560x128xi32, #tpu.memory_space<hbm>> -> memref<80x128xi32, #tpu.memory_space<hbm>>
      tpu.enqueue_dma source(%dma_start3A_103 : memref<80x128xi32, #tpu.memory_space<hbm>>) target(%arg7 : memref<80x128xi32, #tpu.memory_space<vmem>>) target_semaphore(%run_scoped3A : memref<!tpu.dma_semaphore, #tpu.memory_space<semaphore_mem>>)
      %dma_wait3A_104 = arith.constant 0 : i32
      %dma_wait3A_105 = tpu.memref_slice %arg4[%mul3A_20, %dma_wait3A_104] : memref<2560x128xi32, #tpu.memory_space<hbm>> -> memref<80x128xi32, #tpu.memory_space<hbm>>
      %dma_wait3A_106 = arith.constant 0 : i32
      %dma_wait3A_107 = tpu.memref_slice %arg4[%mul3A_20, %dma_wait3A_106] : memref<2560x128xi32, #tpu.memory_space<hbm>> -> memref<80x128xi32, #tpu.memory_space<hbm>>
      tpu.wait_dma2 semaphore(%run_scoped3A : memref<!tpu.dma_semaphore, #tpu.memory_space<semaphore_mem>>) src(%dma_wait3A_107 : memref<80x128xi32, #tpu.memory_space<hbm>>) dst(%arg7 : memref<80x128xi32, #tpu.memory_space<vmem>>)
      tpu.yield
    }) : () -> ()
    %barrier3A = arith.constant 0 : index
    tpu.barrier barrier_id(%barrier3A)
    %dma_start3A = arith.constant 0 : i32
    %dma_start3A_21 = arith.constant 0 : i32
    %dma_start3A_22 = arith.constant 0 : i32
    %dma_start3A_23 = tpu.memref_slice %arg8[%dma_start3A_21, %dma_start3A_22] : memref<640x64xf32, #tpu.memory_space<vmem>> -> memref<128x64xf32, #tpu.memory_space<vmem>>
    %dma_start3A_24 = arith.constant 0 : i32
    %dma_start3A_25 = tpu.memref_slice %arg6[%dma_start3A, %dma_start3A_24] : memref<80x128xi32, #tpu.memory_space<vmem>> -> memref<1x128xi32, #tpu.memory_space<vmem>>
    %dma_start3A_26 = tpu.memref_squeeze %dma_start3A_25 : memref<1x128xi32, #tpu.memory_space<vmem>> -> memref<128xi32, #tpu.memory_space<vmem>>
    %dma_start3A_27 = arith.constant 0 : i32
    %dma_start3A_28 = arith.constant 0 : i32
    %dma_start3A_29 = tpu.memref_slice %arg2[%dma_start3A_27, %dma_start3A_28] : memref<20000x64xf32, #tpu.memory_space<hbm>> -> memref<20000x64xf32, #tpu.memory_space<hbm>>
    tpu.enqueue_indirect_dma source(%dma_start3A_29 : memref<20000x64xf32, #tpu.memory_space<hbm>>) target(%dma_start3A_23 : memref<128x64xf32, #tpu.memory_space<vmem>>) offsets(%dma_start3A_26 : memref<128xi32, #tpu.memory_space<vmem>>) semaphore(%arg11 : memref<!tpu.dma_semaphore, #tpu.memory_space<semaphore_mem>>)
    %dma_start3A_30 = arith.constant 1 : i32
    %dma_start3A_31 = arith.constant 128 : i32
    %dma_start3A_32 = arith.constant 0 : i32
    %dma_start3A_33 = tpu.memref_slice %arg8[%dma_start3A_31, %dma_start3A_32] : memref<640x64xf32, #tpu.memory_space<vmem>> -> memref<128x64xf32, #tpu.memory_space<vmem>>
    %dma_start3A_34 = arith.constant 0 : i32
    %dma_start3A_35 = tpu.memref_slice %arg6[%dma_start3A_30, %dma_start3A_34] : memref<80x128xi32, #tpu.memory_space<vmem>> -> memref<1x128xi32, #tpu.memory_space<vmem>>
    %dma_start3A_36 = tpu.memref_squeeze %dma_start3A_35 : memref<1x128xi32, #tpu.memory_space<vmem>> -> memref<128xi32, #tpu.memory_space<vmem>>
    %dma_start3A_37 = arith.constant 0 : i32
    %dma_start3A_38 = arith.constant 0 : i32
    %dma_start3A_39 = tpu.memref_slice %arg2[%dma_start3A_37, %dma_start3A_38] : memref<20000x64xf32, #tpu.memory_space<hbm>> -> memref<20000x64xf32, #tpu.memory_space<hbm>>
    tpu.enqueue_indirect_dma source(%dma_start3A_39 : memref<20000x64xf32, #tpu.memory_space<hbm>>) target(%dma_start3A_33 : memref<128x64xf32, #tpu.memory_space<vmem>>) offsets(%dma_start3A_36 : memref<128xi32, #tpu.memory_space<vmem>>) semaphore(%arg11 : memref<!tpu.dma_semaphore, #tpu.memory_space<semaphore_mem>>)
    %dma_start3A_40 = arith.constant 2 : i32
    %dma_start3A_41 = arith.constant 256 : i32
    %dma_start3A_42 = arith.constant 0 : i32
    %dma_start3A_43 = tpu.memref_slice %arg8[%dma_start3A_41, %dma_start3A_42] : memref<640x64xf32, #tpu.memory_space<vmem>> -> memref<128x64xf32, #tpu.memory_space<vmem>>
    %dma_start3A_44 = arith.constant 0 : i32
    %dma_start3A_45 = tpu.memref_slice %arg6[%dma_start3A_40, %dma_start3A_44] : memref<80x128xi32, #tpu.memory_space<vmem>> -> memref<1x128xi32, #tpu.memory_space<vmem>>
    %dma_start3A_46 = tpu.memref_squeeze %dma_start3A_45 : memref<1x128xi32, #tpu.memory_space<vmem>> -> memref<128xi32, #tpu.memory_space<vmem>>
    %dma_start3A_47 = arith.constant 0 : i32
    %dma_start3A_48 = arith.constant 0 : i32
    %dma_start3A_49 = tpu.memref_slice %arg2[%dma_start3A_47, %dma_start3A_48] : memref<20000x64xf32, #tpu.memory_space<hbm>> -> memref<20000x64xf32, #tpu.memory_space<hbm>>
    tpu.enqueue_indirect_dma source(%dma_start3A_49 : memref<20000x64xf32, #tpu.memory_space<hbm>>) target(%dma_start3A_43 : memref<128x64xf32, #tpu.memory_space<vmem>>) offsets(%dma_start3A_46 : memref<128xi32, #tpu.memory_space<vmem>>) semaphore(%arg11 : memref<!tpu.dma_semaphore, #tpu.memory_space<semaphore_mem>>)
    %dma_start3A_50 = arith.constant 3 : i32
    %dma_start3A_51 = arith.constant 384 : i32
    %dma_start3A_52 = arith.constant 0 : i32
    %dma_start3A_53 = tpu.memref_slice %arg8[%dma_start3A_51, %dma_start3A_52] : memref<640x64xf32, #tpu.memory_space<vmem>> -> memref<128x64xf32, #tpu.memory_space<vmem>>
    %dma_start3A_54 = arith.constant 0 : i32
    %dma_start3A_55 = tpu.memref_slice %arg6[%dma_start3A_50, %dma_start3A_54] : memref<80x128xi32, #tpu.memory_space<vmem>> -> memref<1x128xi32, #tpu.memory_space<vmem>>
    %dma_start3A_56 = tpu.memref_squeeze %dma_start3A_55 : memref<1x128xi32, #tpu.memory_space<vmem>> -> memref<128xi32, #tpu.memory_space<vmem>>
    %dma_start3A_57 = arith.constant 0 : i32
    %dma_start3A_58 = arith.constant 0 : i32
    %dma_start3A_59 = tpu.memref_slice %arg2[%dma_start3A_57, %dma_start3A_58] : memref<20000x64xf32, #tpu.memory_space<hbm>> -> memref<20000x64xf32, #tpu.memory_space<hbm>>
    tpu.enqueue_indirect_dma source(%dma_start3A_59 : memref<20000x64xf32, #tpu.memory_space<hbm>>) target(%dma_start3A_53 : memref<128x64xf32, #tpu.memory_space<vmem>>) offsets(%dma_start3A_56 : memref<128xi32, #tpu.memory_space<vmem>>) semaphore(%arg11 : memref<!tpu.dma_semaphore, #tpu.memory_space<semaphore_mem>>)
    %scan3A_60 = arith.constant 0 : i32
    %scan3A_61 = arith.constant 0 : i32
    %scan3A_62 = arith.constant 80 : i32
    %scan3A_63 = arith.addi %scan3A_61, %scan3A_62 : i32
    %scan3A_64 = arith.constant 1 : i32
    scf.for %scan3A_100 = %scan3A_61 to %scan3A_63 step %scan3A_64  : i32 {
      %rem3A = arith.constant 5 : i32
      %rem3A_101 = arith.remsi %scan3A_100, %rem3A : i32
      %mul3A_102 = arith.constant 128 : i32
      %mul3A_103 = arith.muli %rem3A_101, %mul3A_102 : i32
      %dma_wait3A_104 = arith.constant 0 : i32
      %dma_wait3A_105 = tpu.memref_slice %arg8[%mul3A_103, %dma_wait3A_104] : memref<640x64xf32, #tpu.memory_space<vmem>> -> memref<128x64xf32, #tpu.memory_space<vmem>>
      %dma_wait3A_106 = arith.constant 0 : i32
      %dma_wait3A_107 = tpu.memref_slice %arg6[%scan3A_100, %dma_wait3A_106] : memref<80x128xi32, #tpu.memory_space<vmem>> -> memref<1x128xi32, #tpu.memory_space<vmem>>
      %dma_wait3A_108 = tpu.memref_squeeze %dma_wait3A_107 : memref<1x128xi32, #tpu.memory_space<vmem>> -> memref<128xi32, #tpu.memory_space<vmem>>
      %dma_wait3A_109 = arith.constant 0 : i32
      %dma_wait3A_110 = arith.constant 0 : i32
      %dma_wait3A_111 = tpu.memref_slice %arg2[%dma_wait3A_109, %dma_wait3A_110] : memref<20000x64xf32, #tpu.memory_space<hbm>> -> memref<20000x64xf32, #tpu.memory_space<hbm>>
      tpu.wait_indirect_dma semaphore(%arg11 : memref<!tpu.dma_semaphore, #tpu.memory_space<semaphore_mem>>) src(%dma_wait3A_111 : memref<20000x64xf32, #tpu.memory_space<hbm>>) dst(%dma_wait3A_105 : memref<128x64xf32, #tpu.memory_space<vmem>>)
      %dma_start3A_112 = arith.constant 0 : i32
      %dma_start3A_113 = tpu.memref_slice %arg8[%mul3A_103, %dma_start3A_112] : memref<640x64xf32, #tpu.memory_space<vmem>> -> memref<128x64xf32, #tpu.memory_space<vmem>>
      %dma_start3A_114 = arith.constant 0 : i32
      %dma_start3A_115 = tpu.memref_slice %arg7[%scan3A_100, %dma_start3A_114] : memref<80x128xi32, #tpu.memory_space<vmem>> -> memref<1x128xi32, #tpu.memory_space<vmem>>
      %dma_start3A_116 = tpu.memref_squeeze %dma_start3A_115 : memref<1x128xi32, #tpu.memory_space<vmem>> -> memref<128xi32, #tpu.memory_space<vmem>>
      %dma_start3A_117 = arith.constant 0 : i32
      %dma_start3A_118 = arith.constant 0 : i32
      %dma_start3A_119 = tpu.memref_slice %arg10[%dma_start3A_117, %dma_start3A_118] : memref<11024x64xf32, #tpu.memory_space<vmem_shared>> -> memref<11024x64xf32, #tpu.memory_space<vmem_shared>>
      tpu.enqueue_indirect_dma source(%dma_start3A_113 : memref<128x64xf32, #tpu.memory_space<vmem>>) target(%dma_start3A_119 : memref<11024x64xf32, #tpu.memory_space<vmem_shared>>) offsets(%dma_start3A_116 : memref<128xi32, #tpu.memory_space<vmem>>) semaphore(%arg12 : memref<!tpu.dma_semaphore, #tpu.memory_space<semaphore_mem>>) {add = true}
      %ge3A = arith.constant 1 : i32
      %ge3A_120 = arith.cmpi sge, %scan3A_100, %ge3A : i32
      %convert_element_type3A = arith.extui %ge3A_120 : i1 to i32
      %cond3A = arith.constant 0 : i32
      %cond3A_121 = arith.cmpi ne, %convert_element_type3A, %cond3A : i32
      scf.if %cond3A_121 {
        %add3A_128 = arith.constant 4 : i32
        %add3A_129 = arith.addi %scan3A_100, %add3A_128 : i32
        %rem3A_130 = arith.constant 5 : i32
        %rem3A_131 = arith.remsi %add3A_129, %rem3A_130 : i32
        %mul3A_132 = arith.constant 128 : i32
        %mul3A_133 = arith.muli %rem3A_131, %mul3A_132 : i32
        %sub3A = arith.constant 1 : i32
        %sub3A_134 = arith.subi %scan3A_100, %sub3A : i32
        %dma_wait3A_135 = arith.constant 0 : i32
        %dma_wait3A_136 = tpu.memref_slice %arg8[%mul3A_133, %dma_wait3A_135] : memref<640x64xf32, #tpu.memory_space<vmem>> -> memref<128x64xf32, #tpu.memory_space<vmem>>
        %dma_wait3A_137 = arith.constant 0 : i32
        %dma_wait3A_138 = tpu.memref_slice %arg7[%sub3A_134, %dma_wait3A_137] : memref<80x128xi32, #tpu.memory_space<vmem>> -> memref<1x128xi32, #tpu.memory_space<vmem>>
        %dma_wait3A_139 = tpu.memref_squeeze %dma_wait3A_138 : memref<1x128xi32, #tpu.memory_space<vmem>> -> memref<128xi32, #tpu.memory_space<vmem>>
        %dma_wait3A_140 = arith.constant 0 : i32
        %dma_wait3A_141 = arith.constant 0 : i32
        %dma_wait3A_142 = tpu.memref_slice %arg10[%dma_wait3A_140, %dma_wait3A_141] : memref<11024x64xf32, #tpu.memory_space<vmem_shared>> -> memref<11024x64xf32, #tpu.memory_space<vmem_shared>>
        tpu.wait_indirect_dma semaphore(%arg12 : memref<!tpu.dma_semaphore, #tpu.memory_space<semaphore_mem>>) src(%dma_wait3A_136 : memref<128x64xf32, #tpu.memory_space<vmem>>) dst(%dma_wait3A_142 : memref<11024x64xf32, #tpu.memory_space<vmem_shared>>)
      } else {
      }
      %add3A_122 = arith.constant 4 : i32
      %add3A_123 = arith.addi %scan3A_100, %add3A_122 : i32
      %lt3A = arith.constant 80 : i32
      %lt3A_124 = arith.cmpi slt, %add3A_123, %lt3A : i32
      %convert_element_type3A_125 = arith.extui %lt3A_124 : i1 to i32
      %cond3A_126 = arith.constant 0 : i32
      %cond3A_127 = arith.cmpi ne, %convert_element_type3A_125, %cond3A_126 : i32
      scf.if %cond3A_127 {
        %add3A_128 = arith.constant 4 : i32
        %add3A_129 = arith.addi %scan3A_100, %add3A_128 : i32
        %rem3A_130 = arith.constant 5 : i32
        %rem3A_131 = arith.remsi %add3A_129, %rem3A_130 : i32
        %mul3A_132 = arith.constant 128 : i32
        %mul3A_133 = arith.muli %rem3A_131, %mul3A_132 : i32
        %add3A_134 = arith.constant 4 : i32
        %add3A_135 = arith.addi %scan3A_100, %add3A_134 : i32
        %dma_start3A_136 = arith.constant 0 : i32
        %dma_start3A_137 = tpu.memref_slice %arg8[%mul3A_133, %dma_start3A_136] : memref<640x64xf32, #tpu.memory_space<vmem>> -> memref<128x64xf32, #tpu.memory_space<vmem>>
        %dma_start3A_138 = arith.constant 0 : i32
        %dma_start3A_139 = tpu.memref_slice %arg6[%add3A_135, %dma_start3A_138] : memref<80x128xi32, #tpu.memory_space<vmem>> -> memref<1x128xi32, #tpu.memory_space<vmem>>
        %dma_start3A_140 = tpu.memref_squeeze %dma_start3A_139 : memref<1x128xi32, #tpu.memory_space<vmem>> -> memref<128xi32, #tpu.memory_space<vmem>>
        %dma_start3A_141 = arith.constant 0 : i32
        %dma_start3A_142 = arith.constant 0 : i32
        %dma_start3A_143 = tpu.memref_slice %arg2[%dma_start3A_141, %dma_start3A_142] : memref<20000x64xf32, #tpu.memory_space<hbm>> -> memref<20000x64xf32, #tpu.memory_space<hbm>>
        tpu.enqueue_indirect_dma source(%dma_start3A_143 : memref<20000x64xf32, #tpu.memory_space<hbm>>) target(%dma_start3A_137 : memref<128x64xf32, #tpu.memory_space<vmem>>) offsets(%dma_start3A_140 : memref<128xi32, #tpu.memory_space<vmem>>) semaphore(%arg11 : memref<!tpu.dma_semaphore, #tpu.memory_space<semaphore_mem>>)
      } else {
      }
    }
    %scan3A_65 = arith.constant 80 : i32
    %dma_wait3A = arith.constant 79 : i32
    %dma_wait3A_66 = arith.constant 0 : i32
    %dma_wait3A_67 = arith.constant 0 : i32
    %dma_wait3A_68 = tpu.memref_slice %arg8[%dma_wait3A_66, %dma_wait3A_67] : memref<640x64xf32, #tpu.memory_space<vmem>> -> memref<128x64xf32, #tpu.memory_space<vmem>>
    %dma_wait3A_69 = arith.constant 0 : i32
    %dma_wait3A_70 = tpu.memref_slice %arg7[%dma_wait3A, %dma_wait3A_69] : memref<80x128xi32, #tpu.memory_space<vmem>> -> memref<1x128xi32, #tpu.memory_space<vmem>>
    %dma_wait3A_71 = tpu.memref_squeeze %dma_wait3A_70 : memref<1x128xi32, #tpu.memory_space<vmem>> -> memref<128xi32, #tpu.memory_space<vmem>>
    %dma_wait3A_72 = arith.constant 0 : i32
    %dma_wait3A_73 = arith.constant 0 : i32
    %dma_wait3A_74 = tpu.memref_slice %arg10[%dma_wait3A_72, %dma_wait3A_73] : memref<11024x64xf32, #tpu.memory_space<vmem_shared>> -> memref<11024x64xf32, #tpu.memory_space<vmem_shared>>
    tpu.wait_indirect_dma semaphore(%arg12 : memref<!tpu.dma_semaphore, #tpu.memory_space<semaphore_mem>>) src(%dma_wait3A_68 : memref<128x64xf32, #tpu.memory_space<vmem>>) dst(%dma_wait3A_74 : memref<11024x64xf32, #tpu.memory_space<vmem_shared>>)
    %barrier3A_75 = arith.constant 0 : index
    tpu.barrier barrier_id(%barrier3A_75)
    %add3A_76 = arith.constant 0 : i32
    %add3A_77 = arith.addi %mul3A_8, %add3A_76 : i32
    "tpu.region"() ({
      %run_scoped3A = tpu.sem_alloc : memref<!tpu.dma_semaphore, #tpu.memory_space<semaphore_mem>>
      %dma_start3A_100 = arith.constant 0 : i32
      %dma_start3A_101 = arith.constant 0 : i32
      %dma_start3A_102 = tpu.memref_slice %arg9[%dma_start3A_100, %dma_start3A_101] : memref<160x64xf32, #tpu.memory_space<vmem>> -> memref<160x64xf32, #tpu.memory_space<vmem>>
      %dma_start3A_103 = arith.constant 0 : i32
      %dma_start3A_104 = tpu.memref_slice %arg10[%add3A_77, %dma_start3A_103] : memref<11024x64xf32, #tpu.memory_space<vmem_shared>> -> memref<160x64xf32, #tpu.memory_space<vmem_shared>>
      %dma_start3A_105 = arith.constant 0 : i32
      %dma_start3A_106 = arith.constant 0 : i32
      %dma_start3A_107 = tpu.memref_slice %arg9[%dma_start3A_105, %dma_start3A_106] : memref<160x64xf32, #tpu.memory_space<vmem>> -> memref<160x64xf32, #tpu.memory_space<vmem>>
      %dma_start3A_108 = arith.constant 0 : i32
      %dma_start3A_109 = tpu.memref_slice %arg10[%add3A_77, %dma_start3A_108] : memref<11024x64xf32, #tpu.memory_space<vmem_shared>> -> memref<160x64xf32, #tpu.memory_space<vmem_shared>>
      tpu.enqueue_dma source(%dma_start3A_109 : memref<160x64xf32, #tpu.memory_space<vmem_shared>>) target(%dma_start3A_107 : memref<160x64xf32, #tpu.memory_space<vmem>>) target_semaphore(%run_scoped3A : memref<!tpu.dma_semaphore, #tpu.memory_space<semaphore_mem>>)
      %dma_wait3A_110 = arith.constant 0 : i32
      %dma_wait3A_111 = arith.constant 0 : i32
      %dma_wait3A_112 = tpu.memref_slice %arg9[%dma_wait3A_110, %dma_wait3A_111] : memref<160x64xf32, #tpu.memory_space<vmem>> -> memref<160x64xf32, #tpu.memory_space<vmem>>
      %dma_wait3A_113 = arith.constant 0 : i32
      %dma_wait3A_114 = tpu.memref_slice %arg10[%add3A_77, %dma_wait3A_113] : memref<11024x64xf32, #tpu.memory_space<vmem_shared>> -> memref<160x64xf32, #tpu.memory_space<vmem_shared>>
      %dma_wait3A_115 = arith.constant 0 : i32
      %dma_wait3A_116 = arith.constant 0 : i32
      %dma_wait3A_117 = tpu.memref_slice %arg9[%dma_wait3A_115, %dma_wait3A_116] : memref<160x64xf32, #tpu.memory_space<vmem>> -> memref<160x64xf32, #tpu.memory_space<vmem>>
      %dma_wait3A_118 = arith.constant 0 : i32
      %dma_wait3A_119 = tpu.memref_slice %arg10[%add3A_77, %dma_wait3A_118] : memref<11024x64xf32, #tpu.memory_space<vmem_shared>> -> memref<160x64xf32, #tpu.memory_space<vmem_shared>>
      tpu.wait_dma2 semaphore(%run_scoped3A : memref<!tpu.dma_semaphore, #tpu.memory_space<semaphore_mem>>) src(%dma_wait3A_119 : memref<160x64xf32, #tpu.memory_space<vmem_shared>>) dst(%dma_wait3A_117 : memref<160x64xf32, #tpu.memory_space<vmem>>)
      tpu.yield
    }) : () -> ()
    %add3A_78 = arith.constant 0 : i32
    %add3A_79 = arith.addi %mul3A_8, %add3A_78 : i32
    %mul3A_80 = arith.constant 64 : i32
    %mul3A_81 = arith.muli %arg0, %mul3A_80 : i32
    "tpu.region"() ({
      %run_scoped3A = tpu.sem_alloc : memref<!tpu.dma_semaphore, #tpu.memory_space<semaphore_mem>>
      %dma_start3A_100 = arith.constant 0 : i32
      %dma_start3A_101 = arith.constant 0 : i32
      %dma_start3A_102 = tpu.memref_slice %arg9[%dma_start3A_100, %dma_start3A_101] : memref<160x64xf32, #tpu.memory_space<vmem>> -> memref<160x64xf32, #tpu.memory_space<vmem>>
      %dma_start3A_103 = tpu.memref_slice %arg5[%add3A_79, %mul3A_81] : memref<10000x128xf32, #tpu.memory_space<hbm>> -> memref<160x64xf32, #tpu.memory_space<hbm>>
      %dma_start3A_104 = tpu.memref_slice %arg5[%add3A_79, %mul3A_81] : memref<10000x128xf32, #tpu.memory_space<hbm>> -> memref<160x64xf32, #tpu.memory_space<hbm>>
      %dma_start3A_105 = arith.constant 0 : i32
      %dma_start3A_106 = arith.constant 0 : i32
      %dma_start3A_107 = tpu.memref_slice %arg9[%dma_start3A_105, %dma_start3A_106] : memref<160x64xf32, #tpu.memory_space<vmem>> -> memref<160x64xf32, #tpu.memory_space<vmem>>
      tpu.enqueue_dma source(%dma_start3A_107 : memref<160x64xf32, #tpu.memory_space<vmem>>) target(%dma_start3A_104 : memref<160x64xf32, #tpu.memory_space<hbm>>) target_semaphore(%run_scoped3A : memref<!tpu.dma_semaphore, #tpu.memory_space<semaphore_mem>>)
      %dma_wait3A_108 = arith.constant 0 : i32
      %dma_wait3A_109 = arith.constant 0 : i32
      %dma_wait3A_110 = tpu.memref_slice %arg9[%dma_wait3A_108, %dma_wait3A_109] : memref<160x64xf32, #tpu.memory_space<vmem>> -> memref<160x64xf32, #tpu.memory_space<vmem>>
      %dma_wait3A_111 = tpu.memref_slice %arg5[%add3A_79, %mul3A_81] : memref<10000x128xf32, #tpu.memory_space<hbm>> -> memref<160x64xf32, #tpu.memory_space<hbm>>
      %dma_wait3A_112 = tpu.memref_slice %arg5[%add3A_79, %mul3A_81] : memref<10000x128xf32, #tpu.memory_space<hbm>> -> memref<160x64xf32, #tpu.memory_space<hbm>>
      %dma_wait3A_113 = arith.constant 0 : i32
      %dma_wait3A_114 = arith.constant 0 : i32
      %dma_wait3A_115 = tpu.memref_slice %arg9[%dma_wait3A_113, %dma_wait3A_114] : memref<160x64xf32, #tpu.memory_space<vmem>> -> memref<160x64xf32, #tpu.memory_space<vmem>>
      tpu.wait_dma2 semaphore(%run_scoped3A : memref<!tpu.dma_semaphore, #tpu.memory_space<semaphore_mem>>) src(%dma_wait3A_115 : memref<160x64xf32, #tpu.memory_space<vmem>>) dst(%dma_wait3A_112 : memref<160x64xf32, #tpu.memory_space<hbm>>)
      tpu.yield
    }) : () -> ()
    %add3A_82 = arith.constant 160 : i32
    %add3A_83 = arith.addi %mul3A_8, %add3A_82 : i32
    "tpu.region"() ({
      %run_scoped3A = tpu.sem_alloc : memref<!tpu.dma_semaphore, #tpu.memory_space<semaphore_mem>>
      %dma_start3A_100 = arith.constant 0 : i32
      %dma_start3A_101 = arith.constant 0 : i32
      %dma_start3A_102 = tpu.memref_slice %arg9[%dma_start3A_100, %dma_start3A_101] : memref<160x64xf32, #tpu.memory_space<vmem>> -> memref<160x64xf32, #tpu.memory_space<vmem>>
      %dma_start3A_103 = arith.constant 0 : i32
      %dma_start3A_104 = tpu.memref_slice %arg10[%add3A_83, %dma_start3A_103] : memref<11024x64xf32, #tpu.memory_space<vmem_shared>> -> memref<160x64xf32, #tpu.memory_space<vmem_shared>>
      %dma_start3A_105 = arith.constant 0 : i32
      %dma_start3A_106 = arith.constant 0 : i32
      %dma_start3A_107 = tpu.memref_slice %arg9[%dma_start3A_105, %dma_start3A_106] : memref<160x64xf32, #tpu.memory_space<vmem>> -> memref<160x64xf32, #tpu.memory_space<vmem>>
      %dma_start3A_108 = arith.constant 0 : i32
      %dma_start3A_109 = tpu.memref_slice %arg10[%add3A_83, %dma_start3A_108] : memref<11024x64xf32, #tpu.memory_space<vmem_shared>> -> memref<160x64xf32, #tpu.memory_space<vmem_shared>>
      tpu.enqueue_dma source(%dma_start3A_109 : memref<160x64xf32, #tpu.memory_space<vmem_shared>>) target(%dma_start3A_107 : memref<160x64xf32, #tpu.memory_space<vmem>>) target_semaphore(%run_scoped3A : memref<!tpu.dma_semaphore, #tpu.memory_space<semaphore_mem>>)
      %dma_wait3A_110 = arith.constant 0 : i32
      %dma_wait3A_111 = arith.constant 0 : i32
      %dma_wait3A_112 = tpu.memref_slice %arg9[%dma_wait3A_110, %dma_wait3A_111] : memref<160x64xf32, #tpu.memory_space<vmem>> -> memref<160x64xf32, #tpu.memory_space<vmem>>
      %dma_wait3A_113 = arith.constant 0 : i32
      %dma_wait3A_114 = tpu.memref_slice %arg10[%add3A_83, %dma_wait3A_113] : memref<11024x64xf32, #tpu.memory_space<vmem_shared>> -> memref<160x64xf32, #tpu.memory_space<vmem_shared>>
      %dma_wait3A_115 = arith.constant 0 : i32
      %dma_wait3A_116 = arith.constant 0 : i32
      %dma_wait3A_117 = tpu.memref_slice %arg9[%dma_wait3A_115, %dma_wait3A_116] : memref<160x64xf32, #tpu.memory_space<vmem>> -> memref<160x64xf32, #tpu.memory_space<vmem>>
      %dma_wait3A_118 = arith.constant 0 : i32
      %dma_wait3A_119 = tpu.memref_slice %arg10[%add3A_83, %dma_wait3A_118] : memref<11024x64xf32, #tpu.memory_space<vmem_shared>> -> memref<160x64xf32, #tpu.memory_space<vmem_shared>>
      tpu.wait_dma2 semaphore(%run_scoped3A : memref<!tpu.dma_semaphore, #tpu.memory_space<semaphore_mem>>) src(%dma_wait3A_119 : memref<160x64xf32, #tpu.memory_space<vmem_shared>>) dst(%dma_wait3A_117 : memref<160x64xf32, #tpu.memory_space<vmem>>)
      tpu.yield
    }) : () -> ()
    %add3A_84 = arith.constant 160 : i32
    %add3A_85 = arith.addi %mul3A_8, %add3A_84 : i32
    %mul3A_86 = arith.constant 64 : i32
    %mul3A_87 = arith.muli %arg0, %mul3A_86 : i32
    "tpu.region"() ({
      %run_scoped3A = tpu.sem_alloc : memref<!tpu.dma_semaphore, #tpu.memory_space<semaphore_mem>>
      %dma_start3A_100 = arith.constant 0 : i32
      %dma_start3A_101 = arith.constant 0 : i32
      %dma_start3A_102 = tpu.memref_slice %arg9[%dma_start3A_100, %dma_start3A_101] : memref<160x64xf32, #tpu.memory_space<vmem>> -> memref<160x64xf32, #tpu.memory_space<vmem>>
      %dma_start3A_103 = tpu.memref_slice %arg5[%add3A_85, %mul3A_87] : memref<10000x128xf32, #tpu.memory_space<hbm>> -> memref<160x64xf32, #tpu.memory_space<hbm>>
      %dma_start3A_104 = tpu.memref_slice %arg5[%add3A_85, %mul3A_87] : memref<10000x128xf32, #tpu.memory_space<hbm>> -> memref<160x64xf32, #tpu.memory_space<hbm>>
      %dma_start3A_105 = arith.constant 0 : i32
      %dma_start3A_106 = arith.constant 0 : i32
      %dma_start3A_107 = tpu.memref_slice %arg9[%dma_start3A_105, %dma_start3A_106] : memref<160x64xf32, #tpu.memory_space<vmem>> -> memref<160x64xf32, #tpu.memory_space<vmem>>
      tpu.enqueue_dma source(%dma_start3A_107 : memref<160x64xf32, #tpu.memory_space<vmem>>) target(%dma_start3A_104 : memref<160x64xf32, #tpu.memory_space<hbm>>) target_semaphore(%run_scoped3A : memref<!tpu.dma_semaphore, #tpu.memory_space<semaphore_mem>>)
      %dma_wait3A_108 = arith.constant 0 : i32
      %dma_wait3A_109 = arith.constant 0 : i32
      %dma_wait3A_110 = tpu.memref_slice %arg9[%dma_wait3A_108, %dma_wait3A_109] : memref<160x64xf32, #tpu.memory_space<vmem>> -> memref<160x64xf32, #tpu.memory_space<vmem>>
      %dma_wait3A_111 = tpu.memref_slice %arg5[%add3A_85, %mul3A_87] : memref<10000x128xf32, #tpu.memory_space<hbm>> -> memref<160x64xf32, #tpu.memory_space<hbm>>
      %dma_wait3A_112 = tpu.memref_slice %arg5[%add3A_85, %mul3A_87] : memref<10000x128xf32, #tpu.memory_space<hbm>> -> memref<160x64xf32, #tpu.memory_space<hbm>>
      %dma_wait3A_113 = arith.constant 0 : i32
      %dma_wait3A_114 = arith.constant 0 : i32
      %dma_wait3A_115 = tpu.memref_slice %arg9[%dma_wait3A_113, %dma_wait3A_114] : memref<160x64xf32, #tpu.memory_space<vmem>> -> memref<160x64xf32, #tpu.memory_space<vmem>>
      tpu.wait_dma2 semaphore(%run_scoped3A : memref<!tpu.dma_semaphore, #tpu.memory_space<semaphore_mem>>) src(%dma_wait3A_115 : memref<160x64xf32, #tpu.memory_space<vmem>>) dst(%dma_wait3A_112 : memref<160x64xf32, #tpu.memory_space<hbm>>)
      tpu.yield
    }) : () -> ()
    %add3A_88 = arith.constant 320 : i32
    %add3A_89 = arith.addi %mul3A_8, %add3A_88 : i32
    "tpu.region"() ({
      %run_scoped3A = tpu.sem_alloc : memref<!tpu.dma_semaphore, #tpu.memory_space<semaphore_mem>>
      %dma_start3A_100 = arith.constant 0 : i32
      %dma_start3A_101 = arith.constant 0 : i32
      %dma_start3A_102 = tpu.memref_slice %arg9[%dma_start3A_100, %dma_start3A_101] : memref<160x64xf32, #tpu.memory_space<vmem>> -> memref<160x64xf32, #tpu.memory_space<vmem>>
      %dma_start3A_103 = arith.constant 0 : i32
      %dma_start3A_104 = tpu.memref_slice %arg10[%add3A_89, %dma_start3A_103] : memref<11024x64xf32, #tpu.memory_space<vmem_shared>> -> memref<160x64xf32, #tpu.memory_space<vmem_shared>>
      %dma_start3A_105 = arith.constant 0 : i32
      %dma_start3A_106 = arith.constant 0 : i32
      %dma_start3A_107 = tpu.memref_slice %arg9[%dma_start3A_105, %dma_start3A_106] : memref<160x64xf32, #tpu.memory_space<vmem>> -> memref<160x64xf32, #tpu.memory_space<vmem>>
      %dma_start3A_108 = arith.constant 0 : i32
      %dma_start3A_109 = tpu.memref_slice %arg10[%add3A_89, %dma_start3A_108] : memref<11024x64xf32, #tpu.memory_space<vmem_shared>> -> memref<160x64xf32, #tpu.memory_space<vmem_shared>>
      tpu.enqueue_dma source(%dma_start3A_109 : memref<160x64xf32, #tpu.memory_space<vmem_shared>>) target(%dma_start3A_107 : memref<160x64xf32, #tpu.memory_space<vmem>>) target_semaphore(%run_scoped3A : memref<!tpu.dma_semaphore, #tpu.memory_space<semaphore_mem>>)
      %dma_wait3A_110 = arith.constant 0 : i32
      %dma_wait3A_111 = arith.constant 0 : i32
      %dma_wait3A_112 = tpu.memref_slice %arg9[%dma_wait3A_110, %dma_wait3A_111] : memref<160x64xf32, #tpu.memory_space<vmem>> -> memref<160x64xf32, #tpu.memory_space<vmem>>
      %dma_wait3A_113 = arith.constant 0 : i32
      %dma_wait3A_114 = tpu.memref_slice %arg10[%add3A_89, %dma_wait3A_113] : memref<11024x64xf32, #tpu.memory_space<vmem_shared>> -> memref<160x64xf32, #tpu.memory_space<vmem_shared>>
      %dma_wait3A_115 = arith.constant 0 : i32
      %dma_wait3A_116 = arith.constant 0 : i32
      %dma_wait3A_117 = tpu.memref_slice %arg9[%dma_wait3A_115, %dma_wait3A_116] : memref<160x64xf32, #tpu.memory_space<vmem>> -> memref<160x64xf32, #tpu.memory_space<vmem>>
      %dma_wait3A_118 = arith.constant 0 : i32
      %dma_wait3A_119 = tpu.memref_slice %arg10[%add3A_89, %dma_wait3A_118] : memref<11024x64xf32, #tpu.memory_space<vmem_shared>> -> memref<160x64xf32, #tpu.memory_space<vmem_shared>>
      tpu.wait_dma2 semaphore(%run_scoped3A : memref<!tpu.dma_semaphore, #tpu.memory_space<semaphore_mem>>) src(%dma_wait3A_119 : memref<160x64xf32, #tpu.memory_space<vmem_shared>>) dst(%dma_wait3A_117 : memref<160x64xf32, #tpu.memory_space<vmem>>)
      tpu.yield
    }) : () -> ()
    %add3A_90 = arith.constant 320 : i32
    %add3A_91 = arith.addi %mul3A_8, %add3A_90 : i32
    %mul3A_92 = arith.constant 64 : i32
    %mul3A_93 = arith.muli %arg0, %mul3A_92 : i32
    "tpu.region"() ({
      %run_scoped3A = tpu.sem_alloc : memref<!tpu.dma_semaphore, #tpu.memory_space<semaphore_mem>>
      %dma_start3A_100 = arith.constant 0 : i32
      %dma_start3A_101 = arith.constant 0 : i32
      %dma_start3A_102 = tpu.memref_slice %arg9[%dma_start3A_100, %dma_start3A_101] : memref<160x64xf32, #tpu.memory_space<vmem>> -> memref<160x64xf32, #tpu.memory_space<vmem>>
      %dma_start3A_103 = tpu.memref_slice %arg5[%add3A_91, %mul3A_93] : memref<10000x128xf32, #tpu.memory_space<hbm>> -> memref<160x64xf32, #tpu.memory_space<hbm>>
      %dma_start3A_104 = tpu.memref_slice %arg5[%add3A_91, %mul3A_93] : memref<10000x128xf32, #tpu.memory_space<hbm>> -> memref<160x64xf32, #tpu.memory_space<hbm>>
      %dma_start3A_105 = arith.constant 0 : i32
      %dma_start3A_106 = arith.constant 0 : i32
      %dma_start3A_107 = tpu.memref_slice %arg9[%dma_start3A_105, %dma_start3A_106] : memref<160x64xf32, #tpu.memory_space<vmem>> -> memref<160x64xf32, #tpu.memory_space<vmem>>
      tpu.enqueue_dma source(%dma_start3A_107 : memref<160x64xf32, #tpu.memory_space<vmem>>) target(%dma_start3A_104 : memref<160x64xf32, #tpu.memory_space<hbm>>) target_semaphore(%run_scoped3A : memref<!tpu.dma_semaphore, #tpu.memory_space<semaphore_mem>>)
      %dma_wait3A_108 = arith.constant 0 : i32
      %dma_wait3A_109 = arith.constant 0 : i32
      %dma_wait3A_110 = tpu.memref_slice %arg9[%dma_wait3A_108, %dma_wait3A_109] : memref<160x64xf32, #tpu.memory_space<vmem>> -> memref<160x64xf32, #tpu.memory_space<vmem>>
      %dma_wait3A_111 = tpu.memref_slice %arg5[%add3A_91, %mul3A_93] : memref<10000x128xf32, #tpu.memory_space<hbm>> -> memref<160x64xf32, #tpu.memory_space<hbm>>
      %dma_wait3A_112 = tpu.memref_slice %arg5[%add3A_91, %mul3A_93] : memref<10000x128xf32, #tpu.memory_space<hbm>> -> memref<160x64xf32, #tpu.memory_space<hbm>>
      %dma_wait3A_113 = arith.constant 0 : i32
      %dma_wait3A_114 = arith.constant 0 : i32
      %dma_wait3A_115 = tpu.memref_slice %arg9[%dma_wait3A_113, %dma_wait3A_114] : memref<160x64xf32, #tpu.memory_space<vmem>> -> memref<160x64xf32, #tpu.memory_space<vmem>>
      tpu.wait_dma2 semaphore(%run_scoped3A : memref<!tpu.dma_semaphore, #tpu.memory_space<semaphore_mem>>) src(%dma_wait3A_115 : memref<160x64xf32, #tpu.memory_space<vmem>>) dst(%dma_wait3A_112 : memref<160x64xf32, #tpu.memory_space<hbm>>)
      tpu.yield
    }) : () -> ()
    %add3A_94 = arith.constant 480 : i32
    %add3A_95 = arith.addi %mul3A_8, %add3A_94 : i32
    "tpu.region"() ({
      %run_scoped3A = tpu.sem_alloc : memref<!tpu.dma_semaphore, #tpu.memory_space<semaphore_mem>>
      %dma_start3A_100 = arith.constant 0 : i32
      %dma_start3A_101 = arith.constant 0 : i32
      %dma_start3A_102 = tpu.memref_slice %arg9[%dma_start3A_100, %dma_start3A_101] : memref<160x64xf32, #tpu.memory_space<vmem>> -> memref<145x64xf32, #tpu.memory_space<vmem>>
      %dma_start3A_103 = arith.constant 0 : i32
      %dma_start3A_104 = tpu.memref_slice %arg10[%add3A_95, %dma_start3A_103] : memref<11024x64xf32, #tpu.memory_space<vmem_shared>> -> memref<145x64xf32, #tpu.memory_space<vmem_shared>>
      %dma_start3A_105 = arith.constant 0 : i32
      %dma_start3A_106 = arith.constant 0 : i32
      %dma_start3A_107 = tpu.memref_slice %arg9[%dma_start3A_105, %dma_start3A_106] : memref<160x64xf32, #tpu.memory_space<vmem>> -> memref<145x64xf32, #tpu.memory_space<vmem>>
      %dma_start3A_108 = arith.constant 0 : i32
      %dma_start3A_109 = tpu.memref_slice %arg10[%add3A_95, %dma_start3A_108] : memref<11024x64xf32, #tpu.memory_space<vmem_shared>> -> memref<145x64xf32, #tpu.memory_space<vmem_shared>>
      tpu.enqueue_dma source(%dma_start3A_109 : memref<145x64xf32, #tpu.memory_space<vmem_shared>>) target(%dma_start3A_107 : memref<145x64xf32, #tpu.memory_space<vmem>>) target_semaphore(%run_scoped3A : memref<!tpu.dma_semaphore, #tpu.memory_space<semaphore_mem>>)
      %dma_wait3A_110 = arith.constant 0 : i32
      %dma_wait3A_111 = arith.constant 0 : i32
      %dma_wait3A_112 = tpu.memref_slice %arg9[%dma_wait3A_110, %dma_wait3A_111] : memref<160x64xf32, #tpu.memory_space<vmem>> -> memref<145x64xf32, #tpu.memory_space<vmem>>
      %dma_wait3A_113 = arith.constant 0 : i32
      %dma_wait3A_114 = tpu.memref_slice %arg10[%add3A_95, %dma_wait3A_113] : memref<11024x64xf32, #tpu.memory_space<vmem_shared>> -> memref<145x64xf32, #tpu.memory_space<vmem_shared>>
      %dma_wait3A_115 = arith.constant 0 : i32
      %dma_wait3A_116 = arith.constant 0 : i32
      %dma_wait3A_117 = tpu.memref_slice %arg9[%dma_wait3A_115, %dma_wait3A_116] : memref<160x64xf32, #tpu.memory_space<vmem>> -> memref<145x64xf32, #tpu.memory_space<vmem>>
      %dma_wait3A_118 = arith.constant 0 : i32
      %dma_wait3A_119 = tpu.memref_slice %arg10[%add3A_95, %dma_wait3A_118] : memref<11024x64xf32, #tpu.memory_space<vmem_shared>> -> memref<145x64xf32, #tpu.memory_space<vmem_shared>>
      tpu.wait_dma2 semaphore(%run_scoped3A : memref<!tpu.dma_semaphore, #tpu.memory_space<semaphore_mem>>) src(%dma_wait3A_119 : memref<145x64xf32, #tpu.memory_space<vmem_shared>>) dst(%dma_wait3A_117 : memref<145x64xf32, #tpu.memory_space<vmem>>)
      tpu.yield
    }) : () -> ()
    %add3A_96 = arith.constant 480 : i32
    %add3A_97 = arith.addi %mul3A_8, %add3A_96 : i32
    %mul3A_98 = arith.constant 64 : i32
    %mul3A_99 = arith.muli %arg0, %mul3A_98 : i32
    "tpu.region"() ({
      %run_scoped3A = tpu.sem_alloc : memref<!tpu.dma_semaphore, #tpu.memory_space<semaphore_mem>>
      %dma_start3A_100 = arith.constant 0 : i32
      %dma_start3A_101 = arith.constant 0 : i32
      %dma_start3A_102 = tpu.memref_slice %arg9[%dma_start3A_100, %dma_start3A_101] : memref<160x64xf32, #tpu.memory_space<vmem>> -> memref<145x64xf32, #tpu.memory_space<vmem>>
      %dma_start3A_103 = tpu.memref_slice %arg5[%add3A_97, %mul3A_99] : memref<10000x128xf32, #tpu.memory_space<hbm>> -> memref<145x64xf32, #tpu.memory_space<hbm>>
      %dma_start3A_104 = tpu.memref_slice %arg5[%add3A_97, %mul3A_99] : memref<10000x128xf32, #tpu.memory_space<hbm>> -> memref<145x64xf32, #tpu.memory_space<hbm>>
      %dma_start3A_105 = arith.constant 0 : i32
      %dma_start3A_106 = arith.constant 0 : i32
      %dma_start3A_107 = tpu.memref_slice %arg9[%dma_start3A_105, %dma_start3A_106] : memref<160x64xf32, #tpu.memory_space<vmem>> -> memref<145x64xf32, #tpu.memory_space<vmem>>
      tpu.enqueue_dma source(%dma_start3A_107 : memref<145x64xf32, #tpu.memory_space<vmem>>) target(%dma_start3A_104 : memref<145x64xf32, #tpu.memory_space<hbm>>) target_semaphore(%run_scoped3A : memref<!tpu.dma_semaphore, #tpu.memory_space<semaphore_mem>>)
      %dma_wait3A_108 = arith.constant 0 : i32
      %dma_wait3A_109 = arith.constant 0 : i32
      %dma_wait3A_110 = tpu.memref_slice %arg9[%dma_wait3A_108, %dma_wait3A_109] : memref<160x64xf32, #tpu.memory_space<vmem>> -> memref<145x64xf32, #tpu.memory_space<vmem>>
      %dma_wait3A_111 = tpu.memref_slice %arg5[%add3A_97, %mul3A_99] : memref<10000x128xf32, #tpu.memory_space<hbm>> -> memref<145x64xf32, #tpu.memory_space<hbm>>
      %dma_wait3A_112 = tpu.memref_slice %arg5[%add3A_97, %mul3A_99] : memref<10000x128xf32, #tpu.memory_space<hbm>> -> memref<145x64xf32, #tpu.memory_space<hbm>>
      %dma_wait3A_113 = arith.constant 0 : i32
      %dma_wait3A_114 = arith.constant 0 : i32
      %dma_wait3A_115 = tpu.memref_slice %arg9[%dma_wait3A_113, %dma_wait3A_114] : memref<160x64xf32, #tpu.memory_space<vmem>> -> memref<145x64xf32, #tpu.memory_space<vmem>>
      tpu.wait_dma2 semaphore(%run_scoped3A : memref<!tpu.dma_semaphore, #tpu.memory_space<semaphore_mem>>) src(%dma_wait3A_115 : memref<145x64xf32, #tpu.memory_space<vmem>>) dst(%dma_wait3A_112 : memref<145x64xf32, #tpu.memory_space<hbm>>)
      tpu.yield
    }) : () -> ()
    return
  }
}

#map = affine_map<(d0, d1) -> (0, 0)>
module attributes {stable_mosaic.version = 14 : i64} {
  func.func @segsum(%arg0: i32, %arg1: i32, %arg2: memref<20000x64xf32, #tpu.memory_space<hbm>>, %arg3: memref<2560x128xi32, #tpu.memory_space<hbm>>, %arg4: memref<2560x128xi32, #tpu.memory_space<hbm>>, %arg5: memref<10000x128xf32, #tpu.memory_space<hbm>>, %arg6: memref<80x128xi32, #tpu.memory_space<vmem>>, %arg7: memref<80x128xi32, #tpu.memory_space<vmem>>, %arg8: memref<640x64xf32, #tpu.memory_space<vmem>>, %arg9: memref<160x64xf32, #tpu.memory_space<vmem>>, %arg10: memref<11024x64xf32, #tpu.memory_space<vmem_shared>>, %arg11: memref<!tpu.dma_semaphore, #tpu.memory_space<semaphore_mem>>, %arg12: memref<!tpu.dma_semaphore, #tpu.memory_space<semaphore_mem>>) attributes {dimension_semantics = [#tpu.dimension_semantics<core_parallel>, #tpu.dimension_semantics<subcore_parallel>], iteration_bounds = array<i64: 2, 16>, scalar_prefetch = 0 : i64, scratch_operands = 7 : i64, tpu.core_type = #tpu.core_type<sc_vector_subcore>, window_params = [{transform_indices = #map}, {transform_indices = #map}, {transform_indices = #map}, {transform_indices = #map}]} {
    %mul3A = arith.constant 16 : i32
    %mul3A_0 = arith.muli %arg0, %mul3A : i32
    %add3A = arith.addi %mul3A_0, %arg1 : i32
    %broadcast_in_dim3A = arith.constant 0.000000e+00 : f32
    %broadcast_in_dim3A_1 = vector.broadcast %broadcast_in_dim3A : f32 to vector<16xf32>
    %scan3A = arith.constant 0 : i32
    %scan3A_2 = arith.constant 0 : i32
    %scan3A_3 = arith.constant 160 : i32
    %scan3A_4 = arith.addi %scan3A_2, %scan3A_3 : i32
    %scan3A_5 = arith.constant 1 : i32
    scf.for %scan3A_100 = %scan3A_2 to %scan3A_4 step %scan3A_5  : i32 {
      %swap3A = arith.index_cast %scan3A_100 : i32 to index
      %swap3A_101 = arith.constant 0 : index
      %swap3A_102 = tpu.vector_load %arg9[%swap3A, %swap3A_101] {strides = array<i32>} : memref<160x64xf32, #tpu.memory_space<vmem>>, vector<1x16xf32>,
      %swap3A_103 = vector.shape_cast %swap3A_102 : vector<1x16xf32> to vector<16xf32>
      %swap3A_104 = vector.shape_cast %broadcast_in_dim3A_1 : vector<16xf32> to vector<1x16xf32>
      tpu.vector_store %arg9[%swap3A, %swap3A_101], %swap3A_104 {strides = array<i32>} : memref<160x64xf32, #tpu.memory_space<vmem>>, vector<1x16xf32>,
      %swap3A_105 = arith.index_cast %scan3A_100 : i32 to index
      %swap3A_106 = arith.constant 16 : index
      %swap3A_107 = tpu.vector_load %arg9[%swap3A_105, %swap3A_106] {strides = array<i32>} : memref<160x64xf32, #tpu.memory_space<vmem>>, vector<1x16xf32>,
      %swap3A_108 = vector.shape_cast %swap3A_107 : vector<1x16xf32> to vector<16xf32>
      %swap3A_109 = vector.shape_cast %broadcast_in_dim3A_1 : vector<16xf32> to vector<1x16xf32>
      tpu.vector_store %arg9[%swap3A_105, %swap3A_106], %swap3A_109 {strides = array<i32>} : memref<160x64xf32, #tpu.memory_space<vmem>>, vector<1x16xf32>,
      %swap3A_110 = arith.index_cast %scan3A_100 : i32 to index
      %swap3A_111 = arith.constant 32 : index
      %swap3A_112 = tpu.vector_load %arg9[%swap3A_110, %swap3A_111] {strides = array<i32>} : memref<160x64xf32, #tpu.memory_space<vmem>>, vector<1x16xf32>,
      %swap3A_113 = vector.shape_cast %swap3A_112 : vector<1x16xf32> to vector<16xf32>
      %swap3A_114 = vector.shape_cast %broadcast_in_dim3A_1 : vector<16xf32> to vector<1x16xf32>
      tpu.vector_store %arg9[%swap3A_110, %swap3A_111], %swap3A_114 {strides = array<i32>} : memref<160x64xf32, #tpu.memory_space<vmem>>, vector<1x16xf32>,
      %swap3A_115 = arith.index_cast %scan3A_100 : i32 to index
      %swap3A_116 = arith.constant 48 : index
      %swap3A_117 = tpu.vector_load %arg9[%swap3A_115, %swap3A_116] {strides = array<i32>} : memref<160x64xf32, #tpu.memory_space<vmem>>, vector<1x16xf32>,
      %swap3A_118 = vector.shape_cast %swap3A_117 : vector<1x16xf32> to vector<16xf32>
      %swap3A_119 = vector.shape_cast %broadcast_in_dim3A_1 : vector<16xf32> to vector<1x16xf32>
      tpu.vector_store %arg9[%swap3A_115, %swap3A_116], %swap3A_119 {strides = array<i32>} : memref<160x64xf32, #tpu.memory_space<vmem>>, vector<1x16xf32>,
    }
    %scan3A_6 = arith.constant 160 : i32
    %mul3A_7 = arith.constant 625 : i32
    %mul3A_8 = arith.muli %arg1, %mul3A_7 : i32
    %add3A_9 = arith.constant 0 : i32
    %add3A_10 = arith.addi %mul3A_8, %add3A_9 : i32
    "tpu.region"() ({
      %run_scoped3A = tpu.sem_alloc : memref<!tpu.dma_semaphore, #tpu.memory_space<semaphore_mem>>
      %dma_start3A_100 = arith.constant 0 : i32
      %dma_start3A_101 = arith.constant 0 : i32
      %dma_start3A_102 = tpu.memref_slice %arg9[%dma_start3A_100, %dma_start3A_101] : memref<160x64xf32, #tpu.memory_space<vmem>> -> memref<160x64xf32, #tpu.memory_space<vmem>>
      %dma_start3A_103 = arith.constant 0 : i32
      %dma_start3A_104 = tpu.memref_slice %arg10[%add3A_10, %dma_start3A_103] : memref<11024x64xf32, #tpu.memory_space<vmem_shared>> -> memref<160x64xf32, #tpu.memory_space<vmem_shared>>
      %dma_start3A_105 = arith.constant 0 : i32
      %dma_start3A_106 = tpu.memref_slice %arg10[%add3A_10, %dma_start3A_105] : memref<11024x64xf32, #tpu.memory_space<vmem_shared>> -> memref<160x64xf32, #tpu.memory_space<vmem_shared>>
      %dma_start3A_107 = arith.constant 0 : i32
      %dma_start3A_108 = arith.constant 0 : i32
      %dma_start3A_109 = tpu.memref_slice %arg9[%dma_start3A_107, %dma_start3A_108] : memref<160x64xf32, #tpu.memory_space<vmem>> -> memref<160x64xf32, #tpu.memory_space<vmem>>
      tpu.enqueue_dma source(%dma_start3A_109 : memref<160x64xf32, #tpu.memory_space<vmem>>) target(%dma_start3A_106 : memref<160x64xf32, #tpu.memory_space<vmem_shared>>) target_semaphore(%run_scoped3A : memref<!tpu.dma_semaphore, #tpu.memory_space<semaphore_mem>>)
      %dma_wait3A_110 = arith.constant 0 : i32
      %dma_wait3A_111 = arith.constant 0 : i32
      %dma_wait3A_112 = tpu.memref_slice %arg9[%dma_wait3A_110, %dma_wait3A_111] : memref<160x64xf32, #tpu.memory_space<vmem>> -> memref<160x64xf32, #tpu.memory_space<vmem>>
      %dma_wait3A_113 = arith.constant 0 : i32
      %dma_wait3A_114 = tpu.memref_slice %arg10[%add3A_10, %dma_wait3A_113] : memref<11024x64xf32, #tpu.memory_space<vmem_shared>> -> memref<160x64xf32, #tpu.memory_space<vmem_shared>>
      %dma_wait3A_115 = arith.constant 0 : i32
      %dma_wait3A_116 = tpu.memref_slice %arg10[%add3A_10, %dma_wait3A_115] : memref<11024x64xf32, #tpu.memory_space<vmem_shared>> -> memref<160x64xf32, #tpu.memory_space<vmem_shared>>
      %dma_wait3A_117 = arith.constant 0 : i32
      %dma_wait3A_118 = arith.constant 0 : i32
      %dma_wait3A_119 = tpu.memref_slice %arg9[%dma_wait3A_117, %dma_wait3A_118] : memref<160x64xf32, #tpu.memory_space<vmem>> -> memref<160x64xf32, #tpu.memory_space<vmem>>
      tpu.wait_dma2 semaphore(%run_scoped3A : memref<!tpu.dma_semaphore, #tpu.memory_space<semaphore_mem>>) src(%dma_wait3A_119 : memref<160x64xf32, #tpu.memory_space<vmem>>) dst(%dma_wait3A_116 : memref<160x64xf32, #tpu.memory_space<vmem_shared>>)
      tpu.yield
    }) : () -> ()
    %add3A_11 = arith.constant 160 : i32
    %add3A_12 = arith.addi %mul3A_8, %add3A_11 : i32
    "tpu.region"() ({
      %run_scoped3A = tpu.sem_alloc : memref<!tpu.dma_semaphore, #tpu.memory_space<semaphore_mem>>
      %dma_start3A_100 = arith.constant 0 : i32
      %dma_start3A_101 = arith.constant 0 : i32
      %dma_start3A_102 = tpu.memref_slice %arg9[%dma_start3A_100, %dma_start3A_101] : memref<160x64xf32, #tpu.memory_space<vmem>> -> memref<160x64xf32, #tpu.memory_space<vmem>>
      %dma_start3A_103 = arith.constant 0 : i32
      %dma_start3A_104 = tpu.memref_slice %arg10[%add3A_12, %dma_start3A_103] : memref<11024x64xf32, #tpu.memory_space<vmem_shared>> -> memref<160x64xf32, #tpu.memory_space<vmem_shared>>
      %dma_start3A_105 = arith.constant 0 : i32
      %dma_start3A_106 = tpu.memref_slice %arg10[%add3A_12, %dma_start3A_105] : memref<11024x64xf32, #tpu.memory_space<vmem_shared>> -> memref<160x64xf32, #tpu.memory_space<vmem_shared>>
      %dma_start3A_107 = arith.constant 0 : i32
      %dma_start3A_108 = arith.constant 0 : i32
      %dma_start3A_109 = tpu.memref_slice %arg9[%dma_start3A_107, %dma_start3A_108] : memref<160x64xf32, #tpu.memory_space<vmem>> -> memref<160x64xf32, #tpu.memory_space<vmem>>
      tpu.enqueue_dma source(%dma_start3A_109 : memref<160x64xf32, #tpu.memory_space<vmem>>) target(%dma_start3A_106 : memref<160x64xf32, #tpu.memory_space<vmem_shared>>) target_semaphore(%run_scoped3A : memref<!tpu.dma_semaphore, #tpu.memory_space<semaphore_mem>>)
      %dma_wait3A_110 = arith.constant 0 : i32
      %dma_wait3A_111 = arith.constant 0 : i32
      %dma_wait3A_112 = tpu.memref_slice %arg9[%dma_wait3A_110, %dma_wait3A_111] : memref<160x64xf32, #tpu.memory_space<vmem>> -> memref<160x64xf32, #tpu.memory_space<vmem>>
      %dma_wait3A_113 = arith.constant 0 : i32
      %dma_wait3A_114 = tpu.memref_slice %arg10[%add3A_12, %dma_wait3A_113] : memref<11024x64xf32, #tpu.memory_space<vmem_shared>> -> memref<160x64xf32, #tpu.memory_space<vmem_shared>>
      %dma_wait3A_115 = arith.constant 0 : i32
      %dma_wait3A_116 = tpu.memref_slice %arg10[%add3A_12, %dma_wait3A_115] : memref<11024x64xf32, #tpu.memory_space<vmem_shared>> -> memref<160x64xf32, #tpu.memory_space<vmem_shared>>
      %dma_wait3A_117 = arith.constant 0 : i32
      %dma_wait3A_118 = arith.constant 0 : i32
      %dma_wait3A_119 = tpu.memref_slice %arg9[%dma_wait3A_117, %dma_wait3A_118] : memref<160x64xf32, #tpu.memory_space<vmem>> -> memref<160x64xf32, #tpu.memory_space<vmem>>
      tpu.wait_dma2 semaphore(%run_scoped3A : memref<!tpu.dma_semaphore, #tpu.memory_space<semaphore_mem>>) src(%dma_wait3A_119 : memref<160x64xf32, #tpu.memory_space<vmem>>) dst(%dma_wait3A_116 : memref<160x64xf32, #tpu.memory_space<vmem_shared>>)
      tpu.yield
    }) : () -> ()
    %add3A_13 = arith.constant 320 : i32
    %add3A_14 = arith.addi %mul3A_8, %add3A_13 : i32
    "tpu.region"() ({
      %run_scoped3A = tpu.sem_alloc : memref<!tpu.dma_semaphore, #tpu.memory_space<semaphore_mem>>
      %dma_start3A_100 = arith.constant 0 : i32
      %dma_start3A_101 = arith.constant 0 : i32
      %dma_start3A_102 = tpu.memref_slice %arg9[%dma_start3A_100, %dma_start3A_101] : memref<160x64xf32, #tpu.memory_space<vmem>> -> memref<160x64xf32, #tpu.memory_space<vmem>>
      %dma_start3A_103 = arith.constant 0 : i32
      %dma_start3A_104 = tpu.memref_slice %arg10[%add3A_14, %dma_start3A_103] : memref<11024x64xf32, #tpu.memory_space<vmem_shared>> -> memref<160x64xf32, #tpu.memory_space<vmem_shared>>
      %dma_start3A_105 = arith.constant 0 : i32
      %dma_start3A_106 = tpu.memref_slice %arg10[%add3A_14, %dma_start3A_105] : memref<11024x64xf32, #tpu.memory_space<vmem_shared>> -> memref<160x64xf32, #tpu.memory_space<vmem_shared>>
      %dma_start3A_107 = arith.constant 0 : i32
      %dma_start3A_108 = arith.constant 0 : i32
      %dma_start3A_109 = tpu.memref_slice %arg9[%dma_start3A_107, %dma_start3A_108] : memref<160x64xf32, #tpu.memory_space<vmem>> -> memref<160x64xf32, #tpu.memory_space<vmem>>
      tpu.enqueue_dma source(%dma_start3A_109 : memref<160x64xf32, #tpu.memory_space<vmem>>) target(%dma_start3A_106 : memref<160x64xf32, #tpu.memory_space<vmem_shared>>) target_semaphore(%run_scoped3A : memref<!tpu.dma_semaphore, #tpu.memory_space<semaphore_mem>>)
      %dma_wait3A_110 = arith.constant 0 : i32
      %dma_wait3A_111 = arith.constant 0 : i32
      %dma_wait3A_112 = tpu.memref_slice %arg9[%dma_wait3A_110, %dma_wait3A_111] : memref<160x64xf32, #tpu.memory_space<vmem>> -> memref<160x64xf32, #tpu.memory_space<vmem>>
      %dma_wait3A_113 = arith.constant 0 : i32
      %dma_wait3A_114 = tpu.memref_slice %arg10[%add3A_14, %dma_wait3A_113] : memref<11024x64xf32, #tpu.memory_space<vmem_shared>> -> memref<160x64xf32, #tpu.memory_space<vmem_shared>>
      %dma_wait3A_115 = arith.constant 0 : i32
      %dma_wait3A_116 = tpu.memref_slice %arg10[%add3A_14, %dma_wait3A_115] : memref<11024x64xf32, #tpu.memory_space<vmem_shared>> -> memref<160x64xf32, #tpu.memory_space<vmem_shared>>
      %dma_wait3A_117 = arith.constant 0 : i32
      %dma_wait3A_118 = arith.constant 0 : i32
      %dma_wait3A_119 = tpu.memref_slice %arg9[%dma_wait3A_117, %dma_wait3A_118] : memref<160x64xf32, #tpu.memory_space<vmem>> -> memref<160x64xf32, #tpu.memory_space<vmem>>
      tpu.wait_dma2 semaphore(%run_scoped3A : memref<!tpu.dma_semaphore, #tpu.memory_space<semaphore_mem>>) src(%dma_wait3A_119 : memref<160x64xf32, #tpu.memory_space<vmem>>) dst(%dma_wait3A_116 : memref<160x64xf32, #tpu.memory_space<vmem_shared>>)
      tpu.yield
    }) : () -> ()
    %add3A_15 = arith.constant 480 : i32
    %add3A_16 = arith.addi %mul3A_8, %add3A_15 : i32
    "tpu.region"() ({
      %run_scoped3A = tpu.sem_alloc : memref<!tpu.dma_semaphore, #tpu.memory_space<semaphore_mem>>
      %dma_start3A_100 = arith.constant 0 : i32
      %dma_start3A_101 = arith.constant 0 : i32
      %dma_start3A_102 = tpu.memref_slice %arg9[%dma_start3A_100, %dma_start3A_101] : memref<160x64xf32, #tpu.memory_space<vmem>> -> memref<145x64xf32, #tpu.memory_space<vmem>>
      %dma_start3A_103 = arith.constant 0 : i32
      %dma_start3A_104 = tpu.memref_slice %arg10[%add3A_16, %dma_start3A_103] : memref<11024x64xf32, #tpu.memory_space<vmem_shared>> -> memref<145x64xf32, #tpu.memory_space<vmem_shared>>
      %dma_start3A_105 = arith.constant 0 : i32
      %dma_start3A_106 = tpu.memref_slice %arg10[%add3A_16, %dma_start3A_105] : memref<11024x64xf32, #tpu.memory_space<vmem_shared>> -> memref<145x64xf32, #tpu.memory_space<vmem_shared>>
      %dma_start3A_107 = arith.constant 0 : i32
      %dma_start3A_108 = arith.constant 0 : i32
      %dma_start3A_109 = tpu.memref_slice %arg9[%dma_start3A_107, %dma_start3A_108] : memref<160x64xf32, #tpu.memory_space<vmem>> -> memref<145x64xf32, #tpu.memory_space<vmem>>
      tpu.enqueue_dma source(%dma_start3A_109 : memref<145x64xf32, #tpu.memory_space<vmem>>) target(%dma_start3A_106 : memref<145x64xf32, #tpu.memory_space<vmem_shared>>) target_semaphore(%run_scoped3A : memref<!tpu.dma_semaphore, #tpu.memory_space<semaphore_mem>>)
      %dma_wait3A_110 = arith.constant 0 : i32
      %dma_wait3A_111 = arith.constant 0 : i32
      %dma_wait3A_112 = tpu.memref_slice %arg9[%dma_wait3A_110, %dma_wait3A_111] : memref<160x64xf32, #tpu.memory_space<vmem>> -> memref<145x64xf32, #tpu.memory_space<vmem>>
      %dma_wait3A_113 = arith.constant 0 : i32
      %dma_wait3A_114 = tpu.memref_slice %arg10[%add3A_16, %dma_wait3A_113] : memref<11024x64xf32, #tpu.memory_space<vmem_shared>> -> memref<145x64xf32, #tpu.memory_space<vmem_shared>>
      %dma_wait3A_115 = arith.constant 0 : i32
      %dma_wait3A_116 = tpu.memref_slice %arg10[%add3A_16, %dma_wait3A_115] : memref<11024x64xf32, #tpu.memory_space<vmem_shared>> -> memref<145x64xf32, #tpu.memory_space<vmem_shared>>
      %dma_wait3A_117 = arith.constant 0 : i32
      %dma_wait3A_118 = arith.constant 0 : i32
      %dma_wait3A_119 = tpu.memref_slice %arg9[%dma_wait3A_117, %dma_wait3A_118] : memref<160x64xf32, #tpu.memory_space<vmem>> -> memref<145x64xf32, #tpu.memory_space<vmem>>
      tpu.wait_dma2 semaphore(%run_scoped3A : memref<!tpu.dma_semaphore, #tpu.memory_space<semaphore_mem>>) src(%dma_wait3A_119 : memref<145x64xf32, #tpu.memory_space<vmem>>) dst(%dma_wait3A_116 : memref<145x64xf32, #tpu.memory_space<vmem_shared>>)
      tpu.yield
    }) : () -> ()
    %mul3A_17 = arith.constant 80 : i32
    %mul3A_18 = arith.muli %add3A, %mul3A_17 : i32
    "tpu.region"() ({
      %run_scoped3A = tpu.sem_alloc : memref<!tpu.dma_semaphore, #tpu.memory_space<semaphore_mem>>
      %dma_start3A_100 = arith.constant 0 : i32
      %dma_start3A_101 = tpu.memref_slice %arg3[%mul3A_18, %dma_start3A_100] : memref<2560x128xi32, #tpu.memory_space<hbm>> -> memref<80x128xi32, #tpu.memory_space<hbm>>
      %dma_start3A_102 = arith.constant 0 : i32
      %dma_start3A_103 = tpu.memref_slice %arg3[%mul3A_18, %dma_start3A_102] : memref<2560x128xi32, #tpu.memory_space<hbm>> -> memref<80x128xi32, #tpu.memory_space<hbm>>
      tpu.enqueue_dma source(%dma_start3A_103 : memref<80x128xi32, #tpu.memory_space<hbm>>) target(%arg6 : memref<80x128xi32, #tpu.memory_space<vmem>>) target_semaphore(%run_scoped3A : memref<!tpu.dma_semaphore, #tpu.memory_space<semaphore_mem>>)
      %dma_wait3A_104 = arith.constant 0 : i32
      %dma_wait3A_105 = tpu.memref_slice %arg3[%mul3A_18, %dma_wait3A_104] : memref<2560x128xi32, #tpu.memory_space<hbm>> -> memref<80x128xi32, #tpu.memory_space<hbm>>
      %dma_wait3A_106 = arith.constant 0 : i32
      %dma_wait3A_107 = tpu.memref_slice %arg3[%mul3A_18, %dma_wait3A_106] : memref<2560x128xi32, #tpu.memory_space<hbm>> -> memref<80x128xi32, #tpu.memory_space<hbm>>
      tpu.wait_dma2 semaphore(%run_scoped3A : memref<!tpu.dma_semaphore, #tpu.memory_space<semaphore_mem>>) src(%dma_wait3A_107 : memref<80x128xi32, #tpu.memory_space<hbm>>) dst(%arg6 : memref<80x128xi32, #tpu.memory_space<vmem>>)
      tpu.yield
    }) : () -> ()
    %mul3A_19 = arith.constant 80 : i32
    %mul3A_20 = arith.muli %add3A, %mul3A_19 : i32
    "tpu.region"() ({
      %run_scoped3A = tpu.sem_alloc : memref<!tpu.dma_semaphore, #tpu.memory_space<semaphore_mem>>
      %dma_start3A_100 = arith.constant 0 : i32
      %dma_start3A_101 = tpu.memref_slice %arg4[%mul3A_20, %dma_start3A_100] : memref<2560x128xi32, #tpu.memory_space<hbm>> -> memref<80x128xi32, #tpu.memory_space<hbm>>
      %dma_start3A_102 = arith.constant 0 : i32
      %dma_start3A_103 = tpu.memref_slice %arg4[%mul3A_20, %dma_start3A_102] : memref<2560x128xi32, #tpu.memory_space<hbm>> -> memref<80x128xi32, #tpu.memory_space<hbm>>
      tpu.enqueue_dma source(%dma_start3A_103 : memref<80x128xi32, #tpu.memory_space<hbm>>) target(%arg7 : memref<80x128xi32, #tpu.memory_space<vmem>>) target_semaphore(%run_scoped3A : memref<!tpu.dma_semaphore, #tpu.memory_space<semaphore_mem>>)
      %dma_wait3A_104 = arith.constant 0 : i32
      %dma_wait3A_105 = tpu.memref_slice %arg4[%mul3A_20, %dma_wait3A_104] : memref<2560x128xi32, #tpu.memory_space<hbm>> -> memref<80x128xi32, #tpu.memory_space<hbm>>
      %dma_wait3A_106 = arith.constant 0 : i32
      %dma_wait3A_107 = tpu.memref_slice %arg4[%mul3A_20, %dma_wait3A_106] : memref<2560x128xi32, #tpu.memory_space<hbm>> -> memref<80x128xi32, #tpu.memory_space<hbm>>
      tpu.wait_dma2 semaphore(%run_scoped3A : memref<!tpu.dma_semaphore, #tpu.memory_space<semaphore_mem>>) src(%dma_wait3A_107 : memref<80x128xi32, #tpu.memory_space<hbm>>) dst(%arg7 : memref<80x128xi32, #tpu.memory_space<vmem>>)
      tpu.yield
    }) : () -> ()
    %barrier3A = arith.constant 0 : index
    tpu.barrier barrier_id(%barrier3A)
    %dma_start3A = arith.constant 0 : i32
    %dma_start3A_21 = arith.constant 0 : i32
    %dma_start3A_22 = arith.constant 0 : i32
    %dma_start3A_23 = tpu.memref_slice %arg8[%dma_start3A_21, %dma_start3A_22] : memref<640x64xf32, #tpu.memory_space<vmem>> -> memref<128x64xf32, #tpu.memory_space<vmem>>
    %dma_start3A_24 = arith.constant 0 : i32
    %dma_start3A_25 = tpu.memref_slice %arg6[%dma_start3A, %dma_start3A_24] : memref<80x128xi32, #tpu.memory_space<vmem>> -> memref<1x128xi32, #tpu.memory_space<vmem>>
    %dma_start3A_26 = tpu.memref_squeeze %dma_start3A_25 : memref<1x128xi32, #tpu.memory_space<vmem>> -> memref<128xi32, #tpu.memory_space<vmem>>
    %dma_start3A_27 = arith.constant 0 : i32
    %dma_start3A_28 = arith.constant 0 : i32
    %dma_start3A_29 = tpu.memref_slice %arg2[%dma_start3A_27, %dma_start3A_28] : memref<20000x64xf32, #tpu.memory_space<hbm>> -> memref<20000x64xf32, #tpu.memory_space<hbm>>
    tpu.enqueue_indirect_dma source(%dma_start3A_29 : memref<20000x64xf32, #tpu.memory_space<hbm>>) target(%dma_start3A_23 : memref<128x64xf32, #tpu.memory_space<vmem>>) offsets(%dma_start3A_26 : memref<128xi32, #tpu.memory_space<vmem>>) semaphore(%arg11 : memref<!tpu.dma_semaphore, #tpu.memory_space<semaphore_mem>>)
    %dma_start3A_30 = arith.constant 1 : i32
    %dma_start3A_31 = arith.constant 128 : i32
    %dma_start3A_32 = arith.constant 0 : i32
    %dma_start3A_33 = tpu.memref_slice %arg8[%dma_start3A_31, %dma_start3A_32] : memref<640x64xf32, #tpu.memory_space<vmem>> -> memref<128x64xf32, #tpu.memory_space<vmem>>
    %dma_start3A_34 = arith.constant 0 : i32
    %dma_start3A_35 = tpu.memref_slice %arg6[%dma_start3A_30, %dma_start3A_34] : memref<80x128xi32, #tpu.memory_space<vmem>> -> memref<1x128xi32, #tpu.memory_space<vmem>>
    %dma_start3A_36 = tpu.memref_squeeze %dma_start3A_35 : memref<1x128xi32, #tpu.memory_space<vmem>> -> memref<128xi32, #tpu.memory_space<vmem>>
    %dma_start3A_37 = arith.constant 0 : i32
    %dma_start3A_38 = arith.constant 0 : i32
    %dma_start3A_39 = tpu.memref_slice %arg2[%dma_start3A_37, %dma_start3A_38] : memref<20000x64xf32, #tpu.memory_space<hbm>> -> memref<20000x64xf32, #tpu.memory_space<hbm>>
    tpu.enqueue_indirect_dma source(%dma_start3A_39 : memref<20000x64xf32, #tpu.memory_space<hbm>>) target(%dma_start3A_33 : memref<128x64xf32, #tpu.memory_space<vmem>>) offsets(%dma_start3A_36 : memref<128xi32, #tpu.memory_space<vmem>>) semaphore(%arg11 : memref<!tpu.dma_semaphore, #tpu.memory_space<semaphore_mem>>)
    %dma_start3A_40 = arith.constant 2 : i32
    %dma_start3A_41 = arith.constant 256 : i32
    %dma_start3A_42 = arith.constant 0 : i32
    %dma_start3A_43 = tpu.memref_slice %arg8[%dma_start3A_41, %dma_start3A_42] : memref<640x64xf32, #tpu.memory_space<vmem>> -> memref<128x64xf32, #tpu.memory_space<vmem>>
    %dma_start3A_44 = arith.constant 0 : i32
    %dma_start3A_45 = tpu.memref_slice %arg6[%dma_start3A_40, %dma_start3A_44] : memref<80x128xi32, #tpu.memory_space<vmem>> -> memref<1x128xi32, #tpu.memory_space<vmem>>
    %dma_start3A_46 = tpu.memref_squeeze %dma_start3A_45 : memref<1x128xi32, #tpu.memory_space<vmem>> -> memref<128xi32, #tpu.memory_space<vmem>>
    %dma_start3A_47 = arith.constant 0 : i32
    %dma_start3A_48 = arith.constant 0 : i32
    %dma_start3A_49 = tpu.memref_slice %arg2[%dma_start3A_47, %dma_start3A_48] : memref<20000x64xf32, #tpu.memory_space<hbm>> -> memref<20000x64xf32, #tpu.memory_space<hbm>>
    tpu.enqueue_indirect_dma source(%dma_start3A_49 : memref<20000x64xf32, #tpu.memory_space<hbm>>) target(%dma_start3A_43 : memref<128x64xf32, #tpu.memory_space<vmem>>) offsets(%dma_start3A_46 : memref<128xi32, #tpu.memory_space<vmem>>) semaphore(%arg11 : memref<!tpu.dma_semaphore, #tpu.memory_space<semaphore_mem>>)
    %dma_start3A_50 = arith.constant 3 : i32
    %dma_start3A_51 = arith.constant 384 : i32
    %dma_start3A_52 = arith.constant 0 : i32
    %dma_start3A_53 = tpu.memref_slice %arg8[%dma_start3A_51, %dma_start3A_52] : memref<640x64xf32, #tpu.memory_space<vmem>> -> memref<128x64xf32, #tpu.memory_space<vmem>>
    %dma_start3A_54 = arith.constant 0 : i32
    %dma_start3A_55 = tpu.memref_slice %arg6[%dma_start3A_50, %dma_start3A_54] : memref<80x128xi32, #tpu.memory_space<vmem>> -> memref<1x128xi32, #tpu.memory_space<vmem>>
    %dma_start3A_56 = tpu.memref_squeeze %dma_start3A_55 : memref<1x128xi32, #tpu.memory_space<vmem>> -> memref<128xi32, #tpu.memory_space<vmem>>
    %dma_start3A_57 = arith.constant 0 : i32
    %dma_start3A_58 = arith.constant 0 : i32
    %dma_start3A_59 = tpu.memref_slice %arg2[%dma_start3A_57, %dma_start3A_58] : memref<20000x64xf32, #tpu.memory_space<hbm>> -> memref<20000x64xf32, #tpu.memory_space<hbm>>
    tpu.enqueue_indirect_dma source(%dma_start3A_59 : memref<20000x64xf32, #tpu.memory_space<hbm>>) target(%dma_start3A_53 : memref<128x64xf32, #tpu.memory_space<vmem>>) offsets(%dma_start3A_56 : memref<128xi32, #tpu.memory_space<vmem>>) semaphore(%arg11 : memref<!tpu.dma_semaphore, #tpu.memory_space<semaphore_mem>>)
    %scan3A_60 = arith.constant 0 : i32
    %scan3A_61 = arith.constant 0 : i32
    %scan3A_62 = arith.constant 80 : i32
    %scan3A_63 = arith.addi %scan3A_61, %scan3A_62 : i32
    %scan3A_64 = arith.constant 1 : i32
    scf.for %scan3A_100 = %scan3A_61 to %scan3A_63 step %scan3A_64  : i32 {
      %rem3A = arith.constant 5 : i32
      %rem3A_101 = arith.remsi %scan3A_100, %rem3A : i32
      %mul3A_102 = arith.constant 128 : i32
      %mul3A_103 = arith.muli %rem3A_101, %mul3A_102 : i32
      %dma_wait3A_104 = arith.constant 0 : i32
      %dma_wait3A_105 = tpu.memref_slice %arg8[%mul3A_103, %dma_wait3A_104] : memref<640x64xf32, #tpu.memory_space<vmem>> -> memref<128x64xf32, #tpu.memory_space<vmem>>
      %dma_wait3A_106 = arith.constant 0 : i32
      %dma_wait3A_107 = tpu.memref_slice %arg6[%scan3A_100, %dma_wait3A_106] : memref<80x128xi32, #tpu.memory_space<vmem>> -> memref<1x128xi32, #tpu.memory_space<vmem>>
      %dma_wait3A_108 = tpu.memref_squeeze %dma_wait3A_107 : memref<1x128xi32, #tpu.memory_space<vmem>> -> memref<128xi32, #tpu.memory_space<vmem>>
      %dma_wait3A_109 = arith.constant 0 : i32
      %dma_wait3A_110 = arith.constant 0 : i32
      %dma_wait3A_111 = tpu.memref_slice %arg2[%dma_wait3A_109, %dma_wait3A_110] : memref<20000x64xf32, #tpu.memory_space<hbm>> -> memref<20000x64xf32, #tpu.memory_space<hbm>>
      tpu.wait_indirect_dma semaphore(%arg11 : memref<!tpu.dma_semaphore, #tpu.memory_space<semaphore_mem>>) src(%dma_wait3A_111 : memref<20000x64xf32, #tpu.memory_space<hbm>>) dst(%dma_wait3A_105 : memref<128x64xf32, #tpu.memory_space<vmem>>)
      %dma_start3A_112 = arith.constant 0 : i32
      %dma_start3A_113 = tpu.memref_slice %arg8[%mul3A_103, %dma_start3A_112] : memref<640x64xf32, #tpu.memory_space<vmem>> -> memref<128x64xf32, #tpu.memory_space<vmem>>
      %dma_start3A_114 = arith.constant 0 : i32
      %dma_start3A_115 = tpu.memref_slice %arg7[%scan3A_100, %dma_start3A_114] : memref<80x128xi32, #tpu.memory_space<vmem>> -> memref<1x128xi32, #tpu.memory_space<vmem>>
      %dma_start3A_116 = tpu.memref_squeeze %dma_start3A_115 : memref<1x128xi32, #tpu.memory_space<vmem>> -> memref<128xi32, #tpu.memory_space<vmem>>
      %dma_start3A_117 = arith.constant 0 : i32
      %dma_start3A_118 = arith.constant 0 : i32
      %dma_start3A_119 = tpu.memref_slice %arg10[%dma_start3A_117, %dma_start3A_118] : memref<11024x64xf32, #tpu.memory_space<vmem_shared>> -> memref<11024x64xf32, #tpu.memory_space<vmem_shared>>
      tpu.enqueue_indirect_dma source(%dma_start3A_113 : memref<128x64xf32, #tpu.memory_space<vmem>>) target(%dma_start3A_119 : memref<11024x64xf32, #tpu.memory_space<vmem_shared>>) offsets(%dma_start3A_116 : memref<128xi32, #tpu.memory_space<vmem>>) semaphore(%arg12 : memref<!tpu.dma_semaphore, #tpu.memory_space<semaphore_mem>>) {add = true}
      %ge3A = arith.constant 1 : i32
      %ge3A_120 = arith.cmpi sge, %scan3A_100, %ge3A : i32
      %convert_element_type3A = arith.extui %ge3A_120 : i1 to i32
      %cond3A = arith.constant 0 : i32
      %cond3A_121 = arith.cmpi ne, %convert_element_type3A, %cond3A : i32
      scf.if %cond3A_121 {
        %add3A_128 = arith.constant 4 : i32
        %add3A_129 = arith.addi %scan3A_100, %add3A_128 : i32
        %rem3A_130 = arith.constant 5 : i32
        %rem3A_131 = arith.remsi %add3A_129, %rem3A_130 : i32
        %mul3A_132 = arith.constant 128 : i32
        %mul3A_133 = arith.muli %rem3A_131, %mul3A_132 : i32
        %sub3A = arith.constant 1 : i32
        %sub3A_134 = arith.subi %scan3A_100, %sub3A : i32
        %dma_wait3A_135 = arith.constant 0 : i32
        %dma_wait3A_136 = tpu.memref_slice %arg8[%mul3A_133, %dma_wait3A_135] : memref<640x64xf32, #tpu.memory_space<vmem>> -> memref<128x64xf32, #tpu.memory_space<vmem>>
        %dma_wait3A_137 = arith.constant 0 : i32
        %dma_wait3A_138 = tpu.memref_slice %arg7[%sub3A_134, %dma_wait3A_137] : memref<80x128xi32, #tpu.memory_space<vmem>> -> memref<1x128xi32, #tpu.memory_space<vmem>>
        %dma_wait3A_139 = tpu.memref_squeeze %dma_wait3A_138 : memref<1x128xi32, #tpu.memory_space<vmem>> -> memref<128xi32, #tpu.memory_space<vmem>>
        %dma_wait3A_140 = arith.constant 0 : i32
        %dma_wait3A_141 = arith.constant 0 : i32
        %dma_wait3A_142 = tpu.memref_slice %arg10[%dma_wait3A_140, %dma_wait3A_141] : memref<11024x64xf32, #tpu.memory_space<vmem_shared>> -> memref<11024x64xf32, #tpu.memory_space<vmem_shared>>
        tpu.wait_indirect_dma semaphore(%arg12 : memref<!tpu.dma_semaphore, #tpu.memory_space<semaphore_mem>>) src(%dma_wait3A_136 : memref<128x64xf32, #tpu.memory_space<vmem>>) dst(%dma_wait3A_142 : memref<11024x64xf32, #tpu.memory_space<vmem_shared>>)
      } else {
      }
      %add3A_122 = arith.constant 4 : i32
      %add3A_123 = arith.addi %scan3A_100, %add3A_122 : i32
      %lt3A = arith.constant 80 : i32
      %lt3A_124 = arith.cmpi slt, %add3A_123, %lt3A : i32
      %convert_element_type3A_125 = arith.extui %lt3A_124 : i1 to i32
      %cond3A_126 = arith.constant 0 : i32
      %cond3A_127 = arith.cmpi ne, %convert_element_type3A_125, %cond3A_126 : i32
      scf.if %cond3A_127 {
        %add3A_128 = arith.constant 4 : i32
        %add3A_129 = arith.addi %scan3A_100, %add3A_128 : i32
        %rem3A_130 = arith.constant 5 : i32
        %rem3A_131 = arith.remsi %add3A_129, %rem3A_130 : i32
        %mul3A_132 = arith.constant 128 : i32
        %mul3A_133 = arith.muli %rem3A_131, %mul3A_132 : i32
        %add3A_134 = arith.constant 4 : i32
        %add3A_135 = arith.addi %scan3A_100, %add3A_134 : i32
        %dma_start3A_136 = arith.constant 0 : i32
        %dma_start3A_137 = tpu.memref_slice %arg8[%mul3A_133, %dma_start3A_136] : memref<640x64xf32, #tpu.memory_space<vmem>> -> memref<128x64xf32, #tpu.memory_space<vmem>>
        %dma_start3A_138 = arith.constant 0 : i32
        %dma_start3A_139 = tpu.memref_slice %arg6[%add3A_135, %dma_start3A_138] : memref<80x128xi32, #tpu.memory_space<vmem>> -> memref<1x128xi32, #tpu.memory_space<vmem>>
        %dma_start3A_140 = tpu.memref_squeeze %dma_start3A_139 : memref<1x128xi32, #tpu.memory_space<vmem>> -> memref<128xi32, #tpu.memory_space<vmem>>
        %dma_start3A_141 = arith.constant 0 : i32
        %dma_start3A_142 = arith.constant 0 : i32
        %dma_start3A_143 = tpu.memref_slice %arg2[%dma_start3A_141, %dma_start3A_142] : memref<20000x64xf32, #tpu.memory_space<hbm>> -> memref<20000x64xf32, #tpu.memory_space<hbm>>
        tpu.enqueue_indirect_dma source(%dma_start3A_143 : memref<20000x64xf32, #tpu.memory_space<hbm>>) target(%dma_start3A_137 : memref<128x64xf32, #tpu.memory_space<vmem>>) offsets(%dma_start3A_140 : memref<128xi32, #tpu.memory_space<vmem>>) semaphore(%arg11 : memref<!tpu.dma_semaphore, #tpu.memory_space<semaphore_mem>>)
      } else {
      }
    }
    %scan3A_65 = arith.constant 80 : i32
    %dma_wait3A = arith.constant 79 : i32
    %dma_wait3A_66 = arith.constant 0 : i32
    %dma_wait3A_67 = arith.constant 0 : i32
    %dma_wait3A_68 = tpu.memref_slice %arg8[%dma_wait3A_66, %dma_wait3A_67] : memref<640x64xf32, #tpu.memory_space<vmem>> -> memref<128x64xf32, #tpu.memory_space<vmem>>
    %dma_wait3A_69 = arith.constant 0 : i32
    %dma_wait3A_70 = tpu.memref_slice %arg7[%dma_wait3A, %dma_wait3A_69] : memref<80x128xi32, #tpu.memory_space<vmem>> -> memref<1x128xi32, #tpu.memory_space<vmem>>
    %dma_wait3A_71 = tpu.memref_squeeze %dma_wait3A_70 : memref<1x128xi32, #tpu.memory_space<vmem>> -> memref<128xi32, #tpu.memory_space<vmem>>
    %dma_wait3A_72 = arith.constant 0 : i32
    %dma_wait3A_73 = arith.constant 0 : i32
    %dma_wait3A_74 = tpu.memref_slice %arg10[%dma_wait3A_72, %dma_wait3A_73] : memref<11024x64xf32, #tpu.memory_space<vmem_shared>> -> memref<11024x64xf32, #tpu.memory_space<vmem_shared>>
    tpu.wait_indirect_dma semaphore(%arg12 : memref<!tpu.dma_semaphore, #tpu.memory_space<semaphore_mem>>) src(%dma_wait3A_68 : memref<128x64xf32, #tpu.memory_space<vmem>>) dst(%dma_wait3A_74 : memref<11024x64xf32, #tpu.memory_space<vmem_shared>>)
    %barrier3A_75 = arith.constant 0 : index
    tpu.barrier barrier_id(%barrier3A_75)
    %add3A_76 = arith.constant 0 : i32
    %add3A_77 = arith.addi %mul3A_8, %add3A_76 : i32
    "tpu.region"() ({
      %run_scoped3A = tpu.sem_alloc : memref<!tpu.dma_semaphore, #tpu.memory_space<semaphore_mem>>
      %dma_start3A_100 = arith.constant 0 : i32
      %dma_start3A_101 = arith.constant 0 : i32
      %dma_start3A_102 = tpu.memref_slice %arg9[%dma_start3A_100, %dma_start3A_101] : memref<160x64xf32, #tpu.memory_space<vmem>> -> memref<160x64xf32, #tpu.memory_space<vmem>>
      %dma_start3A_103 = arith.constant 0 : i32
      %dma_start3A_104 = tpu.memref_slice %arg10[%add3A_77, %dma_start3A_103] : memref<11024x64xf32, #tpu.memory_space<vmem_shared>> -> memref<160x64xf32, #tpu.memory_space<vmem_shared>>
      %dma_start3A_105 = arith.constant 0 : i32
      %dma_start3A_106 = arith.constant 0 : i32
      %dma_start3A_107 = tpu.memref_slice %arg9[%dma_start3A_105, %dma_start3A_106] : memref<160x64xf32, #tpu.memory_space<vmem>> -> memref<160x64xf32, #tpu.memory_space<vmem>>
      %dma_start3A_108 = arith.constant 0 : i32
      %dma_start3A_109 = tpu.memref_slice %arg10[%add3A_77, %dma_start3A_108] : memref<11024x64xf32, #tpu.memory_space<vmem_shared>> -> memref<160x64xf32, #tpu.memory_space<vmem_shared>>
      tpu.enqueue_dma source(%dma_start3A_109 : memref<160x64xf32, #tpu.memory_space<vmem_shared>>) target(%dma_start3A_107 : memref<160x64xf32, #tpu.memory_space<vmem>>) target_semaphore(%run_scoped3A : memref<!tpu.dma_semaphore, #tpu.memory_space<semaphore_mem>>)
      %dma_wait3A_110 = arith.constant 0 : i32
      %dma_wait3A_111 = arith.constant 0 : i32
      %dma_wait3A_112 = tpu.memref_slice %arg9[%dma_wait3A_110, %dma_wait3A_111] : memref<160x64xf32, #tpu.memory_space<vmem>> -> memref<160x64xf32, #tpu.memory_space<vmem>>
      %dma_wait3A_113 = arith.constant 0 : i32
      %dma_wait3A_114 = tpu.memref_slice %arg10[%add3A_77, %dma_wait3A_113] : memref<11024x64xf32, #tpu.memory_space<vmem_shared>> -> memref<160x64xf32, #tpu.memory_space<vmem_shared>>
      %dma_wait3A_115 = arith.constant 0 : i32
      %dma_wait3A_116 = arith.constant 0 : i32
      %dma_wait3A_117 = tpu.memref_slice %arg9[%dma_wait3A_115, %dma_wait3A_116] : memref<160x64xf32, #tpu.memory_space<vmem>> -> memref<160x64xf32, #tpu.memory_space<vmem>>
      %dma_wait3A_118 = arith.constant 0 : i32
      %dma_wait3A_119 = tpu.memref_slice %arg10[%add3A_77, %dma_wait3A_118] : memref<11024x64xf32, #tpu.memory_space<vmem_shared>> -> memref<160x64xf32, #tpu.memory_space<vmem_shared>>
      tpu.wait_dma2 semaphore(%run_scoped3A : memref<!tpu.dma_semaphore, #tpu.memory_space<semaphore_mem>>) src(%dma_wait3A_119 : memref<160x64xf32, #tpu.memory_space<vmem_shared>>) dst(%dma_wait3A_117 : memref<160x64xf32, #tpu.memory_space<vmem>>)
      tpu.yield
    }) : () -> ()
    %add3A_78 = arith.constant 0 : i32
    %add3A_79 = arith.addi %mul3A_8, %add3A_78 : i32
    %mul3A_80 = arith.constant 64 : i32
    %mul3A_81 = arith.muli %arg0, %mul3A_80 : i32
    "tpu.region"() ({
      %run_scoped3A = tpu.sem_alloc : memref<!tpu.dma_semaphore, #tpu.memory_space<semaphore_mem>>
      %dma_start3A_100 = arith.constant 0 : i32
      %dma_start3A_101 = arith.constant 0 : i32
      %dma_start3A_102 = tpu.memref_slice %arg9[%dma_start3A_100, %dma_start3A_101] : memref<160x64xf32, #tpu.memory_space<vmem>> -> memref<160x64xf32, #tpu.memory_space<vmem>>
      %dma_start3A_103 = tpu.memref_slice %arg5[%add3A_79, %mul3A_81] : memref<10000x128xf32, #tpu.memory_space<hbm>> -> memref<160x64xf32, #tpu.memory_space<hbm>>
      %dma_start3A_104 = tpu.memref_slice %arg5[%add3A_79, %mul3A_81] : memref<10000x128xf32, #tpu.memory_space<hbm>> -> memref<160x64xf32, #tpu.memory_space<hbm>>
      %dma_start3A_105 = arith.constant 0 : i32
      %dma_start3A_106 = arith.constant 0 : i32
      %dma_start3A_107 = tpu.memref_slice %arg9[%dma_start3A_105, %dma_start3A_106] : memref<160x64xf32, #tpu.memory_space<vmem>> -> memref<160x64xf32, #tpu.memory_space<vmem>>
      tpu.enqueue_dma source(%dma_start3A_107 : memref<160x64xf32, #tpu.memory_space<vmem>>) target(%dma_start3A_104 : memref<160x64xf32, #tpu.memory_space<hbm>>) target_semaphore(%run_scoped3A : memref<!tpu.dma_semaphore, #tpu.memory_space<semaphore_mem>>)
      %dma_wait3A_108 = arith.constant 0 : i32
      %dma_wait3A_109 = arith.constant 0 : i32
      %dma_wait3A_110 = tpu.memref_slice %arg9[%dma_wait3A_108, %dma_wait3A_109] : memref<160x64xf32, #tpu.memory_space<vmem>> -> memref<160x64xf32, #tpu.memory_space<vmem>>
      %dma_wait3A_111 = tpu.memref_slice %arg5[%add3A_79, %mul3A_81] : memref<10000x128xf32, #tpu.memory_space<hbm>> -> memref<160x64xf32, #tpu.memory_space<hbm>>
      %dma_wait3A_112 = tpu.memref_slice %arg5[%add3A_79, %mul3A_81] : memref<10000x128xf32, #tpu.memory_space<hbm>> -> memref<160x64xf32, #tpu.memory_space<hbm>>
      %dma_wait3A_113 = arith.constant 0 : i32
      %dma_wait3A_114 = arith.constant 0 : i32
      %dma_wait3A_115 = tpu.memref_slice %arg9[%dma_wait3A_113, %dma_wait3A_114] : memref<160x64xf32, #tpu.memory_space<vmem>> -> memref<160x64xf32, #tpu.memory_space<vmem>>
      tpu.wait_dma2 semaphore(%run_scoped3A : memref<!tpu.dma_semaphore, #tpu.memory_space<semaphore_mem>>) src(%dma_wait3A_115 : memref<160x64xf32, #tpu.memory_space<vmem>>) dst(%dma_wait3A_112 : memref<160x64xf32, #tpu.memory_space<hbm>>)
      tpu.yield
    }) : () -> ()
    %add3A_82 = arith.constant 160 : i32
    %add3A_83 = arith.addi %mul3A_8, %add3A_82 : i32
    "tpu.region"() ({
      %run_scoped3A = tpu.sem_alloc : memref<!tpu.dma_semaphore, #tpu.memory_space<semaphore_mem>>
      %dma_start3A_100 = arith.constant 0 : i32
      %dma_start3A_101 = arith.constant 0 : i32
      %dma_start3A_102 = tpu.memref_slice %arg9[%dma_start3A_100, %dma_start3A_101] : memref<160x64xf32, #tpu.memory_space<vmem>> -> memref<160x64xf32, #tpu.memory_space<vmem>>
      %dma_start3A_103 = arith.constant 0 : i32
      %dma_start3A_104 = tpu.memref_slice %arg10[%add3A_83, %dma_start3A_103] : memref<11024x64xf32, #tpu.memory_space<vmem_shared>> -> memref<160x64xf32, #tpu.memory_space<vmem_shared>>
      %dma_start3A_105 = arith.constant 0 : i32
      %dma_start3A_106 = arith.constant 0 : i32
      %dma_start3A_107 = tpu.memref_slice %arg9[%dma_start3A_105, %dma_start3A_106] : memref<160x64xf32, #tpu.memory_space<vmem>> -> memref<160x64xf32, #tpu.memory_space<vmem>>
      %dma_start3A_108 = arith.constant 0 : i32
      %dma_start3A_109 = tpu.memref_slice %arg10[%add3A_83, %dma_start3A_108] : memref<11024x64xf32, #tpu.memory_space<vmem_shared>> -> memref<160x64xf32, #tpu.memory_space<vmem_shared>>
      tpu.enqueue_dma source(%dma_start3A_109 : memref<160x64xf32, #tpu.memory_space<vmem_shared>>) target(%dma_start3A_107 : memref<160x64xf32, #tpu.memory_space<vmem>>) target_semaphore(%run_scoped3A : memref<!tpu.dma_semaphore, #tpu.memory_space<semaphore_mem>>)
      %dma_wait3A_110 = arith.constant 0 : i32
      %dma_wait3A_111 = arith.constant 0 : i32
      %dma_wait3A_112 = tpu.memref_slice %arg9[%dma_wait3A_110, %dma_wait3A_111] : memref<160x64xf32, #tpu.memory_space<vmem>> -> memref<160x64xf32, #tpu.memory_space<vmem>>
      %dma_wait3A_113 = arith.constant 0 : i32
      %dma_wait3A_114 = tpu.memref_slice %arg10[%add3A_83, %dma_wait3A_113] : memref<11024x64xf32, #tpu.memory_space<vmem_shared>> -> memref<160x64xf32, #tpu.memory_space<vmem_shared>>
      %dma_wait3A_115 = arith.constant 0 : i32
      %dma_wait3A_116 = arith.constant 0 : i32
      %dma_wait3A_117 = tpu.memref_slice %arg9[%dma_wait3A_115, %dma_wait3A_116] : memref<160x64xf32, #tpu.memory_space<vmem>> -> memref<160x64xf32, #tpu.memory_space<vmem>>
      %dma_wait3A_118 = arith.constant 0 : i32
      %dma_wait3A_119 = tpu.memref_slice %arg10[%add3A_83, %dma_wait3A_118] : memref<11024x64xf32, #tpu.memory_space<vmem_shared>> -> memref<160x64xf32, #tpu.memory_space<vmem_shared>>
      tpu.wait_dma2 semaphore(%run_scoped3A : memref<!tpu.dma_semaphore, #tpu.memory_space<semaphore_mem>>) src(%dma_wait3A_119 : memref<160x64xf32, #tpu.memory_space<vmem_shared>>) dst(%dma_wait3A_117 : memref<160x64xf32, #tpu.memory_space<vmem>>)
      tpu.yield
    }) : () -> ()
    %add3A_84 = arith.constant 160 : i32
    %add3A_85 = arith.addi %mul3A_8, %add3A_84 : i32
    %mul3A_86 = arith.constant 64 : i32
    %mul3A_87 = arith.muli %arg0, %mul3A_86 : i32
    "tpu.region"() ({
      %run_scoped3A = tpu.sem_alloc : memref<!tpu.dma_semaphore, #tpu.memory_space<semaphore_mem>>
      %dma_start3A_100 = arith.constant 0 : i32
      %dma_start3A_101 = arith.constant 0 : i32
      %dma_start3A_102 = tpu.memref_slice %arg9[%dma_start3A_100, %dma_start3A_101] : memref<160x64xf32, #tpu.memory_space<vmem>> -> memref<160x64xf32, #tpu.memory_space<vmem>>
      %dma_start3A_103 = tpu.memref_slice %arg5[%add3A_85, %mul3A_87] : memref<10000x128xf32, #tpu.memory_space<hbm>> -> memref<160x64xf32, #tpu.memory_space<hbm>>
      %dma_start3A_104 = tpu.memref_slice %arg5[%add3A_85, %mul3A_87] : memref<10000x128xf32, #tpu.memory_space<hbm>> -> memref<160x64xf32, #tpu.memory_space<hbm>>
      %dma_start3A_105 = arith.constant 0 : i32
      %dma_start3A_106 = arith.constant 0 : i32
      %dma_start3A_107 = tpu.memref_slice %arg9[%dma_start3A_105, %dma_start3A_106] : memref<160x64xf32, #tpu.memory_space<vmem>> -> memref<160x64xf32, #tpu.memory_space<vmem>>
      tpu.enqueue_dma source(%dma_start3A_107 : memref<160x64xf32, #tpu.memory_space<vmem>>) target(%dma_start3A_104 : memref<160x64xf32, #tpu.memory_space<hbm>>) target_semaphore(%run_scoped3A : memref<!tpu.dma_semaphore, #tpu.memory_space<semaphore_mem>>)
      %dma_wait3A_108 = arith.constant 0 : i32
      %dma_wait3A_109 = arith.constant 0 : i32
      %dma_wait3A_110 = tpu.memref_slice %arg9[%dma_wait3A_108, %dma_wait3A_109] : memref<160x64xf32, #tpu.memory_space<vmem>> -> memref<160x64xf32, #tpu.memory_space<vmem>>
      %dma_wait3A_111 = tpu.memref_slice %arg5[%add3A_85, %mul3A_87] : memref<10000x128xf32, #tpu.memory_space<hbm>> -> memref<160x64xf32, #tpu.memory_space<hbm>>
      %dma_wait3A_112 = tpu.memref_slice %arg5[%add3A_85, %mul3A_87] : memref<10000x128xf32, #tpu.memory_space<hbm>> -> memref<160x64xf32, #tpu.memory_space<hbm>>
      %dma_wait3A_113 = arith.constant 0 : i32
      %dma_wait3A_114 = arith.constant 0 : i32
      %dma_wait3A_115 = tpu.memref_slice %arg9[%dma_wait3A_113, %dma_wait3A_114] : memref<160x64xf32, #tpu.memory_space<vmem>> -> memref<160x64xf32, #tpu.memory_space<vmem>>
      tpu.wait_dma2 semaphore(%run_scoped3A : memref<!tpu.dma_semaphore, #tpu.memory_space<semaphore_mem>>) src(%dma_wait3A_115 : memref<160x64xf32, #tpu.memory_space<vmem>>) dst(%dma_wait3A_112 : memref<160x64xf32, #tpu.memory_space<hbm>>)
      tpu.yield
    }) : () -> ()
    %add3A_88 = arith.constant 320 : i32
    %add3A_89 = arith.addi %mul3A_8, %add3A_88 : i32
    "tpu.region"() ({
      %run_scoped3A = tpu.sem_alloc : memref<!tpu.dma_semaphore, #tpu.memory_space<semaphore_mem>>
      %dma_start3A_100 = arith.constant 0 : i32
      %dma_start3A_101 = arith.constant 0 : i32
      %dma_start3A_102 = tpu.memref_slice %arg9[%dma_start3A_100, %dma_start3A_101] : memref<160x64xf32, #tpu.memory_space<vmem>> -> memref<160x64xf32, #tpu.memory_space<vmem>>
      %dma_start3A_103 = arith.constant 0 : i32
      %dma_start3A_104 = tpu.memref_slice %arg10[%add3A_89, %dma_start3A_103] : memref<11024x64xf32, #tpu.memory_space<vmem_shared>> -> memref<160x64xf32, #tpu.memory_space<vmem_shared>>
      %dma_start3A_105 = arith.constant 0 : i32
      %dma_start3A_106 = arith.constant 0 : i32
      %dma_start3A_107 = tpu.memref_slice %arg9[%dma_start3A_105, %dma_start3A_106] : memref<160x64xf32, #tpu.memory_space<vmem>> -> memref<160x64xf32, #tpu.memory_space<vmem>>
      %dma_start3A_108 = arith.constant 0 : i32
      %dma_start3A_109 = tpu.memref_slice %arg10[%add3A_89, %dma_start3A_108] : memref<11024x64xf32, #tpu.memory_space<vmem_shared>> -> memref<160x64xf32, #tpu.memory_space<vmem_shared>>
      tpu.enqueue_dma source(%dma_start3A_109 : memref<160x64xf32, #tpu.memory_space<vmem_shared>>) target(%dma_start3A_107 : memref<160x64xf32, #tpu.memory_space<vmem>>) target_semaphore(%run_scoped3A : memref<!tpu.dma_semaphore, #tpu.memory_space<semaphore_mem>>)
      %dma_wait3A_110 = arith.constant 0 : i32
      %dma_wait3A_111 = arith.constant 0 : i32
      %dma_wait3A_112 = tpu.memref_slice %arg9[%dma_wait3A_110, %dma_wait3A_111] : memref<160x64xf32, #tpu.memory_space<vmem>> -> memref<160x64xf32, #tpu.memory_space<vmem>>
      %dma_wait3A_113 = arith.constant 0 : i32
      %dma_wait3A_114 = tpu.memref_slice %arg10[%add3A_89, %dma_wait3A_113] : memref<11024x64xf32, #tpu.memory_space<vmem_shared>> -> memref<160x64xf32, #tpu.memory_space<vmem_shared>>
      %dma_wait3A_115 = arith.constant 0 : i32
      %dma_wait3A_116 = arith.constant 0 : i32
      %dma_wait3A_117 = tpu.memref_slice %arg9[%dma_wait3A_115, %dma_wait3A_116] : memref<160x64xf32, #tpu.memory_space<vmem>> -> memref<160x64xf32, #tpu.memory_space<vmem>>
      %dma_wait3A_118 = arith.constant 0 : i32
      %dma_wait3A_119 = tpu.memref_slice %arg10[%add3A_89, %dma_wait3A_118] : memref<11024x64xf32, #tpu.memory_space<vmem_shared>> -> memref<160x64xf32, #tpu.memory_space<vmem_shared>>
      tpu.wait_dma2 semaphore(%run_scoped3A : memref<!tpu.dma_semaphore, #tpu.memory_space<semaphore_mem>>) src(%dma_wait3A_119 : memref<160x64xf32, #tpu.memory_space<vmem_shared>>) dst(%dma_wait3A_117 : memref<160x64xf32, #tpu.memory_space<vmem>>)
      tpu.yield
    }) : () -> ()
    %add3A_90 = arith.constant 320 : i32
    %add3A_91 = arith.addi %mul3A_8, %add3A_90 : i32
    %mul3A_92 = arith.constant 64 : i32
    %mul3A_93 = arith.muli %arg0, %mul3A_92 : i32
    "tpu.region"() ({
      %run_scoped3A = tpu.sem_alloc : memref<!tpu.dma_semaphore, #tpu.memory_space<semaphore_mem>>
      %dma_start3A_100 = arith.constant 0 : i32
      %dma_start3A_101 = arith.constant 0 : i32
      %dma_start3A_102 = tpu.memref_slice %arg9[%dma_start3A_100, %dma_start3A_101] : memref<160x64xf32, #tpu.memory_space<vmem>> -> memref<160x64xf32, #tpu.memory_space<vmem>>
      %dma_start3A_103 = tpu.memref_slice %arg5[%add3A_91, %mul3A_93] : memref<10000x128xf32, #tpu.memory_space<hbm>> -> memref<160x64xf32, #tpu.memory_space<hbm>>
      %dma_start3A_104 = tpu.memref_slice %arg5[%add3A_91, %mul3A_93] : memref<10000x128xf32, #tpu.memory_space<hbm>> -> memref<160x64xf32, #tpu.memory_space<hbm>>
      %dma_start3A_105 = arith.constant 0 : i32
      %dma_start3A_106 = arith.constant 0 : i32
      %dma_start3A_107 = tpu.memref_slice %arg9[%dma_start3A_105, %dma_start3A_106] : memref<160x64xf32, #tpu.memory_space<vmem>> -> memref<160x64xf32, #tpu.memory_space<vmem>>
      tpu.enqueue_dma source(%dma_start3A_107 : memref<160x64xf32, #tpu.memory_space<vmem>>) target(%dma_start3A_104 : memref<160x64xf32, #tpu.memory_space<hbm>>) target_semaphore(%run_scoped3A : memref<!tpu.dma_semaphore, #tpu.memory_space<semaphore_mem>>)
      %dma_wait3A_108 = arith.constant 0 : i32
      %dma_wait3A_109 = arith.constant 0 : i32
      %dma_wait3A_110 = tpu.memref_slice %arg9[%dma_wait3A_108, %dma_wait3A_109] : memref<160x64xf32, #tpu.memory_space<vmem>> -> memref<160x64xf32, #tpu.memory_space<vmem>>
      %dma_wait3A_111 = tpu.memref_slice %arg5[%add3A_91, %mul3A_93] : memref<10000x128xf32, #tpu.memory_space<hbm>> -> memref<160x64xf32, #tpu.memory_space<hbm>>
      %dma_wait3A_112 = tpu.memref_slice %arg5[%add3A_91, %mul3A_93] : memref<10000x128xf32, #tpu.memory_space<hbm>> -> memref<160x64xf32, #tpu.memory_space<hbm>>
      %dma_wait3A_113 = arith.constant 0 : i32
      %dma_wait3A_114 = arith.constant 0 : i32
      %dma_wait3A_115 = tpu.memref_slice %arg9[%dma_wait3A_113, %dma_wait3A_114] : memref<160x64xf32, #tpu.memory_space<vmem>> -> memref<160x64xf32, #tpu.memory_space<vmem>>
      tpu.wait_dma2 semaphore(%run_scoped3A : memref<!tpu.dma_semaphore, #tpu.memory_space<semaphore_mem>>) src(%dma_wait3A_115 : memref<160x64xf32, #tpu.memory_space<vmem>>) dst(%dma_wait3A_112 : memref<160x64xf32, #tpu.memory_space<hbm>>)
      tpu.yield
    }) : () -> ()
    %add3A_94 = arith.constant 480 : i32
    %add3A_95 = arith.addi %mul3A_8, %add3A_94 : i32
    "tpu.region"() ({
      %run_scoped3A = tpu.sem_alloc : memref<!tpu.dma_semaphore, #tpu.memory_space<semaphore_mem>>
      %dma_start3A_100 = arith.constant 0 : i32
      %dma_start3A_101 = arith.constant 0 : i32
      %dma_start3A_102 = tpu.memref_slice %arg9[%dma_start3A_100, %dma_start3A_101] : memref<160x64xf32, #tpu.memory_space<vmem>> -> memref<145x64xf32, #tpu.memory_space<vmem>>
      %dma_start3A_103 = arith.constant 0 : i32
      %dma_start3A_104 = tpu.memref_slice %arg10[%add3A_95, %dma_start3A_103] : memref<11024x64xf32, #tpu.memory_space<vmem_shared>> -> memref<145x64xf32, #tpu.memory_space<vmem_shared>>
      %dma_start3A_105 = arith.constant 0 : i32
      %dma_start3A_106 = arith.constant 0 : i32
      %dma_start3A_107 = tpu.memref_slice %arg9[%dma_start3A_105, %dma_start3A_106] : memref<160x64xf32, #tpu.memory_space<vmem>> -> memref<145x64xf32, #tpu.memory_space<vmem>>
      %dma_start3A_108 = arith.constant 0 : i32
      %dma_start3A_109 = tpu.memref_slice %arg10[%add3A_95, %dma_start3A_108] : memref<11024x64xf32, #tpu.memory_space<vmem_shared>> -> memref<145x64xf32, #tpu.memory_space<vmem_shared>>
      tpu.enqueue_dma source(%dma_start3A_109 : memref<145x64xf32, #tpu.memory_space<vmem_shared>>) target(%dma_start3A_107 : memref<145x64xf32, #tpu.memory_space<vmem>>) target_semaphore(%run_scoped3A : memref<!tpu.dma_semaphore, #tpu.memory_space<semaphore_mem>>)
      %dma_wait3A_110 = arith.constant 0 : i32
      %dma_wait3A_111 = arith.constant 0 : i32
      %dma_wait3A_112 = tpu.memref_slice %arg9[%dma_wait3A_110, %dma_wait3A_111] : memref<160x64xf32, #tpu.memory_space<vmem>> -> memref<145x64xf32, #tpu.memory_space<vmem>>
      %dma_wait3A_113 = arith.constant 0 : i32
      %dma_wait3A_114 = tpu.memref_slice %arg10[%add3A_95, %dma_wait3A_113] : memref<11024x64xf32, #tpu.memory_space<vmem_shared>> -> memref<145x64xf32, #tpu.memory_space<vmem_shared>>
      %dma_wait3A_115 = arith.constant 0 : i32
      %dma_wait3A_116 = arith.constant 0 : i32
      %dma_wait3A_117 = tpu.memref_slice %arg9[%dma_wait3A_115, %dma_wait3A_116] : memref<160x64xf32, #tpu.memory_space<vmem>> -> memref<145x64xf32, #tpu.memory_space<vmem>>
      %dma_wait3A_118 = arith.constant 0 : i32
      %dma_wait3A_119 = tpu.memref_slice %arg10[%add3A_95, %dma_wait3A_118] : memref<11024x64xf32, #tpu.memory_space<vmem_shared>> -> memref<145x64xf32, #tpu.memory_space<vmem_shared>>
      tpu.wait_dma2 semaphore(%run_scoped3A : memref<!tpu.dma_semaphore, #tpu.memory_space<semaphore_mem>>) src(%dma_wait3A_119 : memref<145x64xf32, #tpu.memory_space<vmem_shared>>) dst(%dma_wait3A_117 : memref<145x64xf32, #tpu.memory_space<vmem>>)
      tpu.yield
    }) : () -> ()
    %add3A_96 = arith.constant 480 : i32
    %add3A_97 = arith.addi %mul3A_8, %add3A_96 : i32
    %mul3A_98 = arith.constant 64 : i32
    %mul3A_99 = arith.muli %arg0, %mul3A_98 : i32
    "tpu.region"() ({
      %run_scoped3A = tpu.sem_alloc : memref<!tpu.dma_semaphore, #tpu.memory_space<semaphore_mem>>
      %dma_start3A_100 = arith.constant 0 : i32
      %dma_start3A_101 = arith.constant 0 : i32
      %dma_start3A_102 = tpu.memref_slice %arg9[%dma_start3A_100, %dma_start3A_101] : memref<160x64xf32, #tpu.memory_space<vmem>> -> memref<145x64xf32, #tpu.memory_space<vmem>>
      %dma_start3A_103 = tpu.memref_slice %arg5[%add3A_97, %mul3A_99] : memref<10000x128xf32, #tpu.memory_space<hbm>> -> memref<145x64xf32, #tpu.memory_space<hbm>>
      %dma_start3A_104 = tpu.memref_slice %arg5[%add3A_97, %mul3A_99] : memref<10000x128xf32, #tpu.memory_space<hbm>> -> memref<145x64xf32, #tpu.memory_space<hbm>>
      %dma_start3A_105 = arith.constant 0 : i32
      %dma_start3A_106 = arith.constant 0 : i32
      %dma_start3A_107 = tpu.memref_slice %arg9[%dma_start3A_105, %dma_start3A_106] : memref<160x64xf32, #tpu.memory_space<vmem>> -> memref<145x64xf32, #tpu.memory_space<vmem>>
      tpu.enqueue_dma source(%dma_start3A_107 : memref<145x64xf32, #tpu.memory_space<vmem>>) target(%dma_start3A_104 : memref<145x64xf32, #tpu.memory_space<hbm>>) target_semaphore(%run_scoped3A : memref<!tpu.dma_semaphore, #tpu.memory_space<semaphore_mem>>)
      %dma_wait3A_108 = arith.constant 0 : i32
      %dma_wait3A_109 = arith.constant 0 : i32
      %dma_wait3A_110 = tpu.memref_slice %arg9[%dma_wait3A_108, %dma_wait3A_109] : memref<160x64xf32, #tpu.memory_space<vmem>> -> memref<145x64xf32, #tpu.memory_space<vmem>>
      %dma_wait3A_111 = tpu.memref_slice %arg5[%add3A_97, %mul3A_99] : memref<10000x128xf32, #tpu.memory_space<hbm>> -> memref<145x64xf32, #tpu.memory_space<hbm>>
      %dma_wait3A_112 = tpu.memref_slice %arg5[%add3A_97, %mul3A_99] : memref<10000x128xf32, #tpu.memory_space<hbm>> -> memref<145x64xf32, #tpu.memory_space<hbm>>
      %dma_wait3A_113 = arith.constant 0 : i32
      %dma_wait3A_114 = arith.constant 0 : i32
      %dma_wait3A_115 = tpu.memref_slice %arg9[%dma_wait3A_113, %dma_wait3A_114] : memref<160x64xf32, #tpu.memory_space<vmem>> -> memref<145x64xf32, #tpu.memory_space<vmem>>
      tpu.wait_dma2 semaphore(%run_scoped3A : memref<!tpu.dma_semaphore, #tpu.memory_space<semaphore_mem>>) src(%dma_wait3A_115 : memref<145x64xf32, #tpu.memory_space<vmem>>) dst(%dma_wait3A_112 : memref<145x64xf32, #tpu.memory_space<hbm>>)
      tpu.yield
    }) : () -> ()
    return
  }
}

#map = affine_map<(d0, d1) -> (0, 0)>
module attributes {stable_mosaic.version = 14 : i64} {
  func.func @segsum(%arg0: i32, %arg1: i32, %arg2: memref<20000x64xf32, #tpu.memory_space<hbm>>, %arg3: memref<2560x128xi32, #tpu.memory_space<hbm>>, %arg4: memref<2560x128xi32, #tpu.memory_space<hbm>>, %arg5: memref<10000x128xf32, #tpu.memory_space<hbm>>, %arg6: memref<80x128xi32, #tpu.memory_space<vmem>>, %arg7: memref<80x128xi32, #tpu.memory_space<vmem>>, %arg8: memref<640x64xf32, #tpu.memory_space<vmem>>, %arg9: memref<160x64xf32, #tpu.memory_space<vmem>>, %arg10: memref<11024x64xf32, #tpu.memory_space<vmem_shared>>, %arg11: memref<!tpu.dma_semaphore, #tpu.memory_space<semaphore_mem>>, %arg12: memref<!tpu.dma_semaphore, #tpu.memory_space<semaphore_mem>>) attributes {dimension_semantics = [#tpu.dimension_semantics<core_parallel>, #tpu.dimension_semantics<subcore_parallel>], iteration_bounds = array<i64: 2, 16>, scalar_prefetch = 0 : i64, scratch_operands = 7 : i64, tpu.core_type = #tpu.core_type<sc_vector_subcore>, window_params = [{transform_indices = #map}, {transform_indices = #map}, {transform_indices = #map}, {transform_indices = #map}]} {
    %mul3A = arith.constant 16 : i32
    %mul3A_0 = arith.muli %arg0, %mul3A : i32
    %add3A = arith.addi %mul3A_0, %arg1 : i32
    %broadcast_in_dim3A = arith.constant 0.000000e+00 : f32
    %broadcast_in_dim3A_1 = vector.broadcast %broadcast_in_dim3A : f32 to vector<16xf32>
    %scan3A = arith.constant 0 : i32
    %scan3A_2 = arith.constant 0 : i32
    %scan3A_3 = arith.constant 160 : i32
    %scan3A_4 = arith.addi %scan3A_2, %scan3A_3 : i32
    %scan3A_5 = arith.constant 1 : i32
    scf.for %scan3A_100 = %scan3A_2 to %scan3A_4 step %scan3A_5  : i32 {
      %swap3A = arith.index_cast %scan3A_100 : i32 to index
      %swap3A_101 = arith.constant 0 : index
      %swap3A_102 = tpu.vector_load %arg9[%swap3A, %swap3A_101] {strides = array<i32>} : memref<160x64xf32, #tpu.memory_space<vmem>>, vector<1x16xf32>,
      %swap3A_103 = vector.shape_cast %swap3A_102 : vector<1x16xf32> to vector<16xf32>
      %swap3A_104 = vector.shape_cast %broadcast_in_dim3A_1 : vector<16xf32> to vector<1x16xf32>
      tpu.vector_store %arg9[%swap3A, %swap3A_101], %swap3A_104 {strides = array<i32>} : memref<160x64xf32, #tpu.memory_space<vmem>>, vector<1x16xf32>,
      %swap3A_105 = arith.index_cast %scan3A_100 : i32 to index
      %swap3A_106 = arith.constant 16 : index
      %swap3A_107 = tpu.vector_load %arg9[%swap3A_105, %swap3A_106] {strides = array<i32>} : memref<160x64xf32, #tpu.memory_space<vmem>>, vector<1x16xf32>,
      %swap3A_108 = vector.shape_cast %swap3A_107 : vector<1x16xf32> to vector<16xf32>
      %swap3A_109 = vector.shape_cast %broadcast_in_dim3A_1 : vector<16xf32> to vector<1x16xf32>
      tpu.vector_store %arg9[%swap3A_105, %swap3A_106], %swap3A_109 {strides = array<i32>} : memref<160x64xf32, #tpu.memory_space<vmem>>, vector<1x16xf32>,
      %swap3A_110 = arith.index_cast %scan3A_100 : i32 to index
      %swap3A_111 = arith.constant 32 : index
      %swap3A_112 = tpu.vector_load %arg9[%swap3A_110, %swap3A_111] {strides = array<i32>} : memref<160x64xf32, #tpu.memory_space<vmem>>, vector<1x16xf32>,
      %swap3A_113 = vector.shape_cast %swap3A_112 : vector<1x16xf32> to vector<16xf32>
      %swap3A_114 = vector.shape_cast %broadcast_in_dim3A_1 : vector<16xf32> to vector<1x16xf32>
      tpu.vector_store %arg9[%swap3A_110, %swap3A_111], %swap3A_114 {strides = array<i32>} : memref<160x64xf32, #tpu.memory_space<vmem>>, vector<1x16xf32>,
      %swap3A_115 = arith.index_cast %scan3A_100 : i32 to index
      %swap3A_116 = arith.constant 48 : index
      %swap3A_117 = tpu.vector_load %arg9[%swap3A_115, %swap3A_116] {strides = array<i32>} : memref<160x64xf32, #tpu.memory_space<vmem>>, vector<1x16xf32>,
      %swap3A_118 = vector.shape_cast %swap3A_117 : vector<1x16xf32> to vector<16xf32>
      %swap3A_119 = vector.shape_cast %broadcast_in_dim3A_1 : vector<16xf32> to vector<1x16xf32>
      tpu.vector_store %arg9[%swap3A_115, %swap3A_116], %swap3A_119 {strides = array<i32>} : memref<160x64xf32, #tpu.memory_space<vmem>>, vector<1x16xf32>,
    }
    %scan3A_6 = arith.constant 160 : i32
    %mul3A_7 = arith.constant 625 : i32
    %mul3A_8 = arith.muli %arg1, %mul3A_7 : i32
    %add3A_9 = arith.constant 0 : i32
    %add3A_10 = arith.addi %mul3A_8, %add3A_9 : i32
    "tpu.region"() ({
      %run_scoped3A = tpu.sem_alloc : memref<!tpu.dma_semaphore, #tpu.memory_space<semaphore_mem>>
      %dma_start3A_100 = arith.constant 0 : i32
      %dma_start3A_101 = arith.constant 0 : i32
      %dma_start3A_102 = tpu.memref_slice %arg9[%dma_start3A_100, %dma_start3A_101] : memref<160x64xf32, #tpu.memory_space<vmem>> -> memref<160x64xf32, #tpu.memory_space<vmem>>
      %dma_start3A_103 = arith.constant 0 : i32
      %dma_start3A_104 = tpu.memref_slice %arg10[%add3A_10, %dma_start3A_103] : memref<11024x64xf32, #tpu.memory_space<vmem_shared>> -> memref<160x64xf32, #tpu.memory_space<vmem_shared>>
      %dma_start3A_105 = arith.constant 0 : i32
      %dma_start3A_106 = tpu.memref_slice %arg10[%add3A_10, %dma_start3A_105] : memref<11024x64xf32, #tpu.memory_space<vmem_shared>> -> memref<160x64xf32, #tpu.memory_space<vmem_shared>>
      %dma_start3A_107 = arith.constant 0 : i32
      %dma_start3A_108 = arith.constant 0 : i32
      %dma_start3A_109 = tpu.memref_slice %arg9[%dma_start3A_107, %dma_start3A_108] : memref<160x64xf32, #tpu.memory_space<vmem>> -> memref<160x64xf32, #tpu.memory_space<vmem>>
      tpu.enqueue_dma source(%dma_start3A_109 : memref<160x64xf32, #tpu.memory_space<vmem>>) target(%dma_start3A_106 : memref<160x64xf32, #tpu.memory_space<vmem_shared>>) target_semaphore(%run_scoped3A : memref<!tpu.dma_semaphore, #tpu.memory_space<semaphore_mem>>)
      %dma_wait3A_110 = arith.constant 0 : i32
      %dma_wait3A_111 = arith.constant 0 : i32
      %dma_wait3A_112 = tpu.memref_slice %arg9[%dma_wait3A_110, %dma_wait3A_111] : memref<160x64xf32, #tpu.memory_space<vmem>> -> memref<160x64xf32, #tpu.memory_space<vmem>>
      %dma_wait3A_113 = arith.constant 0 : i32
      %dma_wait3A_114 = tpu.memref_slice %arg10[%add3A_10, %dma_wait3A_113] : memref<11024x64xf32, #tpu.memory_space<vmem_shared>> -> memref<160x64xf32, #tpu.memory_space<vmem_shared>>
      %dma_wait3A_115 = arith.constant 0 : i32
      %dma_wait3A_116 = tpu.memref_slice %arg10[%add3A_10, %dma_wait3A_115] : memref<11024x64xf32, #tpu.memory_space<vmem_shared>> -> memref<160x64xf32, #tpu.memory_space<vmem_shared>>
      %dma_wait3A_117 = arith.constant 0 : i32
      %dma_wait3A_118 = arith.constant 0 : i32
      %dma_wait3A_119 = tpu.memref_slice %arg9[%dma_wait3A_117, %dma_wait3A_118] : memref<160x64xf32, #tpu.memory_space<vmem>> -> memref<160x64xf32, #tpu.memory_space<vmem>>
      tpu.wait_dma2 semaphore(%run_scoped3A : memref<!tpu.dma_semaphore, #tpu.memory_space<semaphore_mem>>) src(%dma_wait3A_119 : memref<160x64xf32, #tpu.memory_space<vmem>>) dst(%dma_wait3A_116 : memref<160x64xf32, #tpu.memory_space<vmem_shared>>)
      tpu.yield
    }) : () -> ()
    %add3A_11 = arith.constant 160 : i32
    %add3A_12 = arith.addi %mul3A_8, %add3A_11 : i32
    "tpu.region"() ({
      %run_scoped3A = tpu.sem_alloc : memref<!tpu.dma_semaphore, #tpu.memory_space<semaphore_mem>>
      %dma_start3A_100 = arith.constant 0 : i32
      %dma_start3A_101 = arith.constant 0 : i32
      %dma_start3A_102 = tpu.memref_slice %arg9[%dma_start3A_100, %dma_start3A_101] : memref<160x64xf32, #tpu.memory_space<vmem>> -> memref<160x64xf32, #tpu.memory_space<vmem>>
      %dma_start3A_103 = arith.constant 0 : i32
      %dma_start3A_104 = tpu.memref_slice %arg10[%add3A_12, %dma_start3A_103] : memref<11024x64xf32, #tpu.memory_space<vmem_shared>> -> memref<160x64xf32, #tpu.memory_space<vmem_shared>>
      %dma_start3A_105 = arith.constant 0 : i32
      %dma_start3A_106 = tpu.memref_slice %arg10[%add3A_12, %dma_start3A_105] : memref<11024x64xf32, #tpu.memory_space<vmem_shared>> -> memref<160x64xf32, #tpu.memory_space<vmem_shared>>
      %dma_start3A_107 = arith.constant 0 : i32
      %dma_start3A_108 = arith.constant 0 : i32
      %dma_start3A_109 = tpu.memref_slice %arg9[%dma_start3A_107, %dma_start3A_108] : memref<160x64xf32, #tpu.memory_space<vmem>> -> memref<160x64xf32, #tpu.memory_space<vmem>>
      tpu.enqueue_dma source(%dma_start3A_109 : memref<160x64xf32, #tpu.memory_space<vmem>>) target(%dma_start3A_106 : memref<160x64xf32, #tpu.memory_space<vmem_shared>>) target_semaphore(%run_scoped3A : memref<!tpu.dma_semaphore, #tpu.memory_space<semaphore_mem>>)
      %dma_wait3A_110 = arith.constant 0 : i32
      %dma_wait3A_111 = arith.constant 0 : i32
      %dma_wait3A_112 = tpu.memref_slice %arg9[%dma_wait3A_110, %dma_wait3A_111] : memref<160x64xf32, #tpu.memory_space<vmem>> -> memref<160x64xf32, #tpu.memory_space<vmem>>
      %dma_wait3A_113 = arith.constant 0 : i32
      %dma_wait3A_114 = tpu.memref_slice %arg10[%add3A_12, %dma_wait3A_113] : memref<11024x64xf32, #tpu.memory_space<vmem_shared>> -> memref<160x64xf32, #tpu.memory_space<vmem_shared>>
      %dma_wait3A_115 = arith.constant 0 : i32
      %dma_wait3A_116 = tpu.memref_slice %arg10[%add3A_12, %dma_wait3A_115] : memref<11024x64xf32, #tpu.memory_space<vmem_shared>> -> memref<160x64xf32, #tpu.memory_space<vmem_shared>>
      %dma_wait3A_117 = arith.constant 0 : i32
      %dma_wait3A_118 = arith.constant 0 : i32
      %dma_wait3A_119 = tpu.memref_slice %arg9[%dma_wait3A_117, %dma_wait3A_118] : memref<160x64xf32, #tpu.memory_space<vmem>> -> memref<160x64xf32, #tpu.memory_space<vmem>>
      tpu.wait_dma2 semaphore(%run_scoped3A : memref<!tpu.dma_semaphore, #tpu.memory_space<semaphore_mem>>) src(%dma_wait3A_119 : memref<160x64xf32, #tpu.memory_space<vmem>>) dst(%dma_wait3A_116 : memref<160x64xf32, #tpu.memory_space<vmem_shared>>)
      tpu.yield
    }) : () -> ()
    %add3A_13 = arith.constant 320 : i32
    %add3A_14 = arith.addi %mul3A_8, %add3A_13 : i32
    "tpu.region"() ({
      %run_scoped3A = tpu.sem_alloc : memref<!tpu.dma_semaphore, #tpu.memory_space<semaphore_mem>>
      %dma_start3A_100 = arith.constant 0 : i32
      %dma_start3A_101 = arith.constant 0 : i32
      %dma_start3A_102 = tpu.memref_slice %arg9[%dma_start3A_100, %dma_start3A_101] : memref<160x64xf32, #tpu.memory_space<vmem>> -> memref<160x64xf32, #tpu.memory_space<vmem>>
      %dma_start3A_103 = arith.constant 0 : i32
      %dma_start3A_104 = tpu.memref_slice %arg10[%add3A_14, %dma_start3A_103] : memref<11024x64xf32, #tpu.memory_space<vmem_shared>> -> memref<160x64xf32, #tpu.memory_space<vmem_shared>>
      %dma_start3A_105 = arith.constant 0 : i32
      %dma_start3A_106 = tpu.memref_slice %arg10[%add3A_14, %dma_start3A_105] : memref<11024x64xf32, #tpu.memory_space<vmem_shared>> -> memref<160x64xf32, #tpu.memory_space<vmem_shared>>
      %dma_start3A_107 = arith.constant 0 : i32
      %dma_start3A_108 = arith.constant 0 : i32
      %dma_start3A_109 = tpu.memref_slice %arg9[%dma_start3A_107, %dma_start3A_108] : memref<160x64xf32, #tpu.memory_space<vmem>> -> memref<160x64xf32, #tpu.memory_space<vmem>>
      tpu.enqueue_dma source(%dma_start3A_109 : memref<160x64xf32, #tpu.memory_space<vmem>>) target(%dma_start3A_106 : memref<160x64xf32, #tpu.memory_space<vmem_shared>>) target_semaphore(%run_scoped3A : memref<!tpu.dma_semaphore, #tpu.memory_space<semaphore_mem>>)
      %dma_wait3A_110 = arith.constant 0 : i32
      %dma_wait3A_111 = arith.constant 0 : i32
      %dma_wait3A_112 = tpu.memref_slice %arg9[%dma_wait3A_110, %dma_wait3A_111] : memref<160x64xf32, #tpu.memory_space<vmem>> -> memref<160x64xf32, #tpu.memory_space<vmem>>
      %dma_wait3A_113 = arith.constant 0 : i32
      %dma_wait3A_114 = tpu.memref_slice %arg10[%add3A_14, %dma_wait3A_113] : memref<11024x64xf32, #tpu.memory_space<vmem_shared>> -> memref<160x64xf32, #tpu.memory_space<vmem_shared>>
      %dma_wait3A_115 = arith.constant 0 : i32
      %dma_wait3A_116 = tpu.memref_slice %arg10[%add3A_14, %dma_wait3A_115] : memref<11024x64xf32, #tpu.memory_space<vmem_shared>> -> memref<160x64xf32, #tpu.memory_space<vmem_shared>>
      %dma_wait3A_117 = arith.constant 0 : i32
      %dma_wait3A_118 = arith.constant 0 : i32
      %dma_wait3A_119 = tpu.memref_slice %arg9[%dma_wait3A_117, %dma_wait3A_118] : memref<160x64xf32, #tpu.memory_space<vmem>> -> memref<160x64xf32, #tpu.memory_space<vmem>>
      tpu.wait_dma2 semaphore(%run_scoped3A : memref<!tpu.dma_semaphore, #tpu.memory_space<semaphore_mem>>) src(%dma_wait3A_119 : memref<160x64xf32, #tpu.memory_space<vmem>>) dst(%dma_wait3A_116 : memref<160x64xf32, #tpu.memory_space<vmem_shared>>)
      tpu.yield
    }) : () -> ()
    %add3A_15 = arith.constant 480 : i32
    %add3A_16 = arith.addi %mul3A_8, %add3A_15 : i32
    "tpu.region"() ({
      %run_scoped3A = tpu.sem_alloc : memref<!tpu.dma_semaphore, #tpu.memory_space<semaphore_mem>>
      %dma_start3A_100 = arith.constant 0 : i32
      %dma_start3A_101 = arith.constant 0 : i32
      %dma_start3A_102 = tpu.memref_slice %arg9[%dma_start3A_100, %dma_start3A_101] : memref<160x64xf32, #tpu.memory_space<vmem>> -> memref<145x64xf32, #tpu.memory_space<vmem>>
      %dma_start3A_103 = arith.constant 0 : i32
      %dma_start3A_104 = tpu.memref_slice %arg10[%add3A_16, %dma_start3A_103] : memref<11024x64xf32, #tpu.memory_space<vmem_shared>> -> memref<145x64xf32, #tpu.memory_space<vmem_shared>>
      %dma_start3A_105 = arith.constant 0 : i32
      %dma_start3A_106 = tpu.memref_slice %arg10[%add3A_16, %dma_start3A_105] : memref<11024x64xf32, #tpu.memory_space<vmem_shared>> -> memref<145x64xf32, #tpu.memory_space<vmem_shared>>
      %dma_start3A_107 = arith.constant 0 : i32
      %dma_start3A_108 = arith.constant 0 : i32
      %dma_start3A_109 = tpu.memref_slice %arg9[%dma_start3A_107, %dma_start3A_108] : memref<160x64xf32, #tpu.memory_space<vmem>> -> memref<145x64xf32, #tpu.memory_space<vmem>>
      tpu.enqueue_dma source(%dma_start3A_109 : memref<145x64xf32, #tpu.memory_space<vmem>>) target(%dma_start3A_106 : memref<145x64xf32, #tpu.memory_space<vmem_shared>>) target_semaphore(%run_scoped3A : memref<!tpu.dma_semaphore, #tpu.memory_space<semaphore_mem>>)
      %dma_wait3A_110 = arith.constant 0 : i32
      %dma_wait3A_111 = arith.constant 0 : i32
      %dma_wait3A_112 = tpu.memref_slice %arg9[%dma_wait3A_110, %dma_wait3A_111] : memref<160x64xf32, #tpu.memory_space<vmem>> -> memref<145x64xf32, #tpu.memory_space<vmem>>
      %dma_wait3A_113 = arith.constant 0 : i32
      %dma_wait3A_114 = tpu.memref_slice %arg10[%add3A_16, %dma_wait3A_113] : memref<11024x64xf32, #tpu.memory_space<vmem_shared>> -> memref<145x64xf32, #tpu.memory_space<vmem_shared>>
      %dma_wait3A_115 = arith.constant 0 : i32
      %dma_wait3A_116 = tpu.memref_slice %arg10[%add3A_16, %dma_wait3A_115] : memref<11024x64xf32, #tpu.memory_space<vmem_shared>> -> memref<145x64xf32, #tpu.memory_space<vmem_shared>>
      %dma_wait3A_117 = arith.constant 0 : i32
      %dma_wait3A_118 = arith.constant 0 : i32
      %dma_wait3A_119 = tpu.memref_slice %arg9[%dma_wait3A_117, %dma_wait3A_118] : memref<160x64xf32, #tpu.memory_space<vmem>> -> memref<145x64xf32, #tpu.memory_space<vmem>>
      tpu.wait_dma2 semaphore(%run_scoped3A : memref<!tpu.dma_semaphore, #tpu.memory_space<semaphore_mem>>) src(%dma_wait3A_119 : memref<145x64xf32, #tpu.memory_space<vmem>>) dst(%dma_wait3A_116 : memref<145x64xf32, #tpu.memory_space<vmem_shared>>)
      tpu.yield
    }) : () -> ()
    %mul3A_17 = arith.constant 80 : i32
    %mul3A_18 = arith.muli %add3A, %mul3A_17 : i32
    "tpu.region"() ({
      %run_scoped3A = tpu.sem_alloc : memref<!tpu.dma_semaphore, #tpu.memory_space<semaphore_mem>>
      %dma_start3A_100 = arith.constant 0 : i32
      %dma_start3A_101 = tpu.memref_slice %arg3[%mul3A_18, %dma_start3A_100] : memref<2560x128xi32, #tpu.memory_space<hbm>> -> memref<80x128xi32, #tpu.memory_space<hbm>>
      %dma_start3A_102 = arith.constant 0 : i32
      %dma_start3A_103 = tpu.memref_slice %arg3[%mul3A_18, %dma_start3A_102] : memref<2560x128xi32, #tpu.memory_space<hbm>> -> memref<80x128xi32, #tpu.memory_space<hbm>>
      tpu.enqueue_dma source(%dma_start3A_103 : memref<80x128xi32, #tpu.memory_space<hbm>>) target(%arg6 : memref<80x128xi32, #tpu.memory_space<vmem>>) target_semaphore(%run_scoped3A : memref<!tpu.dma_semaphore, #tpu.memory_space<semaphore_mem>>)
      %dma_wait3A_104 = arith.constant 0 : i32
      %dma_wait3A_105 = tpu.memref_slice %arg3[%mul3A_18, %dma_wait3A_104] : memref<2560x128xi32, #tpu.memory_space<hbm>> -> memref<80x128xi32, #tpu.memory_space<hbm>>
      %dma_wait3A_106 = arith.constant 0 : i32
      %dma_wait3A_107 = tpu.memref_slice %arg3[%mul3A_18, %dma_wait3A_106] : memref<2560x128xi32, #tpu.memory_space<hbm>> -> memref<80x128xi32, #tpu.memory_space<hbm>>
      tpu.wait_dma2 semaphore(%run_scoped3A : memref<!tpu.dma_semaphore, #tpu.memory_space<semaphore_mem>>) src(%dma_wait3A_107 : memref<80x128xi32, #tpu.memory_space<hbm>>) dst(%arg6 : memref<80x128xi32, #tpu.memory_space<vmem>>)
      tpu.yield
    }) : () -> ()
    %mul3A_19 = arith.constant 80 : i32
    %mul3A_20 = arith.muli %add3A, %mul3A_19 : i32
    "tpu.region"() ({
      %run_scoped3A = tpu.sem_alloc : memref<!tpu.dma_semaphore, #tpu.memory_space<semaphore_mem>>
      %dma_start3A_100 = arith.constant 0 : i32
      %dma_start3A_101 = tpu.memref_slice %arg4[%mul3A_20, %dma_start3A_100] : memref<2560x128xi32, #tpu.memory_space<hbm>> -> memref<80x128xi32, #tpu.memory_space<hbm>>
      %dma_start3A_102 = arith.constant 0 : i32
      %dma_start3A_103 = tpu.memref_slice %arg4[%mul3A_20, %dma_start3A_102] : memref<2560x128xi32, #tpu.memory_space<hbm>> -> memref<80x128xi32, #tpu.memory_space<hbm>>
      tpu.enqueue_dma source(%dma_start3A_103 : memref<80x128xi32, #tpu.memory_space<hbm>>) target(%arg7 : memref<80x128xi32, #tpu.memory_space<vmem>>) target_semaphore(%run_scoped3A : memref<!tpu.dma_semaphore, #tpu.memory_space<semaphore_mem>>)
      %dma_wait3A_104 = arith.constant 0 : i32
      %dma_wait3A_105 = tpu.memref_slice %arg4[%mul3A_20, %dma_wait3A_104] : memref<2560x128xi32, #tpu.memory_space<hbm>> -> memref<80x128xi32, #tpu.memory_space<hbm>>
      %dma_wait3A_106 = arith.constant 0 : i32
      %dma_wait3A_107 = tpu.memref_slice %arg4[%mul3A_20, %dma_wait3A_106] : memref<2560x128xi32, #tpu.memory_space<hbm>> -> memref<80x128xi32, #tpu.memory_space<hbm>>
      tpu.wait_dma2 semaphore(%run_scoped3A : memref<!tpu.dma_semaphore, #tpu.memory_space<semaphore_mem>>) src(%dma_wait3A_107 : memref<80x128xi32, #tpu.memory_space<hbm>>) dst(%arg7 : memref<80x128xi32, #tpu.memory_space<vmem>>)
      tpu.yield
    }) : () -> ()
    %barrier3A = arith.constant 0 : index
    tpu.barrier barrier_id(%barrier3A)
    %dma_start3A = arith.constant 0 : i32
    %dma_start3A_21 = arith.constant 0 : i32
    %dma_start3A_22 = arith.constant 0 : i32
    %dma_start3A_23 = tpu.memref_slice %arg8[%dma_start3A_21, %dma_start3A_22] : memref<640x64xf32, #tpu.memory_space<vmem>> -> memref<128x64xf32, #tpu.memory_space<vmem>>
    %dma_start3A_24 = arith.constant 0 : i32
    %dma_start3A_25 = tpu.memref_slice %arg6[%dma_start3A, %dma_start3A_24] : memref<80x128xi32, #tpu.memory_space<vmem>> -> memref<1x128xi32, #tpu.memory_space<vmem>>
    %dma_start3A_26 = tpu.memref_squeeze %dma_start3A_25 : memref<1x128xi32, #tpu.memory_space<vmem>> -> memref<128xi32, #tpu.memory_space<vmem>>
    %dma_start3A_27 = arith.constant 0 : i32
    %dma_start3A_28 = arith.constant 0 : i32
    %dma_start3A_29 = tpu.memref_slice %arg2[%dma_start3A_27, %dma_start3A_28] : memref<20000x64xf32, #tpu.memory_space<hbm>> -> memref<20000x64xf32, #tpu.memory_space<hbm>>
    tpu.enqueue_indirect_dma source(%dma_start3A_29 : memref<20000x64xf32, #tpu.memory_space<hbm>>) target(%dma_start3A_23 : memref<128x64xf32, #tpu.memory_space<vmem>>) offsets(%dma_start3A_26 : memref<128xi32, #tpu.memory_space<vmem>>) semaphore(%arg11 : memref<!tpu.dma_semaphore, #tpu.memory_space<semaphore_mem>>)
    %dma_start3A_30 = arith.constant 1 : i32
    %dma_start3A_31 = arith.constant 128 : i32
    %dma_start3A_32 = arith.constant 0 : i32
    %dma_start3A_33 = tpu.memref_slice %arg8[%dma_start3A_31, %dma_start3A_32] : memref<640x64xf32, #tpu.memory_space<vmem>> -> memref<128x64xf32, #tpu.memory_space<vmem>>
    %dma_start3A_34 = arith.constant 0 : i32
    %dma_start3A_35 = tpu.memref_slice %arg6[%dma_start3A_30, %dma_start3A_34] : memref<80x128xi32, #tpu.memory_space<vmem>> -> memref<1x128xi32, #tpu.memory_space<vmem>>
    %dma_start3A_36 = tpu.memref_squeeze %dma_start3A_35 : memref<1x128xi32, #tpu.memory_space<vmem>> -> memref<128xi32, #tpu.memory_space<vmem>>
    %dma_start3A_37 = arith.constant 0 : i32
    %dma_start3A_38 = arith.constant 0 : i32
    %dma_start3A_39 = tpu.memref_slice %arg2[%dma_start3A_37, %dma_start3A_38] : memref<20000x64xf32, #tpu.memory_space<hbm>> -> memref<20000x64xf32, #tpu.memory_space<hbm>>
    tpu.enqueue_indirect_dma source(%dma_start3A_39 : memref<20000x64xf32, #tpu.memory_space<hbm>>) target(%dma_start3A_33 : memref<128x64xf32, #tpu.memory_space<vmem>>) offsets(%dma_start3A_36 : memref<128xi32, #tpu.memory_space<vmem>>) semaphore(%arg11 : memref<!tpu.dma_semaphore, #tpu.memory_space<semaphore_mem>>)
    %dma_start3A_40 = arith.constant 2 : i32
    %dma_start3A_41 = arith.constant 256 : i32
    %dma_start3A_42 = arith.constant 0 : i32
    %dma_start3A_43 = tpu.memref_slice %arg8[%dma_start3A_41, %dma_start3A_42] : memref<640x64xf32, #tpu.memory_space<vmem>> -> memref<128x64xf32, #tpu.memory_space<vmem>>
    %dma_start3A_44 = arith.constant 0 : i32
    %dma_start3A_45 = tpu.memref_slice %arg6[%dma_start3A_40, %dma_start3A_44] : memref<80x128xi32, #tpu.memory_space<vmem>> -> memref<1x128xi32, #tpu.memory_space<vmem>>
    %dma_start3A_46 = tpu.memref_squeeze %dma_start3A_45 : memref<1x128xi32, #tpu.memory_space<vmem>> -> memref<128xi32, #tpu.memory_space<vmem>>
    %dma_start3A_47 = arith.constant 0 : i32
    %dma_start3A_48 = arith.constant 0 : i32
    %dma_start3A_49 = tpu.memref_slice %arg2[%dma_start3A_47, %dma_start3A_48] : memref<20000x64xf32, #tpu.memory_space<hbm>> -> memref<20000x64xf32, #tpu.memory_space<hbm>>
    tpu.enqueue_indirect_dma source(%dma_start3A_49 : memref<20000x64xf32, #tpu.memory_space<hbm>>) target(%dma_start3A_43 : memref<128x64xf32, #tpu.memory_space<vmem>>) offsets(%dma_start3A_46 : memref<128xi32, #tpu.memory_space<vmem>>) semaphore(%arg11 : memref<!tpu.dma_semaphore, #tpu.memory_space<semaphore_mem>>)
    %dma_start3A_50 = arith.constant 3 : i32
    %dma_start3A_51 = arith.constant 384 : i32
    %dma_start3A_52 = arith.constant 0 : i32
    %dma_start3A_53 = tpu.memref_slice %arg8[%dma_start3A_51, %dma_start3A_52] : memref<640x64xf32, #tpu.memory_space<vmem>> -> memref<128x64xf32, #tpu.memory_space<vmem>>
    %dma_start3A_54 = arith.constant 0 : i32
    %dma_start3A_55 = tpu.memref_slice %arg6[%dma_start3A_50, %dma_start3A_54] : memref<80x128xi32, #tpu.memory_space<vmem>> -> memref<1x128xi32, #tpu.memory_space<vmem>>
    %dma_start3A_56 = tpu.memref_squeeze %dma_start3A_55 : memref<1x128xi32, #tpu.memory_space<vmem>> -> memref<128xi32, #tpu.memory_space<vmem>>
    %dma_start3A_57 = arith.constant 0 : i32
    %dma_start3A_58 = arith.constant 0 : i32
    %dma_start3A_59 = tpu.memref_slice %arg2[%dma_start3A_57, %dma_start3A_58] : memref<20000x64xf32, #tpu.memory_space<hbm>> -> memref<20000x64xf32, #tpu.memory_space<hbm>>
    tpu.enqueue_indirect_dma source(%dma_start3A_59 : memref<20000x64xf32, #tpu.memory_space<hbm>>) target(%dma_start3A_53 : memref<128x64xf32, #tpu.memory_space<vmem>>) offsets(%dma_start3A_56 : memref<128xi32, #tpu.memory_space<vmem>>) semaphore(%arg11 : memref<!tpu.dma_semaphore, #tpu.memory_space<semaphore_mem>>)
    %scan3A_60 = arith.constant 0 : i32
    %scan3A_61 = arith.constant 0 : i32
    %scan3A_62 = arith.constant 80 : i32
    %scan3A_63 = arith.addi %scan3A_61, %scan3A_62 : i32
    %scan3A_64 = arith.constant 1 : i32
    scf.for %scan3A_100 = %scan3A_61 to %scan3A_63 step %scan3A_64  : i32 {
      %rem3A = arith.constant 5 : i32
      %rem3A_101 = arith.remsi %scan3A_100, %rem3A : i32
      %mul3A_102 = arith.constant 128 : i32
      %mul3A_103 = arith.muli %rem3A_101, %mul3A_102 : i32
      %dma_wait3A_104 = arith.constant 0 : i32
      %dma_wait3A_105 = tpu.memref_slice %arg8[%mul3A_103, %dma_wait3A_104] : memref<640x64xf32, #tpu.memory_space<vmem>> -> memref<128x64xf32, #tpu.memory_space<vmem>>
      %dma_wait3A_106 = arith.constant 0 : i32
      %dma_wait3A_107 = tpu.memref_slice %arg6[%scan3A_100, %dma_wait3A_106] : memref<80x128xi32, #tpu.memory_space<vmem>> -> memref<1x128xi32, #tpu.memory_space<vmem>>
      %dma_wait3A_108 = tpu.memref_squeeze %dma_wait3A_107 : memref<1x128xi32, #tpu.memory_space<vmem>> -> memref<128xi32, #tpu.memory_space<vmem>>
      %dma_wait3A_109 = arith.constant 0 : i32
      %dma_wait3A_110 = arith.constant 0 : i32
      %dma_wait3A_111 = tpu.memref_slice %arg2[%dma_wait3A_109, %dma_wait3A_110] : memref<20000x64xf32, #tpu.memory_space<hbm>> -> memref<20000x64xf32, #tpu.memory_space<hbm>>
      tpu.wait_indirect_dma semaphore(%arg11 : memref<!tpu.dma_semaphore, #tpu.memory_space<semaphore_mem>>) src(%dma_wait3A_111 : memref<20000x64xf32, #tpu.memory_space<hbm>>) dst(%dma_wait3A_105 : memref<128x64xf32, #tpu.memory_space<vmem>>)
      %dma_start3A_112 = arith.constant 0 : i32
      %dma_start3A_113 = tpu.memref_slice %arg8[%mul3A_103, %dma_start3A_112] : memref<640x64xf32, #tpu.memory_space<vmem>> -> memref<128x64xf32, #tpu.memory_space<vmem>>
      %dma_start3A_114 = arith.constant 0 : i32
      %dma_start3A_115 = tpu.memref_slice %arg7[%scan3A_100, %dma_start3A_114] : memref<80x128xi32, #tpu.memory_space<vmem>> -> memref<1x128xi32, #tpu.memory_space<vmem>>
      %dma_start3A_116 = tpu.memref_squeeze %dma_start3A_115 : memref<1x128xi32, #tpu.memory_space<vmem>> -> memref<128xi32, #tpu.memory_space<vmem>>
      %dma_start3A_117 = arith.constant 0 : i32
      %dma_start3A_118 = arith.constant 0 : i32
      %dma_start3A_119 = tpu.memref_slice %arg10[%dma_start3A_117, %dma_start3A_118] : memref<11024x64xf32, #tpu.memory_space<vmem_shared>> -> memref<11024x64xf32, #tpu.memory_space<vmem_shared>>
      tpu.enqueue_indirect_dma source(%dma_start3A_113 : memref<128x64xf32, #tpu.memory_space<vmem>>) target(%dma_start3A_119 : memref<11024x64xf32, #tpu.memory_space<vmem_shared>>) offsets(%dma_start3A_116 : memref<128xi32, #tpu.memory_space<vmem>>) semaphore(%arg12 : memref<!tpu.dma_semaphore, #tpu.memory_space<semaphore_mem>>) {add = true}
      %ge3A = arith.constant 1 : i32
      %ge3A_120 = arith.cmpi sge, %scan3A_100, %ge3A : i32
      %convert_element_type3A = arith.extui %ge3A_120 : i1 to i32
      %cond3A = arith.constant 0 : i32
      %cond3A_121 = arith.cmpi ne, %convert_element_type3A, %cond3A : i32
      scf.if %cond3A_121 {
        %add3A_128 = arith.constant 4 : i32
        %add3A_129 = arith.addi %scan3A_100, %add3A_128 : i32
        %rem3A_130 = arith.constant 5 : i32
        %rem3A_131 = arith.remsi %add3A_129, %rem3A_130 : i32
        %mul3A_132 = arith.constant 128 : i32
        %mul3A_133 = arith.muli %rem3A_131, %mul3A_132 : i32
        %sub3A = arith.constant 1 : i32
        %sub3A_134 = arith.subi %scan3A_100, %sub3A : i32
        %dma_wait3A_135 = arith.constant 0 : i32
        %dma_wait3A_136 = tpu.memref_slice %arg8[%mul3A_133, %dma_wait3A_135] : memref<640x64xf32, #tpu.memory_space<vmem>> -> memref<128x64xf32, #tpu.memory_space<vmem>>
        %dma_wait3A_137 = arith.constant 0 : i32
        %dma_wait3A_138 = tpu.memref_slice %arg7[%sub3A_134, %dma_wait3A_137] : memref<80x128xi32, #tpu.memory_space<vmem>> -> memref<1x128xi32, #tpu.memory_space<vmem>>
        %dma_wait3A_139 = tpu.memref_squeeze %dma_wait3A_138 : memref<1x128xi32, #tpu.memory_space<vmem>> -> memref<128xi32, #tpu.memory_space<vmem>>
        %dma_wait3A_140 = arith.constant 0 : i32
        %dma_wait3A_141 = arith.constant 0 : i32
        %dma_wait3A_142 = tpu.memref_slice %arg10[%dma_wait3A_140, %dma_wait3A_141] : memref<11024x64xf32, #tpu.memory_space<vmem_shared>> -> memref<11024x64xf32, #tpu.memory_space<vmem_shared>>
        tpu.wait_indirect_dma semaphore(%arg12 : memref<!tpu.dma_semaphore, #tpu.memory_space<semaphore_mem>>) src(%dma_wait3A_136 : memref<128x64xf32, #tpu.memory_space<vmem>>) dst(%dma_wait3A_142 : memref<11024x64xf32, #tpu.memory_space<vmem_shared>>)
      } else {
      }
      %add3A_122 = arith.constant 4 : i32
      %add3A_123 = arith.addi %scan3A_100, %add3A_122 : i32
      %lt3A = arith.constant 80 : i32
      %lt3A_124 = arith.cmpi slt, %add3A_123, %lt3A : i32
      %convert_element_type3A_125 = arith.extui %lt3A_124 : i1 to i32
      %cond3A_126 = arith.constant 0 : i32
      %cond3A_127 = arith.cmpi ne, %convert_element_type3A_125, %cond3A_126 : i32
      scf.if %cond3A_127 {
        %add3A_128 = arith.constant 4 : i32
        %add3A_129 = arith.addi %scan3A_100, %add3A_128 : i32
        %rem3A_130 = arith.constant 5 : i32
        %rem3A_131 = arith.remsi %add3A_129, %rem3A_130 : i32
        %mul3A_132 = arith.constant 128 : i32
        %mul3A_133 = arith.muli %rem3A_131, %mul3A_132 : i32
        %add3A_134 = arith.constant 4 : i32
        %add3A_135 = arith.addi %scan3A_100, %add3A_134 : i32
        %dma_start3A_136 = arith.constant 0 : i32
        %dma_start3A_137 = tpu.memref_slice %arg8[%mul3A_133, %dma_start3A_136] : memref<640x64xf32, #tpu.memory_space<vmem>> -> memref<128x64xf32, #tpu.memory_space<vmem>>
        %dma_start3A_138 = arith.constant 0 : i32
        %dma_start3A_139 = tpu.memref_slice %arg6[%add3A_135, %dma_start3A_138] : memref<80x128xi32, #tpu.memory_space<vmem>> -> memref<1x128xi32, #tpu.memory_space<vmem>>
        %dma_start3A_140 = tpu.memref_squeeze %dma_start3A_139 : memref<1x128xi32, #tpu.memory_space<vmem>> -> memref<128xi32, #tpu.memory_space<vmem>>
        %dma_start3A_141 = arith.constant 0 : i32
        %dma_start3A_142 = arith.constant 0 : i32
        %dma_start3A_143 = tpu.memref_slice %arg2[%dma_start3A_141, %dma_start3A_142] : memref<20000x64xf32, #tpu.memory_space<hbm>> -> memref<20000x64xf32, #tpu.memory_space<hbm>>
        tpu.enqueue_indirect_dma source(%dma_start3A_143 : memref<20000x64xf32, #tpu.memory_space<hbm>>) target(%dma_start3A_137 : memref<128x64xf32, #tpu.memory_space<vmem>>) offsets(%dma_start3A_140 : memref<128xi32, #tpu.memory_space<vmem>>) semaphore(%arg11 : memref<!tpu.dma_semaphore, #tpu.memory_space<semaphore_mem>>)
      } else {
      }
    }
    %scan3A_65 = arith.constant 80 : i32
    %dma_wait3A = arith.constant 79 : i32
    %dma_wait3A_66 = arith.constant 0 : i32
    %dma_wait3A_67 = arith.constant 0 : i32
    %dma_wait3A_68 = tpu.memref_slice %arg8[%dma_wait3A_66, %dma_wait3A_67] : memref<640x64xf32, #tpu.memory_space<vmem>> -> memref<128x64xf32, #tpu.memory_space<vmem>>
    %dma_wait3A_69 = arith.constant 0 : i32
    %dma_wait3A_70 = tpu.memref_slice %arg7[%dma_wait3A, %dma_wait3A_69] : memref<80x128xi32, #tpu.memory_space<vmem>> -> memref<1x128xi32, #tpu.memory_space<vmem>>
    %dma_wait3A_71 = tpu.memref_squeeze %dma_wait3A_70 : memref<1x128xi32, #tpu.memory_space<vmem>> -> memref<128xi32, #tpu.memory_space<vmem>>
    %dma_wait3A_72 = arith.constant 0 : i32
    %dma_wait3A_73 = arith.constant 0 : i32
    %dma_wait3A_74 = tpu.memref_slice %arg10[%dma_wait3A_72, %dma_wait3A_73] : memref<11024x64xf32, #tpu.memory_space<vmem_shared>> -> memref<11024x64xf32, #tpu.memory_space<vmem_shared>>
    tpu.wait_indirect_dma semaphore(%arg12 : memref<!tpu.dma_semaphore, #tpu.memory_space<semaphore_mem>>) src(%dma_wait3A_68 : memref<128x64xf32, #tpu.memory_space<vmem>>) dst(%dma_wait3A_74 : memref<11024x64xf32, #tpu.memory_space<vmem_shared>>)
    %barrier3A_75 = arith.constant 0 : index
    tpu.barrier barrier_id(%barrier3A_75)
    %add3A_76 = arith.constant 0 : i32
    %add3A_77 = arith.addi %mul3A_8, %add3A_76 : i32
    "tpu.region"() ({
      %run_scoped3A = tpu.sem_alloc : memref<!tpu.dma_semaphore, #tpu.memory_space<semaphore_mem>>
      %dma_start3A_100 = arith.constant 0 : i32
      %dma_start3A_101 = arith.constant 0 : i32
      %dma_start3A_102 = tpu.memref_slice %arg9[%dma_start3A_100, %dma_start3A_101] : memref<160x64xf32, #tpu.memory_space<vmem>> -> memref<160x64xf32, #tpu.memory_space<vmem>>
      %dma_start3A_103 = arith.constant 0 : i32
      %dma_start3A_104 = tpu.memref_slice %arg10[%add3A_77, %dma_start3A_103] : memref<11024x64xf32, #tpu.memory_space<vmem_shared>> -> memref<160x64xf32, #tpu.memory_space<vmem_shared>>
      %dma_start3A_105 = arith.constant 0 : i32
      %dma_start3A_106 = arith.constant 0 : i32
      %dma_start3A_107 = tpu.memref_slice %arg9[%dma_start3A_105, %dma_start3A_106] : memref<160x64xf32, #tpu.memory_space<vmem>> -> memref<160x64xf32, #tpu.memory_space<vmem>>
      %dma_start3A_108 = arith.constant 0 : i32
      %dma_start3A_109 = tpu.memref_slice %arg10[%add3A_77, %dma_start3A_108] : memref<11024x64xf32, #tpu.memory_space<vmem_shared>> -> memref<160x64xf32, #tpu.memory_space<vmem_shared>>
      tpu.enqueue_dma source(%dma_start3A_109 : memref<160x64xf32, #tpu.memory_space<vmem_shared>>) target(%dma_start3A_107 : memref<160x64xf32, #tpu.memory_space<vmem>>) target_semaphore(%run_scoped3A : memref<!tpu.dma_semaphore, #tpu.memory_space<semaphore_mem>>)
      %dma_wait3A_110 = arith.constant 0 : i32
      %dma_wait3A_111 = arith.constant 0 : i32
      %dma_wait3A_112 = tpu.memref_slice %arg9[%dma_wait3A_110, %dma_wait3A_111] : memref<160x64xf32, #tpu.memory_space<vmem>> -> memref<160x64xf32, #tpu.memory_space<vmem>>
      %dma_wait3A_113 = arith.constant 0 : i32
      %dma_wait3A_114 = tpu.memref_slice %arg10[%add3A_77, %dma_wait3A_113] : memref<11024x64xf32, #tpu.memory_space<vmem_shared>> -> memref<160x64xf32, #tpu.memory_space<vmem_shared>>
      %dma_wait3A_115 = arith.constant 0 : i32
      %dma_wait3A_116 = arith.constant 0 : i32
      %dma_wait3A_117 = tpu.memref_slice %arg9[%dma_wait3A_115, %dma_wait3A_116] : memref<160x64xf32, #tpu.memory_space<vmem>> -> memref<160x64xf32, #tpu.memory_space<vmem>>
      %dma_wait3A_118 = arith.constant 0 : i32
      %dma_wait3A_119 = tpu.memref_slice %arg10[%add3A_77, %dma_wait3A_118] : memref<11024x64xf32, #tpu.memory_space<vmem_shared>> -> memref<160x64xf32, #tpu.memory_space<vmem_shared>>
      tpu.wait_dma2 semaphore(%run_scoped3A : memref<!tpu.dma_semaphore, #tpu.memory_space<semaphore_mem>>) src(%dma_wait3A_119 : memref<160x64xf32, #tpu.memory_space<vmem_shared>>) dst(%dma_wait3A_117 : memref<160x64xf32, #tpu.memory_space<vmem>>)
      tpu.yield
    }) : () -> ()
    %add3A_78 = arith.constant 0 : i32
    %add3A_79 = arith.addi %mul3A_8, %add3A_78 : i32
    %mul3A_80 = arith.constant 64 : i32
    %mul3A_81 = arith.muli %arg0, %mul3A_80 : i32
    "tpu.region"() ({
      %run_scoped3A = tpu.sem_alloc : memref<!tpu.dma_semaphore, #tpu.memory_space<semaphore_mem>>
      %dma_start3A_100 = arith.constant 0 : i32
      %dma_start3A_101 = arith.constant 0 : i32
      %dma_start3A_102 = tpu.memref_slice %arg9[%dma_start3A_100, %dma_start3A_101] : memref<160x64xf32, #tpu.memory_space<vmem>> -> memref<160x64xf32, #tpu.memory_space<vmem>>
      %dma_start3A_103 = tpu.memref_slice %arg5[%add3A_79, %mul3A_81] : memref<10000x128xf32, #tpu.memory_space<hbm>> -> memref<160x64xf32, #tpu.memory_space<hbm>>
      %dma_start3A_104 = tpu.memref_slice %arg5[%add3A_79, %mul3A_81] : memref<10000x128xf32, #tpu.memory_space<hbm>> -> memref<160x64xf32, #tpu.memory_space<hbm>>
      %dma_start3A_105 = arith.constant 0 : i32
      %dma_start3A_106 = arith.constant 0 : i32
      %dma_start3A_107 = tpu.memref_slice %arg9[%dma_start3A_105, %dma_start3A_106] : memref<160x64xf32, #tpu.memory_space<vmem>> -> memref<160x64xf32, #tpu.memory_space<vmem>>
      tpu.enqueue_dma source(%dma_start3A_107 : memref<160x64xf32, #tpu.memory_space<vmem>>) target(%dma_start3A_104 : memref<160x64xf32, #tpu.memory_space<hbm>>) target_semaphore(%run_scoped3A : memref<!tpu.dma_semaphore, #tpu.memory_space<semaphore_mem>>)
      %dma_wait3A_108 = arith.constant 0 : i32
      %dma_wait3A_109 = arith.constant 0 : i32
      %dma_wait3A_110 = tpu.memref_slice %arg9[%dma_wait3A_108, %dma_wait3A_109] : memref<160x64xf32, #tpu.memory_space<vmem>> -> memref<160x64xf32, #tpu.memory_space<vmem>>
      %dma_wait3A_111 = tpu.memref_slice %arg5[%add3A_79, %mul3A_81] : memref<10000x128xf32, #tpu.memory_space<hbm>> -> memref<160x64xf32, #tpu.memory_space<hbm>>
      %dma_wait3A_112 = tpu.memref_slice %arg5[%add3A_79, %mul3A_81] : memref<10000x128xf32, #tpu.memory_space<hbm>> -> memref<160x64xf32, #tpu.memory_space<hbm>>
      %dma_wait3A_113 = arith.constant 0 : i32
      %dma_wait3A_114 = arith.constant 0 : i32
      %dma_wait3A_115 = tpu.memref_slice %arg9[%dma_wait3A_113, %dma_wait3A_114] : memref<160x64xf32, #tpu.memory_space<vmem>> -> memref<160x64xf32, #tpu.memory_space<vmem>>
      tpu.wait_dma2 semaphore(%run_scoped3A : memref<!tpu.dma_semaphore, #tpu.memory_space<semaphore_mem>>) src(%dma_wait3A_115 : memref<160x64xf32, #tpu.memory_space<vmem>>) dst(%dma_wait3A_112 : memref<160x64xf32, #tpu.memory_space<hbm>>)
      tpu.yield
    }) : () -> ()
    %add3A_82 = arith.constant 160 : i32
    %add3A_83 = arith.addi %mul3A_8, %add3A_82 : i32
    "tpu.region"() ({
      %run_scoped3A = tpu.sem_alloc : memref<!tpu.dma_semaphore, #tpu.memory_space<semaphore_mem>>
      %dma_start3A_100 = arith.constant 0 : i32
      %dma_start3A_101 = arith.constant 0 : i32
      %dma_start3A_102 = tpu.memref_slice %arg9[%dma_start3A_100, %dma_start3A_101] : memref<160x64xf32, #tpu.memory_space<vmem>> -> memref<160x64xf32, #tpu.memory_space<vmem>>
      %dma_start3A_103 = arith.constant 0 : i32
      %dma_start3A_104 = tpu.memref_slice %arg10[%add3A_83, %dma_start3A_103] : memref<11024x64xf32, #tpu.memory_space<vmem_shared>> -> memref<160x64xf32, #tpu.memory_space<vmem_shared>>
      %dma_start3A_105 = arith.constant 0 : i32
      %dma_start3A_106 = arith.constant 0 : i32
      %dma_start3A_107 = tpu.memref_slice %arg9[%dma_start3A_105, %dma_start3A_106] : memref<160x64xf32, #tpu.memory_space<vmem>> -> memref<160x64xf32, #tpu.memory_space<vmem>>
      %dma_start3A_108 = arith.constant 0 : i32
      %dma_start3A_109 = tpu.memref_slice %arg10[%add3A_83, %dma_start3A_108] : memref<11024x64xf32, #tpu.memory_space<vmem_shared>> -> memref<160x64xf32, #tpu.memory_space<vmem_shared>>
      tpu.enqueue_dma source(%dma_start3A_109 : memref<160x64xf32, #tpu.memory_space<vmem_shared>>) target(%dma_start3A_107 : memref<160x64xf32, #tpu.memory_space<vmem>>) target_semaphore(%run_scoped3A : memref<!tpu.dma_semaphore, #tpu.memory_space<semaphore_mem>>)
      %dma_wait3A_110 = arith.constant 0 : i32
      %dma_wait3A_111 = arith.constant 0 : i32
      %dma_wait3A_112 = tpu.memref_slice %arg9[%dma_wait3A_110, %dma_wait3A_111] : memref<160x64xf32, #tpu.memory_space<vmem>> -> memref<160x64xf32, #tpu.memory_space<vmem>>
      %dma_wait3A_113 = arith.constant 0 : i32
      %dma_wait3A_114 = tpu.memref_slice %arg10[%add3A_83, %dma_wait3A_113] : memref<11024x64xf32, #tpu.memory_space<vmem_shared>> -> memref<160x64xf32, #tpu.memory_space<vmem_shared>>
      %dma_wait3A_115 = arith.constant 0 : i32
      %dma_wait3A_116 = arith.constant 0 : i32
      %dma_wait3A_117 = tpu.memref_slice %arg9[%dma_wait3A_115, %dma_wait3A_116] : memref<160x64xf32, #tpu.memory_space<vmem>> -> memref<160x64xf32, #tpu.memory_space<vmem>>
      %dma_wait3A_118 = arith.constant 0 : i32
      %dma_wait3A_119 = tpu.memref_slice %arg10[%add3A_83, %dma_wait3A_118] : memref<11024x64xf32, #tpu.memory_space<vmem_shared>> -> memref<160x64xf32, #tpu.memory_space<vmem_shared>>
      tpu.wait_dma2 semaphore(%run_scoped3A : memref<!tpu.dma_semaphore, #tpu.memory_space<semaphore_mem>>) src(%dma_wait3A_119 : memref<160x64xf32, #tpu.memory_space<vmem_shared>>) dst(%dma_wait3A_117 : memref<160x64xf32, #tpu.memory_space<vmem>>)
      tpu.yield
    }) : () -> ()
    %add3A_84 = arith.constant 160 : i32
    %add3A_85 = arith.addi %mul3A_8, %add3A_84 : i32
    %mul3A_86 = arith.constant 64 : i32
    %mul3A_87 = arith.muli %arg0, %mul3A_86 : i32
    "tpu.region"() ({
      %run_scoped3A = tpu.sem_alloc : memref<!tpu.dma_semaphore, #tpu.memory_space<semaphore_mem>>
      %dma_start3A_100 = arith.constant 0 : i32
      %dma_start3A_101 = arith.constant 0 : i32
      %dma_start3A_102 = tpu.memref_slice %arg9[%dma_start3A_100, %dma_start3A_101] : memref<160x64xf32, #tpu.memory_space<vmem>> -> memref<160x64xf32, #tpu.memory_space<vmem>>
      %dma_start3A_103 = tpu.memref_slice %arg5[%add3A_85, %mul3A_87] : memref<10000x128xf32, #tpu.memory_space<hbm>> -> memref<160x64xf32, #tpu.memory_space<hbm>>
      %dma_start3A_104 = tpu.memref_slice %arg5[%add3A_85, %mul3A_87] : memref<10000x128xf32, #tpu.memory_space<hbm>> -> memref<160x64xf32, #tpu.memory_space<hbm>>
      %dma_start3A_105 = arith.constant 0 : i32
      %dma_start3A_106 = arith.constant 0 : i32
      %dma_start3A_107 = tpu.memref_slice %arg9[%dma_start3A_105, %dma_start3A_106] : memref<160x64xf32, #tpu.memory_space<vmem>> -> memref<160x64xf32, #tpu.memory_space<vmem>>
      tpu.enqueue_dma source(%dma_start3A_107 : memref<160x64xf32, #tpu.memory_space<vmem>>) target(%dma_start3A_104 : memref<160x64xf32, #tpu.memory_space<hbm>>) target_semaphore(%run_scoped3A : memref<!tpu.dma_semaphore, #tpu.memory_space<semaphore_mem>>)
      %dma_wait3A_108 = arith.constant 0 : i32
      %dma_wait3A_109 = arith.constant 0 : i32
      %dma_wait3A_110 = tpu.memref_slice %arg9[%dma_wait3A_108, %dma_wait3A_109] : memref<160x64xf32, #tpu.memory_space<vmem>> -> memref<160x64xf32, #tpu.memory_space<vmem>>
      %dma_wait3A_111 = tpu.memref_slice %arg5[%add3A_85, %mul3A_87] : memref<10000x128xf32, #tpu.memory_space<hbm>> -> memref<160x64xf32, #tpu.memory_space<hbm>>
      %dma_wait3A_112 = tpu.memref_slice %arg5[%add3A_85, %mul3A_87] : memref<10000x128xf32, #tpu.memory_space<hbm>> -> memref<160x64xf32, #tpu.memory_space<hbm>>
      %dma_wait3A_113 = arith.constant 0 : i32
      %dma_wait3A_114 = arith.constant 0 : i32
      %dma_wait3A_115 = tpu.memref_slice %arg9[%dma_wait3A_113, %dma_wait3A_114] : memref<160x64xf32, #tpu.memory_space<vmem>> -> memref<160x64xf32, #tpu.memory_space<vmem>>
      tpu.wait_dma2 semaphore(%run_scoped3A : memref<!tpu.dma_semaphore, #tpu.memory_space<semaphore_mem>>) src(%dma_wait3A_115 : memref<160x64xf32, #tpu.memory_space<vmem>>) dst(%dma_wait3A_112 : memref<160x64xf32, #tpu.memory_space<hbm>>)
      tpu.yield
    }) : () -> ()
    %add3A_88 = arith.constant 320 : i32
    %add3A_89 = arith.addi %mul3A_8, %add3A_88 : i32
    "tpu.region"() ({
      %run_scoped3A = tpu.sem_alloc : memref<!tpu.dma_semaphore, #tpu.memory_space<semaphore_mem>>
      %dma_start3A_100 = arith.constant 0 : i32
      %dma_start3A_101 = arith.constant 0 : i32
      %dma_start3A_102 = tpu.memref_slice %arg9[%dma_start3A_100, %dma_start3A_101] : memref<160x64xf32, #tpu.memory_space<vmem>> -> memref<160x64xf32, #tpu.memory_space<vmem>>
      %dma_start3A_103 = arith.constant 0 : i32
      %dma_start3A_104 = tpu.memref_slice %arg10[%add3A_89, %dma_start3A_103] : memref<11024x64xf32, #tpu.memory_space<vmem_shared>> -> memref<160x64xf32, #tpu.memory_space<vmem_shared>>
      %dma_start3A_105 = arith.constant 0 : i32
      %dma_start3A_106 = arith.constant 0 : i32
      %dma_start3A_107 = tpu.memref_slice %arg9[%dma_start3A_105, %dma_start3A_106] : memref<160x64xf32, #tpu.memory_space<vmem>> -> memref<160x64xf32, #tpu.memory_space<vmem>>
      %dma_start3A_108 = arith.constant 0 : i32
      %dma_start3A_109 = tpu.memref_slice %arg10[%add3A_89, %dma_start3A_108] : memref<11024x64xf32, #tpu.memory_space<vmem_shared>> -> memref<160x64xf32, #tpu.memory_space<vmem_shared>>
      tpu.enqueue_dma source(%dma_start3A_109 : memref<160x64xf32, #tpu.memory_space<vmem_shared>>) target(%dma_start3A_107 : memref<160x64xf32, #tpu.memory_space<vmem>>) target_semaphore(%run_scoped3A : memref<!tpu.dma_semaphore, #tpu.memory_space<semaphore_mem>>)
      %dma_wait3A_110 = arith.constant 0 : i32
      %dma_wait3A_111 = arith.constant 0 : i32
      %dma_wait3A_112 = tpu.memref_slice %arg9[%dma_wait3A_110, %dma_wait3A_111] : memref<160x64xf32, #tpu.memory_space<vmem>> -> memref<160x64xf32, #tpu.memory_space<vmem>>
      %dma_wait3A_113 = arith.constant 0 : i32
      %dma_wait3A_114 = tpu.memref_slice %arg10[%add3A_89, %dma_wait3A_113] : memref<11024x64xf32, #tpu.memory_space<vmem_shared>> -> memref<160x64xf32, #tpu.memory_space<vmem_shared>>
      %dma_wait3A_115 = arith.constant 0 : i32
      %dma_wait3A_116 = arith.constant 0 : i32
      %dma_wait3A_117 = tpu.memref_slice %arg9[%dma_wait3A_115, %dma_wait3A_116] : memref<160x64xf32, #tpu.memory_space<vmem>> -> memref<160x64xf32, #tpu.memory_space<vmem>>
      %dma_wait3A_118 = arith.constant 0 : i32
      %dma_wait3A_119 = tpu.memref_slice %arg10[%add3A_89, %dma_wait3A_118] : memref<11024x64xf32, #tpu.memory_space<vmem_shared>> -> memref<160x64xf32, #tpu.memory_space<vmem_shared>>
      tpu.wait_dma2 semaphore(%run_scoped3A : memref<!tpu.dma_semaphore, #tpu.memory_space<semaphore_mem>>) src(%dma_wait3A_119 : memref<160x64xf32, #tpu.memory_space<vmem_shared>>) dst(%dma_wait3A_117 : memref<160x64xf32, #tpu.memory_space<vmem>>)
      tpu.yield
    }) : () -> ()
    %add3A_90 = arith.constant 320 : i32
    %add3A_91 = arith.addi %mul3A_8, %add3A_90 : i32
    %mul3A_92 = arith.constant 64 : i32
    %mul3A_93 = arith.muli %arg0, %mul3A_92 : i32
    "tpu.region"() ({
      %run_scoped3A = tpu.sem_alloc : memref<!tpu.dma_semaphore, #tpu.memory_space<semaphore_mem>>
      %dma_start3A_100 = arith.constant 0 : i32
      %dma_start3A_101 = arith.constant 0 : i32
      %dma_start3A_102 = tpu.memref_slice %arg9[%dma_start3A_100, %dma_start3A_101] : memref<160x64xf32, #tpu.memory_space<vmem>> -> memref<160x64xf32, #tpu.memory_space<vmem>>
      %dma_start3A_103 = tpu.memref_slice %arg5[%add3A_91, %mul3A_93] : memref<10000x128xf32, #tpu.memory_space<hbm>> -> memref<160x64xf32, #tpu.memory_space<hbm>>
      %dma_start3A_104 = tpu.memref_slice %arg5[%add3A_91, %mul3A_93] : memref<10000x128xf32, #tpu.memory_space<hbm>> -> memref<160x64xf32, #tpu.memory_space<hbm>>
      %dma_start3A_105 = arith.constant 0 : i32
      %dma_start3A_106 = arith.constant 0 : i32
      %dma_start3A_107 = tpu.memref_slice %arg9[%dma_start3A_105, %dma_start3A_106] : memref<160x64xf32, #tpu.memory_space<vmem>> -> memref<160x64xf32, #tpu.memory_space<vmem>>
      tpu.enqueue_dma source(%dma_start3A_107 : memref<160x64xf32, #tpu.memory_space<vmem>>) target(%dma_start3A_104 : memref<160x64xf32, #tpu.memory_space<hbm>>) target_semaphore(%run_scoped3A : memref<!tpu.dma_semaphore, #tpu.memory_space<semaphore_mem>>)
      %dma_wait3A_108 = arith.constant 0 : i32
      %dma_wait3A_109 = arith.constant 0 : i32
      %dma_wait3A_110 = tpu.memref_slice %arg9[%dma_wait3A_108, %dma_wait3A_109] : memref<160x64xf32, #tpu.memory_space<vmem>> -> memref<160x64xf32, #tpu.memory_space<vmem>>
      %dma_wait3A_111 = tpu.memref_slice %arg5[%add3A_91, %mul3A_93] : memref<10000x128xf32, #tpu.memory_space<hbm>> -> memref<160x64xf32, #tpu.memory_space<hbm>>
      %dma_wait3A_112 = tpu.memref_slice %arg5[%add3A_91, %mul3A_93] : memref<10000x128xf32, #tpu.memory_space<hbm>> -> memref<160x64xf32, #tpu.memory_space<hbm>>
      %dma_wait3A_113 = arith.constant 0 : i32
      %dma_wait3A_114 = arith.constant 0 : i32
      %dma_wait3A_115 = tpu.memref_slice %arg9[%dma_wait3A_113, %dma_wait3A_114] : memref<160x64xf32, #tpu.memory_space<vmem>> -> memref<160x64xf32, #tpu.memory_space<vmem>>
      tpu.wait_dma2 semaphore(%run_scoped3A : memref<!tpu.dma_semaphore, #tpu.memory_space<semaphore_mem>>) src(%dma_wait3A_115 : memref<160x64xf32, #tpu.memory_space<vmem>>) dst(%dma_wait3A_112 : memref<160x64xf32, #tpu.memory_space<hbm>>)
      tpu.yield
    }) : () -> ()
    %add3A_94 = arith.constant 480 : i32
    %add3A_95 = arith.addi %mul3A_8, %add3A_94 : i32
    "tpu.region"() ({
      %run_scoped3A = tpu.sem_alloc : memref<!tpu.dma_semaphore, #tpu.memory_space<semaphore_mem>>
      %dma_start3A_100 = arith.constant 0 : i32
      %dma_start3A_101 = arith.constant 0 : i32
      %dma_start3A_102 = tpu.memref_slice %arg9[%dma_start3A_100, %dma_start3A_101] : memref<160x64xf32, #tpu.memory_space<vmem>> -> memref<145x64xf32, #tpu.memory_space<vmem>>
      %dma_start3A_103 = arith.constant 0 : i32
      %dma_start3A_104 = tpu.memref_slice %arg10[%add3A_95, %dma_start3A_103] : memref<11024x64xf32, #tpu.memory_space<vmem_shared>> -> memref<145x64xf32, #tpu.memory_space<vmem_shared>>
      %dma_start3A_105 = arith.constant 0 : i32
      %dma_start3A_106 = arith.constant 0 : i32
      %dma_start3A_107 = tpu.memref_slice %arg9[%dma_start3A_105, %dma_start3A_106] : memref<160x64xf32, #tpu.memory_space<vmem>> -> memref<145x64xf32, #tpu.memory_space<vmem>>
      %dma_start3A_108 = arith.constant 0 : i32
      %dma_start3A_109 = tpu.memref_slice %arg10[%add3A_95, %dma_start3A_108] : memref<11024x64xf32, #tpu.memory_space<vmem_shared>> -> memref<145x64xf32, #tpu.memory_space<vmem_shared>>
      tpu.enqueue_dma source(%dma_start3A_109 : memref<145x64xf32, #tpu.memory_space<vmem_shared>>) target(%dma_start3A_107 : memref<145x64xf32, #tpu.memory_space<vmem>>) target_semaphore(%run_scoped3A : memref<!tpu.dma_semaphore, #tpu.memory_space<semaphore_mem>>)
      %dma_wait3A_110 = arith.constant 0 : i32
      %dma_wait3A_111 = arith.constant 0 : i32
      %dma_wait3A_112 = tpu.memref_slice %arg9[%dma_wait3A_110, %dma_wait3A_111] : memref<160x64xf32, #tpu.memory_space<vmem>> -> memref<145x64xf32, #tpu.memory_space<vmem>>
      %dma_wait3A_113 = arith.constant 0 : i32
      %dma_wait3A_114 = tpu.memref_slice %arg10[%add3A_95, %dma_wait3A_113] : memref<11024x64xf32, #tpu.memory_space<vmem_shared>> -> memref<145x64xf32, #tpu.memory_space<vmem_shared>>
      %dma_wait3A_115 = arith.constant 0 : i32
      %dma_wait3A_116 = arith.constant 0 : i32
      %dma_wait3A_117 = tpu.memref_slice %arg9[%dma_wait3A_115, %dma_wait3A_116] : memref<160x64xf32, #tpu.memory_space<vmem>> -> memref<145x64xf32, #tpu.memory_space<vmem>>
      %dma_wait3A_118 = arith.constant 0 : i32
      %dma_wait3A_119 = tpu.memref_slice %arg10[%add3A_95, %dma_wait3A_118] : memref<11024x64xf32, #tpu.memory_space<vmem_shared>> -> memref<145x64xf32, #tpu.memory_space<vmem_shared>>
      tpu.wait_dma2 semaphore(%run_scoped3A : memref<!tpu.dma_semaphore, #tpu.memory_space<semaphore_mem>>) src(%dma_wait3A_119 : memref<145x64xf32, #tpu.memory_space<vmem_shared>>) dst(%dma_wait3A_117 : memref<145x64xf32, #tpu.memory_space<vmem>>)
      tpu.yield
    }) : () -> ()
    %add3A_96 = arith.constant 480 : i32
    %add3A_97 = arith.addi %mul3A_8, %add3A_96 : i32
    %mul3A_98 = arith.constant 64 : i32
    %mul3A_99 = arith.muli %arg0, %mul3A_98 : i32
    "tpu.region"() ({
      %run_scoped3A = tpu.sem_alloc : memref<!tpu.dma_semaphore, #tpu.memory_space<semaphore_mem>>
      %dma_start3A_100 = arith.constant 0 : i32
      %dma_start3A_101 = arith.constant 0 : i32
      %dma_start3A_102 = tpu.memref_slice %arg9[%dma_start3A_100, %dma_start3A_101] : memref<160x64xf32, #tpu.memory_space<vmem>> -> memref<145x64xf32, #tpu.memory_space<vmem>>
      %dma_start3A_103 = tpu.memref_slice %arg5[%add3A_97, %mul3A_99] : memref<10000x128xf32, #tpu.memory_space<hbm>> -> memref<145x64xf32, #tpu.memory_space<hbm>>
      %dma_start3A_104 = tpu.memref_slice %arg5[%add3A_97, %mul3A_99] : memref<10000x128xf32, #tpu.memory_space<hbm>> -> memref<145x64xf32, #tpu.memory_space<hbm>>
      %dma_start3A_105 = arith.constant 0 : i32
      %dma_start3A_106 = arith.constant 0 : i32
      %dma_start3A_107 = tpu.memref_slice %arg9[%dma_start3A_105, %dma_start3A_106] : memref<160x64xf32, #tpu.memory_space<vmem>> -> memref<145x64xf32, #tpu.memory_space<vmem>>
      tpu.enqueue_dma source(%dma_start3A_107 : memref<145x64xf32, #tpu.memory_space<vmem>>) target(%dma_start3A_104 : memref<145x64xf32, #tpu.memory_space<hbm>>) target_semaphore(%run_scoped3A : memref<!tpu.dma_semaphore, #tpu.memory_space<semaphore_mem>>)
      %dma_wait3A_108 = arith.constant 0 : i32
      %dma_wait3A_109 = arith.constant 0 : i32
      %dma_wait3A_110 = tpu.memref_slice %arg9[%dma_wait3A_108, %dma_wait3A_109] : memref<160x64xf32, #tpu.memory_space<vmem>> -> memref<145x64xf32, #tpu.memory_space<vmem>>
      %dma_wait3A_111 = tpu.memref_slice %arg5[%add3A_97, %mul3A_99] : memref<10000x128xf32, #tpu.memory_space<hbm>> -> memref<145x64xf32, #tpu.memory_space<hbm>>
      %dma_wait3A_112 = tpu.memref_slice %arg5[%add3A_97, %mul3A_99] : memref<10000x128xf32, #tpu.memory_space<hbm>> -> memref<145x64xf32, #tpu.memory_space<hbm>>
      %dma_wait3A_113 = arith.constant 0 : i32
      %dma_wait3A_114 = arith.constant 0 : i32
      %dma_wait3A_115 = tpu.memref_slice %arg9[%dma_wait3A_113, %dma_wait3A_114] : memref<160x64xf32, #tpu.memory_space<vmem>> -> memref<145x64xf32, #tpu.memory_space<vmem>>
      tpu.wait_dma2 semaphore(%run_scoped3A : memref<!tpu.dma_semaphore, #tpu.memory_space<semaphore_mem>>) src(%dma_wait3A_115 : memref<145x64xf32, #tpu.memory_space<vmem>>) dst(%dma_wait3A_112 : memref<145x64xf32, #tpu.memory_space<hbm>>)
      tpu.yield
    }) : () -> ()
    return
  }
}

#map = affine_map<(d0, d1) -> (0, 0)>
module attributes {stable_mosaic.version = 14 : i64} {
  func.func @segsum(%arg0: i32, %arg1: i32, %arg2: memref<20000x64xf32, #tpu.memory_space<hbm>>, %arg3: memref<2560x128xi32, #tpu.memory_space<hbm>>, %arg4: memref<2560x128xi32, #tpu.memory_space<hbm>>, %arg5: memref<10000x128xf32, #tpu.memory_space<hbm>>, %arg6: memref<80x128xi32, #tpu.memory_space<vmem>>, %arg7: memref<80x128xi32, #tpu.memory_space<vmem>>, %arg8: memref<640x64xf32, #tpu.memory_space<vmem>>, %arg9: memref<160x64xf32, #tpu.memory_space<vmem>>, %arg10: memref<11024x64xf32, #tpu.memory_space<vmem_shared>>, %arg11: memref<!tpu.dma_semaphore, #tpu.memory_space<semaphore_mem>>, %arg12: memref<!tpu.dma_semaphore, #tpu.memory_space<semaphore_mem>>) attributes {dimension_semantics = [#tpu.dimension_semantics<core_parallel>, #tpu.dimension_semantics<subcore_parallel>], iteration_bounds = array<i64: 2, 16>, scalar_prefetch = 0 : i64, scratch_operands = 7 : i64, tpu.core_type = #tpu.core_type<sc_vector_subcore>, window_params = [{transform_indices = #map}, {transform_indices = #map}, {transform_indices = #map}, {transform_indices = #map}]} {
    %mul3A = arith.constant 16 : i32
    %mul3A_0 = arith.muli %arg0, %mul3A : i32
    %add3A = arith.addi %mul3A_0, %arg1 : i32
    %broadcast_in_dim3A = arith.constant 0.000000e+00 : f32
    %broadcast_in_dim3A_1 = vector.broadcast %broadcast_in_dim3A : f32 to vector<16xf32>
    %scan3A = arith.constant 0 : i32
    %scan3A_2 = arith.constant 0 : i32
    %scan3A_3 = arith.constant 160 : i32
    %scan3A_4 = arith.addi %scan3A_2, %scan3A_3 : i32
    %scan3A_5 = arith.constant 1 : i32
    scf.for %scan3A_100 = %scan3A_2 to %scan3A_4 step %scan3A_5  : i32 {
      %swap3A = arith.index_cast %scan3A_100 : i32 to index
      %swap3A_101 = arith.constant 0 : index
      %swap3A_102 = tpu.vector_load %arg9[%swap3A, %swap3A_101] {strides = array<i32>} : memref<160x64xf32, #tpu.memory_space<vmem>>, vector<1x16xf32>,
      %swap3A_103 = vector.shape_cast %swap3A_102 : vector<1x16xf32> to vector<16xf32>
      %swap3A_104 = vector.shape_cast %broadcast_in_dim3A_1 : vector<16xf32> to vector<1x16xf32>
      tpu.vector_store %arg9[%swap3A, %swap3A_101], %swap3A_104 {strides = array<i32>} : memref<160x64xf32, #tpu.memory_space<vmem>>, vector<1x16xf32>,
      %swap3A_105 = arith.index_cast %scan3A_100 : i32 to index
      %swap3A_106 = arith.constant 16 : index
      %swap3A_107 = tpu.vector_load %arg9[%swap3A_105, %swap3A_106] {strides = array<i32>} : memref<160x64xf32, #tpu.memory_space<vmem>>, vector<1x16xf32>,
      %swap3A_108 = vector.shape_cast %swap3A_107 : vector<1x16xf32> to vector<16xf32>
      %swap3A_109 = vector.shape_cast %broadcast_in_dim3A_1 : vector<16xf32> to vector<1x16xf32>
      tpu.vector_store %arg9[%swap3A_105, %swap3A_106], %swap3A_109 {strides = array<i32>} : memref<160x64xf32, #tpu.memory_space<vmem>>, vector<1x16xf32>,
      %swap3A_110 = arith.index_cast %scan3A_100 : i32 to index
      %swap3A_111 = arith.constant 32 : index
      %swap3A_112 = tpu.vector_load %arg9[%swap3A_110, %swap3A_111] {strides = array<i32>} : memref<160x64xf32, #tpu.memory_space<vmem>>, vector<1x16xf32>,
      %swap3A_113 = vector.shape_cast %swap3A_112 : vector<1x16xf32> to vector<16xf32>
      %swap3A_114 = vector.shape_cast %broadcast_in_dim3A_1 : vector<16xf32> to vector<1x16xf32>
      tpu.vector_store %arg9[%swap3A_110, %swap3A_111], %swap3A_114 {strides = array<i32>} : memref<160x64xf32, #tpu.memory_space<vmem>>, vector<1x16xf32>,
      %swap3A_115 = arith.index_cast %scan3A_100 : i32 to index
      %swap3A_116 = arith.constant 48 : index
      %swap3A_117 = tpu.vector_load %arg9[%swap3A_115, %swap3A_116] {strides = array<i32>} : memref<160x64xf32, #tpu.memory_space<vmem>>, vector<1x16xf32>,
      %swap3A_118 = vector.shape_cast %swap3A_117 : vector<1x16xf32> to vector<16xf32>
      %swap3A_119 = vector.shape_cast %broadcast_in_dim3A_1 : vector<16xf32> to vector<1x16xf32>
      tpu.vector_store %arg9[%swap3A_115, %swap3A_116], %swap3A_119 {strides = array<i32>} : memref<160x64xf32, #tpu.memory_space<vmem>>, vector<1x16xf32>,
    }
    %scan3A_6 = arith.constant 160 : i32
    %mul3A_7 = arith.constant 625 : i32
    %mul3A_8 = arith.muli %arg1, %mul3A_7 : i32
    %add3A_9 = arith.constant 0 : i32
    %add3A_10 = arith.addi %mul3A_8, %add3A_9 : i32
    "tpu.region"() ({
      %run_scoped3A = tpu.sem_alloc : memref<!tpu.dma_semaphore, #tpu.memory_space<semaphore_mem>>
      %dma_start3A_100 = arith.constant 0 : i32
      %dma_start3A_101 = arith.constant 0 : i32
      %dma_start3A_102 = tpu.memref_slice %arg9[%dma_start3A_100, %dma_start3A_101] : memref<160x64xf32, #tpu.memory_space<vmem>> -> memref<160x64xf32, #tpu.memory_space<vmem>>
      %dma_start3A_103 = arith.constant 0 : i32
      %dma_start3A_104 = tpu.memref_slice %arg10[%add3A_10, %dma_start3A_103] : memref<11024x64xf32, #tpu.memory_space<vmem_shared>> -> memref<160x64xf32, #tpu.memory_space<vmem_shared>>
      %dma_start3A_105 = arith.constant 0 : i32
      %dma_start3A_106 = tpu.memref_slice %arg10[%add3A_10, %dma_start3A_105] : memref<11024x64xf32, #tpu.memory_space<vmem_shared>> -> memref<160x64xf32, #tpu.memory_space<vmem_shared>>
      %dma_start3A_107 = arith.constant 0 : i32
      %dma_start3A_108 = arith.constant 0 : i32
      %dma_start3A_109 = tpu.memref_slice %arg9[%dma_start3A_107, %dma_start3A_108] : memref<160x64xf32, #tpu.memory_space<vmem>> -> memref<160x64xf32, #tpu.memory_space<vmem>>
      tpu.enqueue_dma source(%dma_start3A_109 : memref<160x64xf32, #tpu.memory_space<vmem>>) target(%dma_start3A_106 : memref<160x64xf32, #tpu.memory_space<vmem_shared>>) target_semaphore(%run_scoped3A : memref<!tpu.dma_semaphore, #tpu.memory_space<semaphore_mem>>)
      %dma_wait3A_110 = arith.constant 0 : i32
      %dma_wait3A_111 = arith.constant 0 : i32
      %dma_wait3A_112 = tpu.memref_slice %arg9[%dma_wait3A_110, %dma_wait3A_111] : memref<160x64xf32, #tpu.memory_space<vmem>> -> memref<160x64xf32, #tpu.memory_space<vmem>>
      %dma_wait3A_113 = arith.constant 0 : i32
      %dma_wait3A_114 = tpu.memref_slice %arg10[%add3A_10, %dma_wait3A_113] : memref<11024x64xf32, #tpu.memory_space<vmem_shared>> -> memref<160x64xf32, #tpu.memory_space<vmem_shared>>
      %dma_wait3A_115 = arith.constant 0 : i32
      %dma_wait3A_116 = tpu.memref_slice %arg10[%add3A_10, %dma_wait3A_115] : memref<11024x64xf32, #tpu.memory_space<vmem_shared>> -> memref<160x64xf32, #tpu.memory_space<vmem_shared>>
      %dma_wait3A_117 = arith.constant 0 : i32
      %dma_wait3A_118 = arith.constant 0 : i32
      %dma_wait3A_119 = tpu.memref_slice %arg9[%dma_wait3A_117, %dma_wait3A_118] : memref<160x64xf32, #tpu.memory_space<vmem>> -> memref<160x64xf32, #tpu.memory_space<vmem>>
      tpu.wait_dma2 semaphore(%run_scoped3A : memref<!tpu.dma_semaphore, #tpu.memory_space<semaphore_mem>>) src(%dma_wait3A_119 : memref<160x64xf32, #tpu.memory_space<vmem>>) dst(%dma_wait3A_116 : memref<160x64xf32, #tpu.memory_space<vmem_shared>>)
      tpu.yield
    }) : () -> ()
    %add3A_11 = arith.constant 160 : i32
    %add3A_12 = arith.addi %mul3A_8, %add3A_11 : i32
    "tpu.region"() ({
      %run_scoped3A = tpu.sem_alloc : memref<!tpu.dma_semaphore, #tpu.memory_space<semaphore_mem>>
      %dma_start3A_100 = arith.constant 0 : i32
      %dma_start3A_101 = arith.constant 0 : i32
      %dma_start3A_102 = tpu.memref_slice %arg9[%dma_start3A_100, %dma_start3A_101] : memref<160x64xf32, #tpu.memory_space<vmem>> -> memref<160x64xf32, #tpu.memory_space<vmem>>
      %dma_start3A_103 = arith.constant 0 : i32
      %dma_start3A_104 = tpu.memref_slice %arg10[%add3A_12, %dma_start3A_103] : memref<11024x64xf32, #tpu.memory_space<vmem_shared>> -> memref<160x64xf32, #tpu.memory_space<vmem_shared>>
      %dma_start3A_105 = arith.constant 0 : i32
      %dma_start3A_106 = tpu.memref_slice %arg10[%add3A_12, %dma_start3A_105] : memref<11024x64xf32, #tpu.memory_space<vmem_shared>> -> memref<160x64xf32, #tpu.memory_space<vmem_shared>>
      %dma_start3A_107 = arith.constant 0 : i32
      %dma_start3A_108 = arith.constant 0 : i32
      %dma_start3A_109 = tpu.memref_slice %arg9[%dma_start3A_107, %dma_start3A_108] : memref<160x64xf32, #tpu.memory_space<vmem>> -> memref<160x64xf32, #tpu.memory_space<vmem>>
      tpu.enqueue_dma source(%dma_start3A_109 : memref<160x64xf32, #tpu.memory_space<vmem>>) target(%dma_start3A_106 : memref<160x64xf32, #tpu.memory_space<vmem_shared>>) target_semaphore(%run_scoped3A : memref<!tpu.dma_semaphore, #tpu.memory_space<semaphore_mem>>)
      %dma_wait3A_110 = arith.constant 0 : i32
      %dma_wait3A_111 = arith.constant 0 : i32
      %dma_wait3A_112 = tpu.memref_slice %arg9[%dma_wait3A_110, %dma_wait3A_111] : memref<160x64xf32, #tpu.memory_space<vmem>> -> memref<160x64xf32, #tpu.memory_space<vmem>>
      %dma_wait3A_113 = arith.constant 0 : i32
      %dma_wait3A_114 = tpu.memref_slice %arg10[%add3A_12, %dma_wait3A_113] : memref<11024x64xf32, #tpu.memory_space<vmem_shared>> -> memref<160x64xf32, #tpu.memory_space<vmem_shared>>
      %dma_wait3A_115 = arith.constant 0 : i32
      %dma_wait3A_116 = tpu.memref_slice %arg10[%add3A_12, %dma_wait3A_115] : memref<11024x64xf32, #tpu.memory_space<vmem_shared>> -> memref<160x64xf32, #tpu.memory_space<vmem_shared>>
      %dma_wait3A_117 = arith.constant 0 : i32
      %dma_wait3A_118 = arith.constant 0 : i32
      %dma_wait3A_119 = tpu.memref_slice %arg9[%dma_wait3A_117, %dma_wait3A_118] : memref<160x64xf32, #tpu.memory_space<vmem>> -> memref<160x64xf32, #tpu.memory_space<vmem>>
      tpu.wait_dma2 semaphore(%run_scoped3A : memref<!tpu.dma_semaphore, #tpu.memory_space<semaphore_mem>>) src(%dma_wait3A_119 : memref<160x64xf32, #tpu.memory_space<vmem>>) dst(%dma_wait3A_116 : memref<160x64xf32, #tpu.memory_space<vmem_shared>>)
      tpu.yield
    }) : () -> ()
    %add3A_13 = arith.constant 320 : i32
    %add3A_14 = arith.addi %mul3A_8, %add3A_13 : i32
    "tpu.region"() ({
      %run_scoped3A = tpu.sem_alloc : memref<!tpu.dma_semaphore, #tpu.memory_space<semaphore_mem>>
      %dma_start3A_100 = arith.constant 0 : i32
      %dma_start3A_101 = arith.constant 0 : i32
      %dma_start3A_102 = tpu.memref_slice %arg9[%dma_start3A_100, %dma_start3A_101] : memref<160x64xf32, #tpu.memory_space<vmem>> -> memref<160x64xf32, #tpu.memory_space<vmem>>
      %dma_start3A_103 = arith.constant 0 : i32
      %dma_start3A_104 = tpu.memref_slice %arg10[%add3A_14, %dma_start3A_103] : memref<11024x64xf32, #tpu.memory_space<vmem_shared>> -> memref<160x64xf32, #tpu.memory_space<vmem_shared>>
      %dma_start3A_105 = arith.constant 0 : i32
      %dma_start3A_106 = tpu.memref_slice %arg10[%add3A_14, %dma_start3A_105] : memref<11024x64xf32, #tpu.memory_space<vmem_shared>> -> memref<160x64xf32, #tpu.memory_space<vmem_shared>>
      %dma_start3A_107 = arith.constant 0 : i32
      %dma_start3A_108 = arith.constant 0 : i32
      %dma_start3A_109 = tpu.memref_slice %arg9[%dma_start3A_107, %dma_start3A_108] : memref<160x64xf32, #tpu.memory_space<vmem>> -> memref<160x64xf32, #tpu.memory_space<vmem>>
      tpu.enqueue_dma source(%dma_start3A_109 : memref<160x64xf32, #tpu.memory_space<vmem>>) target(%dma_start3A_106 : memref<160x64xf32, #tpu.memory_space<vmem_shared>>) target_semaphore(%run_scoped3A : memref<!tpu.dma_semaphore, #tpu.memory_space<semaphore_mem>>)
      %dma_wait3A_110 = arith.constant 0 : i32
      %dma_wait3A_111 = arith.constant 0 : i32
      %dma_wait3A_112 = tpu.memref_slice %arg9[%dma_wait3A_110, %dma_wait3A_111] : memref<160x64xf32, #tpu.memory_space<vmem>> -> memref<160x64xf32, #tpu.memory_space<vmem>>
      %dma_wait3A_113 = arith.constant 0 : i32
      %dma_wait3A_114 = tpu.memref_slice %arg10[%add3A_14, %dma_wait3A_113] : memref<11024x64xf32, #tpu.memory_space<vmem_shared>> -> memref<160x64xf32, #tpu.memory_space<vmem_shared>>
      %dma_wait3A_115 = arith.constant 0 : i32
      %dma_wait3A_116 = tpu.memref_slice %arg10[%add3A_14, %dma_wait3A_115] : memref<11024x64xf32, #tpu.memory_space<vmem_shared>> -> memref<160x64xf32, #tpu.memory_space<vmem_shared>>
      %dma_wait3A_117 = arith.constant 0 : i32
      %dma_wait3A_118 = arith.constant 0 : i32
      %dma_wait3A_119 = tpu.memref_slice %arg9[%dma_wait3A_117, %dma_wait3A_118] : memref<160x64xf32, #tpu.memory_space<vmem>> -> memref<160x64xf32, #tpu.memory_space<vmem>>
      tpu.wait_dma2 semaphore(%run_scoped3A : memref<!tpu.dma_semaphore, #tpu.memory_space<semaphore_mem>>) src(%dma_wait3A_119 : memref<160x64xf32, #tpu.memory_space<vmem>>) dst(%dma_wait3A_116 : memref<160x64xf32, #tpu.memory_space<vmem_shared>>)
      tpu.yield
    }) : () -> ()
    %add3A_15 = arith.constant 480 : i32
    %add3A_16 = arith.addi %mul3A_8, %add3A_15 : i32
    "tpu.region"() ({
      %run_scoped3A = tpu.sem_alloc : memref<!tpu.dma_semaphore, #tpu.memory_space<semaphore_mem>>
      %dma_start3A_100 = arith.constant 0 : i32
      %dma_start3A_101 = arith.constant 0 : i32
      %dma_start3A_102 = tpu.memref_slice %arg9[%dma_start3A_100, %dma_start3A_101] : memref<160x64xf32, #tpu.memory_space<vmem>> -> memref<145x64xf32, #tpu.memory_space<vmem>>
      %dma_start3A_103 = arith.constant 0 : i32
      %dma_start3A_104 = tpu.memref_slice %arg10[%add3A_16, %dma_start3A_103] : memref<11024x64xf32, #tpu.memory_space<vmem_shared>> -> memref<145x64xf32, #tpu.memory_space<vmem_shared>>
      %dma_start3A_105 = arith.constant 0 : i32
      %dma_start3A_106 = tpu.memref_slice %arg10[%add3A_16, %dma_start3A_105] : memref<11024x64xf32, #tpu.memory_space<vmem_shared>> -> memref<145x64xf32, #tpu.memory_space<vmem_shared>>
      %dma_start3A_107 = arith.constant 0 : i32
      %dma_start3A_108 = arith.constant 0 : i32
      %dma_start3A_109 = tpu.memref_slice %arg9[%dma_start3A_107, %dma_start3A_108] : memref<160x64xf32, #tpu.memory_space<vmem>> -> memref<145x64xf32, #tpu.memory_space<vmem>>
      tpu.enqueue_dma source(%dma_start3A_109 : memref<145x64xf32, #tpu.memory_space<vmem>>) target(%dma_start3A_106 : memref<145x64xf32, #tpu.memory_space<vmem_shared>>) target_semaphore(%run_scoped3A : memref<!tpu.dma_semaphore, #tpu.memory_space<semaphore_mem>>)
      %dma_wait3A_110 = arith.constant 0 : i32
      %dma_wait3A_111 = arith.constant 0 : i32
      %dma_wait3A_112 = tpu.memref_slice %arg9[%dma_wait3A_110, %dma_wait3A_111] : memref<160x64xf32, #tpu.memory_space<vmem>> -> memref<145x64xf32, #tpu.memory_space<vmem>>
      %dma_wait3A_113 = arith.constant 0 : i32
      %dma_wait3A_114 = tpu.memref_slice %arg10[%add3A_16, %dma_wait3A_113] : memref<11024x64xf32, #tpu.memory_space<vmem_shared>> -> memref<145x64xf32, #tpu.memory_space<vmem_shared>>
      %dma_wait3A_115 = arith.constant 0 : i32
      %dma_wait3A_116 = tpu.memref_slice %arg10[%add3A_16, %dma_wait3A_115] : memref<11024x64xf32, #tpu.memory_space<vmem_shared>> -> memref<145x64xf32, #tpu.memory_space<vmem_shared>>
      %dma_wait3A_117 = arith.constant 0 : i32
      %dma_wait3A_118 = arith.constant 0 : i32
      %dma_wait3A_119 = tpu.memref_slice %arg9[%dma_wait3A_117, %dma_wait3A_118] : memref<160x64xf32, #tpu.memory_space<vmem>> -> memref<145x64xf32, #tpu.memory_space<vmem>>
      tpu.wait_dma2 semaphore(%run_scoped3A : memref<!tpu.dma_semaphore, #tpu.memory_space<semaphore_mem>>) src(%dma_wait3A_119 : memref<145x64xf32, #tpu.memory_space<vmem>>) dst(%dma_wait3A_116 : memref<145x64xf32, #tpu.memory_space<vmem_shared>>)
      tpu.yield
    }) : () -> ()
    %mul3A_17 = arith.constant 80 : i32
    %mul3A_18 = arith.muli %add3A, %mul3A_17 : i32
    "tpu.region"() ({
      %run_scoped3A = tpu.sem_alloc : memref<!tpu.dma_semaphore, #tpu.memory_space<semaphore_mem>>
      %dma_start3A_100 = arith.constant 0 : i32
      %dma_start3A_101 = tpu.memref_slice %arg3[%mul3A_18, %dma_start3A_100] : memref<2560x128xi32, #tpu.memory_space<hbm>> -> memref<80x128xi32, #tpu.memory_space<hbm>>
      %dma_start3A_102 = arith.constant 0 : i32
      %dma_start3A_103 = tpu.memref_slice %arg3[%mul3A_18, %dma_start3A_102] : memref<2560x128xi32, #tpu.memory_space<hbm>> -> memref<80x128xi32, #tpu.memory_space<hbm>>
      tpu.enqueue_dma source(%dma_start3A_103 : memref<80x128xi32, #tpu.memory_space<hbm>>) target(%arg6 : memref<80x128xi32, #tpu.memory_space<vmem>>) target_semaphore(%run_scoped3A : memref<!tpu.dma_semaphore, #tpu.memory_space<semaphore_mem>>)
      %dma_wait3A_104 = arith.constant 0 : i32
      %dma_wait3A_105 = tpu.memref_slice %arg3[%mul3A_18, %dma_wait3A_104] : memref<2560x128xi32, #tpu.memory_space<hbm>> -> memref<80x128xi32, #tpu.memory_space<hbm>>
      %dma_wait3A_106 = arith.constant 0 : i32
      %dma_wait3A_107 = tpu.memref_slice %arg3[%mul3A_18, %dma_wait3A_106] : memref<2560x128xi32, #tpu.memory_space<hbm>> -> memref<80x128xi32, #tpu.memory_space<hbm>>
      tpu.wait_dma2 semaphore(%run_scoped3A : memref<!tpu.dma_semaphore, #tpu.memory_space<semaphore_mem>>) src(%dma_wait3A_107 : memref<80x128xi32, #tpu.memory_space<hbm>>) dst(%arg6 : memref<80x128xi32, #tpu.memory_space<vmem>>)
      tpu.yield
    }) : () -> ()
    %mul3A_19 = arith.constant 80 : i32
    %mul3A_20 = arith.muli %add3A, %mul3A_19 : i32
    "tpu.region"() ({
      %run_scoped3A = tpu.sem_alloc : memref<!tpu.dma_semaphore, #tpu.memory_space<semaphore_mem>>
      %dma_start3A_100 = arith.constant 0 : i32
      %dma_start3A_101 = tpu.memref_slice %arg4[%mul3A_20, %dma_start3A_100] : memref<2560x128xi32, #tpu.memory_space<hbm>> -> memref<80x128xi32, #tpu.memory_space<hbm>>
      %dma_start3A_102 = arith.constant 0 : i32
      %dma_start3A_103 = tpu.memref_slice %arg4[%mul3A_20, %dma_start3A_102] : memref<2560x128xi32, #tpu.memory_space<hbm>> -> memref<80x128xi32, #tpu.memory_space<hbm>>
      tpu.enqueue_dma source(%dma_start3A_103 : memref<80x128xi32, #tpu.memory_space<hbm>>) target(%arg7 : memref<80x128xi32, #tpu.memory_space<vmem>>) target_semaphore(%run_scoped3A : memref<!tpu.dma_semaphore, #tpu.memory_space<semaphore_mem>>)
      %dma_wait3A_104 = arith.constant 0 : i32
      %dma_wait3A_105 = tpu.memref_slice %arg4[%mul3A_20, %dma_wait3A_104] : memref<2560x128xi32, #tpu.memory_space<hbm>> -> memref<80x128xi32, #tpu.memory_space<hbm>>
      %dma_wait3A_106 = arith.constant 0 : i32
      %dma_wait3A_107 = tpu.memref_slice %arg4[%mul3A_20, %dma_wait3A_106] : memref<2560x128xi32, #tpu.memory_space<hbm>> -> memref<80x128xi32, #tpu.memory_space<hbm>>
      tpu.wait_dma2 semaphore(%run_scoped3A : memref<!tpu.dma_semaphore, #tpu.memory_space<semaphore_mem>>) src(%dma_wait3A_107 : memref<80x128xi32, #tpu.memory_space<hbm>>) dst(%arg7 : memref<80x128xi32, #tpu.memory_space<vmem>>)
      tpu.yield
    }) : () -> ()
    %barrier3A = arith.constant 0 : index
    tpu.barrier barrier_id(%barrier3A)
    %dma_start3A = arith.constant 0 : i32
    %dma_start3A_21 = arith.constant 0 : i32
    %dma_start3A_22 = arith.constant 0 : i32
    %dma_start3A_23 = tpu.memref_slice %arg8[%dma_start3A_21, %dma_start3A_22] : memref<640x64xf32, #tpu.memory_space<vmem>> -> memref<128x64xf32, #tpu.memory_space<vmem>>
    %dma_start3A_24 = arith.constant 0 : i32
    %dma_start3A_25 = tpu.memref_slice %arg6[%dma_start3A, %dma_start3A_24] : memref<80x128xi32, #tpu.memory_space<vmem>> -> memref<1x128xi32, #tpu.memory_space<vmem>>
    %dma_start3A_26 = tpu.memref_squeeze %dma_start3A_25 : memref<1x128xi32, #tpu.memory_space<vmem>> -> memref<128xi32, #tpu.memory_space<vmem>>
    %dma_start3A_27 = arith.constant 0 : i32
    %dma_start3A_28 = arith.constant 0 : i32
    %dma_start3A_29 = tpu.memref_slice %arg2[%dma_start3A_27, %dma_start3A_28] : memref<20000x64xf32, #tpu.memory_space<hbm>> -> memref<20000x64xf32, #tpu.memory_space<hbm>>
    tpu.enqueue_indirect_dma source(%dma_start3A_29 : memref<20000x64xf32, #tpu.memory_space<hbm>>) target(%dma_start3A_23 : memref<128x64xf32, #tpu.memory_space<vmem>>) offsets(%dma_start3A_26 : memref<128xi32, #tpu.memory_space<vmem>>) semaphore(%arg11 : memref<!tpu.dma_semaphore, #tpu.memory_space<semaphore_mem>>)
    %dma_start3A_30 = arith.constant 1 : i32
    %dma_start3A_31 = arith.constant 128 : i32
    %dma_start3A_32 = arith.constant 0 : i32
    %dma_start3A_33 = tpu.memref_slice %arg8[%dma_start3A_31, %dma_start3A_32] : memref<640x64xf32, #tpu.memory_space<vmem>> -> memref<128x64xf32, #tpu.memory_space<vmem>>
    %dma_start3A_34 = arith.constant 0 : i32
    %dma_start3A_35 = tpu.memref_slice %arg6[%dma_start3A_30, %dma_start3A_34] : memref<80x128xi32, #tpu.memory_space<vmem>> -> memref<1x128xi32, #tpu.memory_space<vmem>>
    %dma_start3A_36 = tpu.memref_squeeze %dma_start3A_35 : memref<1x128xi32, #tpu.memory_space<vmem>> -> memref<128xi32, #tpu.memory_space<vmem>>
    %dma_start3A_37 = arith.constant 0 : i32
    %dma_start3A_38 = arith.constant 0 : i32
    %dma_start3A_39 = tpu.memref_slice %arg2[%dma_start3A_37, %dma_start3A_38] : memref<20000x64xf32, #tpu.memory_space<hbm>> -> memref<20000x64xf32, #tpu.memory_space<hbm>>
    tpu.enqueue_indirect_dma source(%dma_start3A_39 : memref<20000x64xf32, #tpu.memory_space<hbm>>) target(%dma_start3A_33 : memref<128x64xf32, #tpu.memory_space<vmem>>) offsets(%dma_start3A_36 : memref<128xi32, #tpu.memory_space<vmem>>) semaphore(%arg11 : memref<!tpu.dma_semaphore, #tpu.memory_space<semaphore_mem>>)
    %dma_start3A_40 = arith.constant 2 : i32
    %dma_start3A_41 = arith.constant 256 : i32
    %dma_start3A_42 = arith.constant 0 : i32
    %dma_start3A_43 = tpu.memref_slice %arg8[%dma_start3A_41, %dma_start3A_42] : memref<640x64xf32, #tpu.memory_space<vmem>> -> memref<128x64xf32, #tpu.memory_space<vmem>>
    %dma_start3A_44 = arith.constant 0 : i32
    %dma_start3A_45 = tpu.memref_slice %arg6[%dma_start3A_40, %dma_start3A_44] : memref<80x128xi32, #tpu.memory_space<vmem>> -> memref<1x128xi32, #tpu.memory_space<vmem>>
    %dma_start3A_46 = tpu.memref_squeeze %dma_start3A_45 : memref<1x128xi32, #tpu.memory_space<vmem>> -> memref<128xi32, #tpu.memory_space<vmem>>
    %dma_start3A_47 = arith.constant 0 : i32
    %dma_start3A_48 = arith.constant 0 : i32
    %dma_start3A_49 = tpu.memref_slice %arg2[%dma_start3A_47, %dma_start3A_48] : memref<20000x64xf32, #tpu.memory_space<hbm>> -> memref<20000x64xf32, #tpu.memory_space<hbm>>
    tpu.enqueue_indirect_dma source(%dma_start3A_49 : memref<20000x64xf32, #tpu.memory_space<hbm>>) target(%dma_start3A_43 : memref<128x64xf32, #tpu.memory_space<vmem>>) offsets(%dma_start3A_46 : memref<128xi32, #tpu.memory_space<vmem>>) semaphore(%arg11 : memref<!tpu.dma_semaphore, #tpu.memory_space<semaphore_mem>>)
    %dma_start3A_50 = arith.constant 3 : i32
    %dma_start3A_51 = arith.constant 384 : i32
    %dma_start3A_52 = arith.constant 0 : i32
    %dma_start3A_53 = tpu.memref_slice %arg8[%dma_start3A_51, %dma_start3A_52] : memref<640x64xf32, #tpu.memory_space<vmem>> -> memref<128x64xf32, #tpu.memory_space<vmem>>
    %dma_start3A_54 = arith.constant 0 : i32
    %dma_start3A_55 = tpu.memref_slice %arg6[%dma_start3A_50, %dma_start3A_54] : memref<80x128xi32, #tpu.memory_space<vmem>> -> memref<1x128xi32, #tpu.memory_space<vmem>>
    %dma_start3A_56 = tpu.memref_squeeze %dma_start3A_55 : memref<1x128xi32, #tpu.memory_space<vmem>> -> memref<128xi32, #tpu.memory_space<vmem>>
    %dma_start3A_57 = arith.constant 0 : i32
    %dma_start3A_58 = arith.constant 0 : i32
    %dma_start3A_59 = tpu.memref_slice %arg2[%dma_start3A_57, %dma_start3A_58] : memref<20000x64xf32, #tpu.memory_space<hbm>> -> memref<20000x64xf32, #tpu.memory_space<hbm>>
    tpu.enqueue_indirect_dma source(%dma_start3A_59 : memref<20000x64xf32, #tpu.memory_space<hbm>>) target(%dma_start3A_53 : memref<128x64xf32, #tpu.memory_space<vmem>>) offsets(%dma_start3A_56 : memref<128xi32, #tpu.memory_space<vmem>>) semaphore(%arg11 : memref<!tpu.dma_semaphore, #tpu.memory_space<semaphore_mem>>)
    %scan3A_60 = arith.constant 0 : i32
    %scan3A_61 = arith.constant 0 : i32
    %scan3A_62 = arith.constant 80 : i32
    %scan3A_63 = arith.addi %scan3A_61, %scan3A_62 : i32
    %scan3A_64 = arith.constant 1 : i32
    scf.for %scan3A_100 = %scan3A_61 to %scan3A_63 step %scan3A_64  : i32 {
      %rem3A = arith.constant 5 : i32
      %rem3A_101 = arith.remsi %scan3A_100, %rem3A : i32
      %mul3A_102 = arith.constant 128 : i32
      %mul3A_103 = arith.muli %rem3A_101, %mul3A_102 : i32
      %dma_wait3A_104 = arith.constant 0 : i32
      %dma_wait3A_105 = tpu.memref_slice %arg8[%mul3A_103, %dma_wait3A_104] : memref<640x64xf32, #tpu.memory_space<vmem>> -> memref<128x64xf32, #tpu.memory_space<vmem>>
      %dma_wait3A_106 = arith.constant 0 : i32
      %dma_wait3A_107 = tpu.memref_slice %arg6[%scan3A_100, %dma_wait3A_106] : memref<80x128xi32, #tpu.memory_space<vmem>> -> memref<1x128xi32, #tpu.memory_space<vmem>>
      %dma_wait3A_108 = tpu.memref_squeeze %dma_wait3A_107 : memref<1x128xi32, #tpu.memory_space<vmem>> -> memref<128xi32, #tpu.memory_space<vmem>>
      %dma_wait3A_109 = arith.constant 0 : i32
      %dma_wait3A_110 = arith.constant 0 : i32
      %dma_wait3A_111 = tpu.memref_slice %arg2[%dma_wait3A_109, %dma_wait3A_110] : memref<20000x64xf32, #tpu.memory_space<hbm>> -> memref<20000x64xf32, #tpu.memory_space<hbm>>
      tpu.wait_indirect_dma semaphore(%arg11 : memref<!tpu.dma_semaphore, #tpu.memory_space<semaphore_mem>>) src(%dma_wait3A_111 : memref<20000x64xf32, #tpu.memory_space<hbm>>) dst(%dma_wait3A_105 : memref<128x64xf32, #tpu.memory_space<vmem>>)
      %dma_start3A_112 = arith.constant 0 : i32
      %dma_start3A_113 = tpu.memref_slice %arg8[%mul3A_103, %dma_start3A_112] : memref<640x64xf32, #tpu.memory_space<vmem>> -> memref<128x64xf32, #tpu.memory_space<vmem>>
      %dma_start3A_114 = arith.constant 0 : i32
      %dma_start3A_115 = tpu.memref_slice %arg7[%scan3A_100, %dma_start3A_114] : memref<80x128xi32, #tpu.memory_space<vmem>> -> memref<1x128xi32, #tpu.memory_space<vmem>>
      %dma_start3A_116 = tpu.memref_squeeze %dma_start3A_115 : memref<1x128xi32, #tpu.memory_space<vmem>> -> memref<128xi32, #tpu.memory_space<vmem>>
      %dma_start3A_117 = arith.constant 0 : i32
      %dma_start3A_118 = arith.constant 0 : i32
      %dma_start3A_119 = tpu.memref_slice %arg10[%dma_start3A_117, %dma_start3A_118] : memref<11024x64xf32, #tpu.memory_space<vmem_shared>> -> memref<11024x64xf32, #tpu.memory_space<vmem_shared>>
      tpu.enqueue_indirect_dma source(%dma_start3A_113 : memref<128x64xf32, #tpu.memory_space<vmem>>) target(%dma_start3A_119 : memref<11024x64xf32, #tpu.memory_space<vmem_shared>>) offsets(%dma_start3A_116 : memref<128xi32, #tpu.memory_space<vmem>>) semaphore(%arg12 : memref<!tpu.dma_semaphore, #tpu.memory_space<semaphore_mem>>) {add = true}
      %ge3A = arith.constant 1 : i32
      %ge3A_120 = arith.cmpi sge, %scan3A_100, %ge3A : i32
      %convert_element_type3A = arith.extui %ge3A_120 : i1 to i32
      %cond3A = arith.constant 0 : i32
      %cond3A_121 = arith.cmpi ne, %convert_element_type3A, %cond3A : i32
      scf.if %cond3A_121 {
        %add3A_128 = arith.constant 4 : i32
        %add3A_129 = arith.addi %scan3A_100, %add3A_128 : i32
        %rem3A_130 = arith.constant 5 : i32
        %rem3A_131 = arith.remsi %add3A_129, %rem3A_130 : i32
        %mul3A_132 = arith.constant 128 : i32
        %mul3A_133 = arith.muli %rem3A_131, %mul3A_132 : i32
        %sub3A = arith.constant 1 : i32
        %sub3A_134 = arith.subi %scan3A_100, %sub3A : i32
        %dma_wait3A_135 = arith.constant 0 : i32
        %dma_wait3A_136 = tpu.memref_slice %arg8[%mul3A_133, %dma_wait3A_135] : memref<640x64xf32, #tpu.memory_space<vmem>> -> memref<128x64xf32, #tpu.memory_space<vmem>>
        %dma_wait3A_137 = arith.constant 0 : i32
        %dma_wait3A_138 = tpu.memref_slice %arg7[%sub3A_134, %dma_wait3A_137] : memref<80x128xi32, #tpu.memory_space<vmem>> -> memref<1x128xi32, #tpu.memory_space<vmem>>
        %dma_wait3A_139 = tpu.memref_squeeze %dma_wait3A_138 : memref<1x128xi32, #tpu.memory_space<vmem>> -> memref<128xi32, #tpu.memory_space<vmem>>
        %dma_wait3A_140 = arith.constant 0 : i32
        %dma_wait3A_141 = arith.constant 0 : i32
        %dma_wait3A_142 = tpu.memref_slice %arg10[%dma_wait3A_140, %dma_wait3A_141] : memref<11024x64xf32, #tpu.memory_space<vmem_shared>> -> memref<11024x64xf32, #tpu.memory_space<vmem_shared>>
        tpu.wait_indirect_dma semaphore(%arg12 : memref<!tpu.dma_semaphore, #tpu.memory_space<semaphore_mem>>) src(%dma_wait3A_136 : memref<128x64xf32, #tpu.memory_space<vmem>>) dst(%dma_wait3A_142 : memref<11024x64xf32, #tpu.memory_space<vmem_shared>>)
      } else {
      }
      %add3A_122 = arith.constant 4 : i32
      %add3A_123 = arith.addi %scan3A_100, %add3A_122 : i32
      %lt3A = arith.constant 80 : i32
      %lt3A_124 = arith.cmpi slt, %add3A_123, %lt3A : i32
      %convert_element_type3A_125 = arith.extui %lt3A_124 : i1 to i32
      %cond3A_126 = arith.constant 0 : i32
      %cond3A_127 = arith.cmpi ne, %convert_element_type3A_125, %cond3A_126 : i32
      scf.if %cond3A_127 {
        %add3A_128 = arith.constant 4 : i32
        %add3A_129 = arith.addi %scan3A_100, %add3A_128 : i32
        %rem3A_130 = arith.constant 5 : i32
        %rem3A_131 = arith.remsi %add3A_129, %rem3A_130 : i32
        %mul3A_132 = arith.constant 128 : i32
        %mul3A_133 = arith.muli %rem3A_131, %mul3A_132 : i32
        %add3A_134 = arith.constant 4 : i32
        %add3A_135 = arith.addi %scan3A_100, %add3A_134 : i32
        %dma_start3A_136 = arith.constant 0 : i32
        %dma_start3A_137 = tpu.memref_slice %arg8[%mul3A_133, %dma_start3A_136] : memref<640x64xf32, #tpu.memory_space<vmem>> -> memref<128x64xf32, #tpu.memory_space<vmem>>
        %dma_start3A_138 = arith.constant 0 : i32
        %dma_start3A_139 = tpu.memref_slice %arg6[%add3A_135, %dma_start3A_138] : memref<80x128xi32, #tpu.memory_space<vmem>> -> memref<1x128xi32, #tpu.memory_space<vmem>>
        %dma_start3A_140 = tpu.memref_squeeze %dma_start3A_139 : memref<1x128xi32, #tpu.memory_space<vmem>> -> memref<128xi32, #tpu.memory_space<vmem>>
        %dma_start3A_141 = arith.constant 0 : i32
        %dma_start3A_142 = arith.constant 0 : i32
        %dma_start3A_143 = tpu.memref_slice %arg2[%dma_start3A_141, %dma_start3A_142] : memref<20000x64xf32, #tpu.memory_space<hbm>> -> memref<20000x64xf32, #tpu.memory_space<hbm>>
        tpu.enqueue_indirect_dma source(%dma_start3A_143 : memref<20000x64xf32, #tpu.memory_space<hbm>>) target(%dma_start3A_137 : memref<128x64xf32, #tpu.memory_space<vmem>>) offsets(%dma_start3A_140 : memref<128xi32, #tpu.memory_space<vmem>>) semaphore(%arg11 : memref<!tpu.dma_semaphore, #tpu.memory_space<semaphore_mem>>)
      } else {
      }
    }
    %scan3A_65 = arith.constant 80 : i32
    %dma_wait3A = arith.constant 79 : i32
    %dma_wait3A_66 = arith.constant 0 : i32
    %dma_wait3A_67 = arith.constant 0 : i32
    %dma_wait3A_68 = tpu.memref_slice %arg8[%dma_wait3A_66, %dma_wait3A_67] : memref<640x64xf32, #tpu.memory_space<vmem>> -> memref<128x64xf32, #tpu.memory_space<vmem>>
    %dma_wait3A_69 = arith.constant 0 : i32
    %dma_wait3A_70 = tpu.memref_slice %arg7[%dma_wait3A, %dma_wait3A_69] : memref<80x128xi32, #tpu.memory_space<vmem>> -> memref<1x128xi32, #tpu.memory_space<vmem>>
    %dma_wait3A_71 = tpu.memref_squeeze %dma_wait3A_70 : memref<1x128xi32, #tpu.memory_space<vmem>> -> memref<128xi32, #tpu.memory_space<vmem>>
    %dma_wait3A_72 = arith.constant 0 : i32
    %dma_wait3A_73 = arith.constant 0 : i32
    %dma_wait3A_74 = tpu.memref_slice %arg10[%dma_wait3A_72, %dma_wait3A_73] : memref<11024x64xf32, #tpu.memory_space<vmem_shared>> -> memref<11024x64xf32, #tpu.memory_space<vmem_shared>>
    tpu.wait_indirect_dma semaphore(%arg12 : memref<!tpu.dma_semaphore, #tpu.memory_space<semaphore_mem>>) src(%dma_wait3A_68 : memref<128x64xf32, #tpu.memory_space<vmem>>) dst(%dma_wait3A_74 : memref<11024x64xf32, #tpu.memory_space<vmem_shared>>)
    %barrier3A_75 = arith.constant 0 : index
    tpu.barrier barrier_id(%barrier3A_75)
    %add3A_76 = arith.constant 0 : i32
    %add3A_77 = arith.addi %mul3A_8, %add3A_76 : i32
    "tpu.region"() ({
      %run_scoped3A = tpu.sem_alloc : memref<!tpu.dma_semaphore, #tpu.memory_space<semaphore_mem>>
      %dma_start3A_100 = arith.constant 0 : i32
      %dma_start3A_101 = arith.constant 0 : i32
      %dma_start3A_102 = tpu.memref_slice %arg9[%dma_start3A_100, %dma_start3A_101] : memref<160x64xf32, #tpu.memory_space<vmem>> -> memref<160x64xf32, #tpu.memory_space<vmem>>
      %dma_start3A_103 = arith.constant 0 : i32
      %dma_start3A_104 = tpu.memref_slice %arg10[%add3A_77, %dma_start3A_103] : memref<11024x64xf32, #tpu.memory_space<vmem_shared>> -> memref<160x64xf32, #tpu.memory_space<vmem_shared>>
      %dma_start3A_105 = arith.constant 0 : i32
      %dma_start3A_106 = arith.constant 0 : i32
      %dma_start3A_107 = tpu.memref_slice %arg9[%dma_start3A_105, %dma_start3A_106] : memref<160x64xf32, #tpu.memory_space<vmem>> -> memref<160x64xf32, #tpu.memory_space<vmem>>
      %dma_start3A_108 = arith.constant 0 : i32
      %dma_start3A_109 = tpu.memref_slice %arg10[%add3A_77, %dma_start3A_108] : memref<11024x64xf32, #tpu.memory_space<vmem_shared>> -> memref<160x64xf32, #tpu.memory_space<vmem_shared>>
      tpu.enqueue_dma source(%dma_start3A_109 : memref<160x64xf32, #tpu.memory_space<vmem_shared>>) target(%dma_start3A_107 : memref<160x64xf32, #tpu.memory_space<vmem>>) target_semaphore(%run_scoped3A : memref<!tpu.dma_semaphore, #tpu.memory_space<semaphore_mem>>)
      %dma_wait3A_110 = arith.constant 0 : i32
      %dma_wait3A_111 = arith.constant 0 : i32
      %dma_wait3A_112 = tpu.memref_slice %arg9[%dma_wait3A_110, %dma_wait3A_111] : memref<160x64xf32, #tpu.memory_space<vmem>> -> memref<160x64xf32, #tpu.memory_space<vmem>>
      %dma_wait3A_113 = arith.constant 0 : i32
      %dma_wait3A_114 = tpu.memref_slice %arg10[%add3A_77, %dma_wait3A_113] : memref<11024x64xf32, #tpu.memory_space<vmem_shared>> -> memref<160x64xf32, #tpu.memory_space<vmem_shared>>
      %dma_wait3A_115 = arith.constant 0 : i32
      %dma_wait3A_116 = arith.constant 0 : i32
      %dma_wait3A_117 = tpu.memref_slice %arg9[%dma_wait3A_115, %dma_wait3A_116] : memref<160x64xf32, #tpu.memory_space<vmem>> -> memref<160x64xf32, #tpu.memory_space<vmem>>
      %dma_wait3A_118 = arith.constant 0 : i32
      %dma_wait3A_119 = tpu.memref_slice %arg10[%add3A_77, %dma_wait3A_118] : memref<11024x64xf32, #tpu.memory_space<vmem_shared>> -> memref<160x64xf32, #tpu.memory_space<vmem_shared>>
      tpu.wait_dma2 semaphore(%run_scoped3A : memref<!tpu.dma_semaphore, #tpu.memory_space<semaphore_mem>>) src(%dma_wait3A_119 : memref<160x64xf32, #tpu.memory_space<vmem_shared>>) dst(%dma_wait3A_117 : memref<160x64xf32, #tpu.memory_space<vmem>>)
      tpu.yield
    }) : () -> ()
    %add3A_78 = arith.constant 0 : i32
    %add3A_79 = arith.addi %mul3A_8, %add3A_78 : i32
    %mul3A_80 = arith.constant 64 : i32
    %mul3A_81 = arith.muli %arg0, %mul3A_80 : i32
    "tpu.region"() ({
      %run_scoped3A = tpu.sem_alloc : memref<!tpu.dma_semaphore, #tpu.memory_space<semaphore_mem>>
      %dma_start3A_100 = arith.constant 0 : i32
      %dma_start3A_101 = arith.constant 0 : i32
      %dma_start3A_102 = tpu.memref_slice %arg9[%dma_start3A_100, %dma_start3A_101] : memref<160x64xf32, #tpu.memory_space<vmem>> -> memref<160x64xf32, #tpu.memory_space<vmem>>
      %dma_start3A_103 = tpu.memref_slice %arg5[%add3A_79, %mul3A_81] : memref<10000x128xf32, #tpu.memory_space<hbm>> -> memref<160x64xf32, #tpu.memory_space<hbm>>
      %dma_start3A_104 = tpu.memref_slice %arg5[%add3A_79, %mul3A_81] : memref<10000x128xf32, #tpu.memory_space<hbm>> -> memref<160x64xf32, #tpu.memory_space<hbm>>
      %dma_start3A_105 = arith.constant 0 : i32
      %dma_start3A_106 = arith.constant 0 : i32
      %dma_start3A_107 = tpu.memref_slice %arg9[%dma_start3A_105, %dma_start3A_106] : memref<160x64xf32, #tpu.memory_space<vmem>> -> memref<160x64xf32, #tpu.memory_space<vmem>>
      tpu.enqueue_dma source(%dma_start3A_107 : memref<160x64xf32, #tpu.memory_space<vmem>>) target(%dma_start3A_104 : memref<160x64xf32, #tpu.memory_space<hbm>>) target_semaphore(%run_scoped3A : memref<!tpu.dma_semaphore, #tpu.memory_space<semaphore_mem>>)
      %dma_wait3A_108 = arith.constant 0 : i32
      %dma_wait3A_109 = arith.constant 0 : i32
      %dma_wait3A_110 = tpu.memref_slice %arg9[%dma_wait3A_108, %dma_wait3A_109] : memref<160x64xf32, #tpu.memory_space<vmem>> -> memref<160x64xf32, #tpu.memory_space<vmem>>
      %dma_wait3A_111 = tpu.memref_slice %arg5[%add3A_79, %mul3A_81] : memref<10000x128xf32, #tpu.memory_space<hbm>> -> memref<160x64xf32, #tpu.memory_space<hbm>>
      %dma_wait3A_112 = tpu.memref_slice %arg5[%add3A_79, %mul3A_81] : memref<10000x128xf32, #tpu.memory_space<hbm>> -> memref<160x64xf32, #tpu.memory_space<hbm>>
      %dma_wait3A_113 = arith.constant 0 : i32
      %dma_wait3A_114 = arith.constant 0 : i32
      %dma_wait3A_115 = tpu.memref_slice %arg9[%dma_wait3A_113, %dma_wait3A_114] : memref<160x64xf32, #tpu.memory_space<vmem>> -> memref<160x64xf32, #tpu.memory_space<vmem>>
      tpu.wait_dma2 semaphore(%run_scoped3A : memref<!tpu.dma_semaphore, #tpu.memory_space<semaphore_mem>>) src(%dma_wait3A_115 : memref<160x64xf32, #tpu.memory_space<vmem>>) dst(%dma_wait3A_112 : memref<160x64xf32, #tpu.memory_space<hbm>>)
      tpu.yield
    }) : () -> ()
    %add3A_82 = arith.constant 160 : i32
    %add3A_83 = arith.addi %mul3A_8, %add3A_82 : i32
    "tpu.region"() ({
      %run_scoped3A = tpu.sem_alloc : memref<!tpu.dma_semaphore, #tpu.memory_space<semaphore_mem>>
      %dma_start3A_100 = arith.constant 0 : i32
      %dma_start3A_101 = arith.constant 0 : i32
      %dma_start3A_102 = tpu.memref_slice %arg9[%dma_start3A_100, %dma_start3A_101] : memref<160x64xf32, #tpu.memory_space<vmem>> -> memref<160x64xf32, #tpu.memory_space<vmem>>
      %dma_start3A_103 = arith.constant 0 : i32
      %dma_start3A_104 = tpu.memref_slice %arg10[%add3A_83, %dma_start3A_103] : memref<11024x64xf32, #tpu.memory_space<vmem_shared>> -> memref<160x64xf32, #tpu.memory_space<vmem_shared>>
      %dma_start3A_105 = arith.constant 0 : i32
      %dma_start3A_106 = arith.constant 0 : i32
      %dma_start3A_107 = tpu.memref_slice %arg9[%dma_start3A_105, %dma_start3A_106] : memref<160x64xf32, #tpu.memory_space<vmem>> -> memref<160x64xf32, #tpu.memory_space<vmem>>
      %dma_start3A_108 = arith.constant 0 : i32
      %dma_start3A_109 = tpu.memref_slice %arg10[%add3A_83, %dma_start3A_108] : memref<11024x64xf32, #tpu.memory_space<vmem_shared>> -> memref<160x64xf32, #tpu.memory_space<vmem_shared>>
      tpu.enqueue_dma source(%dma_start3A_109 : memref<160x64xf32, #tpu.memory_space<vmem_shared>>) target(%dma_start3A_107 : memref<160x64xf32, #tpu.memory_space<vmem>>) target_semaphore(%run_scoped3A : memref<!tpu.dma_semaphore, #tpu.memory_space<semaphore_mem>>)
      %dma_wait3A_110 = arith.constant 0 : i32
      %dma_wait3A_111 = arith.constant 0 : i32
      %dma_wait3A_112 = tpu.memref_slice %arg9[%dma_wait3A_110, %dma_wait3A_111] : memref<160x64xf32, #tpu.memory_space<vmem>> -> memref<160x64xf32, #tpu.memory_space<vmem>>
      %dma_wait3A_113 = arith.constant 0 : i32
      %dma_wait3A_114 = tpu.memref_slice %arg10[%add3A_83, %dma_wait3A_113] : memref<11024x64xf32, #tpu.memory_space<vmem_shared>> -> memref<160x64xf32, #tpu.memory_space<vmem_shared>>
      %dma_wait3A_115 = arith.constant 0 : i32
      %dma_wait3A_116 = arith.constant 0 : i32
      %dma_wait3A_117 = tpu.memref_slice %arg9[%dma_wait3A_115, %dma_wait3A_116] : memref<160x64xf32, #tpu.memory_space<vmem>> -> memref<160x64xf32, #tpu.memory_space<vmem>>
      %dma_wait3A_118 = arith.constant 0 : i32
      %dma_wait3A_119 = tpu.memref_slice %arg10[%add3A_83, %dma_wait3A_118] : memref<11024x64xf32, #tpu.memory_space<vmem_shared>> -> memref<160x64xf32, #tpu.memory_space<vmem_shared>>
      tpu.wait_dma2 semaphore(%run_scoped3A : memref<!tpu.dma_semaphore, #tpu.memory_space<semaphore_mem>>) src(%dma_wait3A_119 : memref<160x64xf32, #tpu.memory_space<vmem_shared>>) dst(%dma_wait3A_117 : memref<160x64xf32, #tpu.memory_space<vmem>>)
      tpu.yield
    }) : () -> ()
    %add3A_84 = arith.constant 160 : i32
    %add3A_85 = arith.addi %mul3A_8, %add3A_84 : i32
    %mul3A_86 = arith.constant 64 : i32
    %mul3A_87 = arith.muli %arg0, %mul3A_86 : i32
    "tpu.region"() ({
      %run_scoped3A = tpu.sem_alloc : memref<!tpu.dma_semaphore, #tpu.memory_space<semaphore_mem>>
      %dma_start3A_100 = arith.constant 0 : i32
      %dma_start3A_101 = arith.constant 0 : i32
      %dma_start3A_102 = tpu.memref_slice %arg9[%dma_start3A_100, %dma_start3A_101] : memref<160x64xf32, #tpu.memory_space<vmem>> -> memref<160x64xf32, #tpu.memory_space<vmem>>
      %dma_start3A_103 = tpu.memref_slice %arg5[%add3A_85, %mul3A_87] : memref<10000x128xf32, #tpu.memory_space<hbm>> -> memref<160x64xf32, #tpu.memory_space<hbm>>
      %dma_start3A_104 = tpu.memref_slice %arg5[%add3A_85, %mul3A_87] : memref<10000x128xf32, #tpu.memory_space<hbm>> -> memref<160x64xf32, #tpu.memory_space<hbm>>
      %dma_start3A_105 = arith.constant 0 : i32
      %dma_start3A_106 = arith.constant 0 : i32
      %dma_start3A_107 = tpu.memref_slice %arg9[%dma_start3A_105, %dma_start3A_106] : memref<160x64xf32, #tpu.memory_space<vmem>> -> memref<160x64xf32, #tpu.memory_space<vmem>>
      tpu.enqueue_dma source(%dma_start3A_107 : memref<160x64xf32, #tpu.memory_space<vmem>>) target(%dma_start3A_104 : memref<160x64xf32, #tpu.memory_space<hbm>>) target_semaphore(%run_scoped3A : memref<!tpu.dma_semaphore, #tpu.memory_space<semaphore_mem>>)
      %dma_wait3A_108 = arith.constant 0 : i32
      %dma_wait3A_109 = arith.constant 0 : i32
      %dma_wait3A_110 = tpu.memref_slice %arg9[%dma_wait3A_108, %dma_wait3A_109] : memref<160x64xf32, #tpu.memory_space<vmem>> -> memref<160x64xf32, #tpu.memory_space<vmem>>
      %dma_wait3A_111 = tpu.memref_slice %arg5[%add3A_85, %mul3A_87] : memref<10000x128xf32, #tpu.memory_space<hbm>> -> memref<160x64xf32, #tpu.memory_space<hbm>>
      %dma_wait3A_112 = tpu.memref_slice %arg5[%add3A_85, %mul3A_87] : memref<10000x128xf32, #tpu.memory_space<hbm>> -> memref<160x64xf32, #tpu.memory_space<hbm>>
      %dma_wait3A_113 = arith.constant 0 : i32
      %dma_wait3A_114 = arith.constant 0 : i32
      %dma_wait3A_115 = tpu.memref_slice %arg9[%dma_wait3A_113, %dma_wait3A_114] : memref<160x64xf32, #tpu.memory_space<vmem>> -> memref<160x64xf32, #tpu.memory_space<vmem>>
      tpu.wait_dma2 semaphore(%run_scoped3A : memref<!tpu.dma_semaphore, #tpu.memory_space<semaphore_mem>>) src(%dma_wait3A_115 : memref<160x64xf32, #tpu.memory_space<vmem>>) dst(%dma_wait3A_112 : memref<160x64xf32, #tpu.memory_space<hbm>>)
      tpu.yield
    }) : () -> ()
    %add3A_88 = arith.constant 320 : i32
    %add3A_89 = arith.addi %mul3A_8, %add3A_88 : i32
    "tpu.region"() ({
      %run_scoped3A = tpu.sem_alloc : memref<!tpu.dma_semaphore, #tpu.memory_space<semaphore_mem>>
      %dma_start3A_100 = arith.constant 0 : i32
      %dma_start3A_101 = arith.constant 0 : i32
      %dma_start3A_102 = tpu.memref_slice %arg9[%dma_start3A_100, %dma_start3A_101] : memref<160x64xf32, #tpu.memory_space<vmem>> -> memref<160x64xf32, #tpu.memory_space<vmem>>
      %dma_start3A_103 = arith.constant 0 : i32
      %dma_start3A_104 = tpu.memref_slice %arg10[%add3A_89, %dma_start3A_103] : memref<11024x64xf32, #tpu.memory_space<vmem_shared>> -> memref<160x64xf32, #tpu.memory_space<vmem_shared>>
      %dma_start3A_105 = arith.constant 0 : i32
      %dma_start3A_106 = arith.constant 0 : i32
      %dma_start3A_107 = tpu.memref_slice %arg9[%dma_start3A_105, %dma_start3A_106] : memref<160x64xf32, #tpu.memory_space<vmem>> -> memref<160x64xf32, #tpu.memory_space<vmem>>
      %dma_start3A_108 = arith.constant 0 : i32
      %dma_start3A_109 = tpu.memref_slice %arg10[%add3A_89, %dma_start3A_108] : memref<11024x64xf32, #tpu.memory_space<vmem_shared>> -> memref<160x64xf32, #tpu.memory_space<vmem_shared>>
      tpu.enqueue_dma source(%dma_start3A_109 : memref<160x64xf32, #tpu.memory_space<vmem_shared>>) target(%dma_start3A_107 : memref<160x64xf32, #tpu.memory_space<vmem>>) target_semaphore(%run_scoped3A : memref<!tpu.dma_semaphore, #tpu.memory_space<semaphore_mem>>)
      %dma_wait3A_110 = arith.constant 0 : i32
      %dma_wait3A_111 = arith.constant 0 : i32
      %dma_wait3A_112 = tpu.memref_slice %arg9[%dma_wait3A_110, %dma_wait3A_111] : memref<160x64xf32, #tpu.memory_space<vmem>> -> memref<160x64xf32, #tpu.memory_space<vmem>>
      %dma_wait3A_113 = arith.constant 0 : i32
      %dma_wait3A_114 = tpu.memref_slice %arg10[%add3A_89, %dma_wait3A_113] : memref<11024x64xf32, #tpu.memory_space<vmem_shared>> -> memref<160x64xf32, #tpu.memory_space<vmem_shared>>
      %dma_wait3A_115 = arith.constant 0 : i32
      %dma_wait3A_116 = arith.constant 0 : i32
      %dma_wait3A_117 = tpu.memref_slice %arg9[%dma_wait3A_115, %dma_wait3A_116] : memref<160x64xf32, #tpu.memory_space<vmem>> -> memref<160x64xf32, #tpu.memory_space<vmem>>
      %dma_wait3A_118 = arith.constant 0 : i32
      %dma_wait3A_119 = tpu.memref_slice %arg10[%add3A_89, %dma_wait3A_118] : memref<11024x64xf32, #tpu.memory_space<vmem_shared>> -> memref<160x64xf32, #tpu.memory_space<vmem_shared>>
      tpu.wait_dma2 semaphore(%run_scoped3A : memref<!tpu.dma_semaphore, #tpu.memory_space<semaphore_mem>>) src(%dma_wait3A_119 : memref<160x64xf32, #tpu.memory_space<vmem_shared>>) dst(%dma_wait3A_117 : memref<160x64xf32, #tpu.memory_space<vmem>>)
      tpu.yield
    }) : () -> ()
    %add3A_90 = arith.constant 320 : i32
    %add3A_91 = arith.addi %mul3A_8, %add3A_90 : i32
    %mul3A_92 = arith.constant 64 : i32
    %mul3A_93 = arith.muli %arg0, %mul3A_92 : i32
    "tpu.region"() ({
      %run_scoped3A = tpu.sem_alloc : memref<!tpu.dma_semaphore, #tpu.memory_space<semaphore_mem>>
      %dma_start3A_100 = arith.constant 0 : i32
      %dma_start3A_101 = arith.constant 0 : i32
      %dma_start3A_102 = tpu.memref_slice %arg9[%dma_start3A_100, %dma_start3A_101] : memref<160x64xf32, #tpu.memory_space<vmem>> -> memref<160x64xf32, #tpu.memory_space<vmem>>
      %dma_start3A_103 = tpu.memref_slice %arg5[%add3A_91, %mul3A_93] : memref<10000x128xf32, #tpu.memory_space<hbm>> -> memref<160x64xf32, #tpu.memory_space<hbm>>
      %dma_start3A_104 = tpu.memref_slice %arg5[%add3A_91, %mul3A_93] : memref<10000x128xf32, #tpu.memory_space<hbm>> -> memref<160x64xf32, #tpu.memory_space<hbm>>
      %dma_start3A_105 = arith.constant 0 : i32
      %dma_start3A_106 = arith.constant 0 : i32
      %dma_start3A_107 = tpu.memref_slice %arg9[%dma_start3A_105, %dma_start3A_106] : memref<160x64xf32, #tpu.memory_space<vmem>> -> memref<160x64xf32, #tpu.memory_space<vmem>>
      tpu.enqueue_dma source(%dma_start3A_107 : memref<160x64xf32, #tpu.memory_space<vmem>>) target(%dma_start3A_104 : memref<160x64xf32, #tpu.memory_space<hbm>>) target_semaphore(%run_scoped3A : memref<!tpu.dma_semaphore, #tpu.memory_space<semaphore_mem>>)
      %dma_wait3A_108 = arith.constant 0 : i32
      %dma_wait3A_109 = arith.constant 0 : i32
      %dma_wait3A_110 = tpu.memref_slice %arg9[%dma_wait3A_108, %dma_wait3A_109] : memref<160x64xf32, #tpu.memory_space<vmem>> -> memref<160x64xf32, #tpu.memory_space<vmem>>
      %dma_wait3A_111 = tpu.memref_slice %arg5[%add3A_91, %mul3A_93] : memref<10000x128xf32, #tpu.memory_space<hbm>> -> memref<160x64xf32, #tpu.memory_space<hbm>>
      %dma_wait3A_112 = tpu.memref_slice %arg5[%add3A_91, %mul3A_93] : memref<10000x128xf32, #tpu.memory_space<hbm>> -> memref<160x64xf32, #tpu.memory_space<hbm>>
      %dma_wait3A_113 = arith.constant 0 : i32
      %dma_wait3A_114 = arith.constant 0 : i32
      %dma_wait3A_115 = tpu.memref_slice %arg9[%dma_wait3A_113, %dma_wait3A_114] : memref<160x64xf32, #tpu.memory_space<vmem>> -> memref<160x64xf32, #tpu.memory_space<vmem>>
      tpu.wait_dma2 semaphore(%run_scoped3A : memref<!tpu.dma_semaphore, #tpu.memory_space<semaphore_mem>>) src(%dma_wait3A_115 : memref<160x64xf32, #tpu.memory_space<vmem>>) dst(%dma_wait3A_112 : memref<160x64xf32, #tpu.memory_space<hbm>>)
      tpu.yield
    }) : () -> ()
    %add3A_94 = arith.constant 480 : i32
    %add3A_95 = arith.addi %mul3A_8, %add3A_94 : i32
    "tpu.region"() ({
      %run_scoped3A = tpu.sem_alloc : memref<!tpu.dma_semaphore, #tpu.memory_space<semaphore_mem>>
      %dma_start3A_100 = arith.constant 0 : i32
      %dma_start3A_101 = arith.constant 0 : i32
      %dma_start3A_102 = tpu.memref_slice %arg9[%dma_start3A_100, %dma_start3A_101] : memref<160x64xf32, #tpu.memory_space<vmem>> -> memref<145x64xf32, #tpu.memory_space<vmem>>
      %dma_start3A_103 = arith.constant 0 : i32
      %dma_start3A_104 = tpu.memref_slice %arg10[%add3A_95, %dma_start3A_103] : memref<11024x64xf32, #tpu.memory_space<vmem_shared>> -> memref<145x64xf32, #tpu.memory_space<vmem_shared>>
      %dma_start3A_105 = arith.constant 0 : i32
      %dma_start3A_106 = arith.constant 0 : i32
      %dma_start3A_107 = tpu.memref_slice %arg9[%dma_start3A_105, %dma_start3A_106] : memref<160x64xf32, #tpu.memory_space<vmem>> -> memref<145x64xf32, #tpu.memory_space<vmem>>
      %dma_start3A_108 = arith.constant 0 : i32
      %dma_start3A_109 = tpu.memref_slice %arg10[%add3A_95, %dma_start3A_108] : memref<11024x64xf32, #tpu.memory_space<vmem_shared>> -> memref<145x64xf32, #tpu.memory_space<vmem_shared>>
      tpu.enqueue_dma source(%dma_start3A_109 : memref<145x64xf32, #tpu.memory_space<vmem_shared>>) target(%dma_start3A_107 : memref<145x64xf32, #tpu.memory_space<vmem>>) target_semaphore(%run_scoped3A : memref<!tpu.dma_semaphore, #tpu.memory_space<semaphore_mem>>)
      %dma_wait3A_110 = arith.constant 0 : i32
      %dma_wait3A_111 = arith.constant 0 : i32
      %dma_wait3A_112 = tpu.memref_slice %arg9[%dma_wait3A_110, %dma_wait3A_111] : memref<160x64xf32, #tpu.memory_space<vmem>> -> memref<145x64xf32, #tpu.memory_space<vmem>>
      %dma_wait3A_113 = arith.constant 0 : i32
      %dma_wait3A_114 = tpu.memref_slice %arg10[%add3A_95, %dma_wait3A_113] : memref<11024x64xf32, #tpu.memory_space<vmem_shared>> -> memref<145x64xf32, #tpu.memory_space<vmem_shared>>
      %dma_wait3A_115 = arith.constant 0 : i32
      %dma_wait3A_116 = arith.constant 0 : i32
      %dma_wait3A_117 = tpu.memref_slice %arg9[%dma_wait3A_115, %dma_wait3A_116] : memref<160x64xf32, #tpu.memory_space<vmem>> -> memref<145x64xf32, #tpu.memory_space<vmem>>
      %dma_wait3A_118 = arith.constant 0 : i32
      %dma_wait3A_119 = tpu.memref_slice %arg10[%add3A_95, %dma_wait3A_118] : memref<11024x64xf32, #tpu.memory_space<vmem_shared>> -> memref<145x64xf32, #tpu.memory_space<vmem_shared>>
      tpu.wait_dma2 semaphore(%run_scoped3A : memref<!tpu.dma_semaphore, #tpu.memory_space<semaphore_mem>>) src(%dma_wait3A_119 : memref<145x64xf32, #tpu.memory_space<vmem_shared>>) dst(%dma_wait3A_117 : memref<145x64xf32, #tpu.memory_space<vmem>>)
      tpu.yield
    }) : () -> ()
    %add3A_96 = arith.constant 480 : i32
    %add3A_97 = arith.addi %mul3A_8, %add3A_96 : i32
    %mul3A_98 = arith.constant 64 : i32
    %mul3A_99 = arith.muli %arg0, %mul3A_98 : i32
    "tpu.region"() ({
      %run_scoped3A = tpu.sem_alloc : memref<!tpu.dma_semaphore, #tpu.memory_space<semaphore_mem>>
      %dma_start3A_100 = arith.constant 0 : i32
      %dma_start3A_101 = arith.constant 0 : i32
      %dma_start3A_102 = tpu.memref_slice %arg9[%dma_start3A_100, %dma_start3A_101] : memref<160x64xf32, #tpu.memory_space<vmem>> -> memref<145x64xf32, #tpu.memory_space<vmem>>
      %dma_start3A_103 = tpu.memref_slice %arg5[%add3A_97, %mul3A_99] : memref<10000x128xf32, #tpu.memory_space<hbm>> -> memref<145x64xf32, #tpu.memory_space<hbm>>
      %dma_start3A_104 = tpu.memref_slice %arg5[%add3A_97, %mul3A_99] : memref<10000x128xf32, #tpu.memory_space<hbm>> -> memref<145x64xf32, #tpu.memory_space<hbm>>
      %dma_start3A_105 = arith.constant 0 : i32
      %dma_start3A_106 = arith.constant 0 : i32
      %dma_start3A_107 = tpu.memref_slice %arg9[%dma_start3A_105, %dma_start3A_106] : memref<160x64xf32, #tpu.memory_space<vmem>> -> memref<145x64xf32, #tpu.memory_space<vmem>>
      tpu.enqueue_dma source(%dma_start3A_107 : memref<145x64xf32, #tpu.memory_space<vmem>>) target(%dma_start3A_104 : memref<145x64xf32, #tpu.memory_space<hbm>>) target_semaphore(%run_scoped3A : memref<!tpu.dma_semaphore, #tpu.memory_space<semaphore_mem>>)
      %dma_wait3A_108 = arith.constant 0 : i32
      %dma_wait3A_109 = arith.constant 0 : i32
      %dma_wait3A_110 = tpu.memref_slice %arg9[%dma_wait3A_108, %dma_wait3A_109] : memref<160x64xf32, #tpu.memory_space<vmem>> -> memref<145x64xf32, #tpu.memory_space<vmem>>
      %dma_wait3A_111 = tpu.memref_slice %arg5[%add3A_97, %mul3A_99] : memref<10000x128xf32, #tpu.memory_space<hbm>> -> memref<145x64xf32, #tpu.memory_space<hbm>>
      %dma_wait3A_112 = tpu.memref_slice %arg5[%add3A_97, %mul3A_99] : memref<10000x128xf32, #tpu.memory_space<hbm>> -> memref<145x64xf32, #tpu.memory_space<hbm>>
      %dma_wait3A_113 = arith.constant 0 : i32
      %dma_wait3A_114 = arith.constant 0 : i32
      %dma_wait3A_115 = tpu.memref_slice %arg9[%dma_wait3A_113, %dma_wait3A_114] : memref<160x64xf32, #tpu.memory_space<vmem>> -> memref<145x64xf32, #tpu.memory_space<vmem>>
      tpu.wait_dma2 semaphore(%run_scoped3A : memref<!tpu.dma_semaphore, #tpu.memory_space<semaphore_mem>>) src(%dma_wait3A_115 : memref<145x64xf32, #tpu.memory_space<vmem>>) dst(%dma_wait3A_112 : memref<145x64xf32, #tpu.memory_space<hbm>>)
      tpu.yield
    }) : () -> ()
    return
  }
}

#map = affine_map<(d0, d1) -> (0, 0)>
module attributes {stable_mosaic.version = 14 : i64} {
  func.func @segsum(%arg0: i32, %arg1: i32, %arg2: memref<20000x64xf32, #tpu.memory_space<hbm>>, %arg3: memref<2560x128xi32, #tpu.memory_space<hbm>>, %arg4: memref<2560x128xi32, #tpu.memory_space<hbm>>, %arg5: memref<10000x128xf32, #tpu.memory_space<hbm>>, %arg6: memref<80x128xi32, #tpu.memory_space<vmem>>, %arg7: memref<80x128xi32, #tpu.memory_space<vmem>>, %arg8: memref<640x64xf32, #tpu.memory_space<vmem>>, %arg9: memref<160x64xf32, #tpu.memory_space<vmem>>, %arg10: memref<11024x64xf32, #tpu.memory_space<vmem_shared>>, %arg11: memref<!tpu.dma_semaphore, #tpu.memory_space<semaphore_mem>>, %arg12: memref<!tpu.dma_semaphore, #tpu.memory_space<semaphore_mem>>) attributes {dimension_semantics = [#tpu.dimension_semantics<core_parallel>, #tpu.dimension_semantics<subcore_parallel>], iteration_bounds = array<i64: 2, 16>, scalar_prefetch = 0 : i64, scratch_operands = 7 : i64, tpu.core_type = #tpu.core_type<sc_vector_subcore>, window_params = [{transform_indices = #map}, {transform_indices = #map}, {transform_indices = #map}, {transform_indices = #map}]} {
    %mul3A = arith.constant 16 : i32
    %mul3A_0 = arith.muli %arg0, %mul3A : i32
    %add3A = arith.addi %mul3A_0, %arg1 : i32
    %broadcast_in_dim3A = arith.constant 0.000000e+00 : f32
    %broadcast_in_dim3A_1 = vector.broadcast %broadcast_in_dim3A : f32 to vector<16xf32>
    %scan3A = arith.constant 0 : i32
    %scan3A_2 = arith.constant 0 : i32
    %scan3A_3 = arith.constant 160 : i32
    %scan3A_4 = arith.addi %scan3A_2, %scan3A_3 : i32
    %scan3A_5 = arith.constant 1 : i32
    scf.for %scan3A_100 = %scan3A_2 to %scan3A_4 step %scan3A_5  : i32 {
      %swap3A = arith.index_cast %scan3A_100 : i32 to index
      %swap3A_101 = arith.constant 0 : index
      %swap3A_102 = tpu.vector_load %arg9[%swap3A, %swap3A_101] {strides = array<i32>} : memref<160x64xf32, #tpu.memory_space<vmem>>, vector<1x16xf32>,
      %swap3A_103 = vector.shape_cast %swap3A_102 : vector<1x16xf32> to vector<16xf32>
      %swap3A_104 = vector.shape_cast %broadcast_in_dim3A_1 : vector<16xf32> to vector<1x16xf32>
      tpu.vector_store %arg9[%swap3A, %swap3A_101], %swap3A_104 {strides = array<i32>} : memref<160x64xf32, #tpu.memory_space<vmem>>, vector<1x16xf32>,
      %swap3A_105 = arith.index_cast %scan3A_100 : i32 to index
      %swap3A_106 = arith.constant 16 : index
      %swap3A_107 = tpu.vector_load %arg9[%swap3A_105, %swap3A_106] {strides = array<i32>} : memref<160x64xf32, #tpu.memory_space<vmem>>, vector<1x16xf32>,
      %swap3A_108 = vector.shape_cast %swap3A_107 : vector<1x16xf32> to vector<16xf32>
      %swap3A_109 = vector.shape_cast %broadcast_in_dim3A_1 : vector<16xf32> to vector<1x16xf32>
      tpu.vector_store %arg9[%swap3A_105, %swap3A_106], %swap3A_109 {strides = array<i32>} : memref<160x64xf32, #tpu.memory_space<vmem>>, vector<1x16xf32>,
      %swap3A_110 = arith.index_cast %scan3A_100 : i32 to index
      %swap3A_111 = arith.constant 32 : index
      %swap3A_112 = tpu.vector_load %arg9[%swap3A_110, %swap3A_111] {strides = array<i32>} : memref<160x64xf32, #tpu.memory_space<vmem>>, vector<1x16xf32>,
      %swap3A_113 = vector.shape_cast %swap3A_112 : vector<1x16xf32> to vector<16xf32>
      %swap3A_114 = vector.shape_cast %broadcast_in_dim3A_1 : vector<16xf32> to vector<1x16xf32>
      tpu.vector_store %arg9[%swap3A_110, %swap3A_111], %swap3A_114 {strides = array<i32>} : memref<160x64xf32, #tpu.memory_space<vmem>>, vector<1x16xf32>,
      %swap3A_115 = arith.index_cast %scan3A_100 : i32 to index
      %swap3A_116 = arith.constant 48 : index
      %swap3A_117 = tpu.vector_load %arg9[%swap3A_115, %swap3A_116] {strides = array<i32>} : memref<160x64xf32, #tpu.memory_space<vmem>>, vector<1x16xf32>,
      %swap3A_118 = vector.shape_cast %swap3A_117 : vector<1x16xf32> to vector<16xf32>
      %swap3A_119 = vector.shape_cast %broadcast_in_dim3A_1 : vector<16xf32> to vector<1x16xf32>
      tpu.vector_store %arg9[%swap3A_115, %swap3A_116], %swap3A_119 {strides = array<i32>} : memref<160x64xf32, #tpu.memory_space<vmem>>, vector<1x16xf32>,
    }
    %scan3A_6 = arith.constant 160 : i32
    %mul3A_7 = arith.constant 625 : i32
    %mul3A_8 = arith.muli %arg1, %mul3A_7 : i32
    %add3A_9 = arith.constant 0 : i32
    %add3A_10 = arith.addi %mul3A_8, %add3A_9 : i32
    "tpu.region"() ({
      %run_scoped3A = tpu.sem_alloc : memref<!tpu.dma_semaphore, #tpu.memory_space<semaphore_mem>>
      %dma_start3A_100 = arith.constant 0 : i32
      %dma_start3A_101 = arith.constant 0 : i32
      %dma_start3A_102 = tpu.memref_slice %arg9[%dma_start3A_100, %dma_start3A_101] : memref<160x64xf32, #tpu.memory_space<vmem>> -> memref<160x64xf32, #tpu.memory_space<vmem>>
      %dma_start3A_103 = arith.constant 0 : i32
      %dma_start3A_104 = tpu.memref_slice %arg10[%add3A_10, %dma_start3A_103] : memref<11024x64xf32, #tpu.memory_space<vmem_shared>> -> memref<160x64xf32, #tpu.memory_space<vmem_shared>>
      %dma_start3A_105 = arith.constant 0 : i32
      %dma_start3A_106 = tpu.memref_slice %arg10[%add3A_10, %dma_start3A_105] : memref<11024x64xf32, #tpu.memory_space<vmem_shared>> -> memref<160x64xf32, #tpu.memory_space<vmem_shared>>
      %dma_start3A_107 = arith.constant 0 : i32
      %dma_start3A_108 = arith.constant 0 : i32
      %dma_start3A_109 = tpu.memref_slice %arg9[%dma_start3A_107, %dma_start3A_108] : memref<160x64xf32, #tpu.memory_space<vmem>> -> memref<160x64xf32, #tpu.memory_space<vmem>>
      tpu.enqueue_dma source(%dma_start3A_109 : memref<160x64xf32, #tpu.memory_space<vmem>>) target(%dma_start3A_106 : memref<160x64xf32, #tpu.memory_space<vmem_shared>>) target_semaphore(%run_scoped3A : memref<!tpu.dma_semaphore, #tpu.memory_space<semaphore_mem>>)
      %dma_wait3A_110 = arith.constant 0 : i32
      %dma_wait3A_111 = arith.constant 0 : i32
      %dma_wait3A_112 = tpu.memref_slice %arg9[%dma_wait3A_110, %dma_wait3A_111] : memref<160x64xf32, #tpu.memory_space<vmem>> -> memref<160x64xf32, #tpu.memory_space<vmem>>
      %dma_wait3A_113 = arith.constant 0 : i32
      %dma_wait3A_114 = tpu.memref_slice %arg10[%add3A_10, %dma_wait3A_113] : memref<11024x64xf32, #tpu.memory_space<vmem_shared>> -> memref<160x64xf32, #tpu.memory_space<vmem_shared>>
      %dma_wait3A_115 = arith.constant 0 : i32
      %dma_wait3A_116 = tpu.memref_slice %arg10[%add3A_10, %dma_wait3A_115] : memref<11024x64xf32, #tpu.memory_space<vmem_shared>> -> memref<160x64xf32, #tpu.memory_space<vmem_shared>>
      %dma_wait3A_117 = arith.constant 0 : i32
      %dma_wait3A_118 = arith.constant 0 : i32
      %dma_wait3A_119 = tpu.memref_slice %arg9[%dma_wait3A_117, %dma_wait3A_118] : memref<160x64xf32, #tpu.memory_space<vmem>> -> memref<160x64xf32, #tpu.memory_space<vmem>>
      tpu.wait_dma2 semaphore(%run_scoped3A : memref<!tpu.dma_semaphore, #tpu.memory_space<semaphore_mem>>) src(%dma_wait3A_119 : memref<160x64xf32, #tpu.memory_space<vmem>>) dst(%dma_wait3A_116 : memref<160x64xf32, #tpu.memory_space<vmem_shared>>)
      tpu.yield
    }) : () -> ()
    %add3A_11 = arith.constant 160 : i32
    %add3A_12 = arith.addi %mul3A_8, %add3A_11 : i32
    "tpu.region"() ({
      %run_scoped3A = tpu.sem_alloc : memref<!tpu.dma_semaphore, #tpu.memory_space<semaphore_mem>>
      %dma_start3A_100 = arith.constant 0 : i32
      %dma_start3A_101 = arith.constant 0 : i32
      %dma_start3A_102 = tpu.memref_slice %arg9[%dma_start3A_100, %dma_start3A_101] : memref<160x64xf32, #tpu.memory_space<vmem>> -> memref<160x64xf32, #tpu.memory_space<vmem>>
      %dma_start3A_103 = arith.constant 0 : i32
      %dma_start3A_104 = tpu.memref_slice %arg10[%add3A_12, %dma_start3A_103] : memref<11024x64xf32, #tpu.memory_space<vmem_shared>> -> memref<160x64xf32, #tpu.memory_space<vmem_shared>>
      %dma_start3A_105 = arith.constant 0 : i32
      %dma_start3A_106 = tpu.memref_slice %arg10[%add3A_12, %dma_start3A_105] : memref<11024x64xf32, #tpu.memory_space<vmem_shared>> -> memref<160x64xf32, #tpu.memory_space<vmem_shared>>
      %dma_start3A_107 = arith.constant 0 : i32
      %dma_start3A_108 = arith.constant 0 : i32
      %dma_start3A_109 = tpu.memref_slice %arg9[%dma_start3A_107, %dma_start3A_108] : memref<160x64xf32, #tpu.memory_space<vmem>> -> memref<160x64xf32, #tpu.memory_space<vmem>>
      tpu.enqueue_dma source(%dma_start3A_109 : memref<160x64xf32, #tpu.memory_space<vmem>>) target(%dma_start3A_106 : memref<160x64xf32, #tpu.memory_space<vmem_shared>>) target_semaphore(%run_scoped3A : memref<!tpu.dma_semaphore, #tpu.memory_space<semaphore_mem>>)
      %dma_wait3A_110 = arith.constant 0 : i32
      %dma_wait3A_111 = arith.constant 0 : i32
      %dma_wait3A_112 = tpu.memref_slice %arg9[%dma_wait3A_110, %dma_wait3A_111] : memref<160x64xf32, #tpu.memory_space<vmem>> -> memref<160x64xf32, #tpu.memory_space<vmem>>
      %dma_wait3A_113 = arith.constant 0 : i32
      %dma_wait3A_114 = tpu.memref_slice %arg10[%add3A_12, %dma_wait3A_113] : memref<11024x64xf32, #tpu.memory_space<vmem_shared>> -> memref<160x64xf32, #tpu.memory_space<vmem_shared>>
      %dma_wait3A_115 = arith.constant 0 : i32
      %dma_wait3A_116 = tpu.memref_slice %arg10[%add3A_12, %dma_wait3A_115] : memref<11024x64xf32, #tpu.memory_space<vmem_shared>> -> memref<160x64xf32, #tpu.memory_space<vmem_shared>>
      %dma_wait3A_117 = arith.constant 0 : i32
      %dma_wait3A_118 = arith.constant 0 : i32
      %dma_wait3A_119 = tpu.memref_slice %arg9[%dma_wait3A_117, %dma_wait3A_118] : memref<160x64xf32, #tpu.memory_space<vmem>> -> memref<160x64xf32, #tpu.memory_space<vmem>>
      tpu.wait_dma2 semaphore(%run_scoped3A : memref<!tpu.dma_semaphore, #tpu.memory_space<semaphore_mem>>) src(%dma_wait3A_119 : memref<160x64xf32, #tpu.memory_space<vmem>>) dst(%dma_wait3A_116 : memref<160x64xf32, #tpu.memory_space<vmem_shared>>)
      tpu.yield
    }) : () -> ()
    %add3A_13 = arith.constant 320 : i32
    %add3A_14 = arith.addi %mul3A_8, %add3A_13 : i32
    "tpu.region"() ({
      %run_scoped3A = tpu.sem_alloc : memref<!tpu.dma_semaphore, #tpu.memory_space<semaphore_mem>>
      %dma_start3A_100 = arith.constant 0 : i32
      %dma_start3A_101 = arith.constant 0 : i32
      %dma_start3A_102 = tpu.memref_slice %arg9[%dma_start3A_100, %dma_start3A_101] : memref<160x64xf32, #tpu.memory_space<vmem>> -> memref<160x64xf32, #tpu.memory_space<vmem>>
      %dma_start3A_103 = arith.constant 0 : i32
      %dma_start3A_104 = tpu.memref_slice %arg10[%add3A_14, %dma_start3A_103] : memref<11024x64xf32, #tpu.memory_space<vmem_shared>> -> memref<160x64xf32, #tpu.memory_space<vmem_shared>>
      %dma_start3A_105 = arith.constant 0 : i32
      %dma_start3A_106 = tpu.memref_slice %arg10[%add3A_14, %dma_start3A_105] : memref<11024x64xf32, #tpu.memory_space<vmem_shared>> -> memref<160x64xf32, #tpu.memory_space<vmem_shared>>
      %dma_start3A_107 = arith.constant 0 : i32
      %dma_start3A_108 = arith.constant 0 : i32
      %dma_start3A_109 = tpu.memref_slice %arg9[%dma_start3A_107, %dma_start3A_108] : memref<160x64xf32, #tpu.memory_space<vmem>> -> memref<160x64xf32, #tpu.memory_space<vmem>>
      tpu.enqueue_dma source(%dma_start3A_109 : memref<160x64xf32, #tpu.memory_space<vmem>>) target(%dma_start3A_106 : memref<160x64xf32, #tpu.memory_space<vmem_shared>>) target_semaphore(%run_scoped3A : memref<!tpu.dma_semaphore, #tpu.memory_space<semaphore_mem>>)
      %dma_wait3A_110 = arith.constant 0 : i32
      %dma_wait3A_111 = arith.constant 0 : i32
      %dma_wait3A_112 = tpu.memref_slice %arg9[%dma_wait3A_110, %dma_wait3A_111] : memref<160x64xf32, #tpu.memory_space<vmem>> -> memref<160x64xf32, #tpu.memory_space<vmem>>
      %dma_wait3A_113 = arith.constant 0 : i32
      %dma_wait3A_114 = tpu.memref_slice %arg10[%add3A_14, %dma_wait3A_113] : memref<11024x64xf32, #tpu.memory_space<vmem_shared>> -> memref<160x64xf32, #tpu.memory_space<vmem_shared>>
      %dma_wait3A_115 = arith.constant 0 : i32
      %dma_wait3A_116 = tpu.memref_slice %arg10[%add3A_14, %dma_wait3A_115] : memref<11024x64xf32, #tpu.memory_space<vmem_shared>> -> memref<160x64xf32, #tpu.memory_space<vmem_shared>>
      %dma_wait3A_117 = arith.constant 0 : i32
      %dma_wait3A_118 = arith.constant 0 : i32
      %dma_wait3A_119 = tpu.memref_slice %arg9[%dma_wait3A_117, %dma_wait3A_118] : memref<160x64xf32, #tpu.memory_space<vmem>> -> memref<160x64xf32, #tpu.memory_space<vmem>>
      tpu.wait_dma2 semaphore(%run_scoped3A : memref<!tpu.dma_semaphore, #tpu.memory_space<semaphore_mem>>) src(%dma_wait3A_119 : memref<160x64xf32, #tpu.memory_space<vmem>>) dst(%dma_wait3A_116 : memref<160x64xf32, #tpu.memory_space<vmem_shared>>)
      tpu.yield
    }) : () -> ()
    %add3A_15 = arith.constant 480 : i32
    %add3A_16 = arith.addi %mul3A_8, %add3A_15 : i32
    "tpu.region"() ({
      %run_scoped3A = tpu.sem_alloc : memref<!tpu.dma_semaphore, #tpu.memory_space<semaphore_mem>>
      %dma_start3A_100 = arith.constant 0 : i32
      %dma_start3A_101 = arith.constant 0 : i32
      %dma_start3A_102 = tpu.memref_slice %arg9[%dma_start3A_100, %dma_start3A_101] : memref<160x64xf32, #tpu.memory_space<vmem>> -> memref<145x64xf32, #tpu.memory_space<vmem>>
      %dma_start3A_103 = arith.constant 0 : i32
      %dma_start3A_104 = tpu.memref_slice %arg10[%add3A_16, %dma_start3A_103] : memref<11024x64xf32, #tpu.memory_space<vmem_shared>> -> memref<145x64xf32, #tpu.memory_space<vmem_shared>>
      %dma_start3A_105 = arith.constant 0 : i32
      %dma_start3A_106 = tpu.memref_slice %arg10[%add3A_16, %dma_start3A_105] : memref<11024x64xf32, #tpu.memory_space<vmem_shared>> -> memref<145x64xf32, #tpu.memory_space<vmem_shared>>
      %dma_start3A_107 = arith.constant 0 : i32
      %dma_start3A_108 = arith.constant 0 : i32
      %dma_start3A_109 = tpu.memref_slice %arg9[%dma_start3A_107, %dma_start3A_108] : memref<160x64xf32, #tpu.memory_space<vmem>> -> memref<145x64xf32, #tpu.memory_space<vmem>>
      tpu.enqueue_dma source(%dma_start3A_109 : memref<145x64xf32, #tpu.memory_space<vmem>>) target(%dma_start3A_106 : memref<145x64xf32, #tpu.memory_space<vmem_shared>>) target_semaphore(%run_scoped3A : memref<!tpu.dma_semaphore, #tpu.memory_space<semaphore_mem>>)
      %dma_wait3A_110 = arith.constant 0 : i32
      %dma_wait3A_111 = arith.constant 0 : i32
      %dma_wait3A_112 = tpu.memref_slice %arg9[%dma_wait3A_110, %dma_wait3A_111] : memref<160x64xf32, #tpu.memory_space<vmem>> -> memref<145x64xf32, #tpu.memory_space<vmem>>
      %dma_wait3A_113 = arith.constant 0 : i32
      %dma_wait3A_114 = tpu.memref_slice %arg10[%add3A_16, %dma_wait3A_113] : memref<11024x64xf32, #tpu.memory_space<vmem_shared>> -> memref<145x64xf32, #tpu.memory_space<vmem_shared>>
      %dma_wait3A_115 = arith.constant 0 : i32
      %dma_wait3A_116 = tpu.memref_slice %arg10[%add3A_16, %dma_wait3A_115] : memref<11024x64xf32, #tpu.memory_space<vmem_shared>> -> memref<145x64xf32, #tpu.memory_space<vmem_shared>>
      %dma_wait3A_117 = arith.constant 0 : i32
      %dma_wait3A_118 = arith.constant 0 : i32
      %dma_wait3A_119 = tpu.memref_slice %arg9[%dma_wait3A_117, %dma_wait3A_118] : memref<160x64xf32, #tpu.memory_space<vmem>> -> memref<145x64xf32, #tpu.memory_space<vmem>>
      tpu.wait_dma2 semaphore(%run_scoped3A : memref<!tpu.dma_semaphore, #tpu.memory_space<semaphore_mem>>) src(%dma_wait3A_119 : memref<145x64xf32, #tpu.memory_space<vmem>>) dst(%dma_wait3A_116 : memref<145x64xf32, #tpu.memory_space<vmem_shared>>)
      tpu.yield
    }) : () -> ()
    %mul3A_17 = arith.constant 80 : i32
    %mul3A_18 = arith.muli %add3A, %mul3A_17 : i32
    "tpu.region"() ({
      %run_scoped3A = tpu.sem_alloc : memref<!tpu.dma_semaphore, #tpu.memory_space<semaphore_mem>>
      %dma_start3A_100 = arith.constant 0 : i32
      %dma_start3A_101 = tpu.memref_slice %arg3[%mul3A_18, %dma_start3A_100] : memref<2560x128xi32, #tpu.memory_space<hbm>> -> memref<80x128xi32, #tpu.memory_space<hbm>>
      %dma_start3A_102 = arith.constant 0 : i32
      %dma_start3A_103 = tpu.memref_slice %arg3[%mul3A_18, %dma_start3A_102] : memref<2560x128xi32, #tpu.memory_space<hbm>> -> memref<80x128xi32, #tpu.memory_space<hbm>>
      tpu.enqueue_dma source(%dma_start3A_103 : memref<80x128xi32, #tpu.memory_space<hbm>>) target(%arg6 : memref<80x128xi32, #tpu.memory_space<vmem>>) target_semaphore(%run_scoped3A : memref<!tpu.dma_semaphore, #tpu.memory_space<semaphore_mem>>)
      %dma_wait3A_104 = arith.constant 0 : i32
      %dma_wait3A_105 = tpu.memref_slice %arg3[%mul3A_18, %dma_wait3A_104] : memref<2560x128xi32, #tpu.memory_space<hbm>> -> memref<80x128xi32, #tpu.memory_space<hbm>>
      %dma_wait3A_106 = arith.constant 0 : i32
      %dma_wait3A_107 = tpu.memref_slice %arg3[%mul3A_18, %dma_wait3A_106] : memref<2560x128xi32, #tpu.memory_space<hbm>> -> memref<80x128xi32, #tpu.memory_space<hbm>>
      tpu.wait_dma2 semaphore(%run_scoped3A : memref<!tpu.dma_semaphore, #tpu.memory_space<semaphore_mem>>) src(%dma_wait3A_107 : memref<80x128xi32, #tpu.memory_space<hbm>>) dst(%arg6 : memref<80x128xi32, #tpu.memory_space<vmem>>)
      tpu.yield
    }) : () -> ()
    %mul3A_19 = arith.constant 80 : i32
    %mul3A_20 = arith.muli %add3A, %mul3A_19 : i32
    "tpu.region"() ({
      %run_scoped3A = tpu.sem_alloc : memref<!tpu.dma_semaphore, #tpu.memory_space<semaphore_mem>>
      %dma_start3A_100 = arith.constant 0 : i32
      %dma_start3A_101 = tpu.memref_slice %arg4[%mul3A_20, %dma_start3A_100] : memref<2560x128xi32, #tpu.memory_space<hbm>> -> memref<80x128xi32, #tpu.memory_space<hbm>>
      %dma_start3A_102 = arith.constant 0 : i32
      %dma_start3A_103 = tpu.memref_slice %arg4[%mul3A_20, %dma_start3A_102] : memref<2560x128xi32, #tpu.memory_space<hbm>> -> memref<80x128xi32, #tpu.memory_space<hbm>>
      tpu.enqueue_dma source(%dma_start3A_103 : memref<80x128xi32, #tpu.memory_space<hbm>>) target(%arg7 : memref<80x128xi32, #tpu.memory_space<vmem>>) target_semaphore(%run_scoped3A : memref<!tpu.dma_semaphore, #tpu.memory_space<semaphore_mem>>)
      %dma_wait3A_104 = arith.constant 0 : i32
      %dma_wait3A_105 = tpu.memref_slice %arg4[%mul3A_20, %dma_wait3A_104] : memref<2560x128xi32, #tpu.memory_space<hbm>> -> memref<80x128xi32, #tpu.memory_space<hbm>>
      %dma_wait3A_106 = arith.constant 0 : i32
      %dma_wait3A_107 = tpu.memref_slice %arg4[%mul3A_20, %dma_wait3A_106] : memref<2560x128xi32, #tpu.memory_space<hbm>> -> memref<80x128xi32, #tpu.memory_space<hbm>>
      tpu.wait_dma2 semaphore(%run_scoped3A : memref<!tpu.dma_semaphore, #tpu.memory_space<semaphore_mem>>) src(%dma_wait3A_107 : memref<80x128xi32, #tpu.memory_space<hbm>>) dst(%arg7 : memref<80x128xi32, #tpu.memory_space<vmem>>)
      tpu.yield
    }) : () -> ()
    %barrier3A = arith.constant 0 : index
    tpu.barrier barrier_id(%barrier3A)
    %dma_start3A = arith.constant 0 : i32
    %dma_start3A_21 = arith.constant 0 : i32
    %dma_start3A_22 = arith.constant 0 : i32
    %dma_start3A_23 = tpu.memref_slice %arg8[%dma_start3A_21, %dma_start3A_22] : memref<640x64xf32, #tpu.memory_space<vmem>> -> memref<128x64xf32, #tpu.memory_space<vmem>>
    %dma_start3A_24 = arith.constant 0 : i32
    %dma_start3A_25 = tpu.memref_slice %arg6[%dma_start3A, %dma_start3A_24] : memref<80x128xi32, #tpu.memory_space<vmem>> -> memref<1x128xi32, #tpu.memory_space<vmem>>
    %dma_start3A_26 = tpu.memref_squeeze %dma_start3A_25 : memref<1x128xi32, #tpu.memory_space<vmem>> -> memref<128xi32, #tpu.memory_space<vmem>>
    %dma_start3A_27 = arith.constant 0 : i32
    %dma_start3A_28 = arith.constant 0 : i32
    %dma_start3A_29 = tpu.memref_slice %arg2[%dma_start3A_27, %dma_start3A_28] : memref<20000x64xf32, #tpu.memory_space<hbm>> -> memref<20000x64xf32, #tpu.memory_space<hbm>>
    tpu.enqueue_indirect_dma source(%dma_start3A_29 : memref<20000x64xf32, #tpu.memory_space<hbm>>) target(%dma_start3A_23 : memref<128x64xf32, #tpu.memory_space<vmem>>) offsets(%dma_start3A_26 : memref<128xi32, #tpu.memory_space<vmem>>) semaphore(%arg11 : memref<!tpu.dma_semaphore, #tpu.memory_space<semaphore_mem>>)
    %dma_start3A_30 = arith.constant 1 : i32
    %dma_start3A_31 = arith.constant 128 : i32
    %dma_start3A_32 = arith.constant 0 : i32
    %dma_start3A_33 = tpu.memref_slice %arg8[%dma_start3A_31, %dma_start3A_32] : memref<640x64xf32, #tpu.memory_space<vmem>> -> memref<128x64xf32, #tpu.memory_space<vmem>>
    %dma_start3A_34 = arith.constant 0 : i32
    %dma_start3A_35 = tpu.memref_slice %arg6[%dma_start3A_30, %dma_start3A_34] : memref<80x128xi32, #tpu.memory_space<vmem>> -> memref<1x128xi32, #tpu.memory_space<vmem>>
    %dma_start3A_36 = tpu.memref_squeeze %dma_start3A_35 : memref<1x128xi32, #tpu.memory_space<vmem>> -> memref<128xi32, #tpu.memory_space<vmem>>
    %dma_start3A_37 = arith.constant 0 : i32
    %dma_start3A_38 = arith.constant 0 : i32
    %dma_start3A_39 = tpu.memref_slice %arg2[%dma_start3A_37, %dma_start3A_38] : memref<20000x64xf32, #tpu.memory_space<hbm>> -> memref<20000x64xf32, #tpu.memory_space<hbm>>
    tpu.enqueue_indirect_dma source(%dma_start3A_39 : memref<20000x64xf32, #tpu.memory_space<hbm>>) target(%dma_start3A_33 : memref<128x64xf32, #tpu.memory_space<vmem>>) offsets(%dma_start3A_36 : memref<128xi32, #tpu.memory_space<vmem>>) semaphore(%arg11 : memref<!tpu.dma_semaphore, #tpu.memory_space<semaphore_mem>>)
    %dma_start3A_40 = arith.constant 2 : i32
    %dma_start3A_41 = arith.constant 256 : i32
    %dma_start3A_42 = arith.constant 0 : i32
    %dma_start3A_43 = tpu.memref_slice %arg8[%dma_start3A_41, %dma_start3A_42] : memref<640x64xf32, #tpu.memory_space<vmem>> -> memref<128x64xf32, #tpu.memory_space<vmem>>
    %dma_start3A_44 = arith.constant 0 : i32
    %dma_start3A_45 = tpu.memref_slice %arg6[%dma_start3A_40, %dma_start3A_44] : memref<80x128xi32, #tpu.memory_space<vmem>> -> memref<1x128xi32, #tpu.memory_space<vmem>>
    %dma_start3A_46 = tpu.memref_squeeze %dma_start3A_45 : memref<1x128xi32, #tpu.memory_space<vmem>> -> memref<128xi32, #tpu.memory_space<vmem>>
    %dma_start3A_47 = arith.constant 0 : i32
    %dma_start3A_48 = arith.constant 0 : i32
    %dma_start3A_49 = tpu.memref_slice %arg2[%dma_start3A_47, %dma_start3A_48] : memref<20000x64xf32, #tpu.memory_space<hbm>> -> memref<20000x64xf32, #tpu.memory_space<hbm>>
    tpu.enqueue_indirect_dma source(%dma_start3A_49 : memref<20000x64xf32, #tpu.memory_space<hbm>>) target(%dma_start3A_43 : memref<128x64xf32, #tpu.memory_space<vmem>>) offsets(%dma_start3A_46 : memref<128xi32, #tpu.memory_space<vmem>>) semaphore(%arg11 : memref<!tpu.dma_semaphore, #tpu.memory_space<semaphore_mem>>)
    %dma_start3A_50 = arith.constant 3 : i32
    %dma_start3A_51 = arith.constant 384 : i32
    %dma_start3A_52 = arith.constant 0 : i32
    %dma_start3A_53 = tpu.memref_slice %arg8[%dma_start3A_51, %dma_start3A_52] : memref<640x64xf32, #tpu.memory_space<vmem>> -> memref<128x64xf32, #tpu.memory_space<vmem>>
    %dma_start3A_54 = arith.constant 0 : i32
    %dma_start3A_55 = tpu.memref_slice %arg6[%dma_start3A_50, %dma_start3A_54] : memref<80x128xi32, #tpu.memory_space<vmem>> -> memref<1x128xi32, #tpu.memory_space<vmem>>
    %dma_start3A_56 = tpu.memref_squeeze %dma_start3A_55 : memref<1x128xi32, #tpu.memory_space<vmem>> -> memref<128xi32, #tpu.memory_space<vmem>>
    %dma_start3A_57 = arith.constant 0 : i32
    %dma_start3A_58 = arith.constant 0 : i32
    %dma_start3A_59 = tpu.memref_slice %arg2[%dma_start3A_57, %dma_start3A_58] : memref<20000x64xf32, #tpu.memory_space<hbm>> -> memref<20000x64xf32, #tpu.memory_space<hbm>>
    tpu.enqueue_indirect_dma source(%dma_start3A_59 : memref<20000x64xf32, #tpu.memory_space<hbm>>) target(%dma_start3A_53 : memref<128x64xf32, #tpu.memory_space<vmem>>) offsets(%dma_start3A_56 : memref<128xi32, #tpu.memory_space<vmem>>) semaphore(%arg11 : memref<!tpu.dma_semaphore, #tpu.memory_space<semaphore_mem>>)
    %scan3A_60 = arith.constant 0 : i32
    %scan3A_61 = arith.constant 0 : i32
    %scan3A_62 = arith.constant 80 : i32
    %scan3A_63 = arith.addi %scan3A_61, %scan3A_62 : i32
    %scan3A_64 = arith.constant 1 : i32
    scf.for %scan3A_100 = %scan3A_61 to %scan3A_63 step %scan3A_64  : i32 {
      %rem3A = arith.constant 5 : i32
      %rem3A_101 = arith.remsi %scan3A_100, %rem3A : i32
      %mul3A_102 = arith.constant 128 : i32
      %mul3A_103 = arith.muli %rem3A_101, %mul3A_102 : i32
      %dma_wait3A_104 = arith.constant 0 : i32
      %dma_wait3A_105 = tpu.memref_slice %arg8[%mul3A_103, %dma_wait3A_104] : memref<640x64xf32, #tpu.memory_space<vmem>> -> memref<128x64xf32, #tpu.memory_space<vmem>>
      %dma_wait3A_106 = arith.constant 0 : i32
      %dma_wait3A_107 = tpu.memref_slice %arg6[%scan3A_100, %dma_wait3A_106] : memref<80x128xi32, #tpu.memory_space<vmem>> -> memref<1x128xi32, #tpu.memory_space<vmem>>
      %dma_wait3A_108 = tpu.memref_squeeze %dma_wait3A_107 : memref<1x128xi32, #tpu.memory_space<vmem>> -> memref<128xi32, #tpu.memory_space<vmem>>
      %dma_wait3A_109 = arith.constant 0 : i32
      %dma_wait3A_110 = arith.constant 0 : i32
      %dma_wait3A_111 = tpu.memref_slice %arg2[%dma_wait3A_109, %dma_wait3A_110] : memref<20000x64xf32, #tpu.memory_space<hbm>> -> memref<20000x64xf32, #tpu.memory_space<hbm>>
      tpu.wait_indirect_dma semaphore(%arg11 : memref<!tpu.dma_semaphore, #tpu.memory_space<semaphore_mem>>) src(%dma_wait3A_111 : memref<20000x64xf32, #tpu.memory_space<hbm>>) dst(%dma_wait3A_105 : memref<128x64xf32, #tpu.memory_space<vmem>>)
      %dma_start3A_112 = arith.constant 0 : i32
      %dma_start3A_113 = tpu.memref_slice %arg8[%mul3A_103, %dma_start3A_112] : memref<640x64xf32, #tpu.memory_space<vmem>> -> memref<128x64xf32, #tpu.memory_space<vmem>>
      %dma_start3A_114 = arith.constant 0 : i32
      %dma_start3A_115 = tpu.memref_slice %arg7[%scan3A_100, %dma_start3A_114] : memref<80x128xi32, #tpu.memory_space<vmem>> -> memref<1x128xi32, #tpu.memory_space<vmem>>
      %dma_start3A_116 = tpu.memref_squeeze %dma_start3A_115 : memref<1x128xi32, #tpu.memory_space<vmem>> -> memref<128xi32, #tpu.memory_space<vmem>>
      %dma_start3A_117 = arith.constant 0 : i32
      %dma_start3A_118 = arith.constant 0 : i32
      %dma_start3A_119 = tpu.memref_slice %arg10[%dma_start3A_117, %dma_start3A_118] : memref<11024x64xf32, #tpu.memory_space<vmem_shared>> -> memref<11024x64xf32, #tpu.memory_space<vmem_shared>>
      tpu.enqueue_indirect_dma source(%dma_start3A_113 : memref<128x64xf32, #tpu.memory_space<vmem>>) target(%dma_start3A_119 : memref<11024x64xf32, #tpu.memory_space<vmem_shared>>) offsets(%dma_start3A_116 : memref<128xi32, #tpu.memory_space<vmem>>) semaphore(%arg12 : memref<!tpu.dma_semaphore, #tpu.memory_space<semaphore_mem>>) {add = true}
      %ge3A = arith.constant 1 : i32
      %ge3A_120 = arith.cmpi sge, %scan3A_100, %ge3A : i32
      %convert_element_type3A = arith.extui %ge3A_120 : i1 to i32
      %cond3A = arith.constant 0 : i32
      %cond3A_121 = arith.cmpi ne, %convert_element_type3A, %cond3A : i32
      scf.if %cond3A_121 {
        %add3A_128 = arith.constant 4 : i32
        %add3A_129 = arith.addi %scan3A_100, %add3A_128 : i32
        %rem3A_130 = arith.constant 5 : i32
        %rem3A_131 = arith.remsi %add3A_129, %rem3A_130 : i32
        %mul3A_132 = arith.constant 128 : i32
        %mul3A_133 = arith.muli %rem3A_131, %mul3A_132 : i32
        %sub3A = arith.constant 1 : i32
        %sub3A_134 = arith.subi %scan3A_100, %sub3A : i32
        %dma_wait3A_135 = arith.constant 0 : i32
        %dma_wait3A_136 = tpu.memref_slice %arg8[%mul3A_133, %dma_wait3A_135] : memref<640x64xf32, #tpu.memory_space<vmem>> -> memref<128x64xf32, #tpu.memory_space<vmem>>
        %dma_wait3A_137 = arith.constant 0 : i32
        %dma_wait3A_138 = tpu.memref_slice %arg7[%sub3A_134, %dma_wait3A_137] : memref<80x128xi32, #tpu.memory_space<vmem>> -> memref<1x128xi32, #tpu.memory_space<vmem>>
        %dma_wait3A_139 = tpu.memref_squeeze %dma_wait3A_138 : memref<1x128xi32, #tpu.memory_space<vmem>> -> memref<128xi32, #tpu.memory_space<vmem>>
        %dma_wait3A_140 = arith.constant 0 : i32
        %dma_wait3A_141 = arith.constant 0 : i32
        %dma_wait3A_142 = tpu.memref_slice %arg10[%dma_wait3A_140, %dma_wait3A_141] : memref<11024x64xf32, #tpu.memory_space<vmem_shared>> -> memref<11024x64xf32, #tpu.memory_space<vmem_shared>>
        tpu.wait_indirect_dma semaphore(%arg12 : memref<!tpu.dma_semaphore, #tpu.memory_space<semaphore_mem>>) src(%dma_wait3A_136 : memref<128x64xf32, #tpu.memory_space<vmem>>) dst(%dma_wait3A_142 : memref<11024x64xf32, #tpu.memory_space<vmem_shared>>)
      } else {
      }
      %add3A_122 = arith.constant 4 : i32
      %add3A_123 = arith.addi %scan3A_100, %add3A_122 : i32
      %lt3A = arith.constant 80 : i32
      %lt3A_124 = arith.cmpi slt, %add3A_123, %lt3A : i32
      %convert_element_type3A_125 = arith.extui %lt3A_124 : i1 to i32
      %cond3A_126 = arith.constant 0 : i32
      %cond3A_127 = arith.cmpi ne, %convert_element_type3A_125, %cond3A_126 : i32
      scf.if %cond3A_127 {
        %add3A_128 = arith.constant 4 : i32
        %add3A_129 = arith.addi %scan3A_100, %add3A_128 : i32
        %rem3A_130 = arith.constant 5 : i32
        %rem3A_131 = arith.remsi %add3A_129, %rem3A_130 : i32
        %mul3A_132 = arith.constant 128 : i32
        %mul3A_133 = arith.muli %rem3A_131, %mul3A_132 : i32
        %add3A_134 = arith.constant 4 : i32
        %add3A_135 = arith.addi %scan3A_100, %add3A_134 : i32
        %dma_start3A_136 = arith.constant 0 : i32
        %dma_start3A_137 = tpu.memref_slice %arg8[%mul3A_133, %dma_start3A_136] : memref<640x64xf32, #tpu.memory_space<vmem>> -> memref<128x64xf32, #tpu.memory_space<vmem>>
        %dma_start3A_138 = arith.constant 0 : i32
        %dma_start3A_139 = tpu.memref_slice %arg6[%add3A_135, %dma_start3A_138] : memref<80x128xi32, #tpu.memory_space<vmem>> -> memref<1x128xi32, #tpu.memory_space<vmem>>
        %dma_start3A_140 = tpu.memref_squeeze %dma_start3A_139 : memref<1x128xi32, #tpu.memory_space<vmem>> -> memref<128xi32, #tpu.memory_space<vmem>>
        %dma_start3A_141 = arith.constant 0 : i32
        %dma_start3A_142 = arith.constant 0 : i32
        %dma_start3A_143 = tpu.memref_slice %arg2[%dma_start3A_141, %dma_start3A_142] : memref<20000x64xf32, #tpu.memory_space<hbm>> -> memref<20000x64xf32, #tpu.memory_space<hbm>>
        tpu.enqueue_indirect_dma source(%dma_start3A_143 : memref<20000x64xf32, #tpu.memory_space<hbm>>) target(%dma_start3A_137 : memref<128x64xf32, #tpu.memory_space<vmem>>) offsets(%dma_start3A_140 : memref<128xi32, #tpu.memory_space<vmem>>) semaphore(%arg11 : memref<!tpu.dma_semaphore, #tpu.memory_space<semaphore_mem>>)
      } else {
      }
    }
    %scan3A_65 = arith.constant 80 : i32
    %dma_wait3A = arith.constant 79 : i32
    %dma_wait3A_66 = arith.constant 0 : i32
    %dma_wait3A_67 = arith.constant 0 : i32
    %dma_wait3A_68 = tpu.memref_slice %arg8[%dma_wait3A_66, %dma_wait3A_67] : memref<640x64xf32, #tpu.memory_space<vmem>> -> memref<128x64xf32, #tpu.memory_space<vmem>>
    %dma_wait3A_69 = arith.constant 0 : i32
    %dma_wait3A_70 = tpu.memref_slice %arg7[%dma_wait3A, %dma_wait3A_69] : memref<80x128xi32, #tpu.memory_space<vmem>> -> memref<1x128xi32, #tpu.memory_space<vmem>>
    %dma_wait3A_71 = tpu.memref_squeeze %dma_wait3A_70 : memref<1x128xi32, #tpu.memory_space<vmem>> -> memref<128xi32, #tpu.memory_space<vmem>>
    %dma_wait3A_72 = arith.constant 0 : i32
    %dma_wait3A_73 = arith.constant 0 : i32
    %dma_wait3A_74 = tpu.memref_slice %arg10[%dma_wait3A_72, %dma_wait3A_73] : memref<11024x64xf32, #tpu.memory_space<vmem_shared>> -> memref<11024x64xf32, #tpu.memory_space<vmem_shared>>
    tpu.wait_indirect_dma semaphore(%arg12 : memref<!tpu.dma_semaphore, #tpu.memory_space<semaphore_mem>>) src(%dma_wait3A_68 : memref<128x64xf32, #tpu.memory_space<vmem>>) dst(%dma_wait3A_74 : memref<11024x64xf32, #tpu.memory_space<vmem_shared>>)
    %barrier3A_75 = arith.constant 0 : index
    tpu.barrier barrier_id(%barrier3A_75)
    %add3A_76 = arith.constant 0 : i32
    %add3A_77 = arith.addi %mul3A_8, %add3A_76 : i32
    "tpu.region"() ({
      %run_scoped3A = tpu.sem_alloc : memref<!tpu.dma_semaphore, #tpu.memory_space<semaphore_mem>>
      %dma_start3A_100 = arith.constant 0 : i32
      %dma_start3A_101 = arith.constant 0 : i32
      %dma_start3A_102 = tpu.memref_slice %arg9[%dma_start3A_100, %dma_start3A_101] : memref<160x64xf32, #tpu.memory_space<vmem>> -> memref<160x64xf32, #tpu.memory_space<vmem>>
      %dma_start3A_103 = arith.constant 0 : i32
      %dma_start3A_104 = tpu.memref_slice %arg10[%add3A_77, %dma_start3A_103] : memref<11024x64xf32, #tpu.memory_space<vmem_shared>> -> memref<160x64xf32, #tpu.memory_space<vmem_shared>>
      %dma_start3A_105 = arith.constant 0 : i32
      %dma_start3A_106 = arith.constant 0 : i32
      %dma_start3A_107 = tpu.memref_slice %arg9[%dma_start3A_105, %dma_start3A_106] : memref<160x64xf32, #tpu.memory_space<vmem>> -> memref<160x64xf32, #tpu.memory_space<vmem>>
      %dma_start3A_108 = arith.constant 0 : i32
      %dma_start3A_109 = tpu.memref_slice %arg10[%add3A_77, %dma_start3A_108] : memref<11024x64xf32, #tpu.memory_space<vmem_shared>> -> memref<160x64xf32, #tpu.memory_space<vmem_shared>>
      tpu.enqueue_dma source(%dma_start3A_109 : memref<160x64xf32, #tpu.memory_space<vmem_shared>>) target(%dma_start3A_107 : memref<160x64xf32, #tpu.memory_space<vmem>>) target_semaphore(%run_scoped3A : memref<!tpu.dma_semaphore, #tpu.memory_space<semaphore_mem>>)
      %dma_wait3A_110 = arith.constant 0 : i32
      %dma_wait3A_111 = arith.constant 0 : i32
      %dma_wait3A_112 = tpu.memref_slice %arg9[%dma_wait3A_110, %dma_wait3A_111] : memref<160x64xf32, #tpu.memory_space<vmem>> -> memref<160x64xf32, #tpu.memory_space<vmem>>
      %dma_wait3A_113 = arith.constant 0 : i32
      %dma_wait3A_114 = tpu.memref_slice %arg10[%add3A_77, %dma_wait3A_113] : memref<11024x64xf32, #tpu.memory_space<vmem_shared>> -> memref<160x64xf32, #tpu.memory_space<vmem_shared>>
      %dma_wait3A_115 = arith.constant 0 : i32
      %dma_wait3A_116 = arith.constant 0 : i32
      %dma_wait3A_117 = tpu.memref_slice %arg9[%dma_wait3A_115, %dma_wait3A_116] : memref<160x64xf32, #tpu.memory_space<vmem>> -> memref<160x64xf32, #tpu.memory_space<vmem>>
      %dma_wait3A_118 = arith.constant 0 : i32
      %dma_wait3A_119 = tpu.memref_slice %arg10[%add3A_77, %dma_wait3A_118] : memref<11024x64xf32, #tpu.memory_space<vmem_shared>> -> memref<160x64xf32, #tpu.memory_space<vmem_shared>>
      tpu.wait_dma2 semaphore(%run_scoped3A : memref<!tpu.dma_semaphore, #tpu.memory_space<semaphore_mem>>) src(%dma_wait3A_119 : memref<160x64xf32, #tpu.memory_space<vmem_shared>>) dst(%dma_wait3A_117 : memref<160x64xf32, #tpu.memory_space<vmem>>)
      tpu.yield
    }) : () -> ()
    %add3A_78 = arith.constant 0 : i32
    %add3A_79 = arith.addi %mul3A_8, %add3A_78 : i32
    %mul3A_80 = arith.constant 64 : i32
    %mul3A_81 = arith.muli %arg0, %mul3A_80 : i32
    "tpu.region"() ({
      %run_scoped3A = tpu.sem_alloc : memref<!tpu.dma_semaphore, #tpu.memory_space<semaphore_mem>>
      %dma_start3A_100 = arith.constant 0 : i32
      %dma_start3A_101 = arith.constant 0 : i32
      %dma_start3A_102 = tpu.memref_slice %arg9[%dma_start3A_100, %dma_start3A_101] : memref<160x64xf32, #tpu.memory_space<vmem>> -> memref<160x64xf32, #tpu.memory_space<vmem>>
      %dma_start3A_103 = tpu.memref_slice %arg5[%add3A_79, %mul3A_81] : memref<10000x128xf32, #tpu.memory_space<hbm>> -> memref<160x64xf32, #tpu.memory_space<hbm>>
      %dma_start3A_104 = tpu.memref_slice %arg5[%add3A_79, %mul3A_81] : memref<10000x128xf32, #tpu.memory_space<hbm>> -> memref<160x64xf32, #tpu.memory_space<hbm>>
      %dma_start3A_105 = arith.constant 0 : i32
      %dma_start3A_106 = arith.constant 0 : i32
      %dma_start3A_107 = tpu.memref_slice %arg9[%dma_start3A_105, %dma_start3A_106] : memref<160x64xf32, #tpu.memory_space<vmem>> -> memref<160x64xf32, #tpu.memory_space<vmem>>
      tpu.enqueue_dma source(%dma_start3A_107 : memref<160x64xf32, #tpu.memory_space<vmem>>) target(%dma_start3A_104 : memref<160x64xf32, #tpu.memory_space<hbm>>) target_semaphore(%run_scoped3A : memref<!tpu.dma_semaphore, #tpu.memory_space<semaphore_mem>>)
      %dma_wait3A_108 = arith.constant 0 : i32
      %dma_wait3A_109 = arith.constant 0 : i32
      %dma_wait3A_110 = tpu.memref_slice %arg9[%dma_wait3A_108, %dma_wait3A_109] : memref<160x64xf32, #tpu.memory_space<vmem>> -> memref<160x64xf32, #tpu.memory_space<vmem>>
      %dma_wait3A_111 = tpu.memref_slice %arg5[%add3A_79, %mul3A_81] : memref<10000x128xf32, #tpu.memory_space<hbm>> -> memref<160x64xf32, #tpu.memory_space<hbm>>
      %dma_wait3A_112 = tpu.memref_slice %arg5[%add3A_79, %mul3A_81] : memref<10000x128xf32, #tpu.memory_space<hbm>> -> memref<160x64xf32, #tpu.memory_space<hbm>>
      %dma_wait3A_113 = arith.constant 0 : i32
      %dma_wait3A_114 = arith.constant 0 : i32
      %dma_wait3A_115 = tpu.memref_slice %arg9[%dma_wait3A_113, %dma_wait3A_114] : memref<160x64xf32, #tpu.memory_space<vmem>> -> memref<160x64xf32, #tpu.memory_space<vmem>>
      tpu.wait_dma2 semaphore(%run_scoped3A : memref<!tpu.dma_semaphore, #tpu.memory_space<semaphore_mem>>) src(%dma_wait3A_115 : memref<160x64xf32, #tpu.memory_space<vmem>>) dst(%dma_wait3A_112 : memref<160x64xf32, #tpu.memory_space<hbm>>)
      tpu.yield
    }) : () -> ()
    %add3A_82 = arith.constant 160 : i32
    %add3A_83 = arith.addi %mul3A_8, %add3A_82 : i32
    "tpu.region"() ({
      %run_scoped3A = tpu.sem_alloc : memref<!tpu.dma_semaphore, #tpu.memory_space<semaphore_mem>>
      %dma_start3A_100 = arith.constant 0 : i32
      %dma_start3A_101 = arith.constant 0 : i32
      %dma_start3A_102 = tpu.memref_slice %arg9[%dma_start3A_100, %dma_start3A_101] : memref<160x64xf32, #tpu.memory_space<vmem>> -> memref<160x64xf32, #tpu.memory_space<vmem>>
      %dma_start3A_103 = arith.constant 0 : i32
      %dma_start3A_104 = tpu.memref_slice %arg10[%add3A_83, %dma_start3A_103] : memref<11024x64xf32, #tpu.memory_space<vmem_shared>> -> memref<160x64xf32, #tpu.memory_space<vmem_shared>>
      %dma_start3A_105 = arith.constant 0 : i32
      %dma_start3A_106 = arith.constant 0 : i32
      %dma_start3A_107 = tpu.memref_slice %arg9[%dma_start3A_105, %dma_start3A_106] : memref<160x64xf32, #tpu.memory_space<vmem>> -> memref<160x64xf32, #tpu.memory_space<vmem>>
      %dma_start3A_108 = arith.constant 0 : i32
      %dma_start3A_109 = tpu.memref_slice %arg10[%add3A_83, %dma_start3A_108] : memref<11024x64xf32, #tpu.memory_space<vmem_shared>> -> memref<160x64xf32, #tpu.memory_space<vmem_shared>>
      tpu.enqueue_dma source(%dma_start3A_109 : memref<160x64xf32, #tpu.memory_space<vmem_shared>>) target(%dma_start3A_107 : memref<160x64xf32, #tpu.memory_space<vmem>>) target_semaphore(%run_scoped3A : memref<!tpu.dma_semaphore, #tpu.memory_space<semaphore_mem>>)
      %dma_wait3A_110 = arith.constant 0 : i32
      %dma_wait3A_111 = arith.constant 0 : i32
      %dma_wait3A_112 = tpu.memref_slice %arg9[%dma_wait3A_110, %dma_wait3A_111] : memref<160x64xf32, #tpu.memory_space<vmem>> -> memref<160x64xf32, #tpu.memory_space<vmem>>
      %dma_wait3A_113 = arith.constant 0 : i32
      %dma_wait3A_114 = tpu.memref_slice %arg10[%add3A_83, %dma_wait3A_113] : memref<11024x64xf32, #tpu.memory_space<vmem_shared>> -> memref<160x64xf32, #tpu.memory_space<vmem_shared>>
      %dma_wait3A_115 = arith.constant 0 : i32
      %dma_wait3A_116 = arith.constant 0 : i32
      %dma_wait3A_117 = tpu.memref_slice %arg9[%dma_wait3A_115, %dma_wait3A_116] : memref<160x64xf32, #tpu.memory_space<vmem>> -> memref<160x64xf32, #tpu.memory_space<vmem>>
      %dma_wait3A_118 = arith.constant 0 : i32
      %dma_wait3A_119 = tpu.memref_slice %arg10[%add3A_83, %dma_wait3A_118] : memref<11024x64xf32, #tpu.memory_space<vmem_shared>> -> memref<160x64xf32, #tpu.memory_space<vmem_shared>>
      tpu.wait_dma2 semaphore(%run_scoped3A : memref<!tpu.dma_semaphore, #tpu.memory_space<semaphore_mem>>) src(%dma_wait3A_119 : memref<160x64xf32, #tpu.memory_space<vmem_shared>>) dst(%dma_wait3A_117 : memref<160x64xf32, #tpu.memory_space<vmem>>)
      tpu.yield
    }) : () -> ()
    %add3A_84 = arith.constant 160 : i32
    %add3A_85 = arith.addi %mul3A_8, %add3A_84 : i32
    %mul3A_86 = arith.constant 64 : i32
    %mul3A_87 = arith.muli %arg0, %mul3A_86 : i32
    "tpu.region"() ({
      %run_scoped3A = tpu.sem_alloc : memref<!tpu.dma_semaphore, #tpu.memory_space<semaphore_mem>>
      %dma_start3A_100 = arith.constant 0 : i32
      %dma_start3A_101 = arith.constant 0 : i32
      %dma_start3A_102 = tpu.memref_slice %arg9[%dma_start3A_100, %dma_start3A_101] : memref<160x64xf32, #tpu.memory_space<vmem>> -> memref<160x64xf32, #tpu.memory_space<vmem>>
      %dma_start3A_103 = tpu.memref_slice %arg5[%add3A_85, %mul3A_87] : memref<10000x128xf32, #tpu.memory_space<hbm>> -> memref<160x64xf32, #tpu.memory_space<hbm>>
      %dma_start3A_104 = tpu.memref_slice %arg5[%add3A_85, %mul3A_87] : memref<10000x128xf32, #tpu.memory_space<hbm>> -> memref<160x64xf32, #tpu.memory_space<hbm>>
      %dma_start3A_105 = arith.constant 0 : i32
      %dma_start3A_106 = arith.constant 0 : i32
      %dma_start3A_107 = tpu.memref_slice %arg9[%dma_start3A_105, %dma_start3A_106] : memref<160x64xf32, #tpu.memory_space<vmem>> -> memref<160x64xf32, #tpu.memory_space<vmem>>
      tpu.enqueue_dma source(%dma_start3A_107 : memref<160x64xf32, #tpu.memory_space<vmem>>) target(%dma_start3A_104 : memref<160x64xf32, #tpu.memory_space<hbm>>) target_semaphore(%run_scoped3A : memref<!tpu.dma_semaphore, #tpu.memory_space<semaphore_mem>>)
      %dma_wait3A_108 = arith.constant 0 : i32
      %dma_wait3A_109 = arith.constant 0 : i32
      %dma_wait3A_110 = tpu.memref_slice %arg9[%dma_wait3A_108, %dma_wait3A_109] : memref<160x64xf32, #tpu.memory_space<vmem>> -> memref<160x64xf32, #tpu.memory_space<vmem>>
      %dma_wait3A_111 = tpu.memref_slice %arg5[%add3A_85, %mul3A_87] : memref<10000x128xf32, #tpu.memory_space<hbm>> -> memref<160x64xf32, #tpu.memory_space<hbm>>
      %dma_wait3A_112 = tpu.memref_slice %arg5[%add3A_85, %mul3A_87] : memref<10000x128xf32, #tpu.memory_space<hbm>> -> memref<160x64xf32, #tpu.memory_space<hbm>>
      %dma_wait3A_113 = arith.constant 0 : i32
      %dma_wait3A_114 = arith.constant 0 : i32
      %dma_wait3A_115 = tpu.memref_slice %arg9[%dma_wait3A_113, %dma_wait3A_114] : memref<160x64xf32, #tpu.memory_space<vmem>> -> memref<160x64xf32, #tpu.memory_space<vmem>>
      tpu.wait_dma2 semaphore(%run_scoped3A : memref<!tpu.dma_semaphore, #tpu.memory_space<semaphore_mem>>) src(%dma_wait3A_115 : memref<160x64xf32, #tpu.memory_space<vmem>>) dst(%dma_wait3A_112 : memref<160x64xf32, #tpu.memory_space<hbm>>)
      tpu.yield
    }) : () -> ()
    %add3A_88 = arith.constant 320 : i32
    %add3A_89 = arith.addi %mul3A_8, %add3A_88 : i32
    "tpu.region"() ({
      %run_scoped3A = tpu.sem_alloc : memref<!tpu.dma_semaphore, #tpu.memory_space<semaphore_mem>>
      %dma_start3A_100 = arith.constant 0 : i32
      %dma_start3A_101 = arith.constant 0 : i32
      %dma_start3A_102 = tpu.memref_slice %arg9[%dma_start3A_100, %dma_start3A_101] : memref<160x64xf32, #tpu.memory_space<vmem>> -> memref<160x64xf32, #tpu.memory_space<vmem>>
      %dma_start3A_103 = arith.constant 0 : i32
      %dma_start3A_104 = tpu.memref_slice %arg10[%add3A_89, %dma_start3A_103] : memref<11024x64xf32, #tpu.memory_space<vmem_shared>> -> memref<160x64xf32, #tpu.memory_space<vmem_shared>>
      %dma_start3A_105 = arith.constant 0 : i32
      %dma_start3A_106 = arith.constant 0 : i32
      %dma_start3A_107 = tpu.memref_slice %arg9[%dma_start3A_105, %dma_start3A_106] : memref<160x64xf32, #tpu.memory_space<vmem>> -> memref<160x64xf32, #tpu.memory_space<vmem>>
      %dma_start3A_108 = arith.constant 0 : i32
      %dma_start3A_109 = tpu.memref_slice %arg10[%add3A_89, %dma_start3A_108] : memref<11024x64xf32, #tpu.memory_space<vmem_shared>> -> memref<160x64xf32, #tpu.memory_space<vmem_shared>>
      tpu.enqueue_dma source(%dma_start3A_109 : memref<160x64xf32, #tpu.memory_space<vmem_shared>>) target(%dma_start3A_107 : memref<160x64xf32, #tpu.memory_space<vmem>>) target_semaphore(%run_scoped3A : memref<!tpu.dma_semaphore, #tpu.memory_space<semaphore_mem>>)
      %dma_wait3A_110 = arith.constant 0 : i32
      %dma_wait3A_111 = arith.constant 0 : i32
      %dma_wait3A_112 = tpu.memref_slice %arg9[%dma_wait3A_110, %dma_wait3A_111] : memref<160x64xf32, #tpu.memory_space<vmem>> -> memref<160x64xf32, #tpu.memory_space<vmem>>
      %dma_wait3A_113 = arith.constant 0 : i32
      %dma_wait3A_114 = tpu.memref_slice %arg10[%add3A_89, %dma_wait3A_113] : memref<11024x64xf32, #tpu.memory_space<vmem_shared>> -> memref<160x64xf32, #tpu.memory_space<vmem_shared>>
      %dma_wait3A_115 = arith.constant 0 : i32
      %dma_wait3A_116 = arith.constant 0 : i32
      %dma_wait3A_117 = tpu.memref_slice %arg9[%dma_wait3A_115, %dma_wait3A_116] : memref<160x64xf32, #tpu.memory_space<vmem>> -> memref<160x64xf32, #tpu.memory_space<vmem>>
      %dma_wait3A_118 = arith.constant 0 : i32
      %dma_wait3A_119 = tpu.memref_slice %arg10[%add3A_89, %dma_wait3A_118] : memref<11024x64xf32, #tpu.memory_space<vmem_shared>> -> memref<160x64xf32, #tpu.memory_space<vmem_shared>>
      tpu.wait_dma2 semaphore(%run_scoped3A : memref<!tpu.dma_semaphore, #tpu.memory_space<semaphore_mem>>) src(%dma_wait3A_119 : memref<160x64xf32, #tpu.memory_space<vmem_shared>>) dst(%dma_wait3A_117 : memref<160x64xf32, #tpu.memory_space<vmem>>)
      tpu.yield
    }) : () -> ()
    %add3A_90 = arith.constant 320 : i32
    %add3A_91 = arith.addi %mul3A_8, %add3A_90 : i32
    %mul3A_92 = arith.constant 64 : i32
    %mul3A_93 = arith.muli %arg0, %mul3A_92 : i32
    "tpu.region"() ({
      %run_scoped3A = tpu.sem_alloc : memref<!tpu.dma_semaphore, #tpu.memory_space<semaphore_mem>>
      %dma_start3A_100 = arith.constant 0 : i32
      %dma_start3A_101 = arith.constant 0 : i32
      %dma_start3A_102 = tpu.memref_slice %arg9[%dma_start3A_100, %dma_start3A_101] : memref<160x64xf32, #tpu.memory_space<vmem>> -> memref<160x64xf32, #tpu.memory_space<vmem>>
      %dma_start3A_103 = tpu.memref_slice %arg5[%add3A_91, %mul3A_93] : memref<10000x128xf32, #tpu.memory_space<hbm>> -> memref<160x64xf32, #tpu.memory_space<hbm>>
      %dma_start3A_104 = tpu.memref_slice %arg5[%add3A_91, %mul3A_93] : memref<10000x128xf32, #tpu.memory_space<hbm>> -> memref<160x64xf32, #tpu.memory_space<hbm>>
      %dma_start3A_105 = arith.constant 0 : i32
      %dma_start3A_106 = arith.constant 0 : i32
      %dma_start3A_107 = tpu.memref_slice %arg9[%dma_start3A_105, %dma_start3A_106] : memref<160x64xf32, #tpu.memory_space<vmem>> -> memref<160x64xf32, #tpu.memory_space<vmem>>
      tpu.enqueue_dma source(%dma_start3A_107 : memref<160x64xf32, #tpu.memory_space<vmem>>) target(%dma_start3A_104 : memref<160x64xf32, #tpu.memory_space<hbm>>) target_semaphore(%run_scoped3A : memref<!tpu.dma_semaphore, #tpu.memory_space<semaphore_mem>>)
      %dma_wait3A_108 = arith.constant 0 : i32
      %dma_wait3A_109 = arith.constant 0 : i32
      %dma_wait3A_110 = tpu.memref_slice %arg9[%dma_wait3A_108, %dma_wait3A_109] : memref<160x64xf32, #tpu.memory_space<vmem>> -> memref<160x64xf32, #tpu.memory_space<vmem>>
      %dma_wait3A_111 = tpu.memref_slice %arg5[%add3A_91, %mul3A_93] : memref<10000x128xf32, #tpu.memory_space<hbm>> -> memref<160x64xf32, #tpu.memory_space<hbm>>
      %dma_wait3A_112 = tpu.memref_slice %arg5[%add3A_91, %mul3A_93] : memref<10000x128xf32, #tpu.memory_space<hbm>> -> memref<160x64xf32, #tpu.memory_space<hbm>>
      %dma_wait3A_113 = arith.constant 0 : i32
      %dma_wait3A_114 = arith.constant 0 : i32
      %dma_wait3A_115 = tpu.memref_slice %arg9[%dma_wait3A_113, %dma_wait3A_114] : memref<160x64xf32, #tpu.memory_space<vmem>> -> memref<160x64xf32, #tpu.memory_space<vmem>>
      tpu.wait_dma2 semaphore(%run_scoped3A : memref<!tpu.dma_semaphore, #tpu.memory_space<semaphore_mem>>) src(%dma_wait3A_115 : memref<160x64xf32, #tpu.memory_space<vmem>>) dst(%dma_wait3A_112 : memref<160x64xf32, #tpu.memory_space<hbm>>)
      tpu.yield
    }) : () -> ()
    %add3A_94 = arith.constant 480 : i32
    %add3A_95 = arith.addi %mul3A_8, %add3A_94 : i32
    "tpu.region"() ({
      %run_scoped3A = tpu.sem_alloc : memref<!tpu.dma_semaphore, #tpu.memory_space<semaphore_mem>>
      %dma_start3A_100 = arith.constant 0 : i32
      %dma_start3A_101 = arith.constant 0 : i32
      %dma_start3A_102 = tpu.memref_slice %arg9[%dma_start3A_100, %dma_start3A_101] : memref<160x64xf32, #tpu.memory_space<vmem>> -> memref<145x64xf32, #tpu.memory_space<vmem>>
      %dma_start3A_103 = arith.constant 0 : i32
      %dma_start3A_104 = tpu.memref_slice %arg10[%add3A_95, %dma_start3A_103] : memref<11024x64xf32, #tpu.memory_space<vmem_shared>> -> memref<145x64xf32, #tpu.memory_space<vmem_shared>>
      %dma_start3A_105 = arith.constant 0 : i32
      %dma_start3A_106 = arith.constant 0 : i32
      %dma_start3A_107 = tpu.memref_slice %arg9[%dma_start3A_105, %dma_start3A_106] : memref<160x64xf32, #tpu.memory_space<vmem>> -> memref<145x64xf32, #tpu.memory_space<vmem>>
      %dma_start3A_108 = arith.constant 0 : i32
      %dma_start3A_109 = tpu.memref_slice %arg10[%add3A_95, %dma_start3A_108] : memref<11024x64xf32, #tpu.memory_space<vmem_shared>> -> memref<145x64xf32, #tpu.memory_space<vmem_shared>>
      tpu.enqueue_dma source(%dma_start3A_109 : memref<145x64xf32, #tpu.memory_space<vmem_shared>>) target(%dma_start3A_107 : memref<145x64xf32, #tpu.memory_space<vmem>>) target_semaphore(%run_scoped3A : memref<!tpu.dma_semaphore, #tpu.memory_space<semaphore_mem>>)
      %dma_wait3A_110 = arith.constant 0 : i32
      %dma_wait3A_111 = arith.constant 0 : i32
      %dma_wait3A_112 = tpu.memref_slice %arg9[%dma_wait3A_110, %dma_wait3A_111] : memref<160x64xf32, #tpu.memory_space<vmem>> -> memref<145x64xf32, #tpu.memory_space<vmem>>
      %dma_wait3A_113 = arith.constant 0 : i32
      %dma_wait3A_114 = tpu.memref_slice %arg10[%add3A_95, %dma_wait3A_113] : memref<11024x64xf32, #tpu.memory_space<vmem_shared>> -> memref<145x64xf32, #tpu.memory_space<vmem_shared>>
      %dma_wait3A_115 = arith.constant 0 : i32
      %dma_wait3A_116 = arith.constant 0 : i32
      %dma_wait3A_117 = tpu.memref_slice %arg9[%dma_wait3A_115, %dma_wait3A_116] : memref<160x64xf32, #tpu.memory_space<vmem>> -> memref<145x64xf32, #tpu.memory_space<vmem>>
      %dma_wait3A_118 = arith.constant 0 : i32
      %dma_wait3A_119 = tpu.memref_slice %arg10[%add3A_95, %dma_wait3A_118] : memref<11024x64xf32, #tpu.memory_space<vmem_shared>> -> memref<145x64xf32, #tpu.memory_space<vmem_shared>>
      tpu.wait_dma2 semaphore(%run_scoped3A : memref<!tpu.dma_semaphore, #tpu.memory_space<semaphore_mem>>) src(%dma_wait3A_119 : memref<145x64xf32, #tpu.memory_space<vmem_shared>>) dst(%dma_wait3A_117 : memref<145x64xf32, #tpu.memory_space<vmem>>)
      tpu.yield
    }) : () -> ()
    %add3A_96 = arith.constant 480 : i32
    %add3A_97 = arith.addi %mul3A_8, %add3A_96 : i32
    %mul3A_98 = arith.constant 64 : i32
    %mul3A_99 = arith.muli %arg0, %mul3A_98 : i32
    "tpu.region"() ({
      %run_scoped3A = tpu.sem_alloc : memref<!tpu.dma_semaphore, #tpu.memory_space<semaphore_mem>>
      %dma_start3A_100 = arith.constant 0 : i32
      %dma_start3A_101 = arith.constant 0 : i32
      %dma_start3A_102 = tpu.memref_slice %arg9[%dma_start3A_100, %dma_start3A_101] : memref<160x64xf32, #tpu.memory_space<vmem>> -> memref<145x64xf32, #tpu.memory_space<vmem>>
      %dma_start3A_103 = tpu.memref_slice %arg5[%add3A_97, %mul3A_99] : memref<10000x128xf32, #tpu.memory_space<hbm>> -> memref<145x64xf32, #tpu.memory_space<hbm>>
      %dma_start3A_104 = tpu.memref_slice %arg5[%add3A_97, %mul3A_99] : memref<10000x128xf32, #tpu.memory_space<hbm>> -> memref<145x64xf32, #tpu.memory_space<hbm>>
      %dma_start3A_105 = arith.constant 0 : i32
      %dma_start3A_106 = arith.constant 0 : i32
      %dma_start3A_107 = tpu.memref_slice %arg9[%dma_start3A_105, %dma_start3A_106] : memref<160x64xf32, #tpu.memory_space<vmem>> -> memref<145x64xf32, #tpu.memory_space<vmem>>
      tpu.enqueue_dma source(%dma_start3A_107 : memref<145x64xf32, #tpu.memory_space<vmem>>) target(%dma_start3A_104 : memref<145x64xf32, #tpu.memory_space<hbm>>) target_semaphore(%run_scoped3A : memref<!tpu.dma_semaphore, #tpu.memory_space<semaphore_mem>>)
      %dma_wait3A_108 = arith.constant 0 : i32
      %dma_wait3A_109 = arith.constant 0 : i32
      %dma_wait3A_110 = tpu.memref_slice %arg9[%dma_wait3A_108, %dma_wait3A_109] : memref<160x64xf32, #tpu.memory_space<vmem>> -> memref<145x64xf32, #tpu.memory_space<vmem>>
      %dma_wait3A_111 = tpu.memref_slice %arg5[%add3A_97, %mul3A_99] : memref<10000x128xf32, #tpu.memory_space<hbm>> -> memref<145x64xf32, #tpu.memory_space<hbm>>
      %dma_wait3A_112 = tpu.memref_slice %arg5[%add3A_97, %mul3A_99] : memref<10000x128xf32, #tpu.memory_space<hbm>> -> memref<145x64xf32, #tpu.memory_space<hbm>>
      %dma_wait3A_113 = arith.constant 0 : i32
      %dma_wait3A_114 = arith.constant 0 : i32
      %dma_wait3A_115 = tpu.memref_slice %arg9[%dma_wait3A_113, %dma_wait3A_114] : memref<160x64xf32, #tpu.memory_space<vmem>> -> memref<145x64xf32, #tpu.memory_space<vmem>>
      tpu.wait_dma2 semaphore(%run_scoped3A : memref<!tpu.dma_semaphore, #tpu.memory_space<semaphore_mem>>) src(%dma_wait3A_115 : memref<145x64xf32, #tpu.memory_space<vmem>>) dst(%dma_wait3A_112 : memref<145x64xf32, #tpu.memory_space<hbm>>)
      tpu.yield
    }) : () -> ()
    return
  }
}

module attributes {stable_mosaic.version = 14 : i64} {
  func.func @body(%arg0: memref<10000x128xf32, #tpu.memory_space<vmem>>, %arg1: memref<128x64xf32, #tpu.memory_space<vmem>>, %arg2: memref<10000x128xf32, #tpu.memory_space<vmem>>) attributes {dimension_semantics = [], scalar_prefetch = 0 : i64, scratch_operands = 0 : i64, tpu.core_type = #tpu.core_type<tc>} {
    %get3A = arith.constant 0 : index
    %get3A_0 = arith.constant 0 : index
    %get3A_1 = vector.load %arg0[%get3A, %get3A_0] : memref<10000x128xf32, #tpu.memory_space<vmem>>, vector<10000x128xf32>
    %get3A_2 = arith.constant 0 : index
    %get3A_3 = arith.constant 0 : index
    %get3A_4 = vector.load %arg1[%get3A_2, %get3A_3] : memref<128x64xf32, #tpu.memory_space<vmem>>, vector<128x64xf32>
    %dot_general3A = arith.constant dense<0.000000e+00> : vector<10000x64xf32>
    %dot_general3A_5 = tpu.matmul %get3A_1, %get3A_4, %dot_general3A {dimension_numbers = #tpu.dot_dimension_numbers<[1], [0], [0], [1], [0, 0, 1, 1], [], []>, transpose_lhs_hint = false} : vector<10000x128xf32>, vector<128x64xf32>, vector<10000x64xf32> -> vector<10000x64xf32>
    %swap3A = arith.constant 0 : index
    %swap3A_6 = arith.constant 0 : index
    %swap3A_7 = vector.load %arg2[%swap3A, %swap3A_6] : memref<10000x128xf32, #tpu.memory_space<vmem>>, vector<10000x64xf32>
    tpu.vector_store %arg2[%swap3A, %swap3A_6], %dot_general3A_5 {strides = array<i32>} : memref<10000x128xf32, #tpu.memory_space<vmem>>, vector<10000x64xf32>,
    return
  }
}

module attributes {stable_mosaic.version = 14 : i64} {
  func.func @body(%arg0: memref<10000x128xf32, #tpu.memory_space<vmem>>, %arg1: memref<10000x128xf32, #tpu.memory_space<vmem>>, %arg2: memref<1x64xf32, #tpu.memory_space<vmem>>, %arg3: memref<64x64xf32, #tpu.memory_space<vmem>>, %arg4: memref<1x64xf32, #tpu.memory_space<vmem>>, %arg5: memref<1x64xf32, #tpu.memory_space<vmem>>, %arg6: memref<1x64xf32, #tpu.memory_space<vmem>>, %arg7: memref<64x64xf32, #tpu.memory_space<vmem>>, %arg8: memref<10000x128xf32, #tpu.memory_space<vmem>>) attributes {dimension_semantics = [], scalar_prefetch = 0 : i64, scratch_operands = 0 : i64, tpu.core_type = #tpu.core_type<tc>} {
    %get3A = arith.constant 0 : index
    %get3A_0 = arith.constant 0 : index
    %get3A_1 = vector.load %arg0[%get3A, %get3A_0] : memref<10000x128xf32, #tpu.memory_space<vmem>>, vector<10000x64xf32>
    %get3A_2 = arith.constant 0 : index
    %get3A_3 = arith.constant 0 : index
    %get3A_4 = vector.load %arg1[%get3A_2, %get3A_3] : memref<10000x128xf32, #tpu.memory_space<vmem>>, vector<10000x64xf32>
    %add3A = arith.addf %get3A_1, %get3A_4 : vector<10000x64xf32>
    %get3A_5 = arith.constant 0 : index
    %get3A_6 = arith.constant 64 : index
    %get3A_7 = vector.load %arg1[%get3A_5, %get3A_6] : memref<10000x128xf32, #tpu.memory_space<vmem>>, vector<10000x64xf32>
    %add3A_8 = arith.addf %add3A, %get3A_7 : vector<10000x64xf32>
    %get3A_9 = arith.constant 0 : index
    %get3A_10 = arith.constant 0 : index
    %get3A_11 = vector.load %arg2[%get3A_9, %get3A_10] : memref<1x64xf32, #tpu.memory_space<vmem>>, vector<1x64xf32>
    %add3A_12 = vector.broadcast %get3A_11 : vector<1x64xf32> to vector<10000x64xf32>
    %add3A_13 = arith.addf %add3A_8, %add3A_12 : vector<10000x64xf32>
    %max3A = arith.constant 0.000000e+00 : f32
    %max3A_14 = vector.broadcast %max3A : f32 to vector<10000x64xf32>
    %max3A_15 = arith.maximumf %add3A_13, %max3A_14 : vector<10000x64xf32>
    %get3A_16 = arith.constant 0 : index
    %get3A_17 = arith.constant 0 : index
    %get3A_18 = vector.load %arg3[%get3A_16, %get3A_17] : memref<64x64xf32, #tpu.memory_space<vmem>>, vector<64x64xf32>
    %dot_general3A = arith.constant dense<0.000000e+00> : vector<10000x64xf32>
    %dot_general3A_19 = tpu.matmul %max3A_15, %get3A_18, %dot_general3A {dimension_numbers = #tpu.dot_dimension_numbers<[1], [0], [0], [1], [0, 0, 1, 1], [], []>, transpose_lhs_hint = false} : vector<10000x64xf32>, vector<64x64xf32>, vector<10000x64xf32> -> vector<10000x64xf32>
    %get3A_20 = arith.constant 0 : index
    %get3A_21 = arith.constant 0 : index
    %get3A_22 = vector.load %arg4[%get3A_20, %get3A_21] : memref<1x64xf32, #tpu.memory_space<vmem>>, vector<1x64xf32>
    %add3A_23 = vector.broadcast %get3A_22 : vector<1x64xf32> to vector<10000x64xf32>
    %add3A_24 = arith.addf %dot_general3A_19, %add3A_23 : vector<10000x64xf32>
    %max3A_25 = arith.constant 0.000000e+00 : f32
    %max3A_26 = vector.broadcast %max3A_25 : f32 to vector<10000x64xf32>
    %max3A_27 = arith.maximumf %add3A_24, %max3A_26 : vector<10000x64xf32>
    %reduce_sum3A = arith.constant dense<0.000000e+00> : vector<64xf32>
    %reduce_sum3A_28 = vector.multi_reduction <add>, %max3A_27, %reduce_sum3A [0] : vector<10000x64xf32> to vector<64xf32>
    %broadcast_in_dim3A = vector.shape_cast %reduce_sum3A_28 : vector<64xf32> to vector<1x64xf32>
    %div3A = arith.constant 1.000000e+04 : f32
    %div3A_29 = vector.broadcast %div3A : f32 to vector<1x64xf32>
    %div3A_30 = arith.divf %broadcast_in_dim3A, %div3A_29 : vector<1x64xf32>
    %sub3A = vector.broadcast %div3A_30 : vector<1x64xf32> to vector<10000x64xf32>
    %sub3A_31 = arith.subf %max3A_27, %sub3A : vector<10000x64xf32>
    %integer_pow3A = arith.mulf %sub3A_31, %sub3A_31 : vector<10000x64xf32>
    %reduce_sum3A_32 = arith.constant dense<0.000000e+00> : vector<64xf32>
    %reduce_sum3A_33 = vector.multi_reduction <add>, %integer_pow3A, %reduce_sum3A_32 [0] : vector<10000x64xf32> to vector<64xf32>
    %broadcast_in_dim3A_34 = vector.shape_cast %reduce_sum3A_33 : vector<64xf32> to vector<1x64xf32>
    %div3A_35 = arith.constant 1.000000e+04 : f32
    %div3A_36 = vector.broadcast %div3A_35 : f32 to vector<1x64xf32>
    %div3A_37 = arith.divf %broadcast_in_dim3A_34, %div3A_36 : vector<1x64xf32>
    %sub3A_38 = vector.broadcast %div3A_30 : vector<1x64xf32> to vector<10000x64xf32>
    %sub3A_39 = arith.subf %max3A_27, %sub3A_38 : vector<10000x64xf32>
    %add3A_40 = arith.constant 9.99999974E-6 : f32
    %add3A_41 = vector.broadcast %add3A_40 : f32 to vector<1x64xf32>
    %add3A_42 = arith.addf %div3A_37, %add3A_41 : vector<1x64xf32>
    %rsqrt3A = math.rsqrt %add3A_42 : vector<1x64xf32>
    %mul3A = vector.broadcast %rsqrt3A : vector<1x64xf32> to vector<10000x64xf32>
    %mul3A_43 = arith.mulf %sub3A_39, %mul3A : vector<10000x64xf32>
    %get3A_44 = arith.constant 0 : index
    %get3A_45 = arith.constant 0 : index
    %get3A_46 = vector.load %arg5[%get3A_44, %get3A_45] : memref<1x64xf32, #tpu.memory_space<vmem>>, vector<1x64xf32>
    %mul3A_47 = vector.broadcast %get3A_46 : vector<1x64xf32> to vector<10000x64xf32>
    %mul3A_48 = arith.mulf %mul3A_43, %mul3A_47 : vector<10000x64xf32>
    %get3A_49 = arith.constant 0 : index
    %get3A_50 = arith.constant 0 : index
    %get3A_51 = vector.load %arg6[%get3A_49, %get3A_50] : memref<1x64xf32, #tpu.memory_space<vmem>>, vector<1x64xf32>
    %add3A_52 = vector.broadcast %get3A_51 : vector<1x64xf32> to vector<10000x64xf32>
    %add3A_53 = arith.addf %mul3A_48, %add3A_52 : vector<10000x64xf32>
    %get3A_54 = arith.constant 0 : index
    %get3A_55 = arith.constant 0 : index
    %get3A_56 = vector.load %arg7[%get3A_54, %get3A_55] : memref<64x64xf32, #tpu.memory_space<vmem>>, vector<64x64xf32>
    %dot_general3A_57 = arith.constant dense<0.000000e+00> : vector<10000x64xf32>
    %dot_general3A_58 = tpu.matmul %add3A_53, %get3A_56, %dot_general3A_57 {dimension_numbers = #tpu.dot_dimension_numbers<[1], [0], [0], [1], [0, 0, 1, 1], [], []>, transpose_lhs_hint = false} : vector<10000x64xf32>, vector<64x64xf32>, vector<10000x64xf32> -> vector<10000x64xf32>
    %swap3A = arith.constant 0 : index
    %swap3A_59 = arith.constant 0 : index
    %swap3A_60 = vector.load %arg8[%swap3A, %swap3A_59] : memref<10000x128xf32, #tpu.memory_space<vmem>>, vector<10000x64xf32>
    tpu.vector_store %arg8[%swap3A, %swap3A_59], %dot_general3A_58 {strides = array<i32>} : memref<10000x128xf32, #tpu.memory_space<vmem>>, vector<10000x64xf32>,
    return
  }
}

module attributes {stable_mosaic.version = 14 : i64} {
  func.func @body(%arg0: memref<10000x128xf32, #tpu.memory_space<vmem>>, %arg1: memref<10000x128xf32, #tpu.memory_space<vmem>>, %arg2: memref<1x64xf32, #tpu.memory_space<vmem>>, %arg3: memref<64x64xf32, #tpu.memory_space<vmem>>, %arg4: memref<1x64xf32, #tpu.memory_space<vmem>>, %arg5: memref<1x64xf32, #tpu.memory_space<vmem>>, %arg6: memref<1x64xf32, #tpu.memory_space<vmem>>, %arg7: memref<64x1xf32, #tpu.memory_space<vmem>>, %arg8: memref<1x1xf32, #tpu.memory_space<vmem>>, %arg9: memref<1x1xf32, #tpu.memory_space<vmem>>) attributes {dimension_semantics = [], scalar_prefetch = 0 : i64, scratch_operands = 0 : i64, tpu.core_type = #tpu.core_type<tc>} {
    %get3A = arith.constant 0 : index
    %get3A_0 = arith.constant 0 : index
    %get3A_1 = vector.load %arg0[%get3A, %get3A_0] : memref<10000x128xf32, #tpu.memory_space<vmem>>, vector<10000x64xf32>
    %get3A_2 = arith.constant 0 : index
    %get3A_3 = arith.constant 0 : index
    %get3A_4 = vector.load %arg1[%get3A_2, %get3A_3] : memref<10000x128xf32, #tpu.memory_space<vmem>>, vector<10000x64xf32>
    %add3A = arith.addf %get3A_1, %get3A_4 : vector<10000x64xf32>
    %get3A_5 = arith.constant 0 : index
    %get3A_6 = arith.constant 64 : index
    %get3A_7 = vector.load %arg1[%get3A_5, %get3A_6] : memref<10000x128xf32, #tpu.memory_space<vmem>>, vector<10000x64xf32>
    %add3A_8 = arith.addf %add3A, %get3A_7 : vector<10000x64xf32>
    %get3A_9 = arith.constant 0 : index
    %get3A_10 = arith.constant 0 : index
    %get3A_11 = vector.load %arg2[%get3A_9, %get3A_10] : memref<1x64xf32, #tpu.memory_space<vmem>>, vector<1x64xf32>
    %add3A_12 = vector.broadcast %get3A_11 : vector<1x64xf32> to vector<10000x64xf32>
    %add3A_13 = arith.addf %add3A_8, %add3A_12 : vector<10000x64xf32>
    %max3A = arith.constant 0.000000e+00 : f32
    %max3A_14 = vector.broadcast %max3A : f32 to vector<10000x64xf32>
    %max3A_15 = arith.maximumf %add3A_13, %max3A_14 : vector<10000x64xf32>
    %get3A_16 = arith.constant 0 : index
    %get3A_17 = arith.constant 0 : index
    %get3A_18 = vector.load %arg3[%get3A_16, %get3A_17] : memref<64x64xf32, #tpu.memory_space<vmem>>, vector<64x64xf32>
    %dot_general3A = arith.constant dense<0.000000e+00> : vector<10000x64xf32>
    %dot_general3A_19 = tpu.matmul %max3A_15, %get3A_18, %dot_general3A {dimension_numbers = #tpu.dot_dimension_numbers<[1], [0], [0], [1], [0, 0, 1, 1], [], []>, transpose_lhs_hint = false} : vector<10000x64xf32>, vector<64x64xf32>, vector<10000x64xf32> -> vector<10000x64xf32>
    %get3A_20 = arith.constant 0 : index
    %get3A_21 = arith.constant 0 : index
    %get3A_22 = vector.load %arg4[%get3A_20, %get3A_21] : memref<1x64xf32, #tpu.memory_space<vmem>>, vector<1x64xf32>
    %add3A_23 = vector.broadcast %get3A_22 : vector<1x64xf32> to vector<10000x64xf32>
    %add3A_24 = arith.addf %dot_general3A_19, %add3A_23 : vector<10000x64xf32>
    %max3A_25 = arith.constant 0.000000e+00 : f32
    %max3A_26 = vector.broadcast %max3A_25 : f32 to vector<10000x64xf32>
    %max3A_27 = arith.maximumf %add3A_24, %max3A_26 : vector<10000x64xf32>
    %reduce_sum3A = arith.constant dense<0.000000e+00> : vector<64xf32>
    %reduce_sum3A_28 = vector.multi_reduction <add>, %max3A_27, %reduce_sum3A [0] : vector<10000x64xf32> to vector<64xf32>
    %broadcast_in_dim3A = vector.shape_cast %reduce_sum3A_28 : vector<64xf32> to vector<1x64xf32>
    %div3A = arith.constant 1.000000e+04 : f32
    %div3A_29 = vector.broadcast %div3A : f32 to vector<1x64xf32>
    %div3A_30 = arith.divf %broadcast_in_dim3A, %div3A_29 : vector<1x64xf32>
    %sub3A = vector.broadcast %div3A_30 : vector<1x64xf32> to vector<10000x64xf32>
    %sub3A_31 = arith.subf %max3A_27, %sub3A : vector<10000x64xf32>
    %integer_pow3A = arith.mulf %sub3A_31, %sub3A_31 : vector<10000x64xf32>
    %reduce_sum3A_32 = arith.constant dense<0.000000e+00> : vector<64xf32>
    %reduce_sum3A_33 = vector.multi_reduction <add>, %integer_pow3A, %reduce_sum3A_32 [0] : vector<10000x64xf32> to vector<64xf32>
    %broadcast_in_dim3A_34 = vector.shape_cast %reduce_sum3A_33 : vector<64xf32> to vector<1x64xf32>
    %div3A_35 = arith.constant 1.000000e+04 : f32
    %div3A_36 = vector.broadcast %div3A_35 : f32 to vector<1x64xf32>
    %div3A_37 = arith.divf %broadcast_in_dim3A_34, %div3A_36 : vector<1x64xf32>
    %sub3A_38 = vector.broadcast %div3A_30 : vector<1x64xf32> to vector<10000x64xf32>
    %sub3A_39 = arith.subf %max3A_27, %sub3A_38 : vector<10000x64xf32>
    %add3A_40 = arith.constant 9.99999974E-6 : f32
    %add3A_41 = vector.broadcast %add3A_40 : f32 to vector<1x64xf32>
    %add3A_42 = arith.addf %div3A_37, %add3A_41 : vector<1x64xf32>
    %rsqrt3A = math.rsqrt %add3A_42 : vector<1x64xf32>
    %mul3A = vector.broadcast %rsqrt3A : vector<1x64xf32> to vector<10000x64xf32>
    %mul3A_43 = arith.mulf %sub3A_39, %mul3A : vector<10000x64xf32>
    %get3A_44 = arith.constant 0 : index
    %get3A_45 = arith.constant 0 : index
    %get3A_46 = vector.load %arg5[%get3A_44, %get3A_45] : memref<1x64xf32, #tpu.memory_space<vmem>>, vector<1x64xf32>
    %mul3A_47 = vector.broadcast %get3A_46 : vector<1x64xf32> to vector<10000x64xf32>
    %mul3A_48 = arith.mulf %mul3A_43, %mul3A_47 : vector<10000x64xf32>
    %get3A_49 = arith.constant 0 : index
    %get3A_50 = arith.constant 0 : index
    %get3A_51 = vector.load %arg6[%get3A_49, %get3A_50] : memref<1x64xf32, #tpu.memory_space<vmem>>, vector<1x64xf32>
    %add3A_52 = vector.broadcast %get3A_51 : vector<1x64xf32> to vector<10000x64xf32>
    %add3A_53 = arith.addf %mul3A_48, %add3A_52 : vector<10000x64xf32>
    %reduce_sum3A_54 = arith.constant dense<0.000000e+00> : vector<64xf32>
    %reduce_sum3A_55 = vector.multi_reduction <add>, %add3A_53, %reduce_sum3A_54 [0] : vector<10000x64xf32> to vector<64xf32>
    %broadcast_in_dim3A_56 = vector.shape_cast %reduce_sum3A_55 : vector<64xf32> to vector<1x64xf32>
    %div3A_57 = arith.constant 1.000000e+04 : f32
    %div3A_58 = vector.broadcast %div3A_57 : f32 to vector<1x64xf32>
    %div3A_59 = arith.divf %broadcast_in_dim3A_56, %div3A_58 : vector<1x64xf32>
    %get3A_60 = arith.constant 0 : index
    %get3A_61 = arith.constant 0 : index
    %get3A_62 = vector.load %arg7[%get3A_60, %get3A_61] : memref<64x1xf32, #tpu.memory_space<vmem>>, vector<64x1xf32>
    %dot_general3A_63 = arith.constant dense<0.000000e+00> : vector<1x1xf32>
    %dot_general3A_64 = tpu.matmul %div3A_59, %get3A_62, %dot_general3A_63 {dimension_numbers = #tpu.dot_dimension_numbers<[1], [0], [0], [1], [0, 0, 1, 1], [], []>, transpose_lhs_hint = false} : vector<1x64xf32>, vector<64x1xf32>, vector<1x1xf32> -> vector<1x1xf32>
    %get3A_65 = arith.constant 0 : index
    %get3A_66 = arith.constant 0 : index
    %get3A_67 = vector.load %arg8[%get3A_65, %get3A_66] : memref<1x1xf32, #tpu.memory_space<vmem>>, vector<1x1xf32>
    %add3A_68 = arith.addf %dot_general3A_64, %get3A_67 : vector<1x1xf32>
    %logistic3A = arith.negf %add3A_68 : vector<1x1xf32>
    %logistic3A_69 = math.exp %logistic3A : vector<1x1xf32>
    %logistic3A_70 = arith.constant 1.000000e+00 : f32
    %logistic3A_71 = vector.broadcast %logistic3A_70 : f32 to vector<1x1xf32>
    %logistic3A_72 = arith.addf %logistic3A_71, %logistic3A_69 : vector<1x1xf32>
    %logistic3A_73 = arith.divf %logistic3A_71, %logistic3A_72 : vector<1x1xf32>
    %swap3A = arith.constant 0 : index
    %swap3A_74 = arith.constant 0 : index
    %swap3A_75 = vector.load %arg9[%swap3A, %swap3A_74] : memref<1x1xf32, #tpu.memory_space<vmem>>, vector<1x1xf32>
    tpu.vector_store %arg9[%swap3A, %swap3A_74], %logistic3A_73 {strides = array<i32>} : memref<1x1xf32, #tpu.memory_space<vmem>>, vector<1x1xf32>,
    return
  }
}

</mosaic_0001>

<sc_bundles>
// kernel: kernel.13.cloned.1.call-start
scs
__scs_entry_jumppad:
0x0: {  	(pc) =	sbr.rel $0x88, $3  }
0x1: {  	(tag) =	ssettag $0x0;
	lr =	simm.s32 $0x1  }
0x2: {  	[smem:$0x3F7F] =	sst lr;
	_ =	strace $0xD0000000  }
0x3: {  	_ = 	snop  }
0x4: {  	_ = 	snop  }
0x5: {  	_ = 	snop  }
0x6: {  	_ = 	snop  }
0x7: {  	_ = 	snop  }
__scs_overlays_trampoline_lowered:
0x8: {  	[smem:$0x3F8E] =	sst s0  }
0x9: {  	[smem:$0x3F8F] =	sst s1  }
0xa: {  	[smem:$0x3F90] =	sst s2  }
0xb: {  	[smem:$0x3F91] =	sst s3  }
0xc: {  	[smem:$0x3F92] =	sst s4  }
0xd: {  	[smem:$0x3F93] =	sst s5  }
0xe: {  	[smem:$0x3F94] =	sst s6  }
0xf: {  	[smem:$0x3F95] =	sst s7  }
0x10: {  	[smem:$0x3F96] =	sst s8  }
0x11: {  	[smem:$0x3F97] =	sst s9;
	s0 =	simm.s32 @!p0 $0x0  }
0x12: {  	s1 =	sld [smem:$0x3F7D];
	s0 =	simm.s32 @p0 $0x1  }
0x13: {  	[smem:$0x3F98] =	sst s0;
	s0 =	simm.s32 @!p1 $0x0  }
0x14: {  	s2 =	sld [smem:$0x3F7C];
	s0 =	simm.s32 @p1 $0x1  }
0x15: {  	[smem:$0x3F99] =	sst s0;
	s0 =	simm.s32 @!p2 $0x0  }
0x16: {  	s3 =	sld [smem:$0x3FDB];
	s0 =	simm.s32 @p2 $0x1  }
0x17: {  	s4 =	simm.s32 $0x1BF5;
	[smem:$0x3F9B] =	sst s0  }
0x18: {  	s0 =	sld [smem:$0x3F7E];
	_ =	swait.ge [sflag:s4], $0x0  }
0x19: {  	s7 =	sld [smem:$0x3F7F]  }
0x1a: {  	s8 =	sadd.s32 $0xFFFFE003, lr  }
0x1b: {  	s9 =	sadd.s32 $0xFFFFFEF7, lr;
	s5 =	simm.s32 $0xFFFFFFFF;
	p2 =	slt.u32 s8, $0xFFFFF086  }
0x1c: {  	p1 =	slt.u32 s9, $0xF7A;
	s5 =	simm.s32 @!p2 $0x0  }
0x1d: {  	s5 =	simm.s32 @p1 $0x1;
	p0 =	seq.s32 s7, s2  }
0x1e: {  	s7 =	smul.u32 @!p0 $0xF7A, s2;
	p2 =	seq.s32 @!p0 s5, $0x0  }
0x1f: {  	s9 =	smul.u32 $0xF7A, s1;
	s8 =	simm.s32 @!p0 $0x1BF5;
	p2 =	por !p2, p0  }
0x20: {  	[sflag:s8] =	ssyncset.s32 @!p0 $0xFFFFF086;
	s6 =	sadd.s32 @!p0 s3, s7;
	s7 =	simm.s32 @!p0 $0x108  }
0x21: {  	s3 =	sadd.s32 s3, s9;
	s6 =	sadd.s32 @!p0 $0x88, s6;
	s7 =	simm.s32 @p2 $0x1082  }
0x22: {  	[simem:s7], [sflag:s8] =	dma.local @!p0 [hbm:s6], $0xF7A  }
0x23: {  	s9 =	sor.u32 $0xD0000000, s2;
	s6 =	simm.s32 $0x108;
	_ =	swait.ge @!p0 [sflag:s8], $0x0  }
0x24: {  	s3 =	sadd.s32 $0x88, s3;
	s6 =	simm.s32 @!p1 $0x1082;
	[sflag:s4] =	ssyncset.s32 $0xFFFFF086  }
0x25: {  	[simem:s6], [sflag:s4] =	dma.local [hbm:s3], $0xF7A  }
0x26: {  	[smem:$0x3F7F] =	sst s1;
	(tag) =	ssettag s2;
	_ =	strace s9  }
0x27: {  	s1 =	sld [smem:$0x3F8F]  }
0x28: {  	s2 =	sld [smem:$0x3F90]  }
0x29: {  	s4 =	sld [smem:$0x3F92]  }
0x2a: {  	p0 =	seq.s32 s5, $0x0;
	s5 =	sld [smem:$0x3F93]  }
0x2b: {  	s6 =	sld [smem:$0x3F94]  }
0x2c: {  	s7 =	sld [smem:$0x3F95]  }
0x2d: {  	s3 =	simm.s32 $0x108;
	s8 =	sld [smem:$0x3F96]  }
0x2e: {  	s3 =	simm.s32 @!p0 $0x1082;
	s9 =	sld [smem:$0x3F97]  }
0x2f: {  	lr =	sadd.s32 s0, s3;
	s0 =	sld [smem:$0x3F8E]  }
0x30: {  	s3 =	sld [smem:$0x3F91]  }
0x31: {  	[smem:$0x3F9A] =	sst s10  }
0x32: {  	s10 =	sld [smem:$0x3F98];
	_ =	sdelay $0x3  }
0x33: {  	p0 =	seq.s32 s10, $0x1;
	s10 =	sld [smem:$0x3F9A];
	_ =	sdelay $0x3  }
0x34: {  	[smem:$0x3F9A] =	sst s10  }
0x35: {  	s10 =	sld [smem:$0x3F99];
	_ =	sdelay $0x3  }
0x36: {  	p1 =	seq.s32 s10, $0x1;
	s10 =	sld [smem:$0x3F9A];
	_ =	sdelay $0x3  }
0x37: {  	[smem:$0x3F9A] =	sst s10  }
0x38: {  	s10 =	sld [smem:$0x3F9B]  }
0x39: {  	_ = 	snop;
	(pc) =	sbr.ind lr, $3  }
0x3a: {  	_ = 	snop  }
0x3b: {  	_ = 	snop  }
0x3c: {  	p2 =	seq.s32 s10, $0x1;
	s10 =	sld [smem:$0x3F9A]  }
0x3d: {  	_ =	shalt  }
0x3e: {  	_ =	shalt  }
0x3f: {  	_ =	shalt  }
0x40: {  	_ =	shalt  }
0x41: {  	_ =	shalt  }
0x42: {  	_ =	shalt  }
0x43: {  	_ =	shalt  }
0x44: {  	_ =	shalt  }
0x45: {  	_ =	shalt  }
0x46: {  	_ =	shalt  }
0x47: {  	_ =	shalt  }
0x48: {  	_ =	shalt  }
0x49: {  	_ =	shalt  }
0x4a: {  	_ =	shalt  }
0x4b: {  	_ =	shalt  }
0x4c: {  	_ =	shalt  }
0x4d: {  	_ =	shalt  }
0x4e: {  	_ =	shalt  }
0x4f: {  	_ =	shalt  }
0x50: {  	_ =	shalt  }
0x51: {  	_ =	shalt  }
0x52: {  	_ =	shalt  }
0x53: {  	_ =	shalt  }
0x54: {  	_ =	shalt  }
0x55: {  	_ =	shalt  }
0x56: {  	_ =	shalt  }
0x57: {  	_ =	shalt  }
0x58: {  	_ =	shalt  }
0x59: {  	_ =	shalt  }
0x5a: {  	_ =	shalt  }
0x5b: {  	_ =	shalt  }
0x5c: {  	_ =	shalt  }
0x5d: {  	_ =	shalt  }
0x5e: {  	_ =	shalt  }
0x5f: {  	_ =	shalt  }
0x60: {  	_ =	shalt  }
0x61: {  	_ =	shalt  }
0x62: {  	_ =	shalt  }
0x63: {  	_ =	shalt  }
0x64: {  	_ =	shalt  }
0x65: {  	_ =	shalt  }
0x66: {  	_ =	shalt  }
0x67: {  	_ =	shalt  }
0x68: {  	_ =	shalt  }
0x69: {  	_ =	shalt  }
0x6a: {  	_ =	shalt  }
0x6b: {  	_ =	shalt  }
0x6c: {  	_ =	shalt  }
0x6d: {  	_ =	shalt  }
0x6e: {  	_ =	shalt  }
0x6f: {  	_ =	shalt  }
0x70: {  	_ =	shalt  }
0x71: {  	_ =	shalt  }
0x72: {  	_ =	shalt  }
0x73: {  	_ =	shalt  }
0x74: {  	_ =	shalt  }
0x75: {  	_ =	shalt  }
0x76: {  	_ =	shalt  }
0x77: {  	_ =	shalt  }
0x78: {  	_ =	shalt  }
0x79: {  	_ =	shalt  }
0x7a: {  	_ =	shalt  }
0x7b: {  	_ =	shalt  }
0x7c: {  	_ =	shalt  }
0x7d: {  	_ =	shalt  }
0x7e: {  	_ =	shalt  }
0x7f: {  	_ =	shalt  }
0x80: {  	_ =	shalt  }
0x81: {  	_ =	shalt  }
0x82: {  	_ =	shalt  }
0x83: {  	_ =	shalt  }
0x84: {  	_ =	shalt  }
0x85: {  	_ =	shalt  }
0x86: {  	_ =	shalt  }
0x87: {  	_ =	shalt  }
.Lfunc_end0:
.L_simem_size_0:
called_computation_lowered:
.L_overlay_start_0:
0x88: {  	s2 =	sld [smem:$0x3FD9]  }
0x89: {  	s3 =	sld [smem:$0x3FFE];
	_ =	sdelay $0x1  }
0x8a: {  	s1 =	srdreg.scid  }
0x8b: {  	s0 =	sand.u32 $0x1, s1  }
0x8c: {  	s16 =	sshll.u32 s0, $0xA;
	s2 =	sadd.s32 s3, s2  }
0x8d: {  	s2 =	sadd.s32 s2, s16  }
0x8e: {  	[smem:$0x3FA6] =	sst s2  }
0x8f: {  	_ = 	snop  }
0x90: {  	(tm) =	ssettm $0x1  }
0x91: {  	s17 =	sld [smem:$0x3FFB];
	_ =	sdelay $0x3  }
0x92: {  	_ =	strace s17  }
0x93: {  	s2 =	sld [smem:$0x3FFC];
	_ =	sdelay $0x3  }
0x94: {  	_ =	strace s2  }
0x95: {  	s2 =	sld [smem:$0x3FFD];
	_ =	sdelay $0x3  }
0x96: {  	_ =	strace s2  }
0x97: {  	_ =	strace $0x8FFFFFFF  }
0x98: {  	s18 =	sld [smem:$0x3FDB];
	_ =	sdelay $0x1  }
0x99: {  	s19 =	simm.s32 $_scs_section_size  }
0x9a: {  	s4 =	simm.s32 $_size__tile_overlayer_lowered;
	s5 =	simm.s32 $_tile_overlayer_lowered  }
0x9b: {  	s22 =	simm.s32 $0x1BFF;
	s21 =	sshll.u32 s5, $0x1;
	s2 =	sadd.s32 s19, s18  }
0x9c: {  	s6 =	simm.s32 $0x0;
	s20 =	sshll.u32 s4, $0x1;
	s4 =	sadd.s32 s21, s2  }
0x9d: {  	[timem:s6], [sflag:s22] =	dma.local [hbm:s4], s20  }
0x9e: {  	_ =	swait.ge [sflag:s22], s20  }
0x9f: {  	s3 =	ssub.s32 $0x0, s20;
	[sflag:s22] =	ssyncset.done $0x0  }
0xa0: {  	[sflag:s22] =	ssyncadd.s32 s3;
	_ =	sdelay $0x1  }
0xa1: {  	s23 =	simm.s32 $0x1B8B  }
0xa2: {  	_ =	swait.ge [sflag:s23], $0x1  }
0xa3: {  	[sflag:s23] =	ssyncset.done $0x0  }
0xa4: {  	s25 =	simm.s32 $0x1B8E;
	s24 =	sld [smem:$0x3FFE];
	[sflag:s23] =	ssyncadd.s32 $0xFFFFFFFF  }
0xa5: {  	s26 =	simm.s32 $execute0_lowered;
	[smem:$0x3FD2] =	sst s25  }
0xa6: {  	s4 =	sshll.u32 s26, $0x1;
	_ =	strace $0x80000046;
	[dreg:$0x1] =	wrdreg $0xFFFFFFFF  }
0xa7: {  	s28 =	simm.s32 $_size_execute0_lowered;
	s2 =	sadd.s32 s2, s4;
	[dreg:$0x0] =	wrdreg $0x0  }
0xa8: {  	s4 =	sshll.u32 s28, $0x1;
	[dreg:$0x2] =	wrdreg s2  }
0xa9: {  	[dreg:$0x3] =	wrdreg s4  }
0xaa: {  	[dreg:$0x4] =	wrdreg $0xC0  }
0xab: {  	_ =	task [dreg:s6], $0x5FFFF  }
0xac: {  	[dreg:$0x1] =	wrdreg $0xFFFFFFFF  }
0xad: {  	[dreg:$0x0] =	wrdreg $0x60  }
0xae: {  	[dreg:$0x2] =	wrdreg s24  }
0xaf: {  	[dreg:$0x3] =	wrdreg $0x118000  }
0xb0: {  	[dreg:$0x4] =	wrdreg $0x9  }
0xb1: {  	_ =	task.clear_ibuf [dreg:s6], $0x5FFFF;
	_ =	strace $0x90000046  }
0xb2: {  	s29 =	simm.s32 $0x9;
	_ =	strace $0x80000048  }
0xb3: {  	_ =	swait.ge [sflag:s29], $0x1  }
0xb4: {  	[sflag:s29] =	ssyncadd.s32 $0xFFFFFFFF  }
0xb5: {  	_ =	strace $0x90000048  }
0xb6: {  	_ =	sfence  }
0xb7: {  	s30 =	sld [smem:$0x0];
	_ =	sdelay $0x2  }
0xb8: {  	s31 =	sshll.u32 s1, $0xD;
	s1 =	sshrl.u32 s1, $0x2  }
0xb9: {  	s3 =	sand.u32 $0x4000, s31;
	s1 =	sadd.s32 s1, s30  }
0xba: {  	s0 =	sor.u32 s3, s0;
	s1 =	sshll.u32 s1, $0x11  }
0xbb: {  	s0 =	sor.u32 s1, s0  }
0xbc: {  	s0 =	sadd.s32 $0x8F2B, s0  }
0xbd: {  	[sflag:s0] =	ssyncadd.remote.s32 $0x1  }
0xbe: {  	_ =	sfence.sel $0xFFFF  }
0xbf: {  	[dreg:$0x0] =	wrdreg $0xFFFFFFFF;
	(pc) =	sbr.abs _section_cstart, $3  }
0xc0: {  	[dreg:$0x1] =	wrdreg $0xFFFFFFFF  }
0xc1: {  	_ =	task.clear_ibuf [dreg:s6], $0x2FFFF;
	_ =	strace $0x9FFFFFFF  }
0xc2: {  	(tm) =	ssettm $0x7FFFFFFF  }
0xc3: {  	_ =	shalt  }
tec
execute0_lowered:
.L_overlay_start_1:
0x0: {  	(tag) =	ssettag $0x1  }
0x1: {  	s0 =	srdreg.scid;
	s5 =	rddreg [dreg:$0x0]  }
0x2: {  	s24 =	stileid.u32;
	s2 =	rddreg [dreg:$0x1];
	s3 =	simm.s32 $0x0  }
0x3: {  	s18 =	simm.s32 $0x80;
	s19 =	simm.s32 $0x5000;
	s20 =	simm.s32 $0x7000  }
0x4: {  	s21 =	simm.s32 $0x100;
	s22 =	simm.s32 $0x9000;
	s23 =	simm.s32 $0x180  }
0x5: {  	s28 =	simm.s32 $0x40;
	s7 =	sand.u32 $0x1, s0;
	s8 =	smul.u32 $0x271, s24  }
0x6: {  	[smem:$0x7FF] =	sst s3;
	s9 =	smul.u32 $0x27100, s24;
	s14 =	sadd.s32 $0x43A00, s5  }
0x7: {  	s30 =	smul.u32 $0x13880, s24;
	s1 =	sshll.u32 s7, $0x4;
	_ =	strace $0x80000047  }
0x8: {  	s25 =	ssub.s32 $0x2, s7;
	s17 =	sshll.u32 s7, $0x6;
	s4 =	sor.u32 s24, s1  }
0x9: {  	s26 =	sshrl.u32 s25, $0x1;
	s9 =	sshrl.u32 s9, $0x2;
	s12 =	sadd.s32 $0xA0, s8  }
0xa: {  	s13 =	sadd.s32 $0x140, s8;
	s16 =	sadd.s32 $0x1E0, s8;
	s31 =	sor.u32 s17, s30  }
0xb: {  	s24 =	simm.s32 $0xB000;
	s6 =	smul.u32 $0x500, s4;
	s4 =	sadd.s32 $0x8800, s5  }
0xc: {  	s15 =	ssub.s32 s25, s26;
	s29 =	sshll.u32 s12, $0x6;
	s11 =	sshll.u32 s13, $0x6  }
0xd: {  	s8 =	sshll.u32 s16, $0x6;
	s12 =	sshll.u32 s12, $0x7;
	s13 =	sshll.u32 s13, $0x7  }
0xe: {  	s16 =	sshll.u32 s16, $0x7;
	s25 =	simm.s32 $0x1;
	s26 =	simm.s32 $0x2  }
0xf: {  	s7 =	sadd.s32 s11, s2;
	s8 =	sadd.s32 s8, s2;
	s11 =	sshrl.u32 s31, $0x3  }
0x10: {  	s12 =	sor.u32 s17, s12;
	s13 =	sor.u32 s17, s13;
	s16 =	sor.u32 s17, s16  }
0x11: {  	s15 =	smax.u32 s15, $0x1;
	s17 =	simm.s32 $0x3;
	s10 =	sadd.s32 s6, s5  }
0x12: {  	s5 =	sadd.s32 s9, s2;
	s6 =	sadd.s32 s29, s2;
	s11 =	sadd.s32 s14, s11  }
0x13: {  	s12 =	sshrl.u32 s12, $0x3;
	s13 =	sshrl.u32 s13, $0x3;
	s16 =	sshrl.u32 s16, $0x3  }
0x14: {  	s9 =	sadd.s32 $0x2FA00, s10;
	s10 =	sadd.s32 $0x39A00, s10;
	s12 =	sadd.s32 s14, s12  }
0x15: {  	v0 =	vimm.f32 $0.0e+00;
	s13 =	sadd.s32 s14, s13;
	s14 =	sadd.s32 s14, s16;
	s16 =	simm.s32 $0xF000  }
.LBB2_1:
0x16: {  	s30 =	simm.s32 $0x100;
	s29 =	simm.s32 $0x0  }
.LBB2_2:
0x17: {  	p0 =	sne.s32 s30, $0x9F00;
	[tilespmem:s29+$0xF030] =	vst v0;
	s31 =	smov.u32 s30;
	s30 =	sadd.s32 $0x100, s30  }
.Ltmp0:
0x18: {  	[tilespmem:s29+$0xF020] =	vst v0;
	(pc) =	sbr.rel @p0 .LBB2_2-.Ltmp0, $3  }
0x19: {  	[tilespmem:s29+$0xF000] =	vst v0  }
0x1a: {  	[tilespmem:s29+$0xF010] =	vst v0;
	_ =	sdelay $0x1  }
0x1b: {  	s29 =	sshra.s32 s31, $0x2  }
0x1c: {  	[tilespmem:s29+$0xF030] =	vst v0  }
0x1d: {  	[tilespmem:s29+$0xF020] =	vst v0  }
0x1e: {  	[tilespmem:s29+$0xF000] =	vst v0  }
0x1f: {  	[tilespmem:s29+$0xF010] =	vst v0  }
0x20: {  	[spmem:s5] =	stream.linear.scatter [tilespmem:s16], [sflag:$0x3], $0x2800, $0x38;
	[tilespmem:$0x1C440] =	vst v63  }
0x21: {  	_ =	swait.ge [sflag:s17], $0x2800  }
0x22: {  	[sflag:s17] =	ssyncset.done $0x0  }
0x23: {  	[sflag:s17] =	ssyncadd.s32 $0xFFFFD800  }
0x24: {  	[spmem:s6] =	stream.linear.scatter [tilespmem:s16], [sflag:$0x3], $0x2800, $0x38;
	[tilespmem:$0x1C440] =	vst v63  }
0x25: {  	_ =	swait.ge [sflag:s17], $0x2800  }
0x26: {  	[sflag:s17] =	ssyncset.done $0x0  }
0x27: {  	[sflag:s17] =	ssyncadd.s32 $0xFFFFD800  }
0x28: {  	[spmem:s7] =	stream.linear.scatter [tilespmem:s16], [sflag:$0x3], $0x2800, $0x38;
	[tilespmem:$0x1C440] =	vst v63  }
0x29: {  	_ =	swait.ge [sflag:s17], $0x2800  }
0x2a: {  	[sflag:s17] =	ssyncset.done $0x0  }
0x2b: {  	[sflag:s17] =	ssyncadd.s32 $0xFFFFD800  }
0x2c: {  	[spmem:s8] =	stream.linear.scatter [tilespmem:s16], [sflag:$0x3], $0x2440, $0x38;
	[tilespmem:$0x1C440] =	vst v63  }
0x2d: {  	_ =	swait.ge [sflag:s17], $0x2440  }
0x2e: {  	[sflag:s17] =	ssyncset.done $0x0  }
0x2f: {  	s29 =	simm.s32 $0x0;
	[sflag:s17] =	ssyncadd.s32 $0xFFFFDBC0  }
0x30: {  	[tilespmem:s29], [sflag:$0x3] =	stream.linear.gather [hbm4b:s9+s29], $0x2800, $0x38;
	[tilespmem:$0x1C440] =	vst v63  }
0x31: {  	_ =	swait.ge [sflag:s17], $0x2800  }
0x32: {  	[sflag:s17] =	ssyncset.done $0x0  }
0x33: {  	s30 =	simm.s32 $0x2800;
	[sflag:s17] =	ssyncadd.s32 $0xFFFFD800  }
0x34: {  	[tilespmem:s30], [sflag:$0x3] =	stream.linear.gather [hbm4b:s10+s29], $0x2800, $0x38;
	[tilespmem:$0x1C440] =	vst v63  }
0x35: {  	_ =	swait.ge [sflag:s17], $0x2800  }
0x36: {  	[sflag:s17] =	ssyncset.done $0x0  }
0x37: {  	[sflag:s17] =	ssyncadd.s32 $0xFFFFD800  }
0x38: {  	[bflag:$0x0] =	sbarrier.arrive $0xFFFF  }
0x39: {  	[tilespmem:s19], [sflag:$0x1] =	stream.indirect.gather [hbm4b:s4+s18], $0x40, s29, s18, $0xb8;
	[tilespmem:$0x1C440] =	vst v63  }
0x3a: {  	_ = 	snop  }
0x3b: {  	[tilespmem:s20], [sflag:$0x1] =	stream.indirect.gather [hbm4b:s4+s18], $0x40, s18, s18, $0xb8;
	[tilespmem:$0x1C440] =	vst v63  }
0x3c: {  	_ = 	snop  }
0x3d: {  	[tilespmem:s22], [sflag:$0x1] =	stream.indirect.gather [hbm4b:s4+s18], $0x40, s21, s18, $0xb8;
	[tilespmem:$0x1C440] =	vst v63  }
0x3e: {  	s31 =	simm.s32 $0x200  }
0x3f: {  	[tilespmem:s24], [sflag:$0x1] =	stream.indirect.gather [hbm4b:s4+s18], $0x40, s23, s18, $0xb8;
	[tilespmem:$0x1C440] =	vst v63  }
.LBB2_4:
0x40: {  	s1 =	smul.u32 $0xCD, s29;
	_ =	sdelay $0x1  }
0x41: {  	s1 =	sshrl.u32 s1, $0xA  }
0x42: {  	s1 =	sand.u32 $0x3F, s1  }
0x43: {  	s1 =	smul.u32 $0x5, s1;
	_ =	sdelay $0x1  }
0x44: {  	s1 =	ssub.s32 s29, s1  }
0x45: {  	_ =	swait.ge [sflag:s25], $0x2000;
	s1 =	sand.u32 $0xFF, s1  }
0x46: {  	[sflag:s25] =	ssyncset.done $0x0;
	s1 =	sshll.u32 s1, $0xD  }
0x47: {  	p0 =	seq.s32 s29, $0x0;
	[sflag:s25] =	ssyncadd.s32 $0xFFFFE000;
	s1 =	sadd.s32 $0x5000, s1  }
0x48: {  	[spmem:s2] =	stream.indirect.scatter.add.f32 [tilespmem:s1], [sflag:$0x2], $0x40, s30, s18, $0xb8;
	[tilespmem:$0x1C440] =	vst v63  }
0x49: {  	s1 =	simm.s32 @!p0 $0x2  }
0x4a: {  	p1 =	sgt.u32 @!p0 s29, $0x4B;
	_ =	swait.ge @!p0 [sflag:s1], $0x2000  }
0x4b: {  	p1 =	por p0, !p1;
	[sflag:s1] =	ssyncset.done @!p0 $0x0  }
0x4c: {  	[sflag:s1] =	ssyncadd.s32 @!p0 $0xFFFFE000;
	s1 =	sadd.s32 @p1 $0x4, s29  }
0x4d: {  	s0 =	smul.u32 @p1 $0xCD, s1;
	_ =	sdelay $0x1  }
0x4e: {  	s0 =	sshrl.u32 @p1 s0, $0xA  }
0x4f: {  	s0 =	sand.u32 @p1 $0x3F, s0  }
0x50: {  	s0 =	smul.u32 @p1 $0x5, s0  }
0x51: {  	s29 =	sadd.s32 $0x1, s29  }
0x52: {  	p0 =	sne.s32 s29, $0x50;
	s0 =	ssub.s32 @p1 s1, s0  }
.Ltmp1:
0x53: {  	s0 =	sand.u32 @p1 $0xFF, s0;
	(pc) =	sbr.rel @p0 .LBB2_4-.Ltmp1, $4  }
0x54: {  	s0 =	sshll.u32 @p1 s0, $0xD  }
0x55: {  	s0 =	sadd.s32 @p1 $0x5000, s0  }
0x56: {  	[tilespmem:s0], [sflag:$0x1] =	stream.indirect.gather @p1 [hbm4b:s4+s18], $0x40, s31, s18, $0xb8;
	[tilespmem:$0x1C440] =	vst v63  }
0x57: {  	s30 =	sadd.s32 $0x80, s30;
	s31 =	sadd.s32 $0x80, s31  }
0x58: {  	_ =	swait.ge [sflag:s26], $0x2000  }
0x59: {  	[sflag:s26] =	ssyncset.done $0x0  }
0x5a: {  	[sflag:s26] =	ssyncadd.s32 $0xFFFFE000  }
0x5b: {  	[bflag:$0x0] =	sbarrier.arrive $0xFFFF  }
0x5c: {  	[tilespmem:s16], [sflag:$0x3] =	stream.linear.gather [spmem:s5], $0x2800, $0x38;
	[tilespmem:$0x1C440] =	vst v63  }
0x5d: {  	_ =	swait.ge [sflag:s17], $0x2800  }
0x5e: {  	[sflag:s17] =	ssyncset.done $0x0  }
0x5f: {  	[sflag:s17] =	ssyncadd.s32 $0xFFFFD800  }
0x60: {  	[hbm4b:s11+s28] =	stream.strided.scatter [tilespmem:s16], [sflag:$0x3], $0x2800, s18, s28, $0x38;
	[tilespmem:$0x1C440] =	vst v63  }
0x61: {  	_ =	swait.ge [sflag:s17], $0x2800  }
0x62: {  	[sflag:s17] =	ssyncset.done $0x0  }
0x63: {  	[sflag:s17] =	ssyncadd.s32 $0xFFFFD800  }
0x64: {  	[tilespmem:s16], [sflag:$0x3] =	stream.linear.gather [spmem:s6], $0x2800, $0x38;
	[tilespmem:$0x1C440] =	vst v63  }
0x65: {  	_ =	swait.ge [sflag:s17], $0x2800  }
0x66: {  	[sflag:s17] =	ssyncset.done $0x0  }
0x67: {  	[sflag:s17] =	ssyncadd.s32 $0xFFFFD800  }
0x68: {  	[hbm4b:s12+s28] =	stream.strided.scatter [tilespmem:s16], [sflag:$0x3], $0x2800, s18, s28, $0x38;
	[tilespmem:$0x1C440] =	vst v63  }
0x69: {  	_ =	swait.ge [sflag:s17], $0x2800  }
0x6a: {  	[sflag:s17] =	ssyncset.done $0x0  }
0x6b: {  	[sflag:s17] =	ssyncadd.s32 $0xFFFFD800  }
0x6c: {  	[tilespmem:s16], [sflag:$0x3] =	stream.linear.gather [spmem:s7], $0x2800, $0x38;
	[tilespmem:$0x1C440] =	vst v63  }
0x6d: {  	_ =	swait.ge [sflag:s17], $0x2800  }
0x6e: {  	[sflag:s17] =	ssyncset.done $0x0  }
0x6f: {  	[sflag:s17] =	ssyncadd.s32 $0xFFFFD800  }
0x70: {  	[hbm4b:s13+s28] =	stream.strided.scatter [tilespmem:s16], [sflag:$0x3], $0x2800, s18, s28, $0x38;
	[tilespmem:$0x1C440] =	vst v63  }
0x71: {  	_ =	swait.ge [sflag:s17], $0x2800  }
0x72: {  	[sflag:s17] =	ssyncset.done $0x0  }
0x73: {  	[sflag:s17] =	ssyncadd.s32 $0xFFFFD800  }
0x74: {  	[tilespmem:s16], [sflag:$0x3] =	stream.linear.gather [spmem:s8], $0x2440, $0x38;
	[tilespmem:$0x1C440] =	vst v63  }
0x75: {  	s3 =	sadd.s32 $0x1, s3;
	_ =	swait.ge [sflag:s17], $0x2440  }
0x76: {  	p0 =	sne.s32 s3, s15;
	[sflag:s17] =	ssyncset.done $0x0  }
.Ltmp2:
0x77: {  	[sflag:s17] =	ssyncadd.s32 $0xFFFFDBC0;
	(pc) =	sbr.rel @p0 .LBB2_1-.Ltmp2, $4  }
0x78: {  	[hbm4b:s14+s28] =	stream.strided.scatter [tilespmem:s16], [sflag:$0x3], $0x2440, s18, s28, $0x38;
	[tilespmem:$0x1C440] =	vst v63  }
0x79: {  	_ =	swait.ge [sflag:s17], $0x2440  }
0x7a: {  	[sflag:s17] =	ssyncset.done $0x0  }
0x7b: {  	[sflag:s17] =	ssyncadd.s32 $0xFFFFDBC0  }
0x7c: {  	_ =	sfence.sel $0x180000  }
0x7d: {  	[bflag:$0x0] =	sbarrier.arrive $0xFFFF  }
0x7e: {  	_ =	strace $0x90000047  }
0x7f: {  	s0 =	stileid.u32;
	[bflag:$0x2] =	sbarrier.arrive $0xFFFF  }
0x80: {  	p0 =	sne.s32 s0, $0x0;
	s0 =	rddreg [dreg:$0x2]  }
0x81: {  	s0 =	sadd.s32 @!p0 $0x100000, s0  }
0x82: {  	[sflag:s0] =	ssyncadd.tile.s32 @!p0 $0x1;
	_ =	shalt  }
.Lfunc_end2:
_tile_overlayer_lowered:
.L_overlay_start_2:
0x83: {  	(tag) =	ssettag $0x2  }
0x84: {  	s0 =	rddreg [dreg:$0x0];
	s2 =	stileid.u32  }
0x85: {  	s1 =	rddreg [dreg:$0x1];
	p0 =	sne.s32 s2, $0x0  }
0x86: {  	s3 =	rddreg [dreg:$0x2];
	[bflag:$0x3] =	sbarrier.arrive $0xFFFF;
	s2 =	simm.s32 @!p0 $0x1C03  }
0x87: {  	[timem:s3], [sflag:s2] =	dma.local @!p0 [hbm:s0], s1  }
0x88: {  	s0 =	simm.s32 @!p0 $0x3  }
0x89: {  	_ =	swait.ge @!p0 [sflag:s0], s1  }
0x8a: {  	s1 =	ssub.s32 @!p0 $0x0, s1;
	[sflag:s0] =	ssyncset.done @!p0 $0x0  }
0x8b: {  	[sflag:s0] =	ssyncadd.s32 @!p0 s1  }
0x8c: {  	[bflag:$0x3] =	sbarrier.arrive $0xFFFF  }
0x8d: {  	_ =	shalt  }

// kernel: kernel.16.cloned.1.call-start
scs
__scs_entry_jumppad:
0x0: {  	(pc) =	sbr.rel $0x88, $3  }
0x1: {  	(tag) =	ssettag $0x0;
	lr =	simm.s32 $0x1  }
0x2: {  	[smem:$0x3F7F] =	sst lr;
	_ =	strace $0xD0000000  }
0x3: {  	_ = 	snop  }
0x4: {  	_ = 	snop  }
0x5: {  	_ = 	snop  }
0x6: {  	_ = 	snop  }
0x7: {  	_ = 	snop  }
__scs_overlays_trampoline_lowered:
0x8: {  	[smem:$0x3F8E] =	sst s0  }
0x9: {  	[smem:$0x3F8F] =	sst s1  }
0xa: {  	[smem:$0x3F90] =	sst s2  }
0xb: {  	[smem:$0x3F91] =	sst s3  }
0xc: {  	[smem:$0x3F92] =	sst s4  }
0xd: {  	[smem:$0x3F93] =	sst s5  }
0xe: {  	[smem:$0x3F94] =	sst s6  }
0xf: {  	[smem:$0x3F95] =	sst s7  }
0x10: {  	[smem:$0x3F96] =	sst s8  }
0x11: {  	[smem:$0x3F97] =	sst s9;
	s0 =	simm.s32 @!p0 $0x0  }
0x12: {  	s1 =	sld [smem:$0x3F7D];
	s0 =	simm.s32 @p0 $0x1  }
0x13: {  	[smem:$0x3F98] =	sst s0;
	s0 =	simm.s32 @!p1 $0x0  }
0x14: {  	s2 =	sld [smem:$0x3F7C];
	s0 =	simm.s32 @p1 $0x1  }
0x15: {  	[smem:$0x3F99] =	sst s0;
	s0 =	simm.s32 @!p2 $0x0  }
0x16: {  	s3 =	sld [smem:$0x3FDB];
	s0 =	simm.s32 @p2 $0x1  }
0x17: {  	s4 =	simm.s32 $0x1BF5;
	[smem:$0x3F9B] =	sst s0  }
0x18: {  	s0 =	sld [smem:$0x3F7E];
	_ =	swait.ge [sflag:s4], $0x0  }
0x19: {  	s7 =	sld [smem:$0x3F7F]  }
0x1a: {  	s8 =	sadd.s32 $0xFFFFE003, lr  }
0x1b: {  	s9 =	sadd.s32 $0xFFFFFEF7, lr;
	s5 =	simm.s32 $0xFFFFFFFF;
	p2 =	slt.u32 s8, $0xFFFFF086  }
0x1c: {  	p1 =	slt.u32 s9, $0xF7A;
	s5 =	simm.s32 @!p2 $0x0  }
0x1d: {  	s5 =	simm.s32 @p1 $0x1;
	p0 =	seq.s32 s7, s2  }
0x1e: {  	s7 =	smul.u32 @!p0 $0xF7A, s2;
	p2 =	seq.s32 @!p0 s5, $0x0  }
0x1f: {  	s9 =	smul.u32 $0xF7A, s1;
	s8 =	simm.s32 @!p0 $0x1BF5;
	p2 =	por !p2, p0  }
0x20: {  	[sflag:s8] =	ssyncset.s32 @!p0 $0xFFFFF086;
	s6 =	sadd.s32 @!p0 s3, s7;
	s7 =	simm.s32 @!p0 $0x108  }
0x21: {  	s3 =	sadd.s32 s3, s9;
	s6 =	sadd.s32 @!p0 $0x88, s6;
	s7 =	simm.s32 @p2 $0x1082  }
0x22: {  	[simem:s7], [sflag:s8] =	dma.local @!p0 [hbm:s6], $0xF7A  }
0x23: {  	s9 =	sor.u32 $0xD0000000, s2;
	s6 =	simm.s32 $0x108;
	_ =	swait.ge @!p0 [sflag:s8], $0x0  }
0x24: {  	s3 =	sadd.s32 $0x88, s3;
	s6 =	simm.s32 @!p1 $0x1082;
	[sflag:s4] =	ssyncset.s32 $0xFFFFF086  }
0x25: {  	[simem:s6], [sflag:s4] =	dma.local [hbm:s3], $0xF7A  }
0x26: {  	[smem:$0x3F7F] =	sst s1;
	(tag) =	ssettag s2;
	_ =	strace s9  }
0x27: {  	s1 =	sld [smem:$0x3F8F]  }
0x28: {  	s2 =	sld [smem:$0x3F90]  }
0x29: {  	s4 =	sld [smem:$0x3F92]  }
0x2a: {  	p0 =	seq.s32 s5, $0x0;
	s5 =	sld [smem:$0x3F93]  }
0x2b: {  	s6 =	sld [smem:$0x3F94]  }
0x2c: {  	s7 =	sld [smem:$0x3F95]  }
0x2d: {  	s3 =	simm.s32 $0x108;
	s8 =	sld [smem:$0x3F96]  }
0x2e: {  	s3 =	simm.s32 @!p0 $0x1082;
	s9 =	sld [smem:$0x3F97]  }
0x2f: {  	lr =	sadd.s32 s0, s3;
	s0 =	sld [smem:$0x3F8E]  }
0x30: {  	s3 =	sld [smem:$0x3F91]  }
0x31: {  	[smem:$0x3F9A] =	sst s10  }
0x32: {  	s10 =	sld [smem:$0x3F98];
	_ =	sdelay $0x3  }
0x33: {  	p0 =	seq.s32 s10, $0x1;
	s10 =	sld [smem:$0x3F9A];
	_ =	sdelay $0x3  }
0x34: {  	[smem:$0x3F9A] =	sst s10  }
0x35: {  	s10 =	sld [smem:$0x3F99];
	_ =	sdelay $0x3  }
0x36: {  	p1 =	seq.s32 s10, $0x1;
	s10 =	sld [smem:$0x3F9A];
	_ =	sdelay $0x3  }
0x37: {  	[smem:$0x3F9A] =	sst s10  }
0x38: {  	s10 =	sld [smem:$0x3F9B]  }
0x39: {  	_ = 	snop;
	(pc) =	sbr.ind lr, $3  }
0x3a: {  	_ = 	snop  }
0x3b: {  	_ = 	snop  }
0x3c: {  	p2 =	seq.s32 s10, $0x1;
	s10 =	sld [smem:$0x3F9A]  }
0x3d: {  	_ =	shalt  }
0x3e: {  	_ =	shalt  }
0x3f: {  	_ =	shalt  }
0x40: {  	_ =	shalt  }
0x41: {  	_ =	shalt  }
0x42: {  	_ =	shalt  }
0x43: {  	_ =	shalt  }
0x44: {  	_ =	shalt  }
0x45: {  	_ =	shalt  }
0x46: {  	_ =	shalt  }
0x47: {  	_ =	shalt  }
0x48: {  	_ =	shalt  }
0x49: {  	_ =	shalt  }
0x4a: {  	_ =	shalt  }
0x4b: {  	_ =	shalt  }
0x4c: {  	_ =	shalt  }
0x4d: {  	_ =	shalt  }
0x4e: {  	_ =	shalt  }
0x4f: {  	_ =	shalt  }
0x50: {  	_ =	shalt  }
0x51: {  	_ =	shalt  }
0x52: {  	_ =	shalt  }
0x53: {  	_ =	shalt  }
0x54: {  	_ =	shalt  }
0x55: {  	_ =	shalt  }
0x56: {  	_ =	shalt  }
0x57: {  	_ =	shalt  }
0x58: {  	_ =	shalt  }
0x59: {  	_ =	shalt  }
0x5a: {  	_ =	shalt  }
0x5b: {  	_ =	shalt  }
0x5c: {  	_ =	shalt  }
0x5d: {  	_ =	shalt  }
0x5e: {  	_ =	shalt  }
0x5f: {  	_ =	shalt  }
0x60: {  	_ =	shalt  }
0x61: {  	_ =	shalt  }
0x62: {  	_ =	shalt  }
0x63: {  	_ =	shalt  }
0x64: {  	_ =	shalt  }
0x65: {  	_ =	shalt  }
0x66: {  	_ =	shalt  }
0x67: {  	_ =	shalt  }
0x68: {  	_ =	shalt  }
0x69: {  	_ =	shalt  }
0x6a: {  	_ =	shalt  }
0x6b: {  	_ =	shalt  }
0x6c: {  	_ =	shalt  }
0x6d: {  	_ =	shalt  }
0x6e: {  	_ =	shalt  }
0x6f: {  	_ =	shalt  }
0x70: {  	_ =	shalt  }
0x71: {  	_ =	shalt  }
0x72: {  	_ =	shalt  }
0x73: {  	_ =	shalt  }
0x74: {  	_ =	shalt  }
0x75: {  	_ =	shalt  }
0x76: {  	_ =	shalt  }
0x77: {  	_ =	shalt  }
0x78: {  	_ =	shalt  }
0x79: {  	_ =	shalt  }
0x7a: {  	_ =	shalt  }
0x7b: {  	_ =	shalt  }
0x7c: {  	_ =	shalt  }
0x7d: {  	_ =	shalt  }
0x7e: {  	_ =	shalt  }
0x7f: {  	_ =	shalt  }
0x80: {  	_ =	shalt  }
0x81: {  	_ =	shalt  }
0x82: {  	_ =	shalt  }
0x83: {  	_ =	shalt  }
0x84: {  	_ =	shalt  }
0x85: {  	_ =	shalt  }
0x86: {  	_ =	shalt  }
0x87: {  	_ =	shalt  }
.Lfunc_end0:
.L_simem_size_0:
called_computation.1_lowered:
.L_overlay_start_0:
0x88: {  	s2 =	sld [smem:$0x3FD9]  }
0x89: {  	s3 =	sld [smem:$0x3FFE];
	_ =	sdelay $0x1  }
0x8a: {  	s1 =	srdreg.scid  }
0x8b: {  	s0 =	sand.u32 $0x1, s1  }
0x8c: {  	s16 =	sshll.u32 s0, $0xA;
	s2 =	sadd.s32 s3, s2  }
0x8d: {  	s2 =	sadd.s32 s2, s16  }
0x8e: {  	[smem:$0x3FA6] =	sst s2  }
0x8f: {  	_ = 	snop  }
0x90: {  	(tm) =	ssettm $0x1  }
0x91: {  	s17 =	sld [smem:$0x3FFB];
	_ =	sdelay $0x3  }
0x92: {  	_ =	strace s17  }
0x93: {  	s2 =	sld [smem:$0x3FFC];
	_ =	sdelay $0x3  }
0x94: {  	_ =	strace s2  }
0x95: {  	s2 =	sld [smem:$0x3FFD];
	_ =	sdelay $0x3  }
0x96: {  	_ =	strace s2  }
0x97: {  	_ =	strace $0x8FFFFFFF  }
0x98: {  	s18 =	sld [smem:$0x3FDB];
	_ =	sdelay $0x1  }
0x99: {  	s19 =	simm.s32 $_scs_section_size  }
0x9a: {  	s4 =	simm.s32 $_size__tile_overlayer_lowered;
	s5 =	simm.s32 $_tile_overlayer_lowered  }
0x9b: {  	s22 =	simm.s32 $0x1BFF;
	s21 =	sshll.u32 s5, $0x1;
	s2 =	sadd.s32 s19, s18  }
0x9c: {  	s6 =	simm.s32 $0x0;
	s20 =	sshll.u32 s4, $0x1;
	s4 =	sadd.s32 s21, s2  }
0x9d: {  	[timem:s6], [sflag:s22] =	dma.local [hbm:s4], s20  }
0x9e: {  	_ =	swait.ge [sflag:s22], s20  }
0x9f: {  	s3 =	ssub.s32 $0x0, s20;
	[sflag:s22] =	ssyncset.done $0x0  }
0xa0: {  	[sflag:s22] =	ssyncadd.s32 s3;
	_ =	sdelay $0x1  }
0xa1: {  	s23 =	simm.s32 $0x1B8B  }
0xa2: {  	_ =	swait.ge [sflag:s23], $0x1  }
0xa3: {  	[sflag:s23] =	ssyncset.done $0x0  }
0xa4: {  	s25 =	simm.s32 $0x1B8E;
	s24 =	sld [smem:$0x3FFE];
	[sflag:s23] =	ssyncadd.s32 $0xFFFFFFFF  }
0xa5: {  	s26 =	simm.s32 $execute0_lowered;
	[smem:$0x3FD2] =	sst s25  }
0xa6: {  	s4 =	sshll.u32 s26, $0x1;
	_ =	strace $0x80000049;
	[dreg:$0x1] =	wrdreg $0xFFFFFFFF  }
0xa7: {  	s28 =	simm.s32 $_size_execute0_lowered;
	s2 =	sadd.s32 s2, s4;
	[dreg:$0x0] =	wrdreg $0x0  }
0xa8: {  	s4 =	sshll.u32 s28, $0x1;
	[dreg:$0x2] =	wrdreg s2  }
0xa9: {  	[dreg:$0x3] =	wrdreg s4  }
0xaa: {  	[dreg:$0x4] =	wrdreg $0xC0  }
0xab: {  	_ =	task [dreg:s6], $0x5FFFF  }
0xac: {  	[dreg:$0x1] =	wrdreg $0xFFFFFFFF  }
0xad: {  	[dreg:$0x0] =	wrdreg $0x60  }
0xae: {  	[dreg:$0x2] =	wrdreg s24  }
0xaf: {  	[dreg:$0x3] =	wrdreg $0x118000  }
0xb0: {  	[dreg:$0x4] =	wrdreg $0x9  }
0xb1: {  	_ =	task.clear_ibuf [dreg:s6], $0x5FFFF;
	_ =	strace $0x90000049  }
0xb2: {  	s29 =	simm.s32 $0x9;
	_ =	strace $0x8000004B  }
0xb3: {  	_ =	swait.ge [sflag:s29], $0x1  }
0xb4: {  	[sflag:s29] =	ssyncadd.s32 $0xFFFFFFFF  }
0xb5: {  	_ =	strace $0x9000004B  }
0xb6: {  	_ =	sfence  }
0xb7: {  	s30 =	sld [smem:$0x0];
	_ =	sdelay $0x2  }
0xb8: {  	s31 =	sshll.u32 s1, $0xD;
	s1 =	sshrl.u32 s1, $0x2  }
0xb9: {  	s3 =	sand.u32 $0x4000, s31;
	s1 =	sadd.s32 s1, s30  }
0xba: {  	s0 =	sor.u32 s3, s0;
	s1 =	sshll.u32 s1, $0x11  }
0xbb: {  	s0 =	sor.u32 s1, s0  }
0xbc: {  	s0 =	sadd.s32 $0x8F2B, s0  }
0xbd: {  	[sflag:s0] =	ssyncadd.remote.s32 $0x1  }
0xbe: {  	_ =	sfence.sel $0xFFFF  }
0xbf: {  	[dreg:$0x0] =	wrdreg $0xFFFFFFFF;
	(pc) =	sbr.abs _section_cstart, $3  }
0xc0: {  	[dreg:$0x1] =	wrdreg $0xFFFFFFFF  }
0xc1: {  	_ =	task.clear_ibuf [dreg:s6], $0x2FFFF;
	_ =	strace $0x9FFFFFFF  }
0xc2: {  	(tm) =	ssettm $0x7FFFFFFF  }
0xc3: {  	_ =	shalt  }
tec
execute0_lowered:
.L_overlay_start_1:
0x0: {  	(tag) =	ssettag $0x1  }
0x1: {  	s0 =	srdreg.scid;
	s5 =	rddreg [dreg:$0x0]  }
0x2: {  	s24 =	stileid.u32;
	s2 =	rddreg [dreg:$0x1];
	s3 =	simm.s32 $0x0  }
0x3: {  	s18 =	simm.s32 $0x80;
	s19 =	simm.s32 $0x5000;
	s20 =	simm.s32 $0x7000  }
0x4: {  	s21 =	simm.s32 $0x100;
	s22 =	simm.s32 $0x9000;
	s23 =	simm.s32 $0x180  }
0x5: {  	s28 =	simm.s32 $0x40;
	s7 =	sand.u32 $0x1, s0;
	s8 =	smul.u32 $0x271, s24  }
0x6: {  	[smem:$0x7FF] =	sst s3;
	s9 =	smul.u32 $0x27100, s24;
	s14 =	sadd.s32 $0x43A00, s5  }
0x7: {  	s30 =	smul.u32 $0x13880, s24;
	s1 =	sshll.u32 s7, $0x4;
	_ =	strace $0x8000004A  }
0x8: {  	s25 =	ssub.s32 $0x2, s7;
	s17 =	sshll.u32 s7, $0x6;
	s4 =	sor.u32 s24, s1  }
0x9: {  	s26 =	sshrl.u32 s25, $0x1;
	s9 =	sshrl.u32 s9, $0x2;
	s12 =	sadd.s32 $0xA0, s8  }
0xa: {  	s13 =	sadd.s32 $0x140, s8;
	s16 =	sadd.s32 $0x1E0, s8;
	s31 =	sor.u32 s17, s30  }
0xb: {  	s24 =	simm.s32 $0xB000;
	s6 =	smul.u32 $0x500, s4;
	s4 =	sadd.s32 $0x8800, s5  }
0xc: {  	s15 =	ssub.s32 s25, s26;
	s29 =	sshll.u32 s12, $0x6;
	s11 =	sshll.u32 s13, $0x6  }
0xd: {  	s8 =	sshll.u32 s16, $0x6;
	s12 =	sshll.u32 s12, $0x7;
	s13 =	sshll.u32 s13, $0x7  }
0xe: {  	s16 =	sshll.u32 s16, $0x7;
	s25 =	simm.s32 $0x1;
	s26 =	simm.s32 $0x2  }
0xf: {  	s7 =	sadd.s32 s11, s2;
	s8 =	sadd.s32 s8, s2;
	s11 =	sshrl.u32 s31, $0x3  }
0x10: {  	s12 =	sor.u32 s17, s12;
	s13 =	sor.u32 s17, s13;
	s16 =	sor.u32 s17, s16  }
0x11: {  	s15 =	smax.u32 s15, $0x1;
	s17 =	simm.s32 $0x3;
	s10 =	sadd.s32 s6, s5  }
0x12: {  	s5 =	sadd.s32 s9, s2;
	s6 =	sadd.s32 s29, s2;
	s11 =	sadd.s32 s14, s11  }
0x13: {  	s12 =	sshrl.u32 s12, $0x3;
	s13 =	sshrl.u32 s13, $0x3;
	s16 =	sshrl.u32 s16, $0x3  }
0x14: {  	s9 =	sadd.s32 $0x2FA00, s10;
	s10 =	sadd.s32 $0x39A00, s10;
	s12 =	sadd.s32 s14, s12  }
0x15: {  	v0 =	vimm.f32 $0.0e+00;
	s13 =	sadd.s32 s14, s13;
	s14 =	sadd.s32 s14, s16;
	s16 =	simm.s32 $0xF000  }
.LBB2_1:
0x16: {  	s30 =	simm.s32 $0x100;
	s29 =	simm.s32 $0x0  }
.LBB2_2:
0x17: {  	p0 =	sne.s32 s30, $0x9F00;
	[tilespmem:s29+$0xF030] =	vst v0;
	s31 =	smov.u32 s30;
	s30 =	sadd.s32 $0x100, s30  }
.Ltmp0:
0x18: {  	[tilespmem:s29+$0xF020] =	vst v0;
	(pc) =	sbr.rel @p0 .LBB2_2-.Ltmp0, $3  }
0x19: {  	[tilespmem:s29+$0xF000] =	vst v0  }
0x1a: {  	[tilespmem:s29+$0xF010] =	vst v0;
	_ =	sdelay $0x1  }
0x1b: {  	s29 =	sshra.s32 s31, $0x2  }
0x1c: {  	[tilespmem:s29+$0xF030] =	vst v0  }
0x1d: {  	[tilespmem:s29+$0xF020] =	vst v0  }
0x1e: {  	[tilespmem:s29+$0xF000] =	vst v0  }
0x1f: {  	[tilespmem:s29+$0xF010] =	vst v0  }
0x20: {  	[spmem:s5] =	stream.linear.scatter [tilespmem:s16], [sflag:$0x3], $0x2800, $0x38;
	[tilespmem:$0x1C440] =	vst v63  }
0x21: {  	_ =	swait.ge [sflag:s17], $0x2800  }
0x22: {  	[sflag:s17] =	ssyncset.done $0x0  }
0x23: {  	[sflag:s17] =	ssyncadd.s32 $0xFFFFD800  }
0x24: {  	[spmem:s6] =	stream.linear.scatter [tilespmem:s16], [sflag:$0x3], $0x2800, $0x38;
	[tilespmem:$0x1C440] =	vst v63  }
0x25: {  	_ =	swait.ge [sflag:s17], $0x2800  }
0x26: {  	[sflag:s17] =	ssyncset.done $0x0  }
0x27: {  	[sflag:s17] =	ssyncadd.s32 $0xFFFFD800  }
0x28: {  	[spmem:s7] =	stream.linear.scatter [tilespmem:s16], [sflag:$0x3], $0x2800, $0x38;
	[tilespmem:$0x1C440] =	vst v63  }
0x29: {  	_ =	swait.ge [sflag:s17], $0x2800  }
0x2a: {  	[sflag:s17] =	ssyncset.done $0x0  }
0x2b: {  	[sflag:s17] =	ssyncadd.s32 $0xFFFFD800  }
0x2c: {  	[spmem:s8] =	stream.linear.scatter [tilespmem:s16], [sflag:$0x3], $0x2440, $0x38;
	[tilespmem:$0x1C440] =	vst v63  }
0x2d: {  	_ =	swait.ge [sflag:s17], $0x2440  }
0x2e: {  	[sflag:s17] =	ssyncset.done $0x0  }
0x2f: {  	s29 =	simm.s32 $0x0;
	[sflag:s17] =	ssyncadd.s32 $0xFFFFDBC0  }
0x30: {  	[tilespmem:s29], [sflag:$0x3] =	stream.linear.gather [hbm4b:s9+s29], $0x2800, $0x38;
	[tilespmem:$0x1C440] =	vst v63  }
0x31: {  	_ =	swait.ge [sflag:s17], $0x2800  }
0x32: {  	[sflag:s17] =	ssyncset.done $0x0  }
0x33: {  	s30 =	simm.s32 $0x2800;
	[sflag:s17] =	ssyncadd.s32 $0xFFFFD800  }
0x34: {  	[tilespmem:s30], [sflag:$0x3] =	stream.linear.gather [hbm4b:s10+s29], $0x2800, $0x38;
	[tilespmem:$0x1C440] =	vst v63  }
0x35: {  	_ =	swait.ge [sflag:s17], $0x2800  }
0x36: {  	[sflag:s17] =	ssyncset.done $0x0  }
0x37: {  	[sflag:s17] =	ssyncadd.s32 $0xFFFFD800  }
0x38: {  	[bflag:$0x0] =	sbarrier.arrive $0xFFFF  }
0x39: {  	[tilespmem:s19], [sflag:$0x1] =	stream.indirect.gather [hbm4b:s4+s18], $0x40, s29, s18, $0xb8;
	[tilespmem:$0x1C440] =	vst v63  }
0x3a: {  	_ = 	snop  }
0x3b: {  	[tilespmem:s20], [sflag:$0x1] =	stream.indirect.gather [hbm4b:s4+s18], $0x40, s18, s18, $0xb8;
	[tilespmem:$0x1C440] =	vst v63  }
0x3c: {  	_ = 	snop  }
0x3d: {  	[tilespmem:s22], [sflag:$0x1] =	stream.indirect.gather [hbm4b:s4+s18], $0x40, s21, s18, $0xb8;
	[tilespmem:$0x1C440] =	vst v63  }
0x3e: {  	s31 =	simm.s32 $0x200  }
0x3f: {  	[tilespmem:s24], [sflag:$0x1] =	stream.indirect.gather [hbm4b:s4+s18], $0x40, s23, s18, $0xb8;
	[tilespmem:$0x1C440] =	vst v63  }
.LBB2_4:
0x40: {  	s1 =	smul.u32 $0xCD, s29;
	_ =	sdelay $0x1  }
0x41: {  	s1 =	sshrl.u32 s1, $0xA  }
0x42: {  	s1 =	sand.u32 $0x3F, s1  }
0x43: {  	s1 =	smul.u32 $0x5, s1;
	_ =	sdelay $0x1  }
0x44: {  	s1 =	ssub.s32 s29, s1  }
0x45: {  	_ =	swait.ge [sflag:s25], $0x2000;
	s1 =	sand.u32 $0xFF, s1  }
0x46: {  	[sflag:s25] =	ssyncset.done $0x0;
	s1 =	sshll.u32 s1, $0xD  }
0x47: {  	p0 =	seq.s32 s29, $0x0;
	[sflag:s25] =	ssyncadd.s32 $0xFFFFE000;
	s1 =	sadd.s32 $0x5000, s1  }
0x48: {  	[spmem:s2] =	stream.indirect.scatter.add.f32 [tilespmem:s1], [sflag:$0x2], $0x40, s30, s18, $0xb8;
	[tilespmem:$0x1C440] =	vst v63  }
0x49: {  	s1 =	simm.s32 @!p0 $0x2  }
0x4a: {  	p1 =	sgt.u32 @!p0 s29, $0x4B;
	_ =	swait.ge @!p0 [sflag:s1], $0x2000  }
0x4b: {  	p1 =	por p0, !p1;
	[sflag:s1] =	ssyncset.done @!p0 $0x0  }
0x4c: {  	[sflag:s1] =	ssyncadd.s32 @!p0 $0xFFFFE000;
	s1 =	sadd.s32 @p1 $0x4, s29  }
0x4d: {  	s0 =	smul.u32 @p1 $0xCD, s1;
	_ =	sdelay $0x1  }
0x4e: {  	s0 =	sshrl.u32 @p1 s0, $0xA  }
0x4f: {  	s0 =	sand.u32 @p1 $0x3F, s0  }
0x50: {  	s0 =	smul.u32 @p1 $0x5, s0  }
0x51: {  	s29 =	sadd.s32 $0x1, s29  }
0x52: {  	p0 =	sne.s32 s29, $0x50;
	s0 =	ssub.s32 @p1 s1, s0  }
.Ltmp1:
0x53: {  	s0 =	sand.u32 @p1 $0xFF, s0;
	(pc) =	sbr.rel @p0 .LBB2_4-.Ltmp1, $4  }
0x54: {  	s0 =	sshll.u32 @p1 s0, $0xD  }
0x55: {  	s0 =	sadd.s32 @p1 $0x5000, s0  }
0x56: {  	[tilespmem:s0], [sflag:$0x1] =	stream.indirect.gather @p1 [hbm4b:s4+s18], $0x40, s31, s18, $0xb8;
	[tilespmem:$0x1C440] =	vst v63  }
0x57: {  	s30 =	sadd.s32 $0x80, s30;
	s31 =	sadd.s32 $0x80, s31  }
0x58: {  	_ =	swait.ge [sflag:s26], $0x2000  }
0x59: {  	[sflag:s26] =	ssyncset.done $0x0  }
0x5a: {  	[sflag:s26] =	ssyncadd.s32 $0xFFFFE000  }
0x5b: {  	[bflag:$0x0] =	sbarrier.arrive $0xFFFF  }
0x5c: {  	[tilespmem:s16], [sflag:$0x3] =	stream.linear.gather [spmem:s5], $0x2800, $0x38;
	[tilespmem:$0x1C440] =	vst v63  }
0x5d: {  	_ =	swait.ge [sflag:s17], $0x2800  }
0x5e: {  	[sflag:s17] =	ssyncset.done $0x0  }
0x5f: {  	[sflag:s17] =	ssyncadd.s32 $0xFFFFD800  }
0x60: {  	[hbm4b:s11+s28] =	stream.strided.scatter [tilespmem:s16], [sflag:$0x3], $0x2800, s18, s28, $0x38;
	[tilespmem:$0x1C440] =	vst v63  }
0x61: {  	_ =	swait.ge [sflag:s17], $0x2800  }
0x62: {  	[sflag:s17] =	ssyncset.done $0x0  }
0x63: {  	[sflag:s17] =	ssyncadd.s32 $0xFFFFD800  }
0x64: {  	[tilespmem:s16], [sflag:$0x3] =	stream.linear.gather [spmem:s6], $0x2800, $0x38;
	[tilespmem:$0x1C440] =	vst v63  }
0x65: {  	_ =	swait.ge [sflag:s17], $0x2800  }
0x66: {  	[sflag:s17] =	ssyncset.done $0x0  }
0x67: {  	[sflag:s17] =	ssyncadd.s32 $0xFFFFD800  }
0x68: {  	[hbm4b:s12+s28] =	stream.strided.scatter [tilespmem:s16], [sflag:$0x3], $0x2800, s18, s28, $0x38;
	[tilespmem:$0x1C440] =	vst v63  }
0x69: {  	_ =	swait.ge [sflag:s17], $0x2800  }
0x6a: {  	[sflag:s17] =	ssyncset.done $0x0  }
0x6b: {  	[sflag:s17] =	ssyncadd.s32 $0xFFFFD800  }
0x6c: {  	[tilespmem:s16], [sflag:$0x3] =	stream.linear.gather [spmem:s7], $0x2800, $0x38;
	[tilespmem:$0x1C440] =	vst v63  }
0x6d: {  	_ =	swait.ge [sflag:s17], $0x2800  }
0x6e: {  	[sflag:s17] =	ssyncset.done $0x0  }
0x6f: {  	[sflag:s17] =	ssyncadd.s32 $0xFFFFD800  }
0x70: {  	[hbm4b:s13+s28] =	stream.strided.scatter [tilespmem:s16], [sflag:$0x3], $0x2800, s18, s28, $0x38;
	[tilespmem:$0x1C440] =	vst v63  }
0x71: {  	_ =	swait.ge [sflag:s17], $0x2800  }
0x72: {  	[sflag:s17] =	ssyncset.done $0x0  }
0x73: {  	[sflag:s17] =	ssyncadd.s32 $0xFFFFD800  }
0x74: {  	[tilespmem:s16], [sflag:$0x3] =	stream.linear.gather [spmem:s8], $0x2440, $0x38;
	[tilespmem:$0x1C440] =	vst v63  }
0x75: {  	s3 =	sadd.s32 $0x1, s3;
	_ =	swait.ge [sflag:s17], $0x2440  }
0x76: {  	p0 =	sne.s32 s3, s15;
	[sflag:s17] =	ssyncset.done $0x0  }
.Ltmp2:
0x77: {  	[sflag:s17] =	ssyncadd.s32 $0xFFFFDBC0;
	(pc) =	sbr.rel @p0 .LBB2_1-.Ltmp2, $4  }
0x78: {  	[hbm4b:s14+s28] =	stream.strided.scatter [tilespmem:s16], [sflag:$0x3], $0x2440, s18, s28, $0x38;
	[tilespmem:$0x1C440] =	vst v63  }
0x79: {  	_ =	swait.ge [sflag:s17], $0x2440  }
0x7a: {  	[sflag:s17] =	ssyncset.done $0x0  }
0x7b: {  	[sflag:s17] =	ssyncadd.s32 $0xFFFFDBC0  }
0x7c: {  	_ =	sfence.sel $0x180000  }
0x7d: {  	[bflag:$0x0] =	sbarrier.arrive $0xFFFF  }
0x7e: {  	_ =	strace $0x9000004A  }
0x7f: {  	s0 =	stileid.u32;
	[bflag:$0x2] =	sbarrier.arrive $0xFFFF  }
0x80: {  	p0 =	sne.s32 s0, $0x0;
	s0 =	rddreg [dreg:$0x2]  }
0x81: {  	s0 =	sadd.s32 @!p0 $0x100000, s0  }
0x82: {  	[sflag:s0] =	ssyncadd.tile.s32 @!p0 $0x1;
	_ =	shalt  }
.Lfunc_end2:
_tile_overlayer_lowered:
.L_overlay_start_2:
0x83: {  	(tag) =	ssettag $0x2  }
0x84: {  	s0 =	rddreg [dreg:$0x0];
	s2 =	stileid.u32  }
0x85: {  	s1 =	rddreg [dreg:$0x1];
	p0 =	sne.s32 s2, $0x0  }
0x86: {  	s3 =	rddreg [dreg:$0x2];
	[bflag:$0x3] =	sbarrier.arrive $0xFFFF;
	s2 =	simm.s32 @!p0 $0x1C03  }
0x87: {  	[timem:s3], [sflag:s2] =	dma.local @!p0 [hbm:s0], s1  }
0x88: {  	s0 =	simm.s32 @!p0 $0x3  }
0x89: {  	_ =	swait.ge @!p0 [sflag:s0], s1  }
0x8a: {  	s1 =	ssub.s32 @!p0 $0x0, s1;
	[sflag:s0] =	ssyncset.done @!p0 $0x0  }
0x8b: {  	[sflag:s0] =	ssyncadd.s32 @!p0 s1  }
0x8c: {  	[bflag:$0x3] =	sbarrier.arrive $0xFFFF  }
0x8d: {  	_ =	shalt  }

// kernel: kernel.19.cloned.1.call-start
scs
__scs_entry_jumppad:
0x0: {  	(pc) =	sbr.rel $0x88, $3  }
0x1: {  	(tag) =	ssettag $0x0;
	lr =	simm.s32 $0x1  }
0x2: {  	[smem:$0x3F7F] =	sst lr;
	_ =	strace $0xD0000000  }
0x3: {  	_ = 	snop  }
0x4: {  	_ = 	snop  }
0x5: {  	_ = 	snop  }
0x6: {  	_ = 	snop  }
0x7: {  	_ = 	snop  }
__scs_overlays_trampoline_lowered:
0x8: {  	[smem:$0x3F8E] =	sst s0  }
0x9: {  	[smem:$0x3F8F] =	sst s1  }
0xa: {  	[smem:$0x3F90] =	sst s2  }
0xb: {  	[smem:$0x3F91] =	sst s3  }
0xc: {  	[smem:$0x3F92] =	sst s4  }
0xd: {  	[smem:$0x3F93] =	sst s5  }
0xe: {  	[smem:$0x3F94] =	sst s6  }
0xf: {  	[smem:$0x3F95] =	sst s7  }
0x10: {  	[smem:$0x3F96] =	sst s8  }
0x11: {  	[smem:$0x3F97] =	sst s9;
	s0 =	simm.s32 @!p0 $0x0  }
0x12: {  	s1 =	sld [smem:$0x3F7D];
	s0 =	simm.s32 @p0 $0x1  }
0x13: {  	[smem:$0x3F98] =	sst s0;
	s0 =	simm.s32 @!p1 $0x0  }
0x14: {  	s2 =	sld [smem:$0x3F7C];
	s0 =	simm.s32 @p1 $0x1  }
0x15: {  	[smem:$0x3F99] =	sst s0;
	s0 =	simm.s32 @!p2 $0x0  }
0x16: {  	s3 =	sld [smem:$0x3FDB];
	s0 =	simm.s32 @p2 $0x1  }
0x17: {  	s4 =	simm.s32 $0x1BF5;
	[smem:$0x3F9B] =	sst s0  }
0x18: {  	s0 =	sld [smem:$0x3F7E];
	_ =	swait.ge [sflag:s4], $0x0  }
0x19: {  	s7 =	sld [smem:$0x3F7F]  }
0x1a: {  	s8 =	sadd.s32 $0xFFFFE003, lr  }
0x1b: {  	s9 =	sadd.s32 $0xFFFFFEF7, lr;
	s5 =	simm.s32 $0xFFFFFFFF;
	p2 =	slt.u32 s8, $0xFFFFF086  }
0x1c: {  	p1 =	slt.u32 s9, $0xF7A;
	s5 =	simm.s32 @!p2 $0x0  }
0x1d: {  	s5 =	simm.s32 @p1 $0x1;
	p0 =	seq.s32 s7, s2  }
0x1e: {  	s7 =	smul.u32 @!p0 $0xF7A, s2;
	p2 =	seq.s32 @!p0 s5, $0x0  }
0x1f: {  	s9 =	smul.u32 $0xF7A, s1;
	s8 =	simm.s32 @!p0 $0x1BF5;
	p2 =	por !p2, p0  }
0x20: {  	[sflag:s8] =	ssyncset.s32 @!p0 $0xFFFFF086;
	s6 =	sadd.s32 @!p0 s3, s7;
	s7 =	simm.s32 @!p0 $0x108  }
0x21: {  	s3 =	sadd.s32 s3, s9;
	s6 =	sadd.s32 @!p0 $0x88, s6;
	s7 =	simm.s32 @p2 $0x1082  }
0x22: {  	[simem:s7], [sflag:s8] =	dma.local @!p0 [hbm:s6], $0xF7A  }
0x23: {  	s9 =	sor.u32 $0xD0000000, s2;
	s6 =	simm.s32 $0x108;
	_ =	swait.ge @!p0 [sflag:s8], $0x0  }
0x24: {  	s3 =	sadd.s32 $0x88, s3;
	s6 =	simm.s32 @!p1 $0x1082;
	[sflag:s4] =	ssyncset.s32 $0xFFFFF086  }
0x25: {  	[simem:s6], [sflag:s4] =	dma.local [hbm:s3], $0xF7A  }
0x26: {  	[smem:$0x3F7F] =	sst s1;
	(tag) =	ssettag s2;
	_ =	strace s9  }
0x27: {  	s1 =	sld [smem:$0x3F8F]  }
0x28: {  	s2 =	sld [smem:$0x3F90]  }
0x29: {  	s4 =	sld [smem:$0x3F92]  }
0x2a: {  	p0 =	seq.s32 s5, $0x0;
	s5 =	sld [smem:$0x3F93]  }
0x2b: {  	s6 =	sld [smem:$0x3F94]  }
0x2c: {  	s7 =	sld [smem:$0x3F95]  }
0x2d: {  	s3 =	simm.s32 $0x108;
	s8 =	sld [smem:$0x3F96]  }
0x2e: {  	s3 =	simm.s32 @!p0 $0x1082;
	s9 =	sld [smem:$0x3F97]  }
0x2f: {  	lr =	sadd.s32 s0, s3;
	s0 =	sld [smem:$0x3F8E]  }
0x30: {  	s3 =	sld [smem:$0x3F91]  }
0x31: {  	[smem:$0x3F9A] =	sst s10  }
0x32: {  	s10 =	sld [smem:$0x3F98];
	_ =	sdelay $0x3  }
0x33: {  	p0 =	seq.s32 s10, $0x1;
	s10 =	sld [smem:$0x3F9A];
	_ =	sdelay $0x3  }
0x34: {  	[smem:$0x3F9A] =	sst s10  }
0x35: {  	s10 =	sld [smem:$0x3F99];
	_ =	sdelay $0x3  }
0x36: {  	p1 =	seq.s32 s10, $0x1;
	s10 =	sld [smem:$0x3F9A];
	_ =	sdelay $0x3  }
0x37: {  	[smem:$0x3F9A] =	sst s10  }
0x38: {  	s10 =	sld [smem:$0x3F9B]  }
0x39: {  	_ = 	snop;
	(pc) =	sbr.ind lr, $3  }
0x3a: {  	_ = 	snop  }
0x3b: {  	_ = 	snop  }
0x3c: {  	p2 =	seq.s32 s10, $0x1;
	s10 =	sld [smem:$0x3F9A]  }
0x3d: {  	_ =	shalt  }
0x3e: {  	_ =	shalt  }
0x3f: {  	_ =	shalt  }
0x40: {  	_ =	shalt  }
0x41: {  	_ =	shalt  }
0x42: {  	_ =	shalt  }
0x43: {  	_ =	shalt  }
0x44: {  	_ =	shalt  }
0x45: {  	_ =	shalt  }
0x46: {  	_ =	shalt  }
0x47: {  	_ =	shalt  }
0x48: {  	_ =	shalt  }
0x49: {  	_ =	shalt  }
0x4a: {  	_ =	shalt  }
0x4b: {  	_ =	shalt  }
0x4c: {  	_ =	shalt  }
0x4d: {  	_ =	shalt  }
0x4e: {  	_ =	shalt  }
0x4f: {  	_ =	shalt  }
0x50: {  	_ =	shalt  }
0x51: {  	_ =	shalt  }
0x52: {  	_ =	shalt  }
0x53: {  	_ =	shalt  }
0x54: {  	_ =	shalt  }
0x55: {  	_ =	shalt  }
0x56: {  	_ =	shalt  }
0x57: {  	_ =	shalt  }
0x58: {  	_ =	shalt  }
0x59: {  	_ =	shalt  }
0x5a: {  	_ =	shalt  }
0x5b: {  	_ =	shalt  }
0x5c: {  	_ =	shalt  }
0x5d: {  	_ =	shalt  }
0x5e: {  	_ =	shalt  }
0x5f: {  	_ =	shalt  }
0x60: {  	_ =	shalt  }
0x61: {  	_ =	shalt  }
0x62: {  	_ =	shalt  }
0x63: {  	_ =	shalt  }
0x64: {  	_ =	shalt  }
0x65: {  	_ =	shalt  }
0x66: {  	_ =	shalt  }
0x67: {  	_ =	shalt  }
0x68: {  	_ =	shalt  }
0x69: {  	_ =	shalt  }
0x6a: {  	_ =	shalt  }
0x6b: {  	_ =	shalt  }
0x6c: {  	_ =	shalt  }
0x6d: {  	_ =	shalt  }
0x6e: {  	_ =	shalt  }
0x6f: {  	_ =	shalt  }
0x70: {  	_ =	shalt  }
0x71: {  	_ =	shalt  }
0x72: {  	_ =	shalt  }
0x73: {  	_ =	shalt  }
0x74: {  	_ =	shalt  }
0x75: {  	_ =	shalt  }
0x76: {  	_ =	shalt  }
0x77: {  	_ =	shalt  }
0x78: {  	_ =	shalt  }
0x79: {  	_ =	shalt  }
0x7a: {  	_ =	shalt  }
0x7b: {  	_ =	shalt  }
0x7c: {  	_ =	shalt  }
0x7d: {  	_ =	shalt  }
0x7e: {  	_ =	shalt  }
0x7f: {  	_ =	shalt  }
0x80: {  	_ =	shalt  }
0x81: {  	_ =	shalt  }
0x82: {  	_ =	shalt  }
0x83: {  	_ =	shalt  }
0x84: {  	_ =	shalt  }
0x85: {  	_ =	shalt  }
0x86: {  	_ =	shalt  }
0x87: {  	_ =	shalt  }
.Lfunc_end0:
.L_simem_size_0:
called_computation.2_lowered:
.L_overlay_start_0:
0x88: {  	s2 =	sld [smem:$0x3FD9]  }
0x89: {  	s3 =	sld [smem:$0x3FFE];
	_ =	sdelay $0x1  }
0x8a: {  	s1 =	srdreg.scid  }
0x8b: {  	s0 =	sand.u32 $0x1, s1  }
0x8c: {  	s16 =	sshll.u32 s0, $0xA;
	s2 =	sadd.s32 s3, s2  }
0x8d: {  	s2 =	sadd.s32 s2, s16  }
0x8e: {  	[smem:$0x3FA6] =	sst s2  }
0x8f: {  	_ = 	snop  }
0x90: {  	(tm) =	ssettm $0x1  }
0x91: {  	s17 =	sld [smem:$0x3FFB];
	_ =	sdelay $0x3  }
0x92: {  	_ =	strace s17  }
0x93: {  	s2 =	sld [smem:$0x3FFC];
	_ =	sdelay $0x3  }
0x94: {  	_ =	strace s2  }
0x95: {  	s2 =	sld [smem:$0x3FFD];
	_ =	sdelay $0x3  }
0x96: {  	_ =	strace s2  }
0x97: {  	_ =	strace $0x8FFFFFFF  }
0x98: {  	s18 =	sld [smem:$0x3FDB];
	_ =	sdelay $0x1  }
0x99: {  	s19 =	simm.s32 $_scs_section_size  }
0x9a: {  	s4 =	simm.s32 $_size__tile_overlayer_lowered;
	s5 =	simm.s32 $_tile_overlayer_lowered  }
0x9b: {  	s22 =	simm.s32 $0x1BFF;
	s21 =	sshll.u32 s5, $0x1;
	s2 =	sadd.s32 s19, s18  }
0x9c: {  	s6 =	simm.s32 $0x0;
	s20 =	sshll.u32 s4, $0x1;
	s4 =	sadd.s32 s21, s2  }
0x9d: {  	[timem:s6], [sflag:s22] =	dma.local [hbm:s4], s20  }
0x9e: {  	_ =	swait.ge [sflag:s22], s20  }
0x9f: {  	s3 =	ssub.s32 $0x0, s20;
	[sflag:s22] =	ssyncset.done $0x0  }
0xa0: {  	[sflag:s22] =	ssyncadd.s32 s3;
	_ =	sdelay $0x1  }
0xa1: {  	s23 =	simm.s32 $0x1B8B  }
0xa2: {  	_ =	swait.ge [sflag:s23], $0x1  }
0xa3: {  	[sflag:s23] =	ssyncset.done $0x0  }
0xa4: {  	s25 =	simm.s32 $0x1B8E;
	s24 =	sld [smem:$0x3FFE];
	[sflag:s23] =	ssyncadd.s32 $0xFFFFFFFF  }
0xa5: {  	s26 =	simm.s32 $execute0_lowered;
	[smem:$0x3FD2] =	sst s25  }
0xa6: {  	s4 =	sshll.u32 s26, $0x1;
	_ =	strace $0x8000004C;
	[dreg:$0x1] =	wrdreg $0xFFFFFFFF  }
0xa7: {  	s28 =	simm.s32 $_size_execute0_lowered;
	s2 =	sadd.s32 s2, s4;
	[dreg:$0x0] =	wrdreg $0x0  }
0xa8: {  	s4 =	sshll.u32 s28, $0x1;
	[dreg:$0x2] =	wrdreg s2  }
0xa9: {  	[dreg:$0x3] =	wrdreg s4  }
0xaa: {  	[dreg:$0x4] =	wrdreg $0xC0  }
0xab: {  	_ =	task [dreg:s6], $0x5FFFF  }
0xac: {  	[dreg:$0x1] =	wrdreg $0xFFFFFFFF  }
0xad: {  	[dreg:$0x0] =	wrdreg $0x60  }
0xae: {  	[dreg:$0x2] =	wrdreg s24  }
0xaf: {  	[dreg:$0x3] =	wrdreg $0x118000  }
0xb0: {  	[dreg:$0x4] =	wrdreg $0x9  }
0xb1: {  	_ =	task.clear_ibuf [dreg:s6], $0x5FFFF;
	_ =	strace $0x9000004C  }
0xb2: {  	s29 =	simm.s32 $0x9;
	_ =	strace $0x8000004E  }
0xb3: {  	_ =	swait.ge [sflag:s29], $0x1  }
0xb4: {  	[sflag:s29] =	ssyncadd.s32 $0xFFFFFFFF  }
0xb5: {  	_ =	strace $0x9000004E  }
0xb6: {  	_ =	sfence  }
0xb7: {  	s30 =	sld [smem:$0x0];
	_ =	sdelay $0x2  }
0xb8: {  	s31 =	sshll.u32 s1, $0xD;
	s1 =	sshrl.u32 s1, $0x2  }
0xb9: {  	s3 =	sand.u32 $0x4000, s31;
	s1 =	sadd.s32 s1, s30  }
0xba: {  	s0 =	sor.u32 s3, s0;
	s1 =	sshll.u32 s1, $0x11  }
0xbb: {  	s0 =	sor.u32 s1, s0  }
0xbc: {  	s0 =	sadd.s32 $0x8F2B, s0  }
0xbd: {  	[sflag:s0] =	ssyncadd.remote.s32 $0x1  }
0xbe: {  	_ =	sfence.sel $0xFFFF  }
0xbf: {  	[dreg:$0x0] =	wrdreg $0xFFFFFFFF;
	(pc) =	sbr.abs _section_cstart, $3  }
0xc0: {  	[dreg:$0x1] =	wrdreg $0xFFFFFFFF  }
0xc1: {  	_ =	task.clear_ibuf [dreg:s6], $0x2FFFF;
	_ =	strace $0x9FFFFFFF  }
0xc2: {  	(tm) =	ssettm $0x7FFFFFFF  }
0xc3: {  	_ =	shalt  }
tec
execute0_lowered:
.L_overlay_start_1:
0x0: {  	(tag) =	ssettag $0x1  }
0x1: {  	s0 =	srdreg.scid;
	s5 =	rddreg [dreg:$0x0]  }
0x2: {  	s24 =	stileid.u32;
	s2 =	rddreg [dreg:$0x1];
	s3 =	simm.s32 $0x0  }
0x3: {  	s18 =	simm.s32 $0x80;
	s19 =	simm.s32 $0x5000;
	s20 =	simm.s32 $0x7000  }
0x4: {  	s21 =	simm.s32 $0x100;
	s22 =	simm.s32 $0x9000;
	s23 =	simm.s32 $0x180  }
0x5: {  	s28 =	simm.s32 $0x40;
	s7 =	sand.u32 $0x1, s0;
	s8 =	smul.u32 $0x271, s24  }
0x6: {  	[smem:$0x7FF] =	sst s3;
	s9 =	smul.u32 $0x27100, s24;
	s14 =	sadd.s32 $0x43A00, s5  }
0x7: {  	s30 =	smul.u32 $0x13880, s24;
	s1 =	sshll.u32 s7, $0x4;
	_ =	strace $0x8000004D  }
0x8: {  	s25 =	ssub.s32 $0x2, s7;
	s17 =	sshll.u32 s7, $0x6;
	s4 =	sor.u32 s24, s1  }
0x9: {  	s26 =	sshrl.u32 s25, $0x1;
	s9 =	sshrl.u32 s9, $0x2;
	s12 =	sadd.s32 $0xA0, s8  }
0xa: {  	s13 =	sadd.s32 $0x140, s8;
	s16 =	sadd.s32 $0x1E0, s8;
	s31 =	sor.u32 s17, s30  }
0xb: {  	s24 =	simm.s32 $0xB000;
	s6 =	smul.u32 $0x500, s4;
	s4 =	sadd.s32 $0x8800, s5  }
0xc: {  	s15 =	ssub.s32 s25, s26;
	s29 =	sshll.u32 s12, $0x6;
	s11 =	sshll.u32 s13, $0x6  }
0xd: {  	s8 =	sshll.u32 s16, $0x6;
	s12 =	sshll.u32 s12, $0x7;
	s13 =	sshll.u32 s13, $0x7  }
0xe: {  	s16 =	sshll.u32 s16, $0x7;
	s25 =	simm.s32 $0x1;
	s26 =	simm.s32 $0x2  }
0xf: {  	s7 =	sadd.s32 s11, s2;
	s8 =	sadd.s32 s8, s2;
	s11 =	sshrl.u32 s31, $0x3  }
0x10: {  	s12 =	sor.u32 s17, s12;
	s13 =	sor.u32 s17, s13;
	s16 =	sor.u32 s17, s16  }
0x11: {  	s15 =	smax.u32 s15, $0x1;
	s17 =	simm.s32 $0x3;
	s10 =	sadd.s32 s6, s5  }
0x12: {  	s5 =	sadd.s32 s9, s2;
	s6 =	sadd.s32 s29, s2;
	s11 =	sadd.s32 s14, s11  }
0x13: {  	s12 =	sshrl.u32 s12, $0x3;
	s13 =	sshrl.u32 s13, $0x3;
	s16 =	sshrl.u32 s16, $0x3  }
0x14: {  	s9 =	sadd.s32 $0x2FA00, s10;
	s10 =	sadd.s32 $0x39A00, s10;
	s12 =	sadd.s32 s14, s12  }
0x15: {  	v0 =	vimm.f32 $0.0e+00;
	s13 =	sadd.s32 s14, s13;
	s14 =	sadd.s32 s14, s16;
	s16 =	simm.s32 $0xF000  }
.LBB2_1:
0x16: {  	s30 =	simm.s32 $0x100;
	s29 =	simm.s32 $0x0  }
.LBB2_2:
0x17: {  	p0 =	sne.s32 s30, $0x9F00;
	[tilespmem:s29+$0xF030] =	vst v0;
	s31 =	smov.u32 s30;
	s30 =	sadd.s32 $0x100, s30  }
.Ltmp0:
0x18: {  	[tilespmem:s29+$0xF020] =	vst v0;
	(pc) =	sbr.rel @p0 .LBB2_2-.Ltmp0, $3  }
0x19: {  	[tilespmem:s29+$0xF000] =	vst v0  }
0x1a: {  	[tilespmem:s29+$0xF010] =	vst v0;
	_ =	sdelay $0x1  }
0x1b: {  	s29 =	sshra.s32 s31, $0x2  }
0x1c: {  	[tilespmem:s29+$0xF030] =	vst v0  }
0x1d: {  	[tilespmem:s29+$0xF020] =	vst v0  }
0x1e: {  	[tilespmem:s29+$0xF000] =	vst v0  }
0x1f: {  	[tilespmem:s29+$0xF010] =	vst v0  }
0x20: {  	[spmem:s5] =	stream.linear.scatter [tilespmem:s16], [sflag:$0x3], $0x2800, $0x38;
	[tilespmem:$0x1C440] =	vst v63  }
0x21: {  	_ =	swait.ge [sflag:s17], $0x2800  }
0x22: {  	[sflag:s17] =	ssyncset.done $0x0  }
0x23: {  	[sflag:s17] =	ssyncadd.s32 $0xFFFFD800  }
0x24: {  	[spmem:s6] =	stream.linear.scatter [tilespmem:s16], [sflag:$0x3], $0x2800, $0x38;
	[tilespmem:$0x1C440] =	vst v63  }
0x25: {  	_ =	swait.ge [sflag:s17], $0x2800  }
0x26: {  	[sflag:s17] =	ssyncset.done $0x0  }
0x27: {  	[sflag:s17] =	ssyncadd.s32 $0xFFFFD800  }
0x28: {  	[spmem:s7] =	stream.linear.scatter [tilespmem:s16], [sflag:$0x3], $0x2800, $0x38;
	[tilespmem:$0x1C440] =	vst v63  }
0x29: {  	_ =	swait.ge [sflag:s17], $0x2800  }
0x2a: {  	[sflag:s17] =	ssyncset.done $0x0  }
0x2b: {  	[sflag:s17] =	ssyncadd.s32 $0xFFFFD800  }
0x2c: {  	[spmem:s8] =	stream.linear.scatter [tilespmem:s16], [sflag:$0x3], $0x2440, $0x38;
	[tilespmem:$0x1C440] =	vst v63  }
0x2d: {  	_ =	swait.ge [sflag:s17], $0x2440  }
0x2e: {  	[sflag:s17] =	ssyncset.done $0x0  }
0x2f: {  	s29 =	simm.s32 $0x0;
	[sflag:s17] =	ssyncadd.s32 $0xFFFFDBC0  }
0x30: {  	[tilespmem:s29], [sflag:$0x3] =	stream.linear.gather [hbm4b:s9+s29], $0x2800, $0x38;
	[tilespmem:$0x1C440] =	vst v63  }
0x31: {  	_ =	swait.ge [sflag:s17], $0x2800  }
0x32: {  	[sflag:s17] =	ssyncset.done $0x0  }
0x33: {  	s30 =	simm.s32 $0x2800;
	[sflag:s17] =	ssyncadd.s32 $0xFFFFD800  }
0x34: {  	[tilespmem:s30], [sflag:$0x3] =	stream.linear.gather [hbm4b:s10+s29], $0x2800, $0x38;
	[tilespmem:$0x1C440] =	vst v63  }
0x35: {  	_ =	swait.ge [sflag:s17], $0x2800  }
0x36: {  	[sflag:s17] =	ssyncset.done $0x0  }
0x37: {  	[sflag:s17] =	ssyncadd.s32 $0xFFFFD800  }
0x38: {  	[bflag:$0x0] =	sbarrier.arrive $0xFFFF  }
0x39: {  	[tilespmem:s19], [sflag:$0x1] =	stream.indirect.gather [hbm4b:s4+s18], $0x40, s29, s18, $0xb8;
	[tilespmem:$0x1C440] =	vst v63  }
0x3a: {  	_ = 	snop  }
0x3b: {  	[tilespmem:s20], [sflag:$0x1] =	stream.indirect.gather [hbm4b:s4+s18], $0x40, s18, s18, $0xb8;
	[tilespmem:$0x1C440] =	vst v63  }
0x3c: {  	_ = 	snop  }
0x3d: {  	[tilespmem:s22], [sflag:$0x1] =	stream.indirect.gather [hbm4b:s4+s18], $0x40, s21, s18, $0xb8;
	[tilespmem:$0x1C440] =	vst v63  }
0x3e: {  	s31 =	simm.s32 $0x200  }
0x3f: {  	[tilespmem:s24], [sflag:$0x1] =	stream.indirect.gather [hbm4b:s4+s18], $0x40, s23, s18, $0xb8;
	[tilespmem:$0x1C440] =	vst v63  }
.LBB2_4:
0x40: {  	s1 =	smul.u32 $0xCD, s29;
	_ =	sdelay $0x1  }
0x41: {  	s1 =	sshrl.u32 s1, $0xA  }
0x42: {  	s1 =	sand.u32 $0x3F, s1  }
0x43: {  	s1 =	smul.u32 $0x5, s1;
	_ =	sdelay $0x1  }
0x44: {  	s1 =	ssub.s32 s29, s1  }
0x45: {  	_ =	swait.ge [sflag:s25], $0x2000;
	s1 =	sand.u32 $0xFF, s1  }
0x46: {  	[sflag:s25] =	ssyncset.done $0x0;
	s1 =	sshll.u32 s1, $0xD  }
0x47: {  	p0 =	seq.s32 s29, $0x0;
	[sflag:s25] =	ssyncadd.s32 $0xFFFFE000;
	s1 =	sadd.s32 $0x5000, s1  }
0x48: {  	[spmem:s2] =	stream.indirect.scatter.add.f32 [tilespmem:s1], [sflag:$0x2], $0x40, s30, s18, $0xb8;
	[tilespmem:$0x1C440] =	vst v63  }
0x49: {  	s1 =	simm.s32 @!p0 $0x2  }
0x4a: {  	p1 =	sgt.u32 @!p0 s29, $0x4B;
	_ =	swait.ge @!p0 [sflag:s1], $0x2000  }
0x4b: {  	p1 =	por p0, !p1;
	[sflag:s1] =	ssyncset.done @!p0 $0x0  }
0x4c: {  	[sflag:s1] =	ssyncadd.s32 @!p0 $0xFFFFE000;
	s1 =	sadd.s32 @p1 $0x4, s29  }
0x4d: {  	s0 =	smul.u32 @p1 $0xCD, s1;
	_ =	sdelay $0x1  }
0x4e: {  	s0 =	sshrl.u32 @p1 s0, $0xA  }
0x4f: {  	s0 =	sand.u32 @p1 $0x3F, s0  }
0x50: {  	s0 =	smul.u32 @p1 $0x5, s0  }
0x51: {  	s29 =	sadd.s32 $0x1, s29  }
0x52: {  	p0 =	sne.s32 s29, $0x50;
	s0 =	ssub.s32 @p1 s1, s0  }
.Ltmp1:
0x53: {  	s0 =	sand.u32 @p1 $0xFF, s0;
	(pc) =	sbr.rel @p0 .LBB2_4-.Ltmp1, $4  }
0x54: {  	s0 =	sshll.u32 @p1 s0, $0xD  }
0x55: {  	s0 =	sadd.s32 @p1 $0x5000, s0  }
0x56: {  	[tilespmem:s0], [sflag:$0x1] =	stream.indirect.gather @p1 [hbm4b:s4+s18], $0x40, s31, s18, $0xb8;
	[tilespmem:$0x1C440] =	vst v63  }
0x57: {  	s30 =	sadd.s32 $0x80, s30;
	s31 =	sadd.s32 $0x80, s31  }
0x58: {  	_ =	swait.ge [sflag:s26], $0x2000  }
0x59: {  	[sflag:s26] =	ssyncset.done $0x0  }
0x5a: {  	[sflag:s26] =	ssyncadd.s32 $0xFFFFE000  }
0x5b: {  	[bflag:$0x0] =	sbarrier.arrive $0xFFFF  }
0x5c: {  	[tilespmem:s16], [sflag:$0x3] =	stream.linear.gather [spmem:s5], $0x2800, $0x38;
	[tilespmem:$0x1C440] =	vst v63  }
0x5d: {  	_ =	swait.ge [sflag:s17], $0x2800  }
0x5e: {  	[sflag:s17] =	ssyncset.done $0x0  }
0x5f: {  	[sflag:s17] =	ssyncadd.s32 $0xFFFFD800  }
0x60: {  	[hbm4b:s11+s28] =	stream.strided.scatter [tilespmem:s16], [sflag:$0x3], $0x2800, s18, s28, $0x38;
	[tilespmem:$0x1C440] =	vst v63  }
0x61: {  	_ =	swait.ge [sflag:s17], $0x2800  }
0x62: {  	[sflag:s17] =	ssyncset.done $0x0  }
0x63: {  	[sflag:s17] =	ssyncadd.s32 $0xFFFFD800  }
0x64: {  	[tilespmem:s16], [sflag:$0x3] =	stream.linear.gather [spmem:s6], $0x2800, $0x38;
	[tilespmem:$0x1C440] =	vst v63  }
0x65: {  	_ =	swait.ge [sflag:s17], $0x2800  }
0x66: {  	[sflag:s17] =	ssyncset.done $0x0  }
0x67: {  	[sflag:s17] =	ssyncadd.s32 $0xFFFFD800  }
0x68: {  	[hbm4b:s12+s28] =	stream.strided.scatter [tilespmem:s16], [sflag:$0x3], $0x2800, s18, s28, $0x38;
	[tilespmem:$0x1C440] =	vst v63  }
0x69: {  	_ =	swait.ge [sflag:s17], $0x2800  }
0x6a: {  	[sflag:s17] =	ssyncset.done $0x0  }
0x6b: {  	[sflag:s17] =	ssyncadd.s32 $0xFFFFD800  }
0x6c: {  	[tilespmem:s16], [sflag:$0x3] =	stream.linear.gather [spmem:s7], $0x2800, $0x38;
	[tilespmem:$0x1C440] =	vst v63  }
0x6d: {  	_ =	swait.ge [sflag:s17], $0x2800  }
0x6e: {  	[sflag:s17] =	ssyncset.done $0x0  }
0x6f: {  	[sflag:s17] =	ssyncadd.s32 $0xFFFFD800  }
0x70: {  	[hbm4b:s13+s28] =	stream.strided.scatter [tilespmem:s16], [sflag:$0x3], $0x2800, s18, s28, $0x38;
	[tilespmem:$0x1C440] =	vst v63  }
0x71: {  	_ =	swait.ge [sflag:s17], $0x2800  }
0x72: {  	[sflag:s17] =	ssyncset.done $0x0  }
0x73: {  	[sflag:s17] =	ssyncadd.s32 $0xFFFFD800  }
0x74: {  	[tilespmem:s16], [sflag:$0x3] =	stream.linear.gather [spmem:s8], $0x2440, $0x38;
	[tilespmem:$0x1C440] =	vst v63  }
0x75: {  	s3 =	sadd.s32 $0x1, s3;
	_ =	swait.ge [sflag:s17], $0x2440  }
0x76: {  	p0 =	sne.s32 s3, s15;
	[sflag:s17] =	ssyncset.done $0x0  }
.Ltmp2:
0x77: {  	[sflag:s17] =	ssyncadd.s32 $0xFFFFDBC0;
	(pc) =	sbr.rel @p0 .LBB2_1-.Ltmp2, $4  }
0x78: {  	[hbm4b:s14+s28] =	stream.strided.scatter [tilespmem:s16], [sflag:$0x3], $0x2440, s18, s28, $0x38;
	[tilespmem:$0x1C440] =	vst v63  }
0x79: {  	_ =	swait.ge [sflag:s17], $0x2440  }
0x7a: {  	[sflag:s17] =	ssyncset.done $0x0  }
0x7b: {  	[sflag:s17] =	ssyncadd.s32 $0xFFFFDBC0  }
0x7c: {  	_ =	sfence.sel $0x180000  }
0x7d: {  	[bflag:$0x0] =	sbarrier.arrive $0xFFFF  }
0x7e: {  	_ =	strace $0x9000004D  }
0x7f: {  	s0 =	stileid.u32;
	[bflag:$0x2] =	sbarrier.arrive $0xFFFF  }
0x80: {  	p0 =	sne.s32 s0, $0x0;
	s0 =	rddreg [dreg:$0x2]  }
0x81: {  	s0 =	sadd.s32 @!p0 $0x100000, s0  }
0x82: {  	[sflag:s0] =	ssyncadd.tile.s32 @!p0 $0x1;
	_ =	shalt  }
.Lfunc_end2:
_tile_overlayer_lowered:
.L_overlay_start_2:
0x83: {  	(tag) =	ssettag $0x2  }
0x84: {  	s0 =	rddreg [dreg:$0x0];
	s2 =	stileid.u32  }
0x85: {  	s1 =	rddreg [dreg:$0x1];
	p0 =	sne.s32 s2, $0x0  }
0x86: {  	s3 =	rddreg [dreg:$0x2];
	[bflag:$0x3] =	sbarrier.arrive $0xFFFF;
	s2 =	simm.s32 @!p0 $0x1C03  }
0x87: {  	[timem:s3], [sflag:s2] =	dma.local @!p0 [hbm:s0], s1  }
0x88: {  	s0 =	simm.s32 @!p0 $0x3  }
0x89: {  	_ =	swait.ge @!p0 [sflag:s0], s1  }
0x8a: {  	s1 =	ssub.s32 @!p0 $0x0, s1;
	[sflag:s0] =	ssyncset.done @!p0 $0x0  }
0x8b: {  	[sflag:s0] =	ssyncadd.s32 @!p0 s1  }
0x8c: {  	[bflag:$0x3] =	sbarrier.arrive $0xFFFF  }
0x8d: {  	_ =	shalt  }

// kernel: kernel.22.cloned.1.call-start
scs
__scs_entry_jumppad:
0x0: {  	(pc) =	sbr.rel $0x88, $3  }
0x1: {  	(tag) =	ssettag $0x0;
	lr =	simm.s32 $0x1  }
0x2: {  	[smem:$0x3F7F] =	sst lr;
	_ =	strace $0xD0000000  }
0x3: {  	_ = 	snop  }
0x4: {  	_ = 	snop  }
0x5: {  	_ = 	snop  }
0x6: {  	_ = 	snop  }
0x7: {  	_ = 	snop  }
__scs_overlays_trampoline_lowered:
0x8: {  	[smem:$0x3F8E] =	sst s0  }
0x9: {  	[smem:$0x3F8F] =	sst s1  }
0xa: {  	[smem:$0x3F90] =	sst s2  }
0xb: {  	[smem:$0x3F91] =	sst s3  }
0xc: {  	[smem:$0x3F92] =	sst s4  }
0xd: {  	[smem:$0x3F93] =	sst s5  }
0xe: {  	[smem:$0x3F94] =	sst s6  }
0xf: {  	[smem:$0x3F95] =	sst s7  }
0x10: {  	[smem:$0x3F96] =	sst s8  }
0x11: {  	[smem:$0x3F97] =	sst s9;
	s0 =	simm.s32 @!p0 $0x0  }
0x12: {  	s1 =	sld [smem:$0x3F7D];
	s0 =	simm.s32 @p0 $0x1  }
0x13: {  	[smem:$0x3F98] =	sst s0;
	s0 =	simm.s32 @!p1 $0x0  }
0x14: {  	s2 =	sld [smem:$0x3F7C];
	s0 =	simm.s32 @p1 $0x1  }
0x15: {  	[smem:$0x3F99] =	sst s0;
	s0 =	simm.s32 @!p2 $0x0  }
0x16: {  	s3 =	sld [smem:$0x3FDB];
	s0 =	simm.s32 @p2 $0x1  }
0x17: {  	s4 =	simm.s32 $0x1BF5;
	[smem:$0x3F9B] =	sst s0  }
0x18: {  	s0 =	sld [smem:$0x3F7E];
	_ =	swait.ge [sflag:s4], $0x0  }
0x19: {  	s7 =	sld [smem:$0x3F7F]  }
0x1a: {  	s8 =	sadd.s32 $0xFFFFE003, lr  }
0x1b: {  	s9 =	sadd.s32 $0xFFFFFEF7, lr;
	s5 =	simm.s32 $0xFFFFFFFF;
	p2 =	slt.u32 s8, $0xFFFFF086  }
0x1c: {  	p1 =	slt.u32 s9, $0xF7A;
	s5 =	simm.s32 @!p2 $0x0  }
0x1d: {  	s5 =	simm.s32 @p1 $0x1;
	p0 =	seq.s32 s7, s2  }
0x1e: {  	s7 =	smul.u32 @!p0 $0xF7A, s2;
	p2 =	seq.s32 @!p0 s5, $0x0  }
0x1f: {  	s9 =	smul.u32 $0xF7A, s1;
	s8 =	simm.s32 @!p0 $0x1BF5;
	p2 =	por !p2, p0  }
0x20: {  	[sflag:s8] =	ssyncset.s32 @!p0 $0xFFFFF086;
	s6 =	sadd.s32 @!p0 s3, s7;
	s7 =	simm.s32 @!p0 $0x108  }
0x21: {  	s3 =	sadd.s32 s3, s9;
	s6 =	sadd.s32 @!p0 $0x88, s6;
	s7 =	simm.s32 @p2 $0x1082  }
0x22: {  	[simem:s7], [sflag:s8] =	dma.local @!p0 [hbm:s6], $0xF7A  }
0x23: {  	s9 =	sor.u32 $0xD0000000, s2;
	s6 =	simm.s32 $0x108;
	_ =	swait.ge @!p0 [sflag:s8], $0x0  }
0x24: {  	s3 =	sadd.s32 $0x88, s3;
	s6 =	simm.s32 @!p1 $0x1082;
	[sflag:s4] =	ssyncset.s32 $0xFFFFF086  }
0x25: {  	[simem:s6], [sflag:s4] =	dma.local [hbm:s3], $0xF7A  }
0x26: {  	[smem:$0x3F7F] =	sst s1;
	(tag) =	ssettag s2;
	_ =	strace s9  }
0x27: {  	s1 =	sld [smem:$0x3F8F]  }
0x28: {  	s2 =	sld [smem:$0x3F90]  }
0x29: {  	s4 =	sld [smem:$0x3F92]  }
0x2a: {  	p0 =	seq.s32 s5, $0x0;
	s5 =	sld [smem:$0x3F93]  }
0x2b: {  	s6 =	sld [smem:$0x3F94]  }
0x2c: {  	s7 =	sld [smem:$0x3F95]  }
0x2d: {  	s3 =	simm.s32 $0x108;
	s8 =	sld [smem:$0x3F96]  }
0x2e: {  	s3 =	simm.s32 @!p0 $0x1082;
	s9 =	sld [smem:$0x3F97]  }
0x2f: {  	lr =	sadd.s32 s0, s3;
	s0 =	sld [smem:$0x3F8E]  }
0x30: {  	s3 =	sld [smem:$0x3F91]  }
0x31: {  	[smem:$0x3F9A] =	sst s10  }
0x32: {  	s10 =	sld [smem:$0x3F98];
	_ =	sdelay $0x3  }
0x33: {  	p0 =	seq.s32 s10, $0x1;
	s10 =	sld [smem:$0x3F9A];
	_ =	sdelay $0x3  }
0x34: {  	[smem:$0x3F9A] =	sst s10  }
0x35: {  	s10 =	sld [smem:$0x3F99];
	_ =	sdelay $0x3  }
0x36: {  	p1 =	seq.s32 s10, $0x1;
	s10 =	sld [smem:$0x3F9A];
	_ =	sdelay $0x3  }
0x37: {  	[smem:$0x3F9A] =	sst s10  }
0x38: {  	s10 =	sld [smem:$0x3F9B]  }
0x39: {  	_ = 	snop;
	(pc) =	sbr.ind lr, $3  }
0x3a: {  	_ = 	snop  }
0x3b: {  	_ = 	snop  }
0x3c: {  	p2 =	seq.s32 s10, $0x1;
	s10 =	sld [smem:$0x3F9A]  }
0x3d: {  	_ =	shalt  }
0x3e: {  	_ =	shalt  }
0x3f: {  	_ =	shalt  }
0x40: {  	_ =	shalt  }
0x41: {  	_ =	shalt  }
0x42: {  	_ =	shalt  }
0x43: {  	_ =	shalt  }
0x44: {  	_ =	shalt  }
0x45: {  	_ =	shalt  }
0x46: {  	_ =	shalt  }
0x47: {  	_ =	shalt  }
0x48: {  	_ =	shalt  }
0x49: {  	_ =	shalt  }
0x4a: {  	_ =	shalt  }
0x4b: {  	_ =	shalt  }
0x4c: {  	_ =	shalt  }
0x4d: {  	_ =	shalt  }
0x4e: {  	_ =	shalt  }
0x4f: {  	_ =	shalt  }
0x50: {  	_ =	shalt  }
0x51: {  	_ =	shalt  }
0x52: {  	_ =	shalt  }
0x53: {  	_ =	shalt  }
0x54: {  	_ =	shalt  }
0x55: {  	_ =	shalt  }
0x56: {  	_ =	shalt  }
0x57: {  	_ =	shalt  }
0x58: {  	_ =	shalt  }
0x59: {  	_ =	shalt  }
0x5a: {  	_ =	shalt  }
0x5b: {  	_ =	shalt  }
0x5c: {  	_ =	shalt  }
0x5d: {  	_ =	shalt  }
0x5e: {  	_ =	shalt  }
0x5f: {  	_ =	shalt  }
0x60: {  	_ =	shalt  }
0x61: {  	_ =	shalt  }
0x62: {  	_ =	shalt  }
0x63: {  	_ =	shalt  }
0x64: {  	_ =	shalt  }
0x65: {  	_ =	shalt  }
0x66: {  	_ =	shalt  }
0x67: {  	_ =	shalt  }
0x68: {  	_ =	shalt  }
0x69: {  	_ =	shalt  }
0x6a: {  	_ =	shalt  }
0x6b: {  	_ =	shalt  }
0x6c: {  	_ =	shalt  }
0x6d: {  	_ =	shalt  }
0x6e: {  	_ =	shalt  }
0x6f: {  	_ =	shalt  }
0x70: {  	_ =	shalt  }
0x71: {  	_ =	shalt  }
0x72: {  	_ =	shalt  }
0x73: {  	_ =	shalt  }
0x74: {  	_ =	shalt  }
0x75: {  	_ =	shalt  }
0x76: {  	_ =	shalt  }
0x77: {  	_ =	shalt  }
0x78: {  	_ =	shalt  }
0x79: {  	_ =	shalt  }
0x7a: {  	_ =	shalt  }
0x7b: {  	_ =	shalt  }
0x7c: {  	_ =	shalt  }
0x7d: {  	_ =	shalt  }
0x7e: {  	_ =	shalt  }
0x7f: {  	_ =	shalt  }
0x80: {  	_ =	shalt  }
0x81: {  	_ =	shalt  }
0x82: {  	_ =	shalt  }
0x83: {  	_ =	shalt  }
0x84: {  	_ =	shalt  }
0x85: {  	_ =	shalt  }
0x86: {  	_ =	shalt  }
0x87: {  	_ =	shalt  }
.Lfunc_end0:
.L_simem_size_0:
called_computation.3_lowered:
.L_overlay_start_0:
0x88: {  	s2 =	sld [smem:$0x3FD9]  }
0x89: {  	s3 =	sld [smem:$0x3FFE];
	_ =	sdelay $0x1  }
0x8a: {  	s1 =	srdreg.scid  }
0x8b: {  	s0 =	sand.u32 $0x1, s1  }
0x8c: {  	s16 =	sshll.u32 s0, $0xA;
	s2 =	sadd.s32 s3, s2  }
0x8d: {  	s2 =	sadd.s32 s2, s16  }
0x8e: {  	[smem:$0x3FA6] =	sst s2  }
0x8f: {  	_ = 	snop  }
0x90: {  	(tm) =	ssettm $0x1  }
0x91: {  	s17 =	sld [smem:$0x3FFB];
	_ =	sdelay $0x3  }
0x92: {  	_ =	strace s17  }
0x93: {  	s2 =	sld [smem:$0x3FFC];
	_ =	sdelay $0x3  }
0x94: {  	_ =	strace s2  }
0x95: {  	s2 =	sld [smem:$0x3FFD];
	_ =	sdelay $0x3  }
0x96: {  	_ =	strace s2  }
0x97: {  	_ =	strace $0x8FFFFFFF  }
0x98: {  	s18 =	sld [smem:$0x3FDB];
	_ =	sdelay $0x1  }
0x99: {  	s19 =	simm.s32 $_scs_section_size  }
0x9a: {  	s4 =	simm.s32 $_size__tile_overlayer_lowered;
	s5 =	simm.s32 $_tile_overlayer_lowered  }
0x9b: {  	s22 =	simm.s32 $0x1BFF;
	s21 =	sshll.u32 s5, $0x1;
	s2 =	sadd.s32 s19, s18  }
0x9c: {  	s6 =	simm.s32 $0x0;
	s20 =	sshll.u32 s4, $0x1;
	s4 =	sadd.s32 s21, s2  }
0x9d: {  	[timem:s6], [sflag:s22] =	dma.local [hbm:s4], s20  }
0x9e: {  	_ =	swait.ge [sflag:s22], s20  }
0x9f: {  	s3 =	ssub.s32 $0x0, s20;
	[sflag:s22] =	ssyncset.done $0x0  }
0xa0: {  	[sflag:s22] =	ssyncadd.s32 s3;
	_ =	sdelay $0x1  }
0xa1: {  	s23 =	simm.s32 $0x1B8B  }
0xa2: {  	_ =	swait.ge [sflag:s23], $0x1  }
0xa3: {  	[sflag:s23] =	ssyncset.done $0x0  }
0xa4: {  	s25 =	simm.s32 $0x1B8E;
	s24 =	sld [smem:$0x3FFE];
	[sflag:s23] =	ssyncadd.s32 $0xFFFFFFFF  }
0xa5: {  	s26 =	simm.s32 $execute0_lowered;
	[smem:$0x3FD2] =	sst s25  }
0xa6: {  	s4 =	sshll.u32 s26, $0x1;
	_ =	strace $0x8000004F;
	[dreg:$0x1] =	wrdreg $0xFFFFFFFF  }
0xa7: {  	s28 =	simm.s32 $_size_execute0_lowered;
	s2 =	sadd.s32 s2, s4;
	[dreg:$0x0] =	wrdreg $0x0  }
0xa8: {  	s4 =	sshll.u32 s28, $0x1;
	[dreg:$0x2] =	wrdreg s2  }
0xa9: {  	[dreg:$0x3] =	wrdreg s4  }
0xaa: {  	[dreg:$0x4] =	wrdreg $0xC0  }
0xab: {  	_ =	task [dreg:s6], $0x5FFFF  }
0xac: {  	[dreg:$0x1] =	wrdreg $0xFFFFFFFF  }
0xad: {  	[dreg:$0x0] =	wrdreg $0x60  }
0xae: {  	[dreg:$0x2] =	wrdreg s24  }
0xaf: {  	[dreg:$0x3] =	wrdreg $0x118000  }
0xb0: {  	[dreg:$0x4] =	wrdreg $0x9  }
0xb1: {  	_ =	task.clear_ibuf [dreg:s6], $0x5FFFF;
	_ =	strace $0x9000004F  }
0xb2: {  	s29 =	simm.s32 $0x9;
	_ =	strace $0x80000051  }
0xb3: {  	_ =	swait.ge [sflag:s29], $0x1  }
0xb4: {  	[sflag:s29] =	ssyncadd.s32 $0xFFFFFFFF  }
0xb5: {  	_ =	strace $0x90000051  }
0xb6: {  	_ =	sfence  }
0xb7: {  	s30 =	sld [smem:$0x0];
	_ =	sdelay $0x2  }
0xb8: {  	s31 =	sshll.u32 s1, $0xD;
	s1 =	sshrl.u32 s1, $0x2  }
0xb9: {  	s3 =	sand.u32 $0x4000, s31;
	s1 =	sadd.s32 s1, s30  }
0xba: {  	s0 =	sor.u32 s3, s0;
	s1 =	sshll.u32 s1, $0x11  }
0xbb: {  	s0 =	sor.u32 s1, s0  }
0xbc: {  	s0 =	sadd.s32 $0x8F2B, s0  }
0xbd: {  	[sflag:s0] =	ssyncadd.remote.s32 $0x1  }
0xbe: {  	_ =	sfence.sel $0xFFFF  }
0xbf: {  	[dreg:$0x0] =	wrdreg $0xFFFFFFFF;
	(pc) =	sbr.abs _section_cstart, $3  }
0xc0: {  	[dreg:$0x1] =	wrdreg $0xFFFFFFFF  }
0xc1: {  	_ =	task.clear_ibuf [dreg:s6], $0x2FFFF;
	_ =	strace $0x9FFFFFFF  }
0xc2: {  	(tm) =	ssettm $0x7FFFFFFF  }
0xc3: {  	_ =	shalt  }
tec
execute0_lowered:
.L_overlay_start_1:
0x0: {  	(tag) =	ssettag $0x1  }
0x1: {  	s0 =	srdreg.scid;
	s5 =	rddreg [dreg:$0x0]  }
0x2: {  	s24 =	stileid.u32;
	s2 =	rddreg [dreg:$0x1];
	s3 =	simm.s32 $0x0  }
0x3: {  	s18 =	simm.s32 $0x80;
	s19 =	simm.s32 $0x5000;
	s20 =	simm.s32 $0x7000  }
0x4: {  	s21 =	simm.s32 $0x100;
	s22 =	simm.s32 $0x9000;
	s23 =	simm.s32 $0x180  }
0x5: {  	s28 =	simm.s32 $0x40;
	s7 =	sand.u32 $0x1, s0;
	s8 =	smul.u32 $0x271, s24  }
0x6: {  	[smem:$0x7FF] =	sst s3;
	s9 =	smul.u32 $0x27100, s24;
	s14 =	sadd.s32 $0x43A00, s5  }
0x7: {  	s30 =	smul.u32 $0x13880, s24;
	s1 =	sshll.u32 s7, $0x4;
	_ =	strace $0x80000050  }
0x8: {  	s25 =	ssub.s32 $0x2, s7;
	s17 =	sshll.u32 s7, $0x6;
	s4 =	sor.u32 s24, s1  }
0x9: {  	s26 =	sshrl.u32 s25, $0x1;
	s9 =	sshrl.u32 s9, $0x2;
	s12 =	sadd.s32 $0xA0, s8  }
0xa: {  	s13 =	sadd.s32 $0x140, s8;
	s16 =	sadd.s32 $0x1E0, s8;
	s31 =	sor.u32 s17, s30  }
0xb: {  	s24 =	simm.s32 $0xB000;
	s6 =	smul.u32 $0x500, s4;
	s4 =	sadd.s32 $0x8800, s5  }
0xc: {  	s15 =	ssub.s32 s25, s26;
	s29 =	sshll.u32 s12, $0x6;
	s11 =	sshll.u32 s13, $0x6  }
0xd: {  	s8 =	sshll.u32 s16, $0x6;
	s12 =	sshll.u32 s12, $0x7;
	s13 =	sshll.u32 s13, $0x7  }
0xe: {  	s16 =	sshll.u32 s16, $0x7;
	s25 =	simm.s32 $0x1;
	s26 =	simm.s32 $0x2  }
0xf: {  	s7 =	sadd.s32 s11, s2;
	s8 =	sadd.s32 s8, s2;
	s11 =	sshrl.u32 s31, $0x3  }
0x10: {  	s12 =	sor.u32 s17, s12;
	s13 =	sor.u32 s17, s13;
	s16 =	sor.u32 s17, s16  }
0x11: {  	s15 =	smax.u32 s15, $0x1;
	s17 =	simm.s32 $0x3;
	s10 =	sadd.s32 s6, s5  }
0x12: {  	s5 =	sadd.s32 s9, s2;
	s6 =	sadd.s32 s29, s2;
	s11 =	sadd.s32 s14, s11  }
0x13: {  	s12 =	sshrl.u32 s12, $0x3;
	s13 =	sshrl.u32 s13, $0x3;
	s16 =	sshrl.u32 s16, $0x3  }
0x14: {  	s9 =	sadd.s32 $0x2FA00, s10;
	s10 =	sadd.s32 $0x39A00, s10;
	s12 =	sadd.s32 s14, s12  }
0x15: {  	v0 =	vimm.f32 $0.0e+00;
	s13 =	sadd.s32 s14, s13;
	s14 =	sadd.s32 s14, s16;
	s16 =	simm.s32 $0xF000  }
.LBB2_1:
0x16: {  	s30 =	simm.s32 $0x100;
	s29 =	simm.s32 $0x0  }
.LBB2_2:
0x17: {  	p0 =	sne.s32 s30, $0x9F00;
	[tilespmem:s29+$0xF030] =	vst v0;
	s31 =	smov.u32 s30;
	s30 =	sadd.s32 $0x100, s30  }
.Ltmp0:
0x18: {  	[tilespmem:s29+$0xF020] =	vst v0;
	(pc) =	sbr.rel @p0 .LBB2_2-.Ltmp0, $3  }
0x19: {  	[tilespmem:s29+$0xF000] =	vst v0  }
0x1a: {  	[tilespmem:s29+$0xF010] =	vst v0;
	_ =	sdelay $0x1  }
0x1b: {  	s29 =	sshra.s32 s31, $0x2  }
0x1c: {  	[tilespmem:s29+$0xF030] =	vst v0  }
0x1d: {  	[tilespmem:s29+$0xF020] =	vst v0  }
0x1e: {  	[tilespmem:s29+$0xF000] =	vst v0  }
0x1f: {  	[tilespmem:s29+$0xF010] =	vst v0  }
0x20: {  	[spmem:s5] =	stream.linear.scatter [tilespmem:s16], [sflag:$0x3], $0x2800, $0x38;
	[tilespmem:$0x1C440] =	vst v63  }
0x21: {  	_ =	swait.ge [sflag:s17], $0x2800  }
0x22: {  	[sflag:s17] =	ssyncset.done $0x0  }
0x23: {  	[sflag:s17] =	ssyncadd.s32 $0xFFFFD800  }
0x24: {  	[spmem:s6] =	stream.linear.scatter [tilespmem:s16], [sflag:$0x3], $0x2800, $0x38;
	[tilespmem:$0x1C440] =	vst v63  }
0x25: {  	_ =	swait.ge [sflag:s17], $0x2800  }
0x26: {  	[sflag:s17] =	ssyncset.done $0x0  }
0x27: {  	[sflag:s17] =	ssyncadd.s32 $0xFFFFD800  }
0x28: {  	[spmem:s7] =	stream.linear.scatter [tilespmem:s16], [sflag:$0x3], $0x2800, $0x38;
	[tilespmem:$0x1C440] =	vst v63  }
0x29: {  	_ =	swait.ge [sflag:s17], $0x2800  }
0x2a: {  	[sflag:s17] =	ssyncset.done $0x0  }
0x2b: {  	[sflag:s17] =	ssyncadd.s32 $0xFFFFD800  }
0x2c: {  	[spmem:s8] =	stream.linear.scatter [tilespmem:s16], [sflag:$0x3], $0x2440, $0x38;
	[tilespmem:$0x1C440] =	vst v63  }
0x2d: {  	_ =	swait.ge [sflag:s17], $0x2440  }
0x2e: {  	[sflag:s17] =	ssyncset.done $0x0  }
0x2f: {  	s29 =	simm.s32 $0x0;
	[sflag:s17] =	ssyncadd.s32 $0xFFFFDBC0  }
0x30: {  	[tilespmem:s29], [sflag:$0x3] =	stream.linear.gather [hbm4b:s9+s29], $0x2800, $0x38;
	[tilespmem:$0x1C440] =	vst v63  }
0x31: {  	_ =	swait.ge [sflag:s17], $0x2800  }
0x32: {  	[sflag:s17] =	ssyncset.done $0x0  }
0x33: {  	s30 =	simm.s32 $0x2800;
	[sflag:s17] =	ssyncadd.s32 $0xFFFFD800  }
0x34: {  	[tilespmem:s30], [sflag:$0x3] =	stream.linear.gather [hbm4b:s10+s29], $0x2800, $0x38;
	[tilespmem:$0x1C440] =	vst v63  }
0x35: {  	_ =	swait.ge [sflag:s17], $0x2800  }
0x36: {  	[sflag:s17] =	ssyncset.done $0x0  }
0x37: {  	[sflag:s17] =	ssyncadd.s32 $0xFFFFD800  }
0x38: {  	[bflag:$0x0] =	sbarrier.arrive $0xFFFF  }
0x39: {  	[tilespmem:s19], [sflag:$0x1] =	stream.indirect.gather [hbm4b:s4+s18], $0x40, s29, s18, $0xb8;
	[tilespmem:$0x1C440] =	vst v63  }
0x3a: {  	_ = 	snop  }
0x3b: {  	[tilespmem:s20], [sflag:$0x1] =	stream.indirect.gather [hbm4b:s4+s18], $0x40, s18, s18, $0xb8;
	[tilespmem:$0x1C440] =	vst v63  }
0x3c: {  	_ = 	snop  }
0x3d: {  	[tilespmem:s22], [sflag:$0x1] =	stream.indirect.gather [hbm4b:s4+s18], $0x40, s21, s18, $0xb8;
	[tilespmem:$0x1C440] =	vst v63  }
0x3e: {  	s31 =	simm.s32 $0x200  }
0x3f: {  	[tilespmem:s24], [sflag:$0x1] =	stream.indirect.gather [hbm4b:s4+s18], $0x40, s23, s18, $0xb8;
	[tilespmem:$0x1C440] =	vst v63  }
.LBB2_4:
0x40: {  	s1 =	smul.u32 $0xCD, s29;
	_ =	sdelay $0x1  }
0x41: {  	s1 =	sshrl.u32 s1, $0xA  }
0x42: {  	s1 =	sand.u32 $0x3F, s1  }
0x43: {  	s1 =	smul.u32 $0x5, s1;
	_ =	sdelay $0x1  }
0x44: {  	s1 =	ssub.s32 s29, s1  }
0x45: {  	_ =	swait.ge [sflag:s25], $0x2000;
	s1 =	sand.u32 $0xFF, s1  }
0x46: {  	[sflag:s25] =	ssyncset.done $0x0;
	s1 =	sshll.u32 s1, $0xD  }
0x47: {  	p0 =	seq.s32 s29, $0x0;
	[sflag:s25] =	ssyncadd.s32 $0xFFFFE000;
	s1 =	sadd.s32 $0x5000, s1  }
0x48: {  	[spmem:s2] =	stream.indirect.scatter.add.f32 [tilespmem:s1], [sflag:$0x2], $0x40, s30, s18, $0xb8;
	[tilespmem:$0x1C440] =	vst v63  }
0x49: {  	s1 =	simm.s32 @!p0 $0x2  }
0x4a: {  	p1 =	sgt.u32 @!p0 s29, $0x4B;
	_ =	swait.ge @!p0 [sflag:s1], $0x2000  }
0x4b: {  	p1 =	por p0, !p1;
	[sflag:s1] =	ssyncset.done @!p0 $0x0  }
0x4c: {  	[sflag:s1] =	ssyncadd.s32 @!p0 $0xFFFFE000;
	s1 =	sadd.s32 @p1 $0x4, s29  }
0x4d: {  	s0 =	smul.u32 @p1 $0xCD, s1;
	_ =	sdelay $0x1  }
0x4e: {  	s0 =	sshrl.u32 @p1 s0, $0xA  }
0x4f: {  	s0 =	sand.u32 @p1 $0x3F, s0  }
0x50: {  	s0 =	smul.u32 @p1 $0x5, s0  }
0x51: {  	s29 =	sadd.s32 $0x1, s29  }
0x52: {  	p0 =	sne.s32 s29, $0x50;
	s0 =	ssub.s32 @p1 s1, s0  }
.Ltmp1:
0x53: {  	s0 =	sand.u32 @p1 $0xFF, s0;
	(pc) =	sbr.rel @p0 .LBB2_4-.Ltmp1, $4  }
0x54: {  	s0 =	sshll.u32 @p1 s0, $0xD  }
0x55: {  	s0 =	sadd.s32 @p1 $0x5000, s0  }
0x56: {  	[tilespmem:s0], [sflag:$0x1] =	stream.indirect.gather @p1 [hbm4b:s4+s18], $0x40, s31, s18, $0xb8;
	[tilespmem:$0x1C440] =	vst v63  }
0x57: {  	s30 =	sadd.s32 $0x80, s30;
	s31 =	sadd.s32 $0x80, s31  }
0x58: {  	_ =	swait.ge [sflag:s26], $0x2000  }
0x59: {  	[sflag:s26] =	ssyncset.done $0x0  }
0x5a: {  	[sflag:s26] =	ssyncadd.s32 $0xFFFFE000  }
0x5b: {  	[bflag:$0x0] =	sbarrier.arrive $0xFFFF  }
0x5c: {  	[tilespmem:s16], [sflag:$0x3] =	stream.linear.gather [spmem:s5], $0x2800, $0x38;
	[tilespmem:$0x1C440] =	vst v63  }
0x5d: {  	_ =	swait.ge [sflag:s17], $0x2800  }
0x5e: {  	[sflag:s17] =	ssyncset.done $0x0  }
0x5f: {  	[sflag:s17] =	ssyncadd.s32 $0xFFFFD800  }
0x60: {  	[hbm4b:s11+s28] =	stream.strided.scatter [tilespmem:s16], [sflag:$0x3], $0x2800, s18, s28, $0x38;
	[tilespmem:$0x1C440] =	vst v63  }
0x61: {  	_ =	swait.ge [sflag:s17], $0x2800  }
0x62: {  	[sflag:s17] =	ssyncset.done $0x0  }
0x63: {  	[sflag:s17] =	ssyncadd.s32 $0xFFFFD800  }
0x64: {  	[tilespmem:s16], [sflag:$0x3] =	stream.linear.gather [spmem:s6], $0x2800, $0x38;
	[tilespmem:$0x1C440] =	vst v63  }
0x65: {  	_ =	swait.ge [sflag:s17], $0x2800  }
0x66: {  	[sflag:s17] =	ssyncset.done $0x0  }
0x67: {  	[sflag:s17] =	ssyncadd.s32 $0xFFFFD800  }
0x68: {  	[hbm4b:s12+s28] =	stream.strided.scatter [tilespmem:s16], [sflag:$0x3], $0x2800, s18, s28, $0x38;
	[tilespmem:$0x1C440] =	vst v63  }
0x69: {  	_ =	swait.ge [sflag:s17], $0x2800  }
0x6a: {  	[sflag:s17] =	ssyncset.done $0x0  }
0x6b: {  	[sflag:s17] =	ssyncadd.s32 $0xFFFFD800  }
0x6c: {  	[tilespmem:s16], [sflag:$0x3] =	stream.linear.gather [spmem:s7], $0x2800, $0x38;
	[tilespmem:$0x1C440] =	vst v63  }
0x6d: {  	_ =	swait.ge [sflag:s17], $0x2800  }
0x6e: {  	[sflag:s17] =	ssyncset.done $0x0  }
0x6f: {  	[sflag:s17] =	ssyncadd.s32 $0xFFFFD800  }
0x70: {  	[hbm4b:s13+s28] =	stream.strided.scatter [tilespmem:s16], [sflag:$0x3], $0x2800, s18, s28, $0x38;
	[tilespmem:$0x1C440] =	vst v63  }
0x71: {  	_ =	swait.ge [sflag:s17], $0x2800  }
0x72: {  	[sflag:s17] =	ssyncset.done $0x0  }
0x73: {  	[sflag:s17] =	ssyncadd.s32 $0xFFFFD800  }
0x74: {  	[tilespmem:s16], [sflag:$0x3] =	stream.linear.gather [spmem:s8], $0x2440, $0x38;
	[tilespmem:$0x1C440] =	vst v63  }
0x75: {  	s3 =	sadd.s32 $0x1, s3;
	_ =	swait.ge [sflag:s17], $0x2440  }
0x76: {  	p0 =	sne.s32 s3, s15;
	[sflag:s17] =	ssyncset.done $0x0  }
.Ltmp2:
0x77: {  	[sflag:s17] =	ssyncadd.s32 $0xFFFFDBC0;
	(pc) =	sbr.rel @p0 .LBB2_1-.Ltmp2, $4  }
0x78: {  	[hbm4b:s14+s28] =	stream.strided.scatter [tilespmem:s16], [sflag:$0x3], $0x2440, s18, s28, $0x38;
	[tilespmem:$0x1C440] =	vst v63  }
0x79: {  	_ =	swait.ge [sflag:s17], $0x2440  }
0x7a: {  	[sflag:s17] =	ssyncset.done $0x0  }
0x7b: {  	[sflag:s17] =	ssyncadd.s32 $0xFFFFDBC0  }
0x7c: {  	_ =	sfence.sel $0x180000  }
0x7d: {  	[bflag:$0x0] =	sbarrier.arrive $0xFFFF  }
0x7e: {  	_ =	strace $0x90000050  }
0x7f: {  	s0 =	stileid.u32;
	[bflag:$0x2] =	sbarrier.arrive $0xFFFF  }
0x80: {  	p0 =	sne.s32 s0, $0x0;
	s0 =	rddreg [dreg:$0x2]  }
0x81: {  	s0 =	sadd.s32 @!p0 $0x100000, s0  }
0x82: {  	[sflag:s0] =	ssyncadd.tile.s32 @!p0 $0x1;
	_ =	shalt  }
.Lfunc_end2:
_tile_overlayer_lowered:
.L_overlay_start_2:
0x83: {  	(tag) =	ssettag $0x2  }
0x84: {  	s0 =	rddreg [dreg:$0x0];
	s2 =	stileid.u32  }
0x85: {  	s1 =	rddreg [dreg:$0x1];
	p0 =	sne.s32 s2, $0x0  }
0x86: {  	s3 =	rddreg [dreg:$0x2];
	[bflag:$0x3] =	sbarrier.arrive $0xFFFF;
	s2 =	simm.s32 @!p0 $0x1C03  }
0x87: {  	[timem:s3], [sflag:s2] =	dma.local @!p0 [hbm:s0], s1  }
0x88: {  	s0 =	simm.s32 @!p0 $0x3  }
0x89: {  	_ =	swait.ge @!p0 [sflag:s0], s1  }
0x8a: {  	s1 =	ssub.s32 @!p0 $0x0, s1;
	[sflag:s0] =	ssyncset.done @!p0 $0x0  }
0x8b: {  	[sflag:s0] =	ssyncadd.s32 @!p0 s1  }
0x8c: {  	[bflag:$0x3] =	sbarrier.arrive $0xFFFF  }
0x8d: {  	_ =	shalt  }

// kernel: kernel.25.cloned.1.call-start
scs
__scs_entry_jumppad:
0x0: {  	(pc) =	sbr.rel $0x88, $3  }
0x1: {  	(tag) =	ssettag $0x0;
	lr =	simm.s32 $0x1  }
0x2: {  	[smem:$0x3F7F] =	sst lr;
	_ =	strace $0xD0000000  }
0x3: {  	_ = 	snop  }
0x4: {  	_ = 	snop  }
0x5: {  	_ = 	snop  }
0x6: {  	_ = 	snop  }
0x7: {  	_ = 	snop  }
__scs_overlays_trampoline_lowered:
0x8: {  	[smem:$0x3F8E] =	sst s0  }
0x9: {  	[smem:$0x3F8F] =	sst s1  }
0xa: {  	[smem:$0x3F90] =	sst s2  }
0xb: {  	[smem:$0x3F91] =	sst s3  }
0xc: {  	[smem:$0x3F92] =	sst s4  }
0xd: {  	[smem:$0x3F93] =	sst s5  }
0xe: {  	[smem:$0x3F94] =	sst s6  }
0xf: {  	[smem:$0x3F95] =	sst s7  }
0x10: {  	[smem:$0x3F96] =	sst s8  }
0x11: {  	[smem:$0x3F97] =	sst s9;
	s0 =	simm.s32 @!p0 $0x0  }
0x12: {  	s1 =	sld [smem:$0x3F7D];
	s0 =	simm.s32 @p0 $0x1  }
0x13: {  	[smem:$0x3F98] =	sst s0;
	s0 =	simm.s32 @!p1 $0x0  }
0x14: {  	s2 =	sld [smem:$0x3F7C];
	s0 =	simm.s32 @p1 $0x1  }
0x15: {  	[smem:$0x3F99] =	sst s0;
	s0 =	simm.s32 @!p2 $0x0  }
0x16: {  	s3 =	sld [smem:$0x3FDB];
	s0 =	simm.s32 @p2 $0x1  }
0x17: {  	s4 =	simm.s32 $0x1BF5;
	[smem:$0x3F9B] =	sst s0  }
0x18: {  	s0 =	sld [smem:$0x3F7E];
	_ =	swait.ge [sflag:s4], $0x0  }
0x19: {  	s7 =	sld [smem:$0x3F7F]  }
0x1a: {  	s8 =	sadd.s32 $0xFFFFE003, lr  }
0x1b: {  	s9 =	sadd.s32 $0xFFFFFEF7, lr;
	s5 =	simm.s32 $0xFFFFFFFF;
	p2 =	slt.u32 s8, $0xFFFFF086  }
0x1c: {  	p1 =	slt.u32 s9, $0xF7A;
	s5 =	simm.s32 @!p2 $0x0  }
0x1d: {  	s5 =	simm.s32 @p1 $0x1;
	p0 =	seq.s32 s7, s2  }
0x1e: {  	s7 =	smul.u32 @!p0 $0xF7A, s2;
	p2 =	seq.s32 @!p0 s5, $0x0  }
0x1f: {  	s9 =	smul.u32 $0xF7A, s1;
	s8 =	simm.s32 @!p0 $0x1BF5;
	p2 =	por !p2, p0  }
0x20: {  	[sflag:s8] =	ssyncset.s32 @!p0 $0xFFFFF086;
	s6 =	sadd.s32 @!p0 s3, s7;
	s7 =	simm.s32 @!p0 $0x108  }
0x21: {  	s3 =	sadd.s32 s3, s9;
	s6 =	sadd.s32 @!p0 $0x88, s6;
	s7 =	simm.s32 @p2 $0x1082  }
0x22: {  	[simem:s7], [sflag:s8] =	dma.local @!p0 [hbm:s6], $0xF7A  }
0x23: {  	s9 =	sor.u32 $0xD0000000, s2;
	s6 =	simm.s32 $0x108;
	_ =	swait.ge @!p0 [sflag:s8], $0x0  }
0x24: {  	s3 =	sadd.s32 $0x88, s3;
	s6 =	simm.s32 @!p1 $0x1082;
	[sflag:s4] =	ssyncset.s32 $0xFFFFF086  }
0x25: {  	[simem:s6], [sflag:s4] =	dma.local [hbm:s3], $0xF7A  }
0x26: {  	[smem:$0x3F7F] =	sst s1;
	(tag) =	ssettag s2;
	_ =	strace s9  }
0x27: {  	s1 =	sld [smem:$0x3F8F]  }
0x28: {  	s2 =	sld [smem:$0x3F90]  }
0x29: {  	s4 =	sld [smem:$0x3F92]  }
0x2a: {  	p0 =	seq.s32 s5, $0x0;
	s5 =	sld [smem:$0x3F93]  }
0x2b: {  	s6 =	sld [smem:$0x3F94]  }
0x2c: {  	s7 =	sld [smem:$0x3F95]  }
0x2d: {  	s3 =	simm.s32 $0x108;
	s8 =	sld [smem:$0x3F96]  }
0x2e: {  	s3 =	simm.s32 @!p0 $0x1082;
	s9 =	sld [smem:$0x3F97]  }
0x2f: {  	lr =	sadd.s32 s0, s3;
	s0 =	sld [smem:$0x3F8E]  }
0x30: {  	s3 =	sld [smem:$0x3F91]  }
0x31: {  	[smem:$0x3F9A] =	sst s10  }
0x32: {  	s10 =	sld [smem:$0x3F98];
	_ =	sdelay $0x3  }
0x33: {  	p0 =	seq.s32 s10, $0x1;
	s10 =	sld [smem:$0x3F9A];
	_ =	sdelay $0x3  }
0x34: {  	[smem:$0x3F9A] =	sst s10  }
0x35: {  	s10 =	sld [smem:$0x3F99];
	_ =	sdelay $0x3  }
0x36: {  	p1 =	seq.s32 s10, $0x1;
	s10 =	sld [smem:$0x3F9A];
	_ =	sdelay $0x3  }
0x37: {  	[smem:$0x3F9A] =	sst s10  }
0x38: {  	s10 =	sld [smem:$0x3F9B]  }
0x39: {  	_ = 	snop;
	(pc) =	sbr.ind lr, $3  }
0x3a: {  	_ = 	snop  }
0x3b: {  	_ = 	snop  }
0x3c: {  	p2 =	seq.s32 s10, $0x1;
	s10 =	sld [smem:$0x3F9A]  }
0x3d: {  	_ =	shalt  }
0x3e: {  	_ =	shalt  }
0x3f: {  	_ =	shalt  }
0x40: {  	_ =	shalt  }
0x41: {  	_ =	shalt  }
0x42: {  	_ =	shalt  }
0x43: {  	_ =	shalt  }
0x44: {  	_ =	shalt  }
0x45: {  	_ =	shalt  }
0x46: {  	_ =	shalt  }
0x47: {  	_ =	shalt  }
0x48: {  	_ =	shalt  }
0x49: {  	_ =	shalt  }
0x4a: {  	_ =	shalt  }
0x4b: {  	_ =	shalt  }
0x4c: {  	_ =	shalt  }
0x4d: {  	_ =	shalt  }
0x4e: {  	_ =	shalt  }
0x4f: {  	_ =	shalt  }
0x50: {  	_ =	shalt  }
0x51: {  	_ =	shalt  }
0x52: {  	_ =	shalt  }
0x53: {  	_ =	shalt  }
0x54: {  	_ =	shalt  }
0x55: {  	_ =	shalt  }
0x56: {  	_ =	shalt  }
0x57: {  	_ =	shalt  }
0x58: {  	_ =	shalt  }
0x59: {  	_ =	shalt  }
0x5a: {  	_ =	shalt  }
0x5b: {  	_ =	shalt  }
0x5c: {  	_ =	shalt  }
0x5d: {  	_ =	shalt  }
0x5e: {  	_ =	shalt  }
0x5f: {  	_ =	shalt  }
0x60: {  	_ =	shalt  }
0x61: {  	_ =	shalt  }
0x62: {  	_ =	shalt  }
0x63: {  	_ =	shalt  }
0x64: {  	_ =	shalt  }
0x65: {  	_ =	shalt  }
0x66: {  	_ =	shalt  }
0x67: {  	_ =	shalt  }
0x68: {  	_ =	shalt  }
0x69: {  	_ =	shalt  }
0x6a: {  	_ =	shalt  }
0x6b: {  	_ =	shalt  }
0x6c: {  	_ =	shalt  }
0x6d: {  	_ =	shalt  }
0x6e: {  	_ =	shalt  }
0x6f: {  	_ =	shalt  }
0x70: {  	_ =	shalt  }
0x71: {  	_ =	shalt  }
0x72: {  	_ =	shalt  }
0x73: {  	_ =	shalt  }
0x74: {  	_ =	shalt  }
0x75: {  	_ =	shalt  }
0x76: {  	_ =	shalt  }
0x77: {  	_ =	shalt  }
0x78: {  	_ =	shalt  }
0x79: {  	_ =	shalt  }
0x7a: {  	_ =	shalt  }
0x7b: {  	_ =	shalt  }
0x7c: {  	_ =	shalt  }
0x7d: {  	_ =	shalt  }
0x7e: {  	_ =	shalt  }
0x7f: {  	_ =	shalt  }
0x80: {  	_ =	shalt  }
0x81: {  	_ =	shalt  }
0x82: {  	_ =	shalt  }
0x83: {  	_ =	shalt  }
0x84: {  	_ =	shalt  }
0x85: {  	_ =	shalt  }
0x86: {  	_ =	shalt  }
0x87: {  	_ =	shalt  }
.Lfunc_end0:
.L_simem_size_0:
called_computation.4_lowered:
.L_overlay_start_0:
0x88: {  	s2 =	sld [smem:$0x3FD9]  }
0x89: {  	s3 =	sld [smem:$0x3FFE];
	_ =	sdelay $0x1  }
0x8a: {  	s1 =	srdreg.scid  }
0x8b: {  	s0 =	sand.u32 $0x1, s1  }
0x8c: {  	s16 =	sshll.u32 s0, $0xA;
	s2 =	sadd.s32 s3, s2  }
0x8d: {  	s2 =	sadd.s32 s2, s16  }
0x8e: {  	[smem:$0x3FA6] =	sst s2  }
0x8f: {  	_ = 	snop  }
0x90: {  	(tm) =	ssettm $0x1  }
0x91: {  	s17 =	sld [smem:$0x3FFB];
	_ =	sdelay $0x3  }
0x92: {  	_ =	strace s17  }
0x93: {  	s2 =	sld [smem:$0x3FFC];
	_ =	sdelay $0x3  }
0x94: {  	_ =	strace s2  }
0x95: {  	s2 =	sld [smem:$0x3FFD];
	_ =	sdelay $0x3  }
0x96: {  	_ =	strace s2  }
0x97: {  	_ =	strace $0x8FFFFFFF  }
0x98: {  	s18 =	sld [smem:$0x3FDB];
	_ =	sdelay $0x1  }
0x99: {  	s19 =	simm.s32 $_scs_section_size  }
0x9a: {  	s4 =	simm.s32 $_size__tile_overlayer_lowered;
	s5 =	simm.s32 $_tile_overlayer_lowered  }
0x9b: {  	s22 =	simm.s32 $0x1BFF;
	s21 =	sshll.u32 s5, $0x1;
	s2 =	sadd.s32 s19, s18  }
0x9c: {  	s6 =	simm.s32 $0x0;
	s20 =	sshll.u32 s4, $0x1;
	s4 =	sadd.s32 s21, s2  }
0x9d: {  	[timem:s6], [sflag:s22] =	dma.local [hbm:s4], s20  }
0x9e: {  	_ =	swait.ge [sflag:s22], s20  }
0x9f: {  	s3 =	ssub.s32 $0x0, s20;
	[sflag:s22] =	ssyncset.done $0x0  }
0xa0: {  	[sflag:s22] =	ssyncadd.s32 s3;
	_ =	sdelay $0x1  }
0xa1: {  	s23 =	simm.s32 $0x1B8B  }
0xa2: {  	_ =	swait.ge [sflag:s23], $0x1  }
0xa3: {  	[sflag:s23] =	ssyncset.done $0x0  }
0xa4: {  	s25 =	simm.s32 $0x1B8E;
	s24 =	sld [smem:$0x3FFE];
	[sflag:s23] =	ssyncadd.s32 $0xFFFFFFFF  }
0xa5: {  	s26 =	simm.s32 $execute0_lowered;
	[smem:$0x3FD2] =	sst s25  }
0xa6: {  	s4 =	sshll.u32 s26, $0x1;
	_ =	strace $0x80000052;
	[dreg:$0x1] =	wrdreg $0xFFFFFFFF  }
0xa7: {  	s28 =	simm.s32 $_size_execute0_lowered;
	s2 =	sadd.s32 s2, s4;
	[dreg:$0x0] =	wrdreg $0x0  }
0xa8: {  	s4 =	sshll.u32 s28, $0x1;
	[dreg:$0x2] =	wrdreg s2  }
0xa9: {  	[dreg:$0x3] =	wrdreg s4  }
0xaa: {  	[dreg:$0x4] =	wrdreg $0xC0  }
0xab: {  	_ =	task [dreg:s6], $0x5FFFF  }
0xac: {  	[dreg:$0x1] =	wrdreg $0xFFFFFFFF  }
0xad: {  	[dreg:$0x0] =	wrdreg $0x60  }
0xae: {  	[dreg:$0x2] =	wrdreg s24  }
0xaf: {  	[dreg:$0x3] =	wrdreg $0x118000  }
0xb0: {  	[dreg:$0x4] =	wrdreg $0x9  }
0xb1: {  	_ =	task.clear_ibuf [dreg:s6], $0x5FFFF;
	_ =	strace $0x90000052  }
0xb2: {  	s29 =	simm.s32 $0x9;
	_ =	strace $0x80000054  }
0xb3: {  	_ =	swait.ge [sflag:s29], $0x1  }
0xb4: {  	[sflag:s29] =	ssyncadd.s32 $0xFFFFFFFF  }
0xb5: {  	_ =	strace $0x90000054  }
0xb6: {  	_ =	sfence  }
0xb7: {  	s30 =	sld [smem:$0x0];
	_ =	sdelay $0x2  }
0xb8: {  	s31 =	sshll.u32 s1, $0xD;
	s1 =	sshrl.u32 s1, $0x2  }
0xb9: {  	s3 =	sand.u32 $0x4000, s31;
	s1 =	sadd.s32 s1, s30  }
0xba: {  	s0 =	sor.u32 s3, s0;
	s1 =	sshll.u32 s1, $0x11  }
0xbb: {  	s0 =	sor.u32 s1, s0  }
0xbc: {  	s0 =	sadd.s32 $0x8F2B, s0  }
0xbd: {  	[sflag:s0] =	ssyncadd.remote.s32 $0x1  }
0xbe: {  	_ =	sfence.sel $0xFFFF  }
0xbf: {  	[dreg:$0x0] =	wrdreg $0xFFFFFFFF;
	(pc) =	sbr.abs _section_cstart, $3  }
0xc0: {  	[dreg:$0x1] =	wrdreg $0xFFFFFFFF  }
0xc1: {  	_ =	task.clear_ibuf [dreg:s6], $0x2FFFF;
	_ =	strace $0x9FFFFFFF  }
0xc2: {  	(tm) =	ssettm $0x7FFFFFFF  }
0xc3: {  	_ =	shalt  }
tec
execute0_lowered:
.L_overlay_start_1:
0x0: {  	(tag) =	ssettag $0x1  }
0x1: {  	s0 =	srdreg.scid;
	s5 =	rddreg [dreg:$0x0]  }
0x2: {  	s24 =	stileid.u32;
	s2 =	rddreg [dreg:$0x1];
	s3 =	simm.s32 $0x0  }
0x3: {  	s18 =	simm.s32 $0x80;
	s19 =	simm.s32 $0x5000;
	s20 =	simm.s32 $0x7000  }
0x4: {  	s21 =	simm.s32 $0x100;
	s22 =	simm.s32 $0x9000;
	s23 =	simm.s32 $0x180  }
0x5: {  	s28 =	simm.s32 $0x40;
	s7 =	sand.u32 $0x1, s0;
	s8 =	smul.u32 $0x271, s24  }
0x6: {  	[smem:$0x7FF] =	sst s3;
	s9 =	smul.u32 $0x27100, s24;
	s14 =	sadd.s32 $0x43A00, s5  }
0x7: {  	s30 =	smul.u32 $0x13880, s24;
	s1 =	sshll.u32 s7, $0x4;
	_ =	strace $0x80000053  }
0x8: {  	s25 =	ssub.s32 $0x2, s7;
	s17 =	sshll.u32 s7, $0x6;
	s4 =	sor.u32 s24, s1  }
0x9: {  	s26 =	sshrl.u32 s25, $0x1;
	s9 =	sshrl.u32 s9, $0x2;
	s12 =	sadd.s32 $0xA0, s8  }
0xa: {  	s13 =	sadd.s32 $0x140, s8;
	s16 =	sadd.s32 $0x1E0, s8;
	s31 =	sor.u32 s17, s30  }
0xb: {  	s24 =	simm.s32 $0xB000;
	s6 =	smul.u32 $0x500, s4;
	s4 =	sadd.s32 $0x8800, s5  }
0xc: {  	s15 =	ssub.s32 s25, s26;
	s29 =	sshll.u32 s12, $0x6;
	s11 =	sshll.u32 s13, $0x6  }
0xd: {  	s8 =	sshll.u32 s16, $0x6;
	s12 =	sshll.u32 s12, $0x7;
	s13 =	sshll.u32 s13, $0x7  }
0xe: {  	s16 =	sshll.u32 s16, $0x7;
	s25 =	simm.s32 $0x1;
	s26 =	simm.s32 $0x2  }
0xf: {  	s7 =	sadd.s32 s11, s2;
	s8 =	sadd.s32 s8, s2;
	s11 =	sshrl.u32 s31, $0x3  }
0x10: {  	s12 =	sor.u32 s17, s12;
	s13 =	sor.u32 s17, s13;
	s16 =	sor.u32 s17, s16  }
0x11: {  	s15 =	smax.u32 s15, $0x1;
	s17 =	simm.s32 $0x3;
	s10 =	sadd.s32 s6, s5  }
0x12: {  	s5 =	sadd.s32 s9, s2;
	s6 =	sadd.s32 s29, s2;
	s11 =	sadd.s32 s14, s11  }
0x13: {  	s12 =	sshrl.u32 s12, $0x3;
	s13 =	sshrl.u32 s13, $0x3;
	s16 =	sshrl.u32 s16, $0x3  }
0x14: {  	s9 =	sadd.s32 $0x2FA00, s10;
	s10 =	sadd.s32 $0x39A00, s10;
	s12 =	sadd.s32 s14, s12  }
0x15: {  	v0 =	vimm.f32 $0.0e+00;
	s13 =	sadd.s32 s14, s13;
	s14 =	sadd.s32 s14, s16;
	s16 =	simm.s32 $0xF000  }
.LBB2_1:
0x16: {  	s30 =	simm.s32 $0x100;
	s29 =	simm.s32 $0x0  }
.LBB2_2:
0x17: {  	p0 =	sne.s32 s30, $0x9F00;
	[tilespmem:s29+$0xF030] =	vst v0;
	s31 =	smov.u32 s30;
	s30 =	sadd.s32 $0x100, s30  }
.Ltmp0:
0x18: {  	[tilespmem:s29+$0xF020] =	vst v0;
	(pc) =	sbr.rel @p0 .LBB2_2-.Ltmp0, $3  }
0x19: {  	[tilespmem:s29+$0xF000] =	vst v0  }
0x1a: {  	[tilespmem:s29+$0xF010] =	vst v0;
	_ =	sdelay $0x1  }
0x1b: {  	s29 =	sshra.s32 s31, $0x2  }
0x1c: {  	[tilespmem:s29+$0xF030] =	vst v0  }
0x1d: {  	[tilespmem:s29+$0xF020] =	vst v0  }
0x1e: {  	[tilespmem:s29+$0xF000] =	vst v0  }
0x1f: {  	[tilespmem:s29+$0xF010] =	vst v0  }
0x20: {  	[spmem:s5] =	stream.linear.scatter [tilespmem:s16], [sflag:$0x3], $0x2800, $0x38;
	[tilespmem:$0x1C440] =	vst v63  }
0x21: {  	_ =	swait.ge [sflag:s17], $0x2800  }
0x22: {  	[sflag:s17] =	ssyncset.done $0x0  }
0x23: {  	[sflag:s17] =	ssyncadd.s32 $0xFFFFD800  }
0x24: {  	[spmem:s6] =	stream.linear.scatter [tilespmem:s16], [sflag:$0x3], $0x2800, $0x38;
	[tilespmem:$0x1C440] =	vst v63  }
0x25: {  	_ =	swait.ge [sflag:s17], $0x2800  }
0x26: {  	[sflag:s17] =	ssyncset.done $0x0  }
0x27: {  	[sflag:s17] =	ssyncadd.s32 $0xFFFFD800  }
0x28: {  	[spmem:s7] =	stream.linear.scatter [tilespmem:s16], [sflag:$0x3], $0x2800, $0x38;
	[tilespmem:$0x1C440] =	vst v63  }
0x29: {  	_ =	swait.ge [sflag:s17], $0x2800  }
0x2a: {  	[sflag:s17] =	ssyncset.done $0x0  }
0x2b: {  	[sflag:s17] =	ssyncadd.s32 $0xFFFFD800  }
0x2c: {  	[spmem:s8] =	stream.linear.scatter [tilespmem:s16], [sflag:$0x3], $0x2440, $0x38;
	[tilespmem:$0x1C440] =	vst v63  }
0x2d: {  	_ =	swait.ge [sflag:s17], $0x2440  }
0x2e: {  	[sflag:s17] =	ssyncset.done $0x0  }
0x2f: {  	s29 =	simm.s32 $0x0;
	[sflag:s17] =	ssyncadd.s32 $0xFFFFDBC0  }
0x30: {  	[tilespmem:s29], [sflag:$0x3] =	stream.linear.gather [hbm4b:s9+s29], $0x2800, $0x38;
	[tilespmem:$0x1C440] =	vst v63  }
0x31: {  	_ =	swait.ge [sflag:s17], $0x2800  }
0x32: {  	[sflag:s17] =	ssyncset.done $0x0  }
0x33: {  	s30 =	simm.s32 $0x2800;
	[sflag:s17] =	ssyncadd.s32 $0xFFFFD800  }
0x34: {  	[tilespmem:s30], [sflag:$0x3] =	stream.linear.gather [hbm4b:s10+s29], $0x2800, $0x38;
	[tilespmem:$0x1C440] =	vst v63  }
0x35: {  	_ =	swait.ge [sflag:s17], $0x2800  }
0x36: {  	[sflag:s17] =	ssyncset.done $0x0  }
0x37: {  	[sflag:s17] =	ssyncadd.s32 $0xFFFFD800  }
0x38: {  	[bflag:$0x0] =	sbarrier.arrive $0xFFFF  }
0x39: {  	[tilespmem:s19], [sflag:$0x1] =	stream.indirect.gather [hbm4b:s4+s18], $0x40, s29, s18, $0xb8;
	[tilespmem:$0x1C440] =	vst v63  }
0x3a: {  	_ = 	snop  }
0x3b: {  	[tilespmem:s20], [sflag:$0x1] =	stream.indirect.gather [hbm4b:s4+s18], $0x40, s18, s18, $0xb8;
	[tilespmem:$0x1C440] =	vst v63  }
0x3c: {  	_ = 	snop  }
0x3d: {  	[tilespmem:s22], [sflag:$0x1] =	stream.indirect.gather [hbm4b:s4+s18], $0x40, s21, s18, $0xb8;
	[tilespmem:$0x1C440] =	vst v63  }
0x3e: {  	s31 =	simm.s32 $0x200  }
0x3f: {  	[tilespmem:s24], [sflag:$0x1] =	stream.indirect.gather [hbm4b:s4+s18], $0x40, s23, s18, $0xb8;
	[tilespmem:$0x1C440] =	vst v63  }
.LBB2_4:
0x40: {  	s1 =	smul.u32 $0xCD, s29;
	_ =	sdelay $0x1  }
0x41: {  	s1 =	sshrl.u32 s1, $0xA  }
0x42: {  	s1 =	sand.u32 $0x3F, s1  }
0x43: {  	s1 =	smul.u32 $0x5, s1;
	_ =	sdelay $0x1  }
0x44: {  	s1 =	ssub.s32 s29, s1  }
0x45: {  	_ =	swait.ge [sflag:s25], $0x2000;
	s1 =	sand.u32 $0xFF, s1  }
0x46: {  	[sflag:s25] =	ssyncset.done $0x0;
	s1 =	sshll.u32 s1, $0xD  }
0x47: {  	p0 =	seq.s32 s29, $0x0;
	[sflag:s25] =	ssyncadd.s32 $0xFFFFE000;
	s1 =	sadd.s32 $0x5000, s1  }
0x48: {  	[spmem:s2] =	stream.indirect.scatter.add.f32 [tilespmem:s1], [sflag:$0x2], $0x40, s30, s18, $0xb8;
	[tilespmem:$0x1C440] =	vst v63  }
0x49: {  	s1 =	simm.s32 @!p0 $0x2  }
0x4a: {  	p1 =	sgt.u32 @!p0 s29, $0x4B;
	_ =	swait.ge @!p0 [sflag:s1], $0x2000  }
0x4b: {  	p1 =	por p0, !p1;
	[sflag:s1] =	ssyncset.done @!p0 $0x0  }
0x4c: {  	[sflag:s1] =	ssyncadd.s32 @!p0 $0xFFFFE000;
	s1 =	sadd.s32 @p1 $0x4, s29  }
0x4d: {  	s0 =	smul.u32 @p1 $0xCD, s1;
	_ =	sdelay $0x1  }
0x4e: {  	s0 =	sshrl.u32 @p1 s0, $0xA  }
0x4f: {  	s0 =	sand.u32 @p1 $0x3F, s0  }
0x50: {  	s0 =	smul.u32 @p1 $0x5, s0  }
0x51: {  	s29 =	sadd.s32 $0x1, s29  }
0x52: {  	p0 =	sne.s32 s29, $0x50;
	s0 =	ssub.s32 @p1 s1, s0  }
.Ltmp1:
0x53: {  	s0 =	sand.u32 @p1 $0xFF, s0;
	(pc) =	sbr.rel @p0 .LBB2_4-.Ltmp1, $4  }
0x54: {  	s0 =	sshll.u32 @p1 s0, $0xD  }
0x55: {  	s0 =	sadd.s32 @p1 $0x5000, s0  }
0x56: {  	[tilespmem:s0], [sflag:$0x1] =	stream.indirect.gather @p1 [hbm4b:s4+s18], $0x40, s31, s18, $0xb8;
	[tilespmem:$0x1C440] =	vst v63  }
0x57: {  	s30 =	sadd.s32 $0x80, s30;
	s31 =	sadd.s32 $0x80, s31  }
0x58: {  	_ =	swait.ge [sflag:s26], $0x2000  }
0x59: {  	[sflag:s26] =	ssyncset.done $0x0  }
0x5a: {  	[sflag:s26] =	ssyncadd.s32 $0xFFFFE000  }
0x5b: {  	[bflag:$0x0] =	sbarrier.arrive $0xFFFF  }
0x5c: {  	[tilespmem:s16], [sflag:$0x3] =	stream.linear.gather [spmem:s5], $0x2800, $0x38;
	[tilespmem:$0x1C440] =	vst v63  }
0x5d: {  	_ =	swait.ge [sflag:s17], $0x2800  }
0x5e: {  	[sflag:s17] =	ssyncset.done $0x0  }
0x5f: {  	[sflag:s17] =	ssyncadd.s32 $0xFFFFD800  }
0x60: {  	[hbm4b:s11+s28] =	stream.strided.scatter [tilespmem:s16], [sflag:$0x3], $0x2800, s18, s28, $0x38;
	[tilespmem:$0x1C440] =	vst v63  }
0x61: {  	_ =	swait.ge [sflag:s17], $0x2800  }
0x62: {  	[sflag:s17] =	ssyncset.done $0x0  }
0x63: {  	[sflag:s17] =	ssyncadd.s32 $0xFFFFD800  }
0x64: {  	[tilespmem:s16], [sflag:$0x3] =	stream.linear.gather [spmem:s6], $0x2800, $0x38;
	[tilespmem:$0x1C440] =	vst v63  }
0x65: {  	_ =	swait.ge [sflag:s17], $0x2800  }
0x66: {  	[sflag:s17] =	ssyncset.done $0x0  }
0x67: {  	[sflag:s17] =	ssyncadd.s32 $0xFFFFD800  }
0x68: {  	[hbm4b:s12+s28] =	stream.strided.scatter [tilespmem:s16], [sflag:$0x3], $0x2800, s18, s28, $0x38;
	[tilespmem:$0x1C440] =	vst v63  }
0x69: {  	_ =	swait.ge [sflag:s17], $0x2800  }
0x6a: {  	[sflag:s17] =	ssyncset.done $0x0  }
0x6b: {  	[sflag:s17] =	ssyncadd.s32 $0xFFFFD800  }
0x6c: {  	[tilespmem:s16], [sflag:$0x3] =	stream.linear.gather [spmem:s7], $0x2800, $0x38;
	[tilespmem:$0x1C440] =	vst v63  }
0x6d: {  	_ =	swait.ge [sflag:s17], $0x2800  }
0x6e: {  	[sflag:s17] =	ssyncset.done $0x0  }
0x6f: {  	[sflag:s17] =	ssyncadd.s32 $0xFFFFD800  }
0x70: {  	[hbm4b:s13+s28] =	stream.strided.scatter [tilespmem:s16], [sflag:$0x3], $0x2800, s18, s28, $0x38;
	[tilespmem:$0x1C440] =	vst v63  }
0x71: {  	_ =	swait.ge [sflag:s17], $0x2800  }
0x72: {  	[sflag:s17] =	ssyncset.done $0x0  }
0x73: {  	[sflag:s17] =	ssyncadd.s32 $0xFFFFD800  }
0x74: {  	[tilespmem:s16], [sflag:$0x3] =	stream.linear.gather [spmem:s8], $0x2440, $0x38;
	[tilespmem:$0x1C440] =	vst v63  }
0x75: {  	s3 =	sadd.s32 $0x1, s3;
	_ =	swait.ge [sflag:s17], $0x2440  }
0x76: {  	p0 =	sne.s32 s3, s15;
	[sflag:s17] =	ssyncset.done $0x0  }
.Ltmp2:
0x77: {  	[sflag:s17] =	ssyncadd.s32 $0xFFFFDBC0;
	(pc) =	sbr.rel @p0 .LBB2_1-.Ltmp2, $4  }
0x78: {  	[hbm4b:s14+s28] =	stream.strided.scatter [tilespmem:s16], [sflag:$0x3], $0x2440, s18, s28, $0x38;
	[tilespmem:$0x1C440] =	vst v63  }
0x79: {  	_ =	swait.ge [sflag:s17], $0x2440  }
0x7a: {  	[sflag:s17] =	ssyncset.done $0x0  }
0x7b: {  	[sflag:s17] =	ssyncadd.s32 $0xFFFFDBC0  }
0x7c: {  	_ =	sfence.sel $0x180000  }
0x7d: {  	[bflag:$0x0] =	sbarrier.arrive $0xFFFF  }
0x7e: {  	_ =	strace $0x90000053  }
0x7f: {  	s0 =	stileid.u32;
	[bflag:$0x2] =	sbarrier.arrive $0xFFFF  }
0x80: {  	p0 =	sne.s32 s0, $0x0;
	s0 =	rddreg [dreg:$0x2]  }
0x81: {  	s0 =	sadd.s32 @!p0 $0x100000, s0  }
0x82: {  	[sflag:s0] =	ssyncadd.tile.s32 @!p0 $0x1;
	_ =	shalt  }
.Lfunc_end2:
_tile_overlayer_lowered:
.L_overlay_start_2:
0x83: {  	(tag) =	ssettag $0x2  }
0x84: {  	s0 =	rddreg [dreg:$0x0];
	s2 =	stileid.u32  }
0x85: {  	s1 =	rddreg [dreg:$0x1];
	p0 =	sne.s32 s2, $0x0  }
0x86: {  	s3 =	rddreg [dreg:$0x2];
	[bflag:$0x3] =	sbarrier.arrive $0xFFFF;
	s2 =	simm.s32 @!p0 $0x1C03  }
0x87: {  	[timem:s3], [sflag:s2] =	dma.local @!p0 [hbm:s0], s1  }
0x88: {  	s0 =	simm.s32 @!p0 $0x3  }
0x89: {  	_ =	swait.ge @!p0 [sflag:s0], s1  }
0x8a: {  	s1 =	ssub.s32 @!p0 $0x0, s1;
	[sflag:s0] =	ssyncset.done @!p0 $0x0  }
0x8b: {  	[sflag:s0] =	ssyncadd.s32 @!p0 s1  }
0x8c: {  	[bflag:$0x3] =	sbarrier.arrive $0xFFFF  }
0x8d: {  	_ =	shalt  }

</sc_bundles>
